<compile_context>
chip_gen: v7x
topology: tpu7x:2x2x1
jax: 0.10.2.dev20260603
libtpu: 0.0.44.dev20260713+nightly
codegen_flags: <defaults>
</compile_context>

<pallas_src>
import functools

import jax
import jax.numpy as jnp
from jax import lax
from jax.experimental import pallas as pl
from jax.experimental.pallas import tpu as pltpu
from jax.experimental.pallas import tpu_sc as plsc

_B, _N, _C = 4, 1024, 768
_T = _B * _N
_NW = 32
_RPW = _T // _NW
_WPB = _N // _RPW
_NG = _RPW // 16
_MAXBLK = _NG + 1


def _sc_route_x1(im1f, im2f, m1, thr):
    mesh = plsc.VectorSubcoreMesh(core_axis_name="c", subcore_axis_name="s")

    @functools.partial(
        pl.kernel,
        out_type=jax.ShapeDtypeStruct((_T, _C), jnp.float32),
        mesh=mesh,
        scratch_types=[
            pltpu.VMEM((_MAXBLK * 16, _C), jnp.float32),
            pltpu.VMEM((_RPW + 16,), jnp.int32),
            pltpu.VMEM((_RPW + 16,), jnp.int32),
            pltpu.VMEM((_MAXBLK, 16), jnp.int32),
            pltpu.VMEM((_MAXBLK, 16), jnp.int32),
            pltpu.VMEM((_RPW,), jnp.float32),
            pltpu.VMEM((16,), jnp.float32),
            pltpu.SemaphoreType.DMA,
            pltpu.SemaphoreType.DMA,
            pltpu.SemaphoreType.DMA,
        ],
        compiler_params=pltpu.CompilerParams(use_tc_tiling_on_sc=True),
    )
    def k(im1_hbm, im2_hbm, m1_hbm, thr_hbm, x1_hbm,
          xbuf, ia1, ib1, ia2, ib2, mv, tv, semga, semgb, sems):
        wid = lax.axis_index("s") * 2 + lax.axis_index("c")
        t0 = wid * _RPW
        pltpu.sync_copy(
            m1_hbm.at[wid // _WPB, pl.ds((wid % _WPB) * _RPW, _RPW)], mv)
        pltpu.sync_copy(thr_hbm, tv)
        tvec = tv[...]

        lane = lax.iota(jnp.int32, 16)
        zero16 = jnp.full((16,), 0, jnp.int32)

        cnt_a = jnp.int32(0)
        cnt_b = jnp.int32(0)
        for g in range(_NG):
            keep = mv[pl.ds(g * 16, 16)] >= tvec
            ki = jnp.where(keep, jnp.full((16,), 1, jnp.int32), zero16)
            for j in range(16):
                kj = ki[j]
                tj = t0 + g * 16 + j

                @pl.when(kj > 0)
                def _():
                    ia1[pl.ds(cnt_a, 16)] = jnp.full((16,), tj, jnp.int32)

                @pl.when(kj == 0)
                def _():
                    ib1[pl.ds(cnt_b, 16)] = jnp.full((16,), tj, jnp.int32)

                cnt_a = cnt_a + kj
                cnt_b = cnt_b + (1 - kj)

        for blk in range(_MAXBLK):
            ia2[blk, :] = ia1[pl.ds(blk * 16, 16)]
            ib2[blk, :] = ib1[pl.ds(blk * 16, 16)]

        nblk_a = (cnt_a + 15) // 16
        nblk_b = (cnt_b + 15) // 16

        def gat_a(blk, carry):
            pltpu.async_copy(
                im1_hbm.at[ia2.at[blk]], xbuf.at[pl.ds(blk * 16, 16), :],
                semga)
            return carry

        lax.fori_loop(0, nblk_a, gat_a, 0)

        def gat_b(blk, carry):
            pltpu.async_copy(
                im2_hbm.at[ib2.at[blk]],
                xbuf.at[pl.ds((nblk_a + blk) * 16, 16), :], semgb)
            return carry

        lax.fori_loop(0, nblk_b, gat_b, 0)

        def drain_ga(i, carry):
            pltpu.make_async_copy(
                im1_hbm.at[pl.ds(0, 16), :], xbuf.at[pl.ds(0, 16), :],
                semga).wait()
            return carry

        lax.fori_loop(0, nblk_a, drain_ga, 0)

        def sca_a(blk, carry):
            pltpu.async_copy(
                xbuf.at[pl.ds(blk * 16, 16), :], x1_hbm.at[ia2.at[blk]],
                sems)
            return carry

        lax.fori_loop(0, nblk_a, sca_a, 0)

        def drain_gb(i, carry):
            pltpu.make_async_copy(
                im1_hbm.at[pl.ds(0, 16), :], xbuf.at[pl.ds(0, 16), :],
                semgb).wait()
            return carry

        lax.fori_loop(0, nblk_b, drain_gb, 0)

        def sca_b(blk, carry):
            pltpu.async_copy(
                xbuf.at[pl.ds((nblk_a + blk) * 16, 16), :],
                x1_hbm.at[ib2.at[blk]], sems)
            return carry

        lax.fori_loop(0, nblk_b, sca_b, 0)

        def drain_s(i, carry):
            pltpu.make_async_copy(
                im1_hbm.at[pl.ds(0, 16), :], xbuf.at[pl.ds(0, 16), :],
                sems).wait()
            return carry

        lax.fori_loop(0, nblk_a + nblk_b, drain_s, 0)

    return k(im1f, im2f, m1, thr).reshape(_B, _N, _C)


_BLKN = 512


def _tc_body(thr_ref, m2_ref, a_ref, b_ref, x2_ref):
    t = thr_ref[0]
    k2 = m2_ref[...] >= t
    x2_ref[...] = jnp.where(k2, b_ref[...], a_ref[...])


def _tc_select_x2(im1, im2, m2col, thr):
    grid = (_B, _N // _BLKN)
    return pl.pallas_call(
        _tc_body,
        grid=grid,
        in_specs=[
            pl.BlockSpec(memory_space=pltpu.SMEM),
            pl.BlockSpec((1, _BLKN, 1), lambda i, j: (i, j, 0)),
            pl.BlockSpec((1, _BLKN, _C), lambda i, j: (i, j, 0)),
            pl.BlockSpec((1, _BLKN, _C), lambda i, j: (i, j, 0)),
        ],
        out_specs=pl.BlockSpec((1, _BLKN, _C), lambda i, j: (i, j, 0)),
        out_shape=jax.ShapeDtypeStruct((_B, _N, _C), jnp.float32),
        compiler_params=pltpu.CompilerParams(
            dimension_semantics=("arbitrary", "arbitrary")),
    )(thr, m2col, im1, im2)


def kernel(im1, im2, mask1, mask2, mask_threshold):
    m2col = mask2.reshape(_B, _N, 1)
    thr16 = jnp.full((16,), mask_threshold, jnp.float32)
    thr1 = jnp.full((1,), mask_threshold, jnp.float32)
    x1 = _sc_route_x1(im1.reshape(_T, _C), im2.reshape(_T, _C), mask1, thr16)
    x2 = _tc_select_x2(im1, im2, m2col, thr1)
    return x1, x2

# --- scband reference (transcript-rebuilt; emitter-appended) ---
"""Pipeline reference for scband-token-exchange-73512660238356 (READ-ONLY COPY).

The authoritative reference and input builder live on the scoring server;
editing this copy changes nothing except your own understanding.
"""

import jax, jax.numpy as jnp
import numpy as np

def setup_inputs(seed: int = 0) -> dict:
    key = jax.random.key(seed)
    k1, k2, k3, k4 = jax.random.split(key, 4)
    B, N, C = 4, 1024, 768
    im1 = jax.random.normal(k1, (B, N, C), dtype=jnp.float32)
    im2 = jax.random.normal(k2, (B, N, C), dtype=jnp.float32)
    mask1 = jax.random.normal(k3, (B, N), dtype=jnp.float32)
    mask2 = jax.random.normal(k4, (B, N), dtype=jnp.float32)
    mask_threshold = 0  # python scalar; masks ~N(0,1) so ~50/50 split
    return {"im1": im1, "im2": im2, "mask1": mask1, "mask2": mask2, "mask_threshold": mask_threshold}

def reference(im1, im2, mask1, mask2, mask_threshold):
    # torch boolean-mask scatter:
    #   x1[mask1 >= t] = im1[mask1 >= t]; x1[mask1 < t] = im2[mask1 < t]
    # is equivalent to an elementwise select broadcast over channels.
    keep1 = (mask1 >= mask_threshold)[..., None]
    keep2 = (mask2 >= mask_threshold)[..., None]
    x1 = jnp.where(keep1, im1, im2)
    x2 = jnp.where(keep2, im2, im1)
    return (x1, x2)

if __name__ == "__main__":
    import jax
    _d = setup_inputs()
    print(jax.jit(kernel)(*tuple(_d.values())))

</pallas_src>

<mosaic_0001>
#map = affine_map<(d0, d1) -> (0, 0)>
#map1 = affine_map<(d0, d1) -> (0)>
module attributes {stable_mosaic.version = 14 : i64} {
  func.func @k(%arg0: i32, %arg1: i32, %arg2: memref<4096x768xf32, #tpu.memory_space<hbm>>, %arg3: memref<4096x768xf32, #tpu.memory_space<hbm>>, %arg4: memref<4x1024xf32, #tpu.memory_space<hbm>>, %arg5: memref<16xf32, #tpu.memory_space<hbm>>, %arg6: memref<4096x768xf32, #tpu.memory_space<hbm>>, %arg7: memref<144x768xf32, #tpu.memory_space<vmem>>, %arg8: memref<144xi32, #tpu.memory_space<vmem>>, %arg9: memref<144xi32, #tpu.memory_space<vmem>>, %arg10: memref<9x16xi32, #tpu.memory_space<vmem>>, %arg11: memref<9x16xi32, #tpu.memory_space<vmem>>, %arg12: memref<128xf32, #tpu.memory_space<vmem>>, %arg13: memref<16xf32, #tpu.memory_space<vmem>>, %arg14: memref<!tpu.dma_semaphore, #tpu.memory_space<semaphore_mem>>, %arg15: memref<!tpu.dma_semaphore, #tpu.memory_space<semaphore_mem>>, %arg16: memref<!tpu.dma_semaphore, #tpu.memory_space<semaphore_mem>>) attributes {dimension_semantics = [#tpu.dimension_semantics<core_parallel>, #tpu.dimension_semantics<subcore_parallel>], iteration_bounds = array<i64: 2, 16>, scalar_prefetch = 0 : i64, scratch_operands = 10 : i64, tpu.core_type = #tpu.core_type<sc_vector_subcore>, window_params = [{transform_indices = #map}, {transform_indices = #map}, {transform_indices = #map}, {transform_indices = #map1}, {transform_indices = #map}]} {
    %mul3A = arith.constant 2 : i32
    %mul3A_0 = arith.muli %arg1, %mul3A : i32
    %add3A = arith.addi %mul3A_0, %arg0 : i32
    %mul3A_1 = arith.constant 128 : i32
    %mul3A_2 = arith.muli %add3A, %mul3A_1 : i32
    %jit3A = arith.constant 8 : i32
    %div3A = arith.divsi %add3A, %jit3A : i32
    %sign3A = arith.constant 0 : i32
    %sign3A_3 = arith.cmpi sgt, %add3A, %sign3A : i32
    %sign3A_4 = arith.extui %sign3A_3 : i1 to i32
    %sign3A_5 = arith.constant 0 : i32
    %sign3A_6 = arith.cmpi slt, %add3A, %sign3A_5 : i32
    %sign3A_7 = arith.extui %sign3A_6 : i1 to i32
    %sign3A_8 = arith.subi %sign3A_4, %sign3A_7 : i32
    %sign3A_9 = arith.constant 0 : i32
    %sign3A_10 = arith.cmpi sgt, %jit3A, %sign3A_9 : i32
    %sign3A_11 = arith.extui %sign3A_10 : i1 to i32
    %sign3A_12 = arith.constant 0 : i32
    %sign3A_13 = arith.cmpi slt, %jit3A, %sign3A_12 : i32
    %sign3A_14 = arith.extui %sign3A_13 : i1 to i32
    %sign3A_15 = arith.subi %sign3A_11, %sign3A_14 : i32
    %ne3A = arith.cmpi ne, %sign3A_8, %sign3A_15 : i32
    %rem3A = arith.remsi %add3A, %jit3A : i32
    %ne3A_16 = arith.constant 0 : i32
    %ne3A_17 = arith.cmpi ne, %rem3A, %ne3A_16 : i32
    %and3A = arith.andi %ne3A, %ne3A_17 : i1
    %sub3A = arith.constant 1 : i32
    %sub3A_18 = arith.subi %div3A, %sub3A : i32
    %select_n3A = arith.select %and3A, %sub3A_18, %div3A : i32
    %jit3A_19 = arith.constant 8 : i32
    %eq3A = arith.constant 0 : i32
    %eq3A_20 = arith.cmpi eq, %jit3A_19, %eq3A : i32
    %jit3A_21 = arith.constant 1 : i32
    %select_n3A_22 = arith.select %eq3A_20, %jit3A_21, %jit3A_19 : i32
    %rem3A_23 = arith.remsi %add3A, %select_n3A_22 : i32
    %ne3A_24 = arith.constant 0 : i32
    %ne3A_25 = arith.cmpi ne, %rem3A_23, %ne3A_24 : i32
    %lt3A = arith.constant 0 : i32
    %lt3A_26 = arith.cmpi slt, %rem3A_23, %lt3A : i32
    %lt3A_27 = arith.constant 0 : i32
    %lt3A_28 = arith.cmpi slt, %select_n3A_22, %lt3A_27 : i32
    %ne3A_29 = arith.xori %lt3A_26, %lt3A_28 : i1
    %and3A_30 = arith.andi %ne3A_29, %ne3A_25 : i1
    %add3A_31 = arith.addi %rem3A_23, %select_n3A_22 : i32
    %select_n3A_32 = arith.select %and3A_30, %add3A_31, %rem3A_23 : i32
    %mul3A_33 = arith.constant 128 : i32
    %mul3A_34 = arith.muli %select_n3A_32, %mul3A_33 : i32
    "tpu.region"() ({
      %run_scoped3A = tpu.sem_alloc : memref<!tpu.dma_semaphore, #tpu.memory_space<semaphore_mem>>
      %dma_start3A = tpu.memref_slice %arg4[%select_n3A, %mul3A_34] : memref<4x1024xf32, #tpu.memory_space<hbm>> -> memref<1x128xf32, #tpu.memory_space<hbm>>
      %dma_start3A_2935 = tpu.memref_squeeze %dma_start3A : memref<1x128xf32, #tpu.memory_space<hbm>> -> memref<128xf32, #tpu.memory_space<hbm>>
      %dma_start3A_2936 = tpu.memref_slice %arg4[%select_n3A, %mul3A_34] : memref<4x1024xf32, #tpu.memory_space<hbm>> -> memref<1x128xf32, #tpu.memory_space<hbm>>
      %dma_start3A_2937 = tpu.memref_squeeze %dma_start3A_2936 : memref<1x128xf32, #tpu.memory_space<hbm>> -> memref<128xf32, #tpu.memory_space<hbm>>
      tpu.enqueue_dma source(%dma_start3A_2937 : memref<128xf32, #tpu.memory_space<hbm>>) target(%arg12 : memref<128xf32, #tpu.memory_space<vmem>>) target_semaphore(%run_scoped3A : memref<!tpu.dma_semaphore, #tpu.memory_space<semaphore_mem>>)
      %dma_wait3A = tpu.memref_slice %arg4[%select_n3A, %mul3A_34] : memref<4x1024xf32, #tpu.memory_space<hbm>> -> memref<1x128xf32, #tpu.memory_space<hbm>>
      %dma_wait3A_2938 = tpu.memref_squeeze %dma_wait3A : memref<1x128xf32, #tpu.memory_space<hbm>> -> memref<128xf32, #tpu.memory_space<hbm>>
      %dma_wait3A_2939 = tpu.memref_slice %arg4[%select_n3A, %mul3A_34] : memref<4x1024xf32, #tpu.memory_space<hbm>> -> memref<1x128xf32, #tpu.memory_space<hbm>>
      %dma_wait3A_2940 = tpu.memref_squeeze %dma_wait3A_2939 : memref<1x128xf32, #tpu.memory_space<hbm>> -> memref<128xf32, #tpu.memory_space<hbm>>
      tpu.wait_dma2 semaphore(%run_scoped3A : memref<!tpu.dma_semaphore, #tpu.memory_space<semaphore_mem>>) src(%dma_wait3A_2940 : memref<128xf32, #tpu.memory_space<hbm>>) dst(%arg12 : memref<128xf32, #tpu.memory_space<vmem>>)
      tpu.yield
    }) : () -> ()
    "tpu.region"() ({
      %run_scoped3A = tpu.sem_alloc : memref<!tpu.dma_semaphore, #tpu.memory_space<semaphore_mem>>
      tpu.enqueue_dma source(%arg5 : memref<16xf32, #tpu.memory_space<hbm>>) target(%arg13 : memref<16xf32, #tpu.memory_space<vmem>>) target_semaphore(%run_scoped3A : memref<!tpu.dma_semaphore, #tpu.memory_space<semaphore_mem>>)
      tpu.wait_dma2 semaphore(%run_scoped3A : memref<!tpu.dma_semaphore, #tpu.memory_space<semaphore_mem>>) src(%arg5 : memref<16xf32, #tpu.memory_space<hbm>>) dst(%arg13 : memref<16xf32, #tpu.memory_space<vmem>>)
      tpu.yield
    }) : () -> ()
    %get3A = arith.constant 0 : index
    %get3A_35 = tpu.vector_load %arg13[%get3A] {strides = array<i32>} : memref<16xf32, #tpu.memory_space<vmem>>, vector<16xf32>,
    %get3A_36 = vector.shape_cast %get3A_35 : vector<16xf32> to vector<16xf32>
    %iota3A = tpu.iota {dimensions = array<i32: 0>} : vector<16xi32>
    %broadcast_in_dim3A = arith.constant 0 : i32
    %broadcast_in_dim3A_37 = vector.broadcast %broadcast_in_dim3A : i32 to vector<16xi32>
    %get3A_38 = arith.constant 0 : index
    %get3A_39 = tpu.vector_load %arg12[%get3A_38] {strides = array<i32>} : memref<128xf32, #tpu.memory_space<vmem>>, vector<16xf32>,
    %get3A_40 = vector.shape_cast %get3A_39 : vector<16xf32> to vector<16xf32>
    %ge3A = arith.cmpf oge, %get3A_40, %get3A_36 : vector<16xf32>
    %broadcast_in_dim3A_41 = arith.constant 1 : i32
    %broadcast_in_dim3A_42 = vector.broadcast %broadcast_in_dim3A_41 : i32 to vector<16xi32>
    %select_n3A_43 = arith.select %ge3A, %broadcast_in_dim3A_42, %broadcast_in_dim3A_37 : vector<16xi1>, vector<16xi32>
    %slice3A = vector.extract_strided_slice %select_n3A_43 {offsets = [0], sizes = [1], strides = [1]} : vector<16xi32> to vector<1xi32>
    %squeeze3A = vector.extract %slice3A[0] : i32 from vector<1xi32>
    %add3A_44 = arith.constant 0 : i32
    %add3A_45 = arith.addi %mul3A_2, %add3A_44 : i32
    %add3A_46 = arith.constant 0 : i32
    %add3A_47 = arith.addi %add3A_45, %add3A_46 : i32
    %gt3A = arith.constant 0 : i32
    %gt3A_48 = arith.cmpi sgt, %squeeze3A, %gt3A : i32
    %convert_element_type3A = arith.extui %gt3A_48 : i1 to i32
    %cond3A = arith.constant 0 : i32
    %cond3A_49 = arith.constant 0 : i32
    %cond3A_50 = arith.cmpi ne, %convert_element_type3A, %cond3A_49 : i32
    scf.if %cond3A_50 {
      %broadcast_in_dim3A_2935 = vector.broadcast %add3A_47 : i32 to vector<16xi32>
      %swap3A_2936 = arith.index_cast %cond3A : i32 to index
      %swap3A_2937 = tpu.vector_load %arg8[%swap3A_2936] {strides = array<i32>} : memref<144xi32, #tpu.memory_space<vmem>>, vector<16xi32>,
      %swap3A_2938 = vector.shape_cast %swap3A_2937 : vector<16xi32> to vector<16xi32>
      %swap3A_2939 = vector.shape_cast %broadcast_in_dim3A_2935 : vector<16xi32> to vector<16xi32>
      tpu.vector_store %arg8[%swap3A_2936], %swap3A_2939 {strides = array<i32>} : memref<144xi32, #tpu.memory_space<vmem>>, vector<16xi32>,
    } else {
    }
    %eq3A_51 = arith.constant 0 : i32
    %eq3A_52 = arith.cmpi eq, %squeeze3A, %eq3A_51 : i32
    %convert_element_type3A_53 = arith.extui %eq3A_52 : i1 to i32
    %cond3A_54 = arith.constant 0 : i32
    %cond3A_55 = arith.constant 0 : i32
    %cond3A_56 = arith.cmpi ne, %convert_element_type3A_53, %cond3A_55 : i32
    scf.if %cond3A_56 {
      %broadcast_in_dim3A_2935 = vector.broadcast %add3A_47 : i32 to vector<16xi32>
      %swap3A_2936 = arith.index_cast %cond3A_54 : i32 to index
      %swap3A_2937 = tpu.vector_load %arg9[%swap3A_2936] {strides = array<i32>} : memref<144xi32, #tpu.memory_space<vmem>>, vector<16xi32>,
      %swap3A_2938 = vector.shape_cast %swap3A_2937 : vector<16xi32> to vector<16xi32>
      %swap3A_2939 = vector.shape_cast %broadcast_in_dim3A_2935 : vector<16xi32> to vector<16xi32>
      tpu.vector_store %arg9[%swap3A_2936], %swap3A_2939 {strides = array<i32>} : memref<144xi32, #tpu.memory_space<vmem>>, vector<16xi32>,
    } else {
    }
    %add3A_57 = arith.constant 0 : i32
    %add3A_58 = arith.addi %add3A_57, %squeeze3A : i32
    %sub3A_59 = arith.constant 1 : i32
    %sub3A_60 = arith.subi %sub3A_59, %squeeze3A : i32
    %add3A_61 = arith.constant 0 : i32
    %add3A_62 = arith.addi %add3A_61, %sub3A_60 : i32
    %slice3A_63 = vector.extract_strided_slice %select_n3A_43 {offsets = [1], sizes = [1], strides = [1]} : vector<16xi32> to vector<1xi32>
    %squeeze3A_64 = vector.extract %slice3A_63[0] : i32 from vector<1xi32>
    %add3A_65 = arith.constant 0 : i32
    %add3A_66 = arith.addi %mul3A_2, %add3A_65 : i32
    %add3A_67 = arith.constant 1 : i32
    %add3A_68 = arith.addi %add3A_66, %add3A_67 : i32
    %gt3A_69 = arith.constant 0 : i32
    %gt3A_70 = arith.cmpi sgt, %squeeze3A_64, %gt3A_69 : i32
    %convert_element_type3A_71 = arith.extui %gt3A_70 : i1 to i32
    %cond3A_72 = arith.constant 0 : i32
    %cond3A_73 = arith.cmpi ne, %convert_element_type3A_71, %cond3A_72 : i32
    scf.if %cond3A_73 {
      %broadcast_in_dim3A_2935 = vector.broadcast %add3A_68 : i32 to vector<16xi32>
      %swap3A_2936 = arith.index_cast %add3A_58 : i32 to index
      %swap3A_2937 = tpu.vector_load %arg8[%swap3A_2936] {strides = array<i32>} : memref<144xi32, #tpu.memory_space<vmem>>, vector<16xi32>,
      %swap3A_2938 = vector.shape_cast %swap3A_2937 : vector<16xi32> to vector<16xi32>
      %swap3A_2939 = vector.shape_cast %broadcast_in_dim3A_2935 : vector<16xi32> to vector<16xi32>
      tpu.vector_store %arg8[%swap3A_2936], %swap3A_2939 {strides = array<i32>} : memref<144xi32, #tpu.memory_space<vmem>>, vector<16xi32>,
    } else {
    }
    %eq3A_74 = arith.constant 0 : i32
    %eq3A_75 = arith.cmpi eq, %squeeze3A_64, %eq3A_74 : i32
    %convert_element_type3A_76 = arith.extui %eq3A_75 : i1 to i32
    %cond3A_77 = arith.constant 0 : i32
    %cond3A_78 = arith.cmpi ne, %convert_element_type3A_76, %cond3A_77 : i32
    scf.if %cond3A_78 {
      %broadcast_in_dim3A_2935 = vector.broadcast %add3A_68 : i32 to vector<16xi32>
      %swap3A_2936 = arith.index_cast %add3A_62 : i32 to index
      %swap3A_2937 = tpu.vector_load %arg9[%swap3A_2936] {strides = array<i32>} : memref<144xi32, #tpu.memory_space<vmem>>, vector<16xi32>,
      %swap3A_2938 = vector.shape_cast %swap3A_2937 : vector<16xi32> to vector<16xi32>
      %swap3A_2939 = vector.shape_cast %broadcast_in_dim3A_2935 : vector<16xi32> to vector<16xi32>
      tpu.vector_store %arg9[%swap3A_2936], %swap3A_2939 {strides = array<i32>} : memref<144xi32, #tpu.memory_space<vmem>>, vector<16xi32>,
    } else {
    }
    %add3A_79 = arith.addi %add3A_58, %squeeze3A_64 : i32
    %sub3A_80 = arith.constant 1 : i32
    %sub3A_81 = arith.subi %sub3A_80, %squeeze3A_64 : i32
    %add3A_82 = arith.addi %add3A_62, %sub3A_81 : i32
    %slice3A_83 = vector.extract_strided_slice %select_n3A_43 {offsets = [2], sizes = [1], strides = [1]} : vector<16xi32> to vector<1xi32>
    %squeeze3A_84 = vector.extract %slice3A_83[0] : i32 from vector<1xi32>
    %add3A_85 = arith.constant 0 : i32
    %add3A_86 = arith.addi %mul3A_2, %add3A_85 : i32
    %add3A_87 = arith.constant 2 : i32
    %add3A_88 = arith.addi %add3A_86, %add3A_87 : i32
    %gt3A_89 = arith.constant 0 : i32
    %gt3A_90 = arith.cmpi sgt, %squeeze3A_84, %gt3A_89 : i32
    %convert_element_type3A_91 = arith.extui %gt3A_90 : i1 to i32
    %cond3A_92 = arith.constant 0 : i32
    %cond3A_93 = arith.cmpi ne, %convert_element_type3A_91, %cond3A_92 : i32
    scf.if %cond3A_93 {
      %broadcast_in_dim3A_2935 = vector.broadcast %add3A_88 : i32 to vector<16xi32>
      %swap3A_2936 = arith.index_cast %add3A_79 : i32 to index
      %swap3A_2937 = tpu.vector_load %arg8[%swap3A_2936] {strides = array<i32>} : memref<144xi32, #tpu.memory_space<vmem>>, vector<16xi32>,
      %swap3A_2938 = vector.shape_cast %swap3A_2937 : vector<16xi32> to vector<16xi32>
      %swap3A_2939 = vector.shape_cast %broadcast_in_dim3A_2935 : vector<16xi32> to vector<16xi32>
      tpu.vector_store %arg8[%swap3A_2936], %swap3A_2939 {strides = array<i32>} : memref<144xi32, #tpu.memory_space<vmem>>, vector<16xi32>,
    } else {
    }
    %eq3A_94 = arith.constant 0 : i32
    %eq3A_95 = arith.cmpi eq, %squeeze3A_84, %eq3A_94 : i32
    %convert_element_type3A_96 = arith.extui %eq3A_95 : i1 to i32
    %cond3A_97 = arith.constant 0 : i32
    %cond3A_98 = arith.cmpi ne, %convert_element_type3A_96, %cond3A_97 : i32
    scf.if %cond3A_98 {
      %broadcast_in_dim3A_2935 = vector.broadcast %add3A_88 : i32 to vector<16xi32>
      %swap3A_2936 = arith.index_cast %add3A_82 : i32 to index
      %swap3A_2937 = tpu.vector_load %arg9[%swap3A_2936] {strides = array<i32>} : memref<144xi32, #tpu.memory_space<vmem>>, vector<16xi32>,
      %swap3A_2938 = vector.shape_cast %swap3A_2937 : vector<16xi32> to vector<16xi32>
      %swap3A_2939 = vector.shape_cast %broadcast_in_dim3A_2935 : vector<16xi32> to vector<16xi32>
      tpu.vector_store %arg9[%swap3A_2936], %swap3A_2939 {strides = array<i32>} : memref<144xi32, #tpu.memory_space<vmem>>, vector<16xi32>,
    } else {
    }
    %add3A_99 = arith.addi %add3A_79, %squeeze3A_84 : i32
    %sub3A_100 = arith.constant 1 : i32
    %sub3A_101 = arith.subi %sub3A_100, %squeeze3A_84 : i32
    %add3A_102 = arith.addi %add3A_82, %sub3A_101 : i32
    %slice3A_103 = vector.extract_strided_slice %select_n3A_43 {offsets = [3], sizes = [1], strides = [1]} : vector<16xi32> to vector<1xi32>
    %squeeze3A_104 = vector.extract %slice3A_103[0] : i32 from vector<1xi32>
    %add3A_105 = arith.constant 0 : i32
    %add3A_106 = arith.addi %mul3A_2, %add3A_105 : i32
    %add3A_107 = arith.constant 3 : i32
    %add3A_108 = arith.addi %add3A_106, %add3A_107 : i32
    %gt3A_109 = arith.constant 0 : i32
    %gt3A_110 = arith.cmpi sgt, %squeeze3A_104, %gt3A_109 : i32
    %convert_element_type3A_111 = arith.extui %gt3A_110 : i1 to i32
    %cond3A_112 = arith.constant 0 : i32
    %cond3A_113 = arith.cmpi ne, %convert_element_type3A_111, %cond3A_112 : i32
    scf.if %cond3A_113 {
      %broadcast_in_dim3A_2935 = vector.broadcast %add3A_108 : i32 to vector<16xi32>
      %swap3A_2936 = arith.index_cast %add3A_99 : i32 to index
      %swap3A_2937 = tpu.vector_load %arg8[%swap3A_2936] {strides = array<i32>} : memref<144xi32, #tpu.memory_space<vmem>>, vector<16xi32>,
      %swap3A_2938 = vector.shape_cast %swap3A_2937 : vector<16xi32> to vector<16xi32>
      %swap3A_2939 = vector.shape_cast %broadcast_in_dim3A_2935 : vector<16xi32> to vector<16xi32>
      tpu.vector_store %arg8[%swap3A_2936], %swap3A_2939 {strides = array<i32>} : memref<144xi32, #tpu.memory_space<vmem>>, vector<16xi32>,
    } else {
    }
    %eq3A_114 = arith.constant 0 : i32
    %eq3A_115 = arith.cmpi eq, %squeeze3A_104, %eq3A_114 : i32
    %convert_element_type3A_116 = arith.extui %eq3A_115 : i1 to i32
    %cond3A_117 = arith.constant 0 : i32
    %cond3A_118 = arith.cmpi ne, %convert_element_type3A_116, %cond3A_117 : i32
    scf.if %cond3A_118 {
      %broadcast_in_dim3A_2935 = vector.broadcast %add3A_108 : i32 to vector<16xi32>
      %swap3A_2936 = arith.index_cast %add3A_102 : i32 to index
      %swap3A_2937 = tpu.vector_load %arg9[%swap3A_2936] {strides = array<i32>} : memref<144xi32, #tpu.memory_space<vmem>>, vector<16xi32>,
      %swap3A_2938 = vector.shape_cast %swap3A_2937 : vector<16xi32> to vector<16xi32>
      %swap3A_2939 = vector.shape_cast %broadcast_in_dim3A_2935 : vector<16xi32> to vector<16xi32>
      tpu.vector_store %arg9[%swap3A_2936], %swap3A_2939 {strides = array<i32>} : memref<144xi32, #tpu.memory_space<vmem>>, vector<16xi32>,
    } else {
    }
    %add3A_119 = arith.addi %add3A_99, %squeeze3A_104 : i32
    %sub3A_120 = arith.constant 1 : i32
    %sub3A_121 = arith.subi %sub3A_120, %squeeze3A_104 : i32
    %add3A_122 = arith.addi %add3A_102, %sub3A_121 : i32
    %slice3A_123 = vector.extract_strided_slice %select_n3A_43 {offsets = [4], sizes = [1], strides = [1]} : vector<16xi32> to vector<1xi32>
    %squeeze3A_124 = vector.extract %slice3A_123[0] : i32 from vector<1xi32>
    %add3A_125 = arith.constant 0 : i32
    %add3A_126 = arith.addi %mul3A_2, %add3A_125 : i32
    %add3A_127 = arith.constant 4 : i32
    %add3A_128 = arith.addi %add3A_126, %add3A_127 : i32
    %gt3A_129 = arith.constant 0 : i32
    %gt3A_130 = arith.cmpi sgt, %squeeze3A_124, %gt3A_129 : i32
    %convert_element_type3A_131 = arith.extui %gt3A_130 : i1 to i32
    %cond3A_132 = arith.constant 0 : i32
    %cond3A_133 = arith.cmpi ne, %convert_element_type3A_131, %cond3A_132 : i32
    scf.if %cond3A_133 {
      %broadcast_in_dim3A_2935 = vector.broadcast %add3A_128 : i32 to vector<16xi32>
      %swap3A_2936 = arith.index_cast %add3A_119 : i32 to index
      %swap3A_2937 = tpu.vector_load %arg8[%swap3A_2936] {strides = array<i32>} : memref<144xi32, #tpu.memory_space<vmem>>, vector<16xi32>,
      %swap3A_2938 = vector.shape_cast %swap3A_2937 : vector<16xi32> to vector<16xi32>
      %swap3A_2939 = vector.shape_cast %broadcast_in_dim3A_2935 : vector<16xi32> to vector<16xi32>
      tpu.vector_store %arg8[%swap3A_2936], %swap3A_2939 {strides = array<i32>} : memref<144xi32, #tpu.memory_space<vmem>>, vector<16xi32>,
    } else {
    }
    %eq3A_134 = arith.constant 0 : i32
    %eq3A_135 = arith.cmpi eq, %squeeze3A_124, %eq3A_134 : i32
    %convert_element_type3A_136 = arith.extui %eq3A_135 : i1 to i32
    %cond3A_137 = arith.constant 0 : i32
    %cond3A_138 = arith.cmpi ne, %convert_element_type3A_136, %cond3A_137 : i32
    scf.if %cond3A_138 {
      %broadcast_in_dim3A_2935 = vector.broadcast %add3A_128 : i32 to vector<16xi32>
      %swap3A_2936 = arith.index_cast %add3A_122 : i32 to index
      %swap3A_2937 = tpu.vector_load %arg9[%swap3A_2936] {strides = array<i32>} : memref<144xi32, #tpu.memory_space<vmem>>, vector<16xi32>,
      %swap3A_2938 = vector.shape_cast %swap3A_2937 : vector<16xi32> to vector<16xi32>
      %swap3A_2939 = vector.shape_cast %broadcast_in_dim3A_2935 : vector<16xi32> to vector<16xi32>
      tpu.vector_store %arg9[%swap3A_2936], %swap3A_2939 {strides = array<i32>} : memref<144xi32, #tpu.memory_space<vmem>>, vector<16xi32>,
    } else {
    }
    %add3A_139 = arith.addi %add3A_119, %squeeze3A_124 : i32
    %sub3A_140 = arith.constant 1 : i32
    %sub3A_141 = arith.subi %sub3A_140, %squeeze3A_124 : i32
    %add3A_142 = arith.addi %add3A_122, %sub3A_141 : i32
    %slice3A_143 = vector.extract_strided_slice %select_n3A_43 {offsets = [5], sizes = [1], strides = [1]} : vector<16xi32> to vector<1xi32>
    %squeeze3A_144 = vector.extract %slice3A_143[0] : i32 from vector<1xi32>
    %add3A_145 = arith.constant 0 : i32
    %add3A_146 = arith.addi %mul3A_2, %add3A_145 : i32
    %add3A_147 = arith.constant 5 : i32
    %add3A_148 = arith.addi %add3A_146, %add3A_147 : i32
    %gt3A_149 = arith.constant 0 : i32
    %gt3A_150 = arith.cmpi sgt, %squeeze3A_144, %gt3A_149 : i32
    %convert_element_type3A_151 = arith.extui %gt3A_150 : i1 to i32
    %cond3A_152 = arith.constant 0 : i32
    %cond3A_153 = arith.cmpi ne, %convert_element_type3A_151, %cond3A_152 : i32
    scf.if %cond3A_153 {
      %broadcast_in_dim3A_2935 = vector.broadcast %add3A_148 : i32 to vector<16xi32>
      %swap3A_2936 = arith.index_cast %add3A_139 : i32 to index
      %swap3A_2937 = tpu.vector_load %arg8[%swap3A_2936] {strides = array<i32>} : memref<144xi32, #tpu.memory_space<vmem>>, vector<16xi32>,
      %swap3A_2938 = vector.shape_cast %swap3A_2937 : vector<16xi32> to vector<16xi32>
      %swap3A_2939 = vector.shape_cast %broadcast_in_dim3A_2935 : vector<16xi32> to vector<16xi32>
      tpu.vector_store %arg8[%swap3A_2936], %swap3A_2939 {strides = array<i32>} : memref<144xi32, #tpu.memory_space<vmem>>, vector<16xi32>,
    } else {
    }
    %eq3A_154 = arith.constant 0 : i32
    %eq3A_155 = arith.cmpi eq, %squeeze3A_144, %eq3A_154 : i32
    %convert_element_type3A_156 = arith.extui %eq3A_155 : i1 to i32
    %cond3A_157 = arith.constant 0 : i32
    %cond3A_158 = arith.cmpi ne, %convert_element_type3A_156, %cond3A_157 : i32
    scf.if %cond3A_158 {
      %broadcast_in_dim3A_2935 = vector.broadcast %add3A_148 : i32 to vector<16xi32>
      %swap3A_2936 = arith.index_cast %add3A_142 : i32 to index
      %swap3A_2937 = tpu.vector_load %arg9[%swap3A_2936] {strides = array<i32>} : memref<144xi32, #tpu.memory_space<vmem>>, vector<16xi32>,
      %swap3A_2938 = vector.shape_cast %swap3A_2937 : vector<16xi32> to vector<16xi32>
      %swap3A_2939 = vector.shape_cast %broadcast_in_dim3A_2935 : vector<16xi32> to vector<16xi32>
      tpu.vector_store %arg9[%swap3A_2936], %swap3A_2939 {strides = array<i32>} : memref<144xi32, #tpu.memory_space<vmem>>, vector<16xi32>,
    } else {
    }
    %add3A_159 = arith.addi %add3A_139, %squeeze3A_144 : i32
    %sub3A_160 = arith.constant 1 : i32
    %sub3A_161 = arith.subi %sub3A_160, %squeeze3A_144 : i32
    %add3A_162 = arith.addi %add3A_142, %sub3A_161 : i32
    %slice3A_163 = vector.extract_strided_slice %select_n3A_43 {offsets = [6], sizes = [1], strides = [1]} : vector<16xi32> to vector<1xi32>
    %squeeze3A_164 = vector.extract %slice3A_163[0] : i32 from vector<1xi32>
    %add3A_165 = arith.constant 0 : i32
    %add3A_166 = arith.addi %mul3A_2, %add3A_165 : i32
    %add3A_167 = arith.constant 6 : i32
    %add3A_168 = arith.addi %add3A_166, %add3A_167 : i32
    %gt3A_169 = arith.constant 0 : i32
    %gt3A_170 = arith.cmpi sgt, %squeeze3A_164, %gt3A_169 : i32
    %convert_element_type3A_171 = arith.extui %gt3A_170 : i1 to i32
    %cond3A_172 = arith.constant 0 : i32
    %cond3A_173 = arith.cmpi ne, %convert_element_type3A_171, %cond3A_172 : i32
    scf.if %cond3A_173 {
      %broadcast_in_dim3A_2935 = vector.broadcast %add3A_168 : i32 to vector<16xi32>
      %swap3A_2936 = arith.index_cast %add3A_159 : i32 to index
      %swap3A_2937 = tpu.vector_load %arg8[%swap3A_2936] {strides = array<i32>} : memref<144xi32, #tpu.memory_space<vmem>>, vector<16xi32>,
      %swap3A_2938 = vector.shape_cast %swap3A_2937 : vector<16xi32> to vector<16xi32>
      %swap3A_2939 = vector.shape_cast %broadcast_in_dim3A_2935 : vector<16xi32> to vector<16xi32>
      tpu.vector_store %arg8[%swap3A_2936], %swap3A_2939 {strides = array<i32>} : memref<144xi32, #tpu.memory_space<vmem>>, vector<16xi32>,
    } else {
    }
    %eq3A_174 = arith.constant 0 : i32
    %eq3A_175 = arith.cmpi eq, %squeeze3A_164, %eq3A_174 : i32
    %convert_element_type3A_176 = arith.extui %eq3A_175 : i1 to i32
    %cond3A_177 = arith.constant 0 : i32
    %cond3A_178 = arith.cmpi ne, %convert_element_type3A_176, %cond3A_177 : i32
    scf.if %cond3A_178 {
      %broadcast_in_dim3A_2935 = vector.broadcast %add3A_168 : i32 to vector<16xi32>
      %swap3A_2936 = arith.index_cast %add3A_162 : i32 to index
      %swap3A_2937 = tpu.vector_load %arg9[%swap3A_2936] {strides = array<i32>} : memref<144xi32, #tpu.memory_space<vmem>>, vector<16xi32>,
      %swap3A_2938 = vector.shape_cast %swap3A_2937 : vector<16xi32> to vector<16xi32>
      %swap3A_2939 = vector.shape_cast %broadcast_in_dim3A_2935 : vector<16xi32> to vector<16xi32>
      tpu.vector_store %arg9[%swap3A_2936], %swap3A_2939 {strides = array<i32>} : memref<144xi32, #tpu.memory_space<vmem>>, vector<16xi32>,
    } else {
    }
    %add3A_179 = arith.addi %add3A_159, %squeeze3A_164 : i32
    %sub3A_180 = arith.constant 1 : i32
    %sub3A_181 = arith.subi %sub3A_180, %squeeze3A_164 : i32
    %add3A_182 = arith.addi %add3A_162, %sub3A_181 : i32
    %slice3A_183 = vector.extract_strided_slice %select_n3A_43 {offsets = [7], sizes = [1], strides = [1]} : vector<16xi32> to vector<1xi32>
    %squeeze3A_184 = vector.extract %slice3A_183[0] : i32 from vector<1xi32>
    %add3A_185 = arith.constant 0 : i32
    %add3A_186 = arith.addi %mul3A_2, %add3A_185 : i32
    %add3A_187 = arith.constant 7 : i32
    %add3A_188 = arith.addi %add3A_186, %add3A_187 : i32
    %gt3A_189 = arith.constant 0 : i32
    %gt3A_190 = arith.cmpi sgt, %squeeze3A_184, %gt3A_189 : i32
    %convert_element_type3A_191 = arith.extui %gt3A_190 : i1 to i32
    %cond3A_192 = arith.constant 0 : i32
    %cond3A_193 = arith.cmpi ne, %convert_element_type3A_191, %cond3A_192 : i32
    scf.if %cond3A_193 {
      %broadcast_in_dim3A_2935 = vector.broadcast %add3A_188 : i32 to vector<16xi32>
      %swap3A_2936 = arith.index_cast %add3A_179 : i32 to index
      %swap3A_2937 = tpu.vector_load %arg8[%swap3A_2936] {strides = array<i32>} : memref<144xi32, #tpu.memory_space<vmem>>, vector<16xi32>,
      %swap3A_2938 = vector.shape_cast %swap3A_2937 : vector<16xi32> to vector<16xi32>
      %swap3A_2939 = vector.shape_cast %broadcast_in_dim3A_2935 : vector<16xi32> to vector<16xi32>
      tpu.vector_store %arg8[%swap3A_2936], %swap3A_2939 {strides = array<i32>} : memref<144xi32, #tpu.memory_space<vmem>>, vector<16xi32>,
    } else {
    }
    %eq3A_194 = arith.constant 0 : i32
    %eq3A_195 = arith.cmpi eq, %squeeze3A_184, %eq3A_194 : i32
    %convert_element_type3A_196 = arith.extui %eq3A_195 : i1 to i32
    %cond3A_197 = arith.constant 0 : i32
    %cond3A_198 = arith.cmpi ne, %convert_element_type3A_196, %cond3A_197 : i32
    scf.if %cond3A_198 {
      %broadcast_in_dim3A_2935 = vector.broadcast %add3A_188 : i32 to vector<16xi32>
      %swap3A_2936 = arith.index_cast %add3A_182 : i32 to index
      %swap3A_2937 = tpu.vector_load %arg9[%swap3A_2936] {strides = array<i32>} : memref<144xi32, #tpu.memory_space<vmem>>, vector<16xi32>,
      %swap3A_2938 = vector.shape_cast %swap3A_2937 : vector<16xi32> to vector<16xi32>
      %swap3A_2939 = vector.shape_cast %broadcast_in_dim3A_2935 : vector<16xi32> to vector<16xi32>
      tpu.vector_store %arg9[%swap3A_2936], %swap3A_2939 {strides = array<i32>} : memref<144xi32, #tpu.memory_space<vmem>>, vector<16xi32>,
    } else {
    }
    %add3A_199 = arith.addi %add3A_179, %squeeze3A_184 : i32
    %sub3A_200 = arith.constant 1 : i32
    %sub3A_201 = arith.subi %sub3A_200, %squeeze3A_184 : i32
    %add3A_202 = arith.addi %add3A_182, %sub3A_201 : i32
    %slice3A_203 = vector.extract_strided_slice %select_n3A_43 {offsets = [8], sizes = [1], strides = [1]} : vector<16xi32> to vector<1xi32>
    %squeeze3A_204 = vector.extract %slice3A_203[0] : i32 from vector<1xi32>
    %add3A_205 = arith.constant 0 : i32
    %add3A_206 = arith.addi %mul3A_2, %add3A_205 : i32
    %add3A_207 = arith.constant 8 : i32
    %add3A_208 = arith.addi %add3A_206, %add3A_207 : i32
    %gt3A_209 = arith.constant 0 : i32
    %gt3A_210 = arith.cmpi sgt, %squeeze3A_204, %gt3A_209 : i32
    %convert_element_type3A_211 = arith.extui %gt3A_210 : i1 to i32
    %cond3A_212 = arith.constant 0 : i32
    %cond3A_213 = arith.cmpi ne, %convert_element_type3A_211, %cond3A_212 : i32
    scf.if %cond3A_213 {
      %broadcast_in_dim3A_2935 = vector.broadcast %add3A_208 : i32 to vector<16xi32>
      %swap3A_2936 = arith.index_cast %add3A_199 : i32 to index
      %swap3A_2937 = tpu.vector_load %arg8[%swap3A_2936] {strides = array<i32>} : memref<144xi32, #tpu.memory_space<vmem>>, vector<16xi32>,
      %swap3A_2938 = vector.shape_cast %swap3A_2937 : vector<16xi32> to vector<16xi32>
      %swap3A_2939 = vector.shape_cast %broadcast_in_dim3A_2935 : vector<16xi32> to vector<16xi32>
      tpu.vector_store %arg8[%swap3A_2936], %swap3A_2939 {strides = array<i32>} : memref<144xi32, #tpu.memory_space<vmem>>, vector<16xi32>,
    } else {
    }
    %eq3A_214 = arith.constant 0 : i32
    %eq3A_215 = arith.cmpi eq, %squeeze3A_204, %eq3A_214 : i32
    %convert_element_type3A_216 = arith.extui %eq3A_215 : i1 to i32
    %cond3A_217 = arith.constant 0 : i32
    %cond3A_218 = arith.cmpi ne, %convert_element_type3A_216, %cond3A_217 : i32
    scf.if %cond3A_218 {
      %broadcast_in_dim3A_2935 = vector.broadcast %add3A_208 : i32 to vector<16xi32>
      %swap3A_2936 = arith.index_cast %add3A_202 : i32 to index
      %swap3A_2937 = tpu.vector_load %arg9[%swap3A_2936] {strides = array<i32>} : memref<144xi32, #tpu.memory_space<vmem>>, vector<16xi32>,
      %swap3A_2938 = vector.shape_cast %swap3A_2937 : vector<16xi32> to vector<16xi32>
      %swap3A_2939 = vector.shape_cast %broadcast_in_dim3A_2935 : vector<16xi32> to vector<16xi32>
      tpu.vector_store %arg9[%swap3A_2936], %swap3A_2939 {strides = array<i32>} : memref<144xi32, #tpu.memory_space<vmem>>, vector<16xi32>,
    } else {
    }
    %add3A_219 = arith.addi %add3A_199, %squeeze3A_204 : i32
    %sub3A_220 = arith.constant 1 : i32
    %sub3A_221 = arith.subi %sub3A_220, %squeeze3A_204 : i32
    %add3A_222 = arith.addi %add3A_202, %sub3A_221 : i32
    %slice3A_223 = vector.extract_strided_slice %select_n3A_43 {offsets = [9], sizes = [1], strides = [1]} : vector<16xi32> to vector<1xi32>
    %squeeze3A_224 = vector.extract %slice3A_223[0] : i32 from vector<1xi32>
    %add3A_225 = arith.constant 0 : i32
    %add3A_226 = arith.addi %mul3A_2, %add3A_225 : i32
    %add3A_227 = arith.constant 9 : i32
    %add3A_228 = arith.addi %add3A_226, %add3A_227 : i32
    %gt3A_229 = arith.constant 0 : i32
    %gt3A_230 = arith.cmpi sgt, %squeeze3A_224, %gt3A_229 : i32
    %convert_element_type3A_231 = arith.extui %gt3A_230 : i1 to i32
    %cond3A_232 = arith.constant 0 : i32
    %cond3A_233 = arith.cmpi ne, %convert_element_type3A_231, %cond3A_232 : i32
    scf.if %cond3A_233 {
      %broadcast_in_dim3A_2935 = vector.broadcast %add3A_228 : i32 to vector<16xi32>
      %swap3A_2936 = arith.index_cast %add3A_219 : i32 to index
      %swap3A_2937 = tpu.vector_load %arg8[%swap3A_2936] {strides = array<i32>} : memref<144xi32, #tpu.memory_space<vmem>>, vector<16xi32>,
      %swap3A_2938 = vector.shape_cast %swap3A_2937 : vector<16xi32> to vector<16xi32>
      %swap3A_2939 = vector.shape_cast %broadcast_in_dim3A_2935 : vector<16xi32> to vector<16xi32>
      tpu.vector_store %arg8[%swap3A_2936], %swap3A_2939 {strides = array<i32>} : memref<144xi32, #tpu.memory_space<vmem>>, vector<16xi32>,
    } else {
    }
    %eq3A_234 = arith.constant 0 : i32
    %eq3A_235 = arith.cmpi eq, %squeeze3A_224, %eq3A_234 : i32
    %convert_element_type3A_236 = arith.extui %eq3A_235 : i1 to i32
    %cond3A_237 = arith.constant 0 : i32
    %cond3A_238 = arith.cmpi ne, %convert_element_type3A_236, %cond3A_237 : i32
    scf.if %cond3A_238 {
      %broadcast_in_dim3A_2935 = vector.broadcast %add3A_228 : i32 to vector<16xi32>
      %swap3A_2936 = arith.index_cast %add3A_222 : i32 to index
      %swap3A_2937 = tpu.vector_load %arg9[%swap3A_2936] {strides = array<i32>} : memref<144xi32, #tpu.memory_space<vmem>>, vector<16xi32>,
      %swap3A_2938 = vector.shape_cast %swap3A_2937 : vector<16xi32> to vector<16xi32>
      %swap3A_2939 = vector.shape_cast %broadcast_in_dim3A_2935 : vector<16xi32> to vector<16xi32>
      tpu.vector_store %arg9[%swap3A_2936], %swap3A_2939 {strides = array<i32>} : memref<144xi32, #tpu.memory_space<vmem>>, vector<16xi32>,
    } else {
    }
    %add3A_239 = arith.addi %add3A_219, %squeeze3A_224 : i32
    %sub3A_240 = arith.constant 1 : i32
    %sub3A_241 = arith.subi %sub3A_240, %squeeze3A_224 : i32
    %add3A_242 = arith.addi %add3A_222, %sub3A_241 : i32
    %slice3A_243 = vector.extract_strided_slice %select_n3A_43 {offsets = [10], sizes = [1], strides = [1]} : vector<16xi32> to vector<1xi32>
    %squeeze3A_244 = vector.extract %slice3A_243[0] : i32 from vector<1xi32>
    %add3A_245 = arith.constant 0 : i32
    %add3A_246 = arith.addi %mul3A_2, %add3A_245 : i32
    %add3A_247 = arith.constant 10 : i32
    %add3A_248 = arith.addi %add3A_246, %add3A_247 : i32
    %gt3A_249 = arith.constant 0 : i32
    %gt3A_250 = arith.cmpi sgt, %squeeze3A_244, %gt3A_249 : i32
    %convert_element_type3A_251 = arith.extui %gt3A_250 : i1 to i32
    %cond3A_252 = arith.constant 0 : i32
    %cond3A_253 = arith.cmpi ne, %convert_element_type3A_251, %cond3A_252 : i32
    scf.if %cond3A_253 {
      %broadcast_in_dim3A_2935 = vector.broadcast %add3A_248 : i32 to vector<16xi32>
      %swap3A_2936 = arith.index_cast %add3A_239 : i32 to index
      %swap3A_2937 = tpu.vector_load %arg8[%swap3A_2936] {strides = array<i32>} : memref<144xi32, #tpu.memory_space<vmem>>, vector<16xi32>,
      %swap3A_2938 = vector.shape_cast %swap3A_2937 : vector<16xi32> to vector<16xi32>
      %swap3A_2939 = vector.shape_cast %broadcast_in_dim3A_2935 : vector<16xi32> to vector<16xi32>
      tpu.vector_store %arg8[%swap3A_2936], %swap3A_2939 {strides = array<i32>} : memref<144xi32, #tpu.memory_space<vmem>>, vector<16xi32>,
    } else {
    }
    %eq3A_254 = arith.constant 0 : i32
    %eq3A_255 = arith.cmpi eq, %squeeze3A_244, %eq3A_254 : i32
    %convert_element_type3A_256 = arith.extui %eq3A_255 : i1 to i32
    %cond3A_257 = arith.constant 0 : i32
    %cond3A_258 = arith.cmpi ne, %convert_element_type3A_256, %cond3A_257 : i32
    scf.if %cond3A_258 {
      %broadcast_in_dim3A_2935 = vector.broadcast %add3A_248 : i32 to vector<16xi32>
      %swap3A_2936 = arith.index_cast %add3A_242 : i32 to index
      %swap3A_2937 = tpu.vector_load %arg9[%swap3A_2936] {strides = array<i32>} : memref<144xi32, #tpu.memory_space<vmem>>, vector<16xi32>,
      %swap3A_2938 = vector.shape_cast %swap3A_2937 : vector<16xi32> to vector<16xi32>
      %swap3A_2939 = vector.shape_cast %broadcast_in_dim3A_2935 : vector<16xi32> to vector<16xi32>
      tpu.vector_store %arg9[%swap3A_2936], %swap3A_2939 {strides = array<i32>} : memref<144xi32, #tpu.memory_space<vmem>>, vector<16xi32>,
    } else {
    }
    %add3A_259 = arith.addi %add3A_239, %squeeze3A_244 : i32
    %sub3A_260 = arith.constant 1 : i32
    %sub3A_261 = arith.subi %sub3A_260, %squeeze3A_244 : i32
    %add3A_262 = arith.addi %add3A_242, %sub3A_261 : i32
    %slice3A_263 = vector.extract_strided_slice %select_n3A_43 {offsets = [11], sizes = [1], strides = [1]} : vector<16xi32> to vector<1xi32>
    %squeeze3A_264 = vector.extract %slice3A_263[0] : i32 from vector<1xi32>
    %add3A_265 = arith.constant 0 : i32
    %add3A_266 = arith.addi %mul3A_2, %add3A_265 : i32
    %add3A_267 = arith.constant 11 : i32
    %add3A_268 = arith.addi %add3A_266, %add3A_267 : i32
    %gt3A_269 = arith.constant 0 : i32
    %gt3A_270 = arith.cmpi sgt, %squeeze3A_264, %gt3A_269 : i32
    %convert_element_type3A_271 = arith.extui %gt3A_270 : i1 to i32
    %cond3A_272 = arith.constant 0 : i32
    %cond3A_273 = arith.cmpi ne, %convert_element_type3A_271, %cond3A_272 : i32
    scf.if %cond3A_273 {
      %broadcast_in_dim3A_2935 = vector.broadcast %add3A_268 : i32 to vector<16xi32>
      %swap3A_2936 = arith.index_cast %add3A_259 : i32 to index
      %swap3A_2937 = tpu.vector_load %arg8[%swap3A_2936] {strides = array<i32>} : memref<144xi32, #tpu.memory_space<vmem>>, vector<16xi32>,
      %swap3A_2938 = vector.shape_cast %swap3A_2937 : vector<16xi32> to vector<16xi32>
      %swap3A_2939 = vector.shape_cast %broadcast_in_dim3A_2935 : vector<16xi32> to vector<16xi32>
      tpu.vector_store %arg8[%swap3A_2936], %swap3A_2939 {strides = array<i32>} : memref<144xi32, #tpu.memory_space<vmem>>, vector<16xi32>,
    } else {
    }
    %eq3A_274 = arith.constant 0 : i32
    %eq3A_275 = arith.cmpi eq, %squeeze3A_264, %eq3A_274 : i32
    %convert_element_type3A_276 = arith.extui %eq3A_275 : i1 to i32
    %cond3A_277 = arith.constant 0 : i32
    %cond3A_278 = arith.cmpi ne, %convert_element_type3A_276, %cond3A_277 : i32
    scf.if %cond3A_278 {
      %broadcast_in_dim3A_2935 = vector.broadcast %add3A_268 : i32 to vector<16xi32>
      %swap3A_2936 = arith.index_cast %add3A_262 : i32 to index
      %swap3A_2937 = tpu.vector_load %arg9[%swap3A_2936] {strides = array<i32>} : memref<144xi32, #tpu.memory_space<vmem>>, vector<16xi32>,
      %swap3A_2938 = vector.shape_cast %swap3A_2937 : vector<16xi32> to vector<16xi32>
      %swap3A_2939 = vector.shape_cast %broadcast_in_dim3A_2935 : vector<16xi32> to vector<16xi32>
      tpu.vector_store %arg9[%swap3A_2936], %swap3A_2939 {strides = array<i32>} : memref<144xi32, #tpu.memory_space<vmem>>, vector<16xi32>,
    } else {
    }
    %add3A_279 = arith.addi %add3A_259, %squeeze3A_264 : i32
    %sub3A_280 = arith.constant 1 : i32
    %sub3A_281 = arith.subi %sub3A_280, %squeeze3A_264 : i32
    %add3A_282 = arith.addi %add3A_262, %sub3A_281 : i32
    %slice3A_283 = vector.extract_strided_slice %select_n3A_43 {offsets = [12], sizes = [1], strides = [1]} : vector<16xi32> to vector<1xi32>
    %squeeze3A_284 = vector.extract %slice3A_283[0] : i32 from vector<1xi32>
    %add3A_285 = arith.constant 0 : i32
    %add3A_286 = arith.addi %mul3A_2, %add3A_285 : i32
    %add3A_287 = arith.constant 12 : i32
    %add3A_288 = arith.addi %add3A_286, %add3A_287 : i32
    %gt3A_289 = arith.constant 0 : i32
    %gt3A_290 = arith.cmpi sgt, %squeeze3A_284, %gt3A_289 : i32
    %convert_element_type3A_291 = arith.extui %gt3A_290 : i1 to i32
    %cond3A_292 = arith.constant 0 : i32
    %cond3A_293 = arith.cmpi ne, %convert_element_type3A_291, %cond3A_292 : i32
    scf.if %cond3A_293 {
      %broadcast_in_dim3A_2935 = vector.broadcast %add3A_288 : i32 to vector<16xi32>
      %swap3A_2936 = arith.index_cast %add3A_279 : i32 to index
      %swap3A_2937 = tpu.vector_load %arg8[%swap3A_2936] {strides = array<i32>} : memref<144xi32, #tpu.memory_space<vmem>>, vector<16xi32>,
      %swap3A_2938 = vector.shape_cast %swap3A_2937 : vector<16xi32> to vector<16xi32>
      %swap3A_2939 = vector.shape_cast %broadcast_in_dim3A_2935 : vector<16xi32> to vector<16xi32>
      tpu.vector_store %arg8[%swap3A_2936], %swap3A_2939 {strides = array<i32>} : memref<144xi32, #tpu.memory_space<vmem>>, vector<16xi32>,
    } else {
    }
    %eq3A_294 = arith.constant 0 : i32
    %eq3A_295 = arith.cmpi eq, %squeeze3A_284, %eq3A_294 : i32
    %convert_element_type3A_296 = arith.extui %eq3A_295 : i1 to i32
    %cond3A_297 = arith.constant 0 : i32
    %cond3A_298 = arith.cmpi ne, %convert_element_type3A_296, %cond3A_297 : i32
    scf.if %cond3A_298 {
      %broadcast_in_dim3A_2935 = vector.broadcast %add3A_288 : i32 to vector<16xi32>
      %swap3A_2936 = arith.index_cast %add3A_282 : i32 to index
      %swap3A_2937 = tpu.vector_load %arg9[%swap3A_2936] {strides = array<i32>} : memref<144xi32, #tpu.memory_space<vmem>>, vector<16xi32>,
      %swap3A_2938 = vector.shape_cast %swap3A_2937 : vector<16xi32> to vector<16xi32>
      %swap3A_2939 = vector.shape_cast %broadcast_in_dim3A_2935 : vector<16xi32> to vector<16xi32>
      tpu.vector_store %arg9[%swap3A_2936], %swap3A_2939 {strides = array<i32>} : memref<144xi32, #tpu.memory_space<vmem>>, vector<16xi32>,
    } else {
    }
    %add3A_299 = arith.addi %add3A_279, %squeeze3A_284 : i32
    %sub3A_300 = arith.constant 1 : i32
    %sub3A_301 = arith.subi %sub3A_300, %squeeze3A_284 : i32
    %add3A_302 = arith.addi %add3A_282, %sub3A_301 : i32
    %slice3A_303 = vector.extract_strided_slice %select_n3A_43 {offsets = [13], sizes = [1], strides = [1]} : vector<16xi32> to vector<1xi32>
    %squeeze3A_304 = vector.extract %slice3A_303[0] : i32 from vector<1xi32>
    %add3A_305 = arith.constant 0 : i32
    %add3A_306 = arith.addi %mul3A_2, %add3A_305 : i32
    %add3A_307 = arith.constant 13 : i32
    %add3A_308 = arith.addi %add3A_306, %add3A_307 : i32
    %gt3A_309 = arith.constant 0 : i32
    %gt3A_310 = arith.cmpi sgt, %squeeze3A_304, %gt3A_309 : i32
    %convert_element_type3A_311 = arith.extui %gt3A_310 : i1 to i32
    %cond3A_312 = arith.constant 0 : i32
    %cond3A_313 = arith.cmpi ne, %convert_element_type3A_311, %cond3A_312 : i32
    scf.if %cond3A_313 {
      %broadcast_in_dim3A_2935 = vector.broadcast %add3A_308 : i32 to vector<16xi32>
      %swap3A_2936 = arith.index_cast %add3A_299 : i32 to index
      %swap3A_2937 = tpu.vector_load %arg8[%swap3A_2936] {strides = array<i32>} : memref<144xi32, #tpu.memory_space<vmem>>, vector<16xi32>,
      %swap3A_2938 = vector.shape_cast %swap3A_2937 : vector<16xi32> to vector<16xi32>
      %swap3A_2939 = vector.shape_cast %broadcast_in_dim3A_2935 : vector<16xi32> to vector<16xi32>
      tpu.vector_store %arg8[%swap3A_2936], %swap3A_2939 {strides = array<i32>} : memref<144xi32, #tpu.memory_space<vmem>>, vector<16xi32>,
    } else {
    }
    %eq3A_314 = arith.constant 0 : i32
    %eq3A_315 = arith.cmpi eq, %squeeze3A_304, %eq3A_314 : i32
    %convert_element_type3A_316 = arith.extui %eq3A_315 : i1 to i32
    %cond3A_317 = arith.constant 0 : i32
    %cond3A_318 = arith.cmpi ne, %convert_element_type3A_316, %cond3A_317 : i32
    scf.if %cond3A_318 {
      %broadcast_in_dim3A_2935 = vector.broadcast %add3A_308 : i32 to vector<16xi32>
      %swap3A_2936 = arith.index_cast %add3A_302 : i32 to index
      %swap3A_2937 = tpu.vector_load %arg9[%swap3A_2936] {strides = array<i32>} : memref<144xi32, #tpu.memory_space<vmem>>, vector<16xi32>,
      %swap3A_2938 = vector.shape_cast %swap3A_2937 : vector<16xi32> to vector<16xi32>
      %swap3A_2939 = vector.shape_cast %broadcast_in_dim3A_2935 : vector<16xi32> to vector<16xi32>
      tpu.vector_store %arg9[%swap3A_2936], %swap3A_2939 {strides = array<i32>} : memref<144xi32, #tpu.memory_space<vmem>>, vector<16xi32>,
    } else {
    }
    %add3A_319 = arith.addi %add3A_299, %squeeze3A_304 : i32
    %sub3A_320 = arith.constant 1 : i32
    %sub3A_321 = arith.subi %sub3A_320, %squeeze3A_304 : i32
    %add3A_322 = arith.addi %add3A_302, %sub3A_321 : i32
    %slice3A_323 = vector.extract_strided_slice %select_n3A_43 {offsets = [14], sizes = [1], strides = [1]} : vector<16xi32> to vector<1xi32>
    %squeeze3A_324 = vector.extract %slice3A_323[0] : i32 from vector<1xi32>
    %add3A_325 = arith.constant 0 : i32
    %add3A_326 = arith.addi %mul3A_2, %add3A_325 : i32
    %add3A_327 = arith.constant 14 : i32
    %add3A_328 = arith.addi %add3A_326, %add3A_327 : i32
    %gt3A_329 = arith.constant 0 : i32
    %gt3A_330 = arith.cmpi sgt, %squeeze3A_324, %gt3A_329 : i32
    %convert_element_type3A_331 = arith.extui %gt3A_330 : i1 to i32
    %cond3A_332 = arith.constant 0 : i32
    %cond3A_333 = arith.cmpi ne, %convert_element_type3A_331, %cond3A_332 : i32
    scf.if %cond3A_333 {
      %broadcast_in_dim3A_2935 = vector.broadcast %add3A_328 : i32 to vector<16xi32>
      %swap3A_2936 = arith.index_cast %add3A_319 : i32 to index
      %swap3A_2937 = tpu.vector_load %arg8[%swap3A_2936] {strides = array<i32>} : memref<144xi32, #tpu.memory_space<vmem>>, vector<16xi32>,
      %swap3A_2938 = vector.shape_cast %swap3A_2937 : vector<16xi32> to vector<16xi32>
      %swap3A_2939 = vector.shape_cast %broadcast_in_dim3A_2935 : vector<16xi32> to vector<16xi32>
      tpu.vector_store %arg8[%swap3A_2936], %swap3A_2939 {strides = array<i32>} : memref<144xi32, #tpu.memory_space<vmem>>, vector<16xi32>,
    } else {
    }
    %eq3A_334 = arith.constant 0 : i32
    %eq3A_335 = arith.cmpi eq, %squeeze3A_324, %eq3A_334 : i32
    %convert_element_type3A_336 = arith.extui %eq3A_335 : i1 to i32
    %cond3A_337 = arith.constant 0 : i32
    %cond3A_338 = arith.cmpi ne, %convert_element_type3A_336, %cond3A_337 : i32
    scf.if %cond3A_338 {
      %broadcast_in_dim3A_2935 = vector.broadcast %add3A_328 : i32 to vector<16xi32>
      %swap3A_2936 = arith.index_cast %add3A_322 : i32 to index
      %swap3A_2937 = tpu.vector_load %arg9[%swap3A_2936] {strides = array<i32>} : memref<144xi32, #tpu.memory_space<vmem>>, vector<16xi32>,
      %swap3A_2938 = vector.shape_cast %swap3A_2937 : vector<16xi32> to vector<16xi32>
      %swap3A_2939 = vector.shape_cast %broadcast_in_dim3A_2935 : vector<16xi32> to vector<16xi32>
      tpu.vector_store %arg9[%swap3A_2936], %swap3A_2939 {strides = array<i32>} : memref<144xi32, #tpu.memory_space<vmem>>, vector<16xi32>,
    } else {
    }
    %add3A_339 = arith.addi %add3A_319, %squeeze3A_324 : i32
    %sub3A_340 = arith.constant 1 : i32
    %sub3A_341 = arith.subi %sub3A_340, %squeeze3A_324 : i32
    %add3A_342 = arith.addi %add3A_322, %sub3A_341 : i32
    %slice3A_343 = vector.extract_strided_slice %select_n3A_43 {offsets = [15], sizes = [1], strides = [1]} : vector<16xi32> to vector<1xi32>
    %squeeze3A_344 = vector.extract %slice3A_343[0] : i32 from vector<1xi32>
    %add3A_345 = arith.constant 0 : i32
    %add3A_346 = arith.addi %mul3A_2, %add3A_345 : i32
    %add3A_347 = arith.constant 15 : i32
    %add3A_348 = arith.addi %add3A_346, %add3A_347 : i32
    %gt3A_349 = arith.constant 0 : i32
    %gt3A_350 = arith.cmpi sgt, %squeeze3A_344, %gt3A_349 : i32
    %convert_element_type3A_351 = arith.extui %gt3A_350 : i1 to i32
    %cond3A_352 = arith.constant 0 : i32
    %cond3A_353 = arith.cmpi ne, %convert_element_type3A_351, %cond3A_352 : i32
    scf.if %cond3A_353 {
      %broadcast_in_dim3A_2935 = vector.broadcast %add3A_348 : i32 to vector<16xi32>
      %swap3A_2936 = arith.index_cast %add3A_339 : i32 to index
      %swap3A_2937 = tpu.vector_load %arg8[%swap3A_2936] {strides = array<i32>} : memref<144xi32, #tpu.memory_space<vmem>>, vector<16xi32>,
      %swap3A_2938 = vector.shape_cast %swap3A_2937 : vector<16xi32> to vector<16xi32>
      %swap3A_2939 = vector.shape_cast %broadcast_in_dim3A_2935 : vector<16xi32> to vector<16xi32>
      tpu.vector_store %arg8[%swap3A_2936], %swap3A_2939 {strides = array<i32>} : memref<144xi32, #tpu.memory_space<vmem>>, vector<16xi32>,
    } else {
    }
    %eq3A_354 = arith.constant 0 : i32
    %eq3A_355 = arith.cmpi eq, %squeeze3A_344, %eq3A_354 : i32
    %convert_element_type3A_356 = arith.extui %eq3A_355 : i1 to i32
    %cond3A_357 = arith.constant 0 : i32
    %cond3A_358 = arith.cmpi ne, %convert_element_type3A_356, %cond3A_357 : i32
    scf.if %cond3A_358 {
      %broadcast_in_dim3A_2935 = vector.broadcast %add3A_348 : i32 to vector<16xi32>
      %swap3A_2936 = arith.index_cast %add3A_342 : i32 to index
      %swap3A_2937 = tpu.vector_load %arg9[%swap3A_2936] {strides = array<i32>} : memref<144xi32, #tpu.memory_space<vmem>>, vector<16xi32>,
      %swap3A_2938 = vector.shape_cast %swap3A_2937 : vector<16xi32> to vector<16xi32>
      %swap3A_2939 = vector.shape_cast %broadcast_in_dim3A_2935 : vector<16xi32> to vector<16xi32>
      tpu.vector_store %arg9[%swap3A_2936], %swap3A_2939 {strides = array<i32>} : memref<144xi32, #tpu.memory_space<vmem>>, vector<16xi32>,
    } else {
    }
    %add3A_359 = arith.addi %add3A_339, %squeeze3A_344 : i32
    %sub3A_360 = arith.constant 1 : i32
    %sub3A_361 = arith.subi %sub3A_360, %squeeze3A_344 : i32
    %add3A_362 = arith.addi %add3A_342, %sub3A_361 : i32
    %get3A_363 = arith.constant 16 : index
    %get3A_364 = tpu.vector_load %arg12[%get3A_363] {strides = array<i32>} : memref<128xf32, #tpu.memory_space<vmem>>, vector<16xf32>,
    %get3A_365 = vector.shape_cast %get3A_364 : vector<16xf32> to vector<16xf32>
    %ge3A_366 = arith.cmpf oge, %get3A_365, %get3A_36 : vector<16xf32>
    %broadcast_in_dim3A_367 = arith.constant 1 : i32
    %broadcast_in_dim3A_368 = vector.broadcast %broadcast_in_dim3A_367 : i32 to vector<16xi32>
    %select_n3A_369 = arith.select %ge3A_366, %broadcast_in_dim3A_368, %broadcast_in_dim3A_37 : vector<16xi1>, vector<16xi32>
    %slice3A_370 = vector.extract_strided_slice %select_n3A_369 {offsets = [0], sizes = [1], strides = [1]} : vector<16xi32> to vector<1xi32>
    %squeeze3A_371 = vector.extract %slice3A_370[0] : i32 from vector<1xi32>
    %add3A_372 = arith.constant 16 : i32
    %add3A_373 = arith.addi %mul3A_2, %add3A_372 : i32
    %add3A_374 = arith.constant 0 : i32
    %add3A_375 = arith.addi %add3A_373, %add3A_374 : i32
    %gt3A_376 = arith.constant 0 : i32
    %gt3A_377 = arith.cmpi sgt, %squeeze3A_371, %gt3A_376 : i32
    %convert_element_type3A_378 = arith.extui %gt3A_377 : i1 to i32
    %cond3A_379 = arith.constant 0 : i32
    %cond3A_380 = arith.cmpi ne, %convert_element_type3A_378, %cond3A_379 : i32
    scf.if %cond3A_380 {
      %broadcast_in_dim3A_2935 = vector.broadcast %add3A_375 : i32 to vector<16xi32>
      %swap3A_2936 = arith.index_cast %add3A_359 : i32 to index
      %swap3A_2937 = tpu.vector_load %arg8[%swap3A_2936] {strides = array<i32>} : memref<144xi32, #tpu.memory_space<vmem>>, vector<16xi32>,
      %swap3A_2938 = vector.shape_cast %swap3A_2937 : vector<16xi32> to vector<16xi32>
      %swap3A_2939 = vector.shape_cast %broadcast_in_dim3A_2935 : vector<16xi32> to vector<16xi32>
      tpu.vector_store %arg8[%swap3A_2936], %swap3A_2939 {strides = array<i32>} : memref<144xi32, #tpu.memory_space<vmem>>, vector<16xi32>,
    } else {
    }
    %eq3A_381 = arith.constant 0 : i32
    %eq3A_382 = arith.cmpi eq, %squeeze3A_371, %eq3A_381 : i32
    %convert_element_type3A_383 = arith.extui %eq3A_382 : i1 to i32
    %cond3A_384 = arith.constant 0 : i32
    %cond3A_385 = arith.cmpi ne, %convert_element_type3A_383, %cond3A_384 : i32
    scf.if %cond3A_385 {
      %broadcast_in_dim3A_2935 = vector.broadcast %add3A_375 : i32 to vector<16xi32>
      %swap3A_2936 = arith.index_cast %add3A_362 : i32 to index
      %swap3A_2937 = tpu.vector_load %arg9[%swap3A_2936] {strides = array<i32>} : memref<144xi32, #tpu.memory_space<vmem>>, vector<16xi32>,
      %swap3A_2938 = vector.shape_cast %swap3A_2937 : vector<16xi32> to vector<16xi32>
      %swap3A_2939 = vector.shape_cast %broadcast_in_dim3A_2935 : vector<16xi32> to vector<16xi32>
      tpu.vector_store %arg9[%swap3A_2936], %swap3A_2939 {strides = array<i32>} : memref<144xi32, #tpu.memory_space<vmem>>, vector<16xi32>,
    } else {
    }
    %add3A_386 = arith.addi %add3A_359, %squeeze3A_371 : i32
    %sub3A_387 = arith.constant 1 : i32
    %sub3A_388 = arith.subi %sub3A_387, %squeeze3A_371 : i32
    %add3A_389 = arith.addi %add3A_362, %sub3A_388 : i32
    %slice3A_390 = vector.extract_strided_slice %select_n3A_369 {offsets = [1], sizes = [1], strides = [1]} : vector<16xi32> to vector<1xi32>
    %squeeze3A_391 = vector.extract %slice3A_390[0] : i32 from vector<1xi32>
    %add3A_392 = arith.constant 16 : i32
    %add3A_393 = arith.addi %mul3A_2, %add3A_392 : i32
    %add3A_394 = arith.constant 1 : i32
    %add3A_395 = arith.addi %add3A_393, %add3A_394 : i32
    %gt3A_396 = arith.constant 0 : i32
    %gt3A_397 = arith.cmpi sgt, %squeeze3A_391, %gt3A_396 : i32
    %convert_element_type3A_398 = arith.extui %gt3A_397 : i1 to i32
    %cond3A_399 = arith.constant 0 : i32
    %cond3A_400 = arith.cmpi ne, %convert_element_type3A_398, %cond3A_399 : i32
    scf.if %cond3A_400 {
      %broadcast_in_dim3A_2935 = vector.broadcast %add3A_395 : i32 to vector<16xi32>
      %swap3A_2936 = arith.index_cast %add3A_386 : i32 to index
      %swap3A_2937 = tpu.vector_load %arg8[%swap3A_2936] {strides = array<i32>} : memref<144xi32, #tpu.memory_space<vmem>>, vector<16xi32>,
      %swap3A_2938 = vector.shape_cast %swap3A_2937 : vector<16xi32> to vector<16xi32>
      %swap3A_2939 = vector.shape_cast %broadcast_in_dim3A_2935 : vector<16xi32> to vector<16xi32>
      tpu.vector_store %arg8[%swap3A_2936], %swap3A_2939 {strides = array<i32>} : memref<144xi32, #tpu.memory_space<vmem>>, vector<16xi32>,
    } else {
    }
    %eq3A_401 = arith.constant 0 : i32
    %eq3A_402 = arith.cmpi eq, %squeeze3A_391, %eq3A_401 : i32
    %convert_element_type3A_403 = arith.extui %eq3A_402 : i1 to i32
    %cond3A_404 = arith.constant 0 : i32
    %cond3A_405 = arith.cmpi ne, %convert_element_type3A_403, %cond3A_404 : i32
    scf.if %cond3A_405 {
      %broadcast_in_dim3A_2935 = vector.broadcast %add3A_395 : i32 to vector<16xi32>
      %swap3A_2936 = arith.index_cast %add3A_389 : i32 to index
      %swap3A_2937 = tpu.vector_load %arg9[%swap3A_2936] {strides = array<i32>} : memref<144xi32, #tpu.memory_space<vmem>>, vector<16xi32>,
      %swap3A_2938 = vector.shape_cast %swap3A_2937 : vector<16xi32> to vector<16xi32>
      %swap3A_2939 = vector.shape_cast %broadcast_in_dim3A_2935 : vector<16xi32> to vector<16xi32>
      tpu.vector_store %arg9[%swap3A_2936], %swap3A_2939 {strides = array<i32>} : memref<144xi32, #tpu.memory_space<vmem>>, vector<16xi32>,
    } else {
    }
    %add3A_406 = arith.addi %add3A_386, %squeeze3A_391 : i32
    %sub3A_407 = arith.constant 1 : i32
    %sub3A_408 = arith.subi %sub3A_407, %squeeze3A_391 : i32
    %add3A_409 = arith.addi %add3A_389, %sub3A_408 : i32
    %slice3A_410 = vector.extract_strided_slice %select_n3A_369 {offsets = [2], sizes = [1], strides = [1]} : vector<16xi32> to vector<1xi32>
    %squeeze3A_411 = vector.extract %slice3A_410[0] : i32 from vector<1xi32>
    %add3A_412 = arith.constant 16 : i32
    %add3A_413 = arith.addi %mul3A_2, %add3A_412 : i32
    %add3A_414 = arith.constant 2 : i32
    %add3A_415 = arith.addi %add3A_413, %add3A_414 : i32
    %gt3A_416 = arith.constant 0 : i32
    %gt3A_417 = arith.cmpi sgt, %squeeze3A_411, %gt3A_416 : i32
    %convert_element_type3A_418 = arith.extui %gt3A_417 : i1 to i32
    %cond3A_419 = arith.constant 0 : i32
    %cond3A_420 = arith.cmpi ne, %convert_element_type3A_418, %cond3A_419 : i32
    scf.if %cond3A_420 {
      %broadcast_in_dim3A_2935 = vector.broadcast %add3A_415 : i32 to vector<16xi32>
      %swap3A_2936 = arith.index_cast %add3A_406 : i32 to index
      %swap3A_2937 = tpu.vector_load %arg8[%swap3A_2936] {strides = array<i32>} : memref<144xi32, #tpu.memory_space<vmem>>, vector<16xi32>,
      %swap3A_2938 = vector.shape_cast %swap3A_2937 : vector<16xi32> to vector<16xi32>
      %swap3A_2939 = vector.shape_cast %broadcast_in_dim3A_2935 : vector<16xi32> to vector<16xi32>
      tpu.vector_store %arg8[%swap3A_2936], %swap3A_2939 {strides = array<i32>} : memref<144xi32, #tpu.memory_space<vmem>>, vector<16xi32>,
    } else {
    }
    %eq3A_421 = arith.constant 0 : i32
    %eq3A_422 = arith.cmpi eq, %squeeze3A_411, %eq3A_421 : i32
    %convert_element_type3A_423 = arith.extui %eq3A_422 : i1 to i32
    %cond3A_424 = arith.constant 0 : i32
    %cond3A_425 = arith.cmpi ne, %convert_element_type3A_423, %cond3A_424 : i32
    scf.if %cond3A_425 {
      %broadcast_in_dim3A_2935 = vector.broadcast %add3A_415 : i32 to vector<16xi32>
      %swap3A_2936 = arith.index_cast %add3A_409 : i32 to index
      %swap3A_2937 = tpu.vector_load %arg9[%swap3A_2936] {strides = array<i32>} : memref<144xi32, #tpu.memory_space<vmem>>, vector<16xi32>,
      %swap3A_2938 = vector.shape_cast %swap3A_2937 : vector<16xi32> to vector<16xi32>
      %swap3A_2939 = vector.shape_cast %broadcast_in_dim3A_2935 : vector<16xi32> to vector<16xi32>
      tpu.vector_store %arg9[%swap3A_2936], %swap3A_2939 {strides = array<i32>} : memref<144xi32, #tpu.memory_space<vmem>>, vector<16xi32>,
    } else {
    }
    %add3A_426 = arith.addi %add3A_406, %squeeze3A_411 : i32
    %sub3A_427 = arith.constant 1 : i32
    %sub3A_428 = arith.subi %sub3A_427, %squeeze3A_411 : i32
    %add3A_429 = arith.addi %add3A_409, %sub3A_428 : i32
    %slice3A_430 = vector.extract_strided_slice %select_n3A_369 {offsets = [3], sizes = [1], strides = [1]} : vector<16xi32> to vector<1xi32>
    %squeeze3A_431 = vector.extract %slice3A_430[0] : i32 from vector<1xi32>
    %add3A_432 = arith.constant 16 : i32
    %add3A_433 = arith.addi %mul3A_2, %add3A_432 : i32
    %add3A_434 = arith.constant 3 : i32
    %add3A_435 = arith.addi %add3A_433, %add3A_434 : i32
    %gt3A_436 = arith.constant 0 : i32
    %gt3A_437 = arith.cmpi sgt, %squeeze3A_431, %gt3A_436 : i32
    %convert_element_type3A_438 = arith.extui %gt3A_437 : i1 to i32
    %cond3A_439 = arith.constant 0 : i32
    %cond3A_440 = arith.cmpi ne, %convert_element_type3A_438, %cond3A_439 : i32
    scf.if %cond3A_440 {
      %broadcast_in_dim3A_2935 = vector.broadcast %add3A_435 : i32 to vector<16xi32>
      %swap3A_2936 = arith.index_cast %add3A_426 : i32 to index
      %swap3A_2937 = tpu.vector_load %arg8[%swap3A_2936] {strides = array<i32>} : memref<144xi32, #tpu.memory_space<vmem>>, vector<16xi32>,
      %swap3A_2938 = vector.shape_cast %swap3A_2937 : vector<16xi32> to vector<16xi32>
      %swap3A_2939 = vector.shape_cast %broadcast_in_dim3A_2935 : vector<16xi32> to vector<16xi32>
      tpu.vector_store %arg8[%swap3A_2936], %swap3A_2939 {strides = array<i32>} : memref<144xi32, #tpu.memory_space<vmem>>, vector<16xi32>,
    } else {
    }
    %eq3A_441 = arith.constant 0 : i32
    %eq3A_442 = arith.cmpi eq, %squeeze3A_431, %eq3A_441 : i32
    %convert_element_type3A_443 = arith.extui %eq3A_442 : i1 to i32
    %cond3A_444 = arith.constant 0 : i32
    %cond3A_445 = arith.cmpi ne, %convert_element_type3A_443, %cond3A_444 : i32
    scf.if %cond3A_445 {
      %broadcast_in_dim3A_2935 = vector.broadcast %add3A_435 : i32 to vector<16xi32>
      %swap3A_2936 = arith.index_cast %add3A_429 : i32 to index
      %swap3A_2937 = tpu.vector_load %arg9[%swap3A_2936] {strides = array<i32>} : memref<144xi32, #tpu.memory_space<vmem>>, vector<16xi32>,
      %swap3A_2938 = vector.shape_cast %swap3A_2937 : vector<16xi32> to vector<16xi32>
      %swap3A_2939 = vector.shape_cast %broadcast_in_dim3A_2935 : vector<16xi32> to vector<16xi32>
      tpu.vector_store %arg9[%swap3A_2936], %swap3A_2939 {strides = array<i32>} : memref<144xi32, #tpu.memory_space<vmem>>, vector<16xi32>,
    } else {
    }
    %add3A_446 = arith.addi %add3A_426, %squeeze3A_431 : i32
    %sub3A_447 = arith.constant 1 : i32
    %sub3A_448 = arith.subi %sub3A_447, %squeeze3A_431 : i32
    %add3A_449 = arith.addi %add3A_429, %sub3A_448 : i32
    %slice3A_450 = vector.extract_strided_slice %select_n3A_369 {offsets = [4], sizes = [1], strides = [1]} : vector<16xi32> to vector<1xi32>
    %squeeze3A_451 = vector.extract %slice3A_450[0] : i32 from vector<1xi32>
    %add3A_452 = arith.constant 16 : i32
    %add3A_453 = arith.addi %mul3A_2, %add3A_452 : i32
    %add3A_454 = arith.constant 4 : i32
    %add3A_455 = arith.addi %add3A_453, %add3A_454 : i32
    %gt3A_456 = arith.constant 0 : i32
    %gt3A_457 = arith.cmpi sgt, %squeeze3A_451, %gt3A_456 : i32
    %convert_element_type3A_458 = arith.extui %gt3A_457 : i1 to i32
    %cond3A_459 = arith.constant 0 : i32
    %cond3A_460 = arith.cmpi ne, %convert_element_type3A_458, %cond3A_459 : i32
    scf.if %cond3A_460 {
      %broadcast_in_dim3A_2935 = vector.broadcast %add3A_455 : i32 to vector<16xi32>
      %swap3A_2936 = arith.index_cast %add3A_446 : i32 to index
      %swap3A_2937 = tpu.vector_load %arg8[%swap3A_2936] {strides = array<i32>} : memref<144xi32, #tpu.memory_space<vmem>>, vector<16xi32>,
      %swap3A_2938 = vector.shape_cast %swap3A_2937 : vector<16xi32> to vector<16xi32>
      %swap3A_2939 = vector.shape_cast %broadcast_in_dim3A_2935 : vector<16xi32> to vector<16xi32>
      tpu.vector_store %arg8[%swap3A_2936], %swap3A_2939 {strides = array<i32>} : memref<144xi32, #tpu.memory_space<vmem>>, vector<16xi32>,
    } else {
    }
    %eq3A_461 = arith.constant 0 : i32
    %eq3A_462 = arith.cmpi eq, %squeeze3A_451, %eq3A_461 : i32
    %convert_element_type3A_463 = arith.extui %eq3A_462 : i1 to i32
    %cond3A_464 = arith.constant 0 : i32
    %cond3A_465 = arith.cmpi ne, %convert_element_type3A_463, %cond3A_464 : i32
    scf.if %cond3A_465 {
      %broadcast_in_dim3A_2935 = vector.broadcast %add3A_455 : i32 to vector<16xi32>
      %swap3A_2936 = arith.index_cast %add3A_449 : i32 to index
      %swap3A_2937 = tpu.vector_load %arg9[%swap3A_2936] {strides = array<i32>} : memref<144xi32, #tpu.memory_space<vmem>>, vector<16xi32>,
      %swap3A_2938 = vector.shape_cast %swap3A_2937 : vector<16xi32> to vector<16xi32>
      %swap3A_2939 = vector.shape_cast %broadcast_in_dim3A_2935 : vector<16xi32> to vector<16xi32>
      tpu.vector_store %arg9[%swap3A_2936], %swap3A_2939 {strides = array<i32>} : memref<144xi32, #tpu.memory_space<vmem>>, vector<16xi32>,
    } else {
    }
    %add3A_466 = arith.addi %add3A_446, %squeeze3A_451 : i32
    %sub3A_467 = arith.constant 1 : i32
    %sub3A_468 = arith.subi %sub3A_467, %squeeze3A_451 : i32
    %add3A_469 = arith.addi %add3A_449, %sub3A_468 : i32
    %slice3A_470 = vector.extract_strided_slice %select_n3A_369 {offsets = [5], sizes = [1], strides = [1]} : vector<16xi32> to vector<1xi32>
    %squeeze3A_471 = vector.extract %slice3A_470[0] : i32 from vector<1xi32>
    %add3A_472 = arith.constant 16 : i32
    %add3A_473 = arith.addi %mul3A_2, %add3A_472 : i32
    %add3A_474 = arith.constant 5 : i32
    %add3A_475 = arith.addi %add3A_473, %add3A_474 : i32
    %gt3A_476 = arith.constant 0 : i32
    %gt3A_477 = arith.cmpi sgt, %squeeze3A_471, %gt3A_476 : i32
    %convert_element_type3A_478 = arith.extui %gt3A_477 : i1 to i32
    %cond3A_479 = arith.constant 0 : i32
    %cond3A_480 = arith.cmpi ne, %convert_element_type3A_478, %cond3A_479 : i32
    scf.if %cond3A_480 {
      %broadcast_in_dim3A_2935 = vector.broadcast %add3A_475 : i32 to vector<16xi32>
      %swap3A_2936 = arith.index_cast %add3A_466 : i32 to index
      %swap3A_2937 = tpu.vector_load %arg8[%swap3A_2936] {strides = array<i32>} : memref<144xi32, #tpu.memory_space<vmem>>, vector<16xi32>,
      %swap3A_2938 = vector.shape_cast %swap3A_2937 : vector<16xi32> to vector<16xi32>
      %swap3A_2939 = vector.shape_cast %broadcast_in_dim3A_2935 : vector<16xi32> to vector<16xi32>
      tpu.vector_store %arg8[%swap3A_2936], %swap3A_2939 {strides = array<i32>} : memref<144xi32, #tpu.memory_space<vmem>>, vector<16xi32>,
    } else {
    }
    %eq3A_481 = arith.constant 0 : i32
    %eq3A_482 = arith.cmpi eq, %squeeze3A_471, %eq3A_481 : i32
    %convert_element_type3A_483 = arith.extui %eq3A_482 : i1 to i32
    %cond3A_484 = arith.constant 0 : i32
    %cond3A_485 = arith.cmpi ne, %convert_element_type3A_483, %cond3A_484 : i32
    scf.if %cond3A_485 {
      %broadcast_in_dim3A_2935 = vector.broadcast %add3A_475 : i32 to vector<16xi32>
      %swap3A_2936 = arith.index_cast %add3A_469 : i32 to index
      %swap3A_2937 = tpu.vector_load %arg9[%swap3A_2936] {strides = array<i32>} : memref<144xi32, #tpu.memory_space<vmem>>, vector<16xi32>,
      %swap3A_2938 = vector.shape_cast %swap3A_2937 : vector<16xi32> to vector<16xi32>
      %swap3A_2939 = vector.shape_cast %broadcast_in_dim3A_2935 : vector<16xi32> to vector<16xi32>
      tpu.vector_store %arg9[%swap3A_2936], %swap3A_2939 {strides = array<i32>} : memref<144xi32, #tpu.memory_space<vmem>>, vector<16xi32>,
    } else {
    }
    %add3A_486 = arith.addi %add3A_466, %squeeze3A_471 : i32
    %sub3A_487 = arith.constant 1 : i32
    %sub3A_488 = arith.subi %sub3A_487, %squeeze3A_471 : i32
    %add3A_489 = arith.addi %add3A_469, %sub3A_488 : i32
    %slice3A_490 = vector.extract_strided_slice %select_n3A_369 {offsets = [6], sizes = [1], strides = [1]} : vector<16xi32> to vector<1xi32>
    %squeeze3A_491 = vector.extract %slice3A_490[0] : i32 from vector<1xi32>
    %add3A_492 = arith.constant 16 : i32
    %add3A_493 = arith.addi %mul3A_2, %add3A_492 : i32
    %add3A_494 = arith.constant 6 : i32
    %add3A_495 = arith.addi %add3A_493, %add3A_494 : i32
    %gt3A_496 = arith.constant 0 : i32
    %gt3A_497 = arith.cmpi sgt, %squeeze3A_491, %gt3A_496 : i32
    %convert_element_type3A_498 = arith.extui %gt3A_497 : i1 to i32
    %cond3A_499 = arith.constant 0 : i32
    %cond3A_500 = arith.cmpi ne, %convert_element_type3A_498, %cond3A_499 : i32
    scf.if %cond3A_500 {
      %broadcast_in_dim3A_2935 = vector.broadcast %add3A_495 : i32 to vector<16xi32>
      %swap3A_2936 = arith.index_cast %add3A_486 : i32 to index
      %swap3A_2937 = tpu.vector_load %arg8[%swap3A_2936] {strides = array<i32>} : memref<144xi32, #tpu.memory_space<vmem>>, vector<16xi32>,
      %swap3A_2938 = vector.shape_cast %swap3A_2937 : vector<16xi32> to vector<16xi32>
      %swap3A_2939 = vector.shape_cast %broadcast_in_dim3A_2935 : vector<16xi32> to vector<16xi32>
      tpu.vector_store %arg8[%swap3A_2936], %swap3A_2939 {strides = array<i32>} : memref<144xi32, #tpu.memory_space<vmem>>, vector<16xi32>,
    } else {
    }
    %eq3A_501 = arith.constant 0 : i32
    %eq3A_502 = arith.cmpi eq, %squeeze3A_491, %eq3A_501 : i32
    %convert_element_type3A_503 = arith.extui %eq3A_502 : i1 to i32
    %cond3A_504 = arith.constant 0 : i32
    %cond3A_505 = arith.cmpi ne, %convert_element_type3A_503, %cond3A_504 : i32
    scf.if %cond3A_505 {
      %broadcast_in_dim3A_2935 = vector.broadcast %add3A_495 : i32 to vector<16xi32>
      %swap3A_2936 = arith.index_cast %add3A_489 : i32 to index
      %swap3A_2937 = tpu.vector_load %arg9[%swap3A_2936] {strides = array<i32>} : memref<144xi32, #tpu.memory_space<vmem>>, vector<16xi32>,
      %swap3A_2938 = vector.shape_cast %swap3A_2937 : vector<16xi32> to vector<16xi32>
      %swap3A_2939 = vector.shape_cast %broadcast_in_dim3A_2935 : vector<16xi32> to vector<16xi32>
      tpu.vector_store %arg9[%swap3A_2936], %swap3A_2939 {strides = array<i32>} : memref<144xi32, #tpu.memory_space<vmem>>, vector<16xi32>,
    } else {
    }
    %add3A_506 = arith.addi %add3A_486, %squeeze3A_491 : i32
    %sub3A_507 = arith.constant 1 : i32
    %sub3A_508 = arith.subi %sub3A_507, %squeeze3A_491 : i32
    %add3A_509 = arith.addi %add3A_489, %sub3A_508 : i32
    %slice3A_510 = vector.extract_strided_slice %select_n3A_369 {offsets = [7], sizes = [1], strides = [1]} : vector<16xi32> to vector<1xi32>
    %squeeze3A_511 = vector.extract %slice3A_510[0] : i32 from vector<1xi32>
    %add3A_512 = arith.constant 16 : i32
    %add3A_513 = arith.addi %mul3A_2, %add3A_512 : i32
    %add3A_514 = arith.constant 7 : i32
    %add3A_515 = arith.addi %add3A_513, %add3A_514 : i32
    %gt3A_516 = arith.constant 0 : i32
    %gt3A_517 = arith.cmpi sgt, %squeeze3A_511, %gt3A_516 : i32
    %convert_element_type3A_518 = arith.extui %gt3A_517 : i1 to i32
    %cond3A_519 = arith.constant 0 : i32
    %cond3A_520 = arith.cmpi ne, %convert_element_type3A_518, %cond3A_519 : i32
    scf.if %cond3A_520 {
      %broadcast_in_dim3A_2935 = vector.broadcast %add3A_515 : i32 to vector<16xi32>
      %swap3A_2936 = arith.index_cast %add3A_506 : i32 to index
      %swap3A_2937 = tpu.vector_load %arg8[%swap3A_2936] {strides = array<i32>} : memref<144xi32, #tpu.memory_space<vmem>>, vector<16xi32>,
      %swap3A_2938 = vector.shape_cast %swap3A_2937 : vector<16xi32> to vector<16xi32>
      %swap3A_2939 = vector.shape_cast %broadcast_in_dim3A_2935 : vector<16xi32> to vector<16xi32>
      tpu.vector_store %arg8[%swap3A_2936], %swap3A_2939 {strides = array<i32>} : memref<144xi32, #tpu.memory_space<vmem>>, vector<16xi32>,
    } else {
    }
    %eq3A_521 = arith.constant 0 : i32
    %eq3A_522 = arith.cmpi eq, %squeeze3A_511, %eq3A_521 : i32
    %convert_element_type3A_523 = arith.extui %eq3A_522 : i1 to i32
    %cond3A_524 = arith.constant 0 : i32
    %cond3A_525 = arith.cmpi ne, %convert_element_type3A_523, %cond3A_524 : i32
    scf.if %cond3A_525 {
      %broadcast_in_dim3A_2935 = vector.broadcast %add3A_515 : i32 to vector<16xi32>
      %swap3A_2936 = arith.index_cast %add3A_509 : i32 to index
      %swap3A_2937 = tpu.vector_load %arg9[%swap3A_2936] {strides = array<i32>} : memref<144xi32, #tpu.memory_space<vmem>>, vector<16xi32>,
      %swap3A_2938 = vector.shape_cast %swap3A_2937 : vector<16xi32> to vector<16xi32>
      %swap3A_2939 = vector.shape_cast %broadcast_in_dim3A_2935 : vector<16xi32> to vector<16xi32>
      tpu.vector_store %arg9[%swap3A_2936], %swap3A_2939 {strides = array<i32>} : memref<144xi32, #tpu.memory_space<vmem>>, vector<16xi32>,
    } else {
    }
    %add3A_526 = arith.addi %add3A_506, %squeeze3A_511 : i32
    %sub3A_527 = arith.constant 1 : i32
    %sub3A_528 = arith.subi %sub3A_527, %squeeze3A_511 : i32
    %add3A_529 = arith.addi %add3A_509, %sub3A_528 : i32
    %slice3A_530 = vector.extract_strided_slice %select_n3A_369 {offsets = [8], sizes = [1], strides = [1]} : vector<16xi32> to vector<1xi32>
    %squeeze3A_531 = vector.extract %slice3A_530[0] : i32 from vector<1xi32>
    %add3A_532 = arith.constant 16 : i32
    %add3A_533 = arith.addi %mul3A_2, %add3A_532 : i32
    %add3A_534 = arith.constant 8 : i32
    %add3A_535 = arith.addi %add3A_533, %add3A_534 : i32
    %gt3A_536 = arith.constant 0 : i32
    %gt3A_537 = arith.cmpi sgt, %squeeze3A_531, %gt3A_536 : i32
    %convert_element_type3A_538 = arith.extui %gt3A_537 : i1 to i32
    %cond3A_539 = arith.constant 0 : i32
    %cond3A_540 = arith.cmpi ne, %convert_element_type3A_538, %cond3A_539 : i32
    scf.if %cond3A_540 {
      %broadcast_in_dim3A_2935 = vector.broadcast %add3A_535 : i32 to vector<16xi32>
      %swap3A_2936 = arith.index_cast %add3A_526 : i32 to index
      %swap3A_2937 = tpu.vector_load %arg8[%swap3A_2936] {strides = array<i32>} : memref<144xi32, #tpu.memory_space<vmem>>, vector<16xi32>,
      %swap3A_2938 = vector.shape_cast %swap3A_2937 : vector<16xi32> to vector<16xi32>
      %swap3A_2939 = vector.shape_cast %broadcast_in_dim3A_2935 : vector<16xi32> to vector<16xi32>
      tpu.vector_store %arg8[%swap3A_2936], %swap3A_2939 {strides = array<i32>} : memref<144xi32, #tpu.memory_space<vmem>>, vector<16xi32>,
    } else {
    }
    %eq3A_541 = arith.constant 0 : i32
    %eq3A_542 = arith.cmpi eq, %squeeze3A_531, %eq3A_541 : i32
    %convert_element_type3A_543 = arith.extui %eq3A_542 : i1 to i32
    %cond3A_544 = arith.constant 0 : i32
    %cond3A_545 = arith.cmpi ne, %convert_element_type3A_543, %cond3A_544 : i32
    scf.if %cond3A_545 {
      %broadcast_in_dim3A_2935 = vector.broadcast %add3A_535 : i32 to vector<16xi32>
      %swap3A_2936 = arith.index_cast %add3A_529 : i32 to index
      %swap3A_2937 = tpu.vector_load %arg9[%swap3A_2936] {strides = array<i32>} : memref<144xi32, #tpu.memory_space<vmem>>, vector<16xi32>,
      %swap3A_2938 = vector.shape_cast %swap3A_2937 : vector<16xi32> to vector<16xi32>
      %swap3A_2939 = vector.shape_cast %broadcast_in_dim3A_2935 : vector<16xi32> to vector<16xi32>
      tpu.vector_store %arg9[%swap3A_2936], %swap3A_2939 {strides = array<i32>} : memref<144xi32, #tpu.memory_space<vmem>>, vector<16xi32>,
    } else {
    }
    %add3A_546 = arith.addi %add3A_526, %squeeze3A_531 : i32
    %sub3A_547 = arith.constant 1 : i32
    %sub3A_548 = arith.subi %sub3A_547, %squeeze3A_531 : i32
    %add3A_549 = arith.addi %add3A_529, %sub3A_548 : i32
    %slice3A_550 = vector.extract_strided_slice %select_n3A_369 {offsets = [9], sizes = [1], strides = [1]} : vector<16xi32> to vector<1xi32>
    %squeeze3A_551 = vector.extract %slice3A_550[0] : i32 from vector<1xi32>
    %add3A_552 = arith.constant 16 : i32
    %add3A_553 = arith.addi %mul3A_2, %add3A_552 : i32
    %add3A_554 = arith.constant 9 : i32
    %add3A_555 = arith.addi %add3A_553, %add3A_554 : i32
    %gt3A_556 = arith.constant 0 : i32
    %gt3A_557 = arith.cmpi sgt, %squeeze3A_551, %gt3A_556 : i32
    %convert_element_type3A_558 = arith.extui %gt3A_557 : i1 to i32
    %cond3A_559 = arith.constant 0 : i32
    %cond3A_560 = arith.cmpi ne, %convert_element_type3A_558, %cond3A_559 : i32
    scf.if %cond3A_560 {
      %broadcast_in_dim3A_2935 = vector.broadcast %add3A_555 : i32 to vector<16xi32>
      %swap3A_2936 = arith.index_cast %add3A_546 : i32 to index
      %swap3A_2937 = tpu.vector_load %arg8[%swap3A_2936] {strides = array<i32>} : memref<144xi32, #tpu.memory_space<vmem>>, vector<16xi32>,
      %swap3A_2938 = vector.shape_cast %swap3A_2937 : vector<16xi32> to vector<16xi32>
      %swap3A_2939 = vector.shape_cast %broadcast_in_dim3A_2935 : vector<16xi32> to vector<16xi32>
      tpu.vector_store %arg8[%swap3A_2936], %swap3A_2939 {strides = array<i32>} : memref<144xi32, #tpu.memory_space<vmem>>, vector<16xi32>,
    } else {
    }
    %eq3A_561 = arith.constant 0 : i32
    %eq3A_562 = arith.cmpi eq, %squeeze3A_551, %eq3A_561 : i32
    %convert_element_type3A_563 = arith.extui %eq3A_562 : i1 to i32
    %cond3A_564 = arith.constant 0 : i32
    %cond3A_565 = arith.cmpi ne, %convert_element_type3A_563, %cond3A_564 : i32
    scf.if %cond3A_565 {
      %broadcast_in_dim3A_2935 = vector.broadcast %add3A_555 : i32 to vector<16xi32>
      %swap3A_2936 = arith.index_cast %add3A_549 : i32 to index
      %swap3A_2937 = tpu.vector_load %arg9[%swap3A_2936] {strides = array<i32>} : memref<144xi32, #tpu.memory_space<vmem>>, vector<16xi32>,
      %swap3A_2938 = vector.shape_cast %swap3A_2937 : vector<16xi32> to vector<16xi32>
      %swap3A_2939 = vector.shape_cast %broadcast_in_dim3A_2935 : vector<16xi32> to vector<16xi32>
      tpu.vector_store %arg9[%swap3A_2936], %swap3A_2939 {strides = array<i32>} : memref<144xi32, #tpu.memory_space<vmem>>, vector<16xi32>,
    } else {
    }
    %add3A_566 = arith.addi %add3A_546, %squeeze3A_551 : i32
    %sub3A_567 = arith.constant 1 : i32
    %sub3A_568 = arith.subi %sub3A_567, %squeeze3A_551 : i32
    %add3A_569 = arith.addi %add3A_549, %sub3A_568 : i32
    %slice3A_570 = vector.extract_strided_slice %select_n3A_369 {offsets = [10], sizes = [1], strides = [1]} : vector<16xi32> to vector<1xi32>
    %squeeze3A_571 = vector.extract %slice3A_570[0] : i32 from vector<1xi32>
    %add3A_572 = arith.constant 16 : i32
    %add3A_573 = arith.addi %mul3A_2, %add3A_572 : i32
    %add3A_574 = arith.constant 10 : i32
    %add3A_575 = arith.addi %add3A_573, %add3A_574 : i32
    %gt3A_576 = arith.constant 0 : i32
    %gt3A_577 = arith.cmpi sgt, %squeeze3A_571, %gt3A_576 : i32
    %convert_element_type3A_578 = arith.extui %gt3A_577 : i1 to i32
    %cond3A_579 = arith.constant 0 : i32
    %cond3A_580 = arith.cmpi ne, %convert_element_type3A_578, %cond3A_579 : i32
    scf.if %cond3A_580 {
      %broadcast_in_dim3A_2935 = vector.broadcast %add3A_575 : i32 to vector<16xi32>
      %swap3A_2936 = arith.index_cast %add3A_566 : i32 to index
      %swap3A_2937 = tpu.vector_load %arg8[%swap3A_2936] {strides = array<i32>} : memref<144xi32, #tpu.memory_space<vmem>>, vector<16xi32>,
      %swap3A_2938 = vector.shape_cast %swap3A_2937 : vector<16xi32> to vector<16xi32>
      %swap3A_2939 = vector.shape_cast %broadcast_in_dim3A_2935 : vector<16xi32> to vector<16xi32>
      tpu.vector_store %arg8[%swap3A_2936], %swap3A_2939 {strides = array<i32>} : memref<144xi32, #tpu.memory_space<vmem>>, vector<16xi32>,
    } else {
    }
    %eq3A_581 = arith.constant 0 : i32
    %eq3A_582 = arith.cmpi eq, %squeeze3A_571, %eq3A_581 : i32
    %convert_element_type3A_583 = arith.extui %eq3A_582 : i1 to i32
    %cond3A_584 = arith.constant 0 : i32
    %cond3A_585 = arith.cmpi ne, %convert_element_type3A_583, %cond3A_584 : i32
    scf.if %cond3A_585 {
      %broadcast_in_dim3A_2935 = vector.broadcast %add3A_575 : i32 to vector<16xi32>
      %swap3A_2936 = arith.index_cast %add3A_569 : i32 to index
      %swap3A_2937 = tpu.vector_load %arg9[%swap3A_2936] {strides = array<i32>} : memref<144xi32, #tpu.memory_space<vmem>>, vector<16xi32>,
      %swap3A_2938 = vector.shape_cast %swap3A_2937 : vector<16xi32> to vector<16xi32>
      %swap3A_2939 = vector.shape_cast %broadcast_in_dim3A_2935 : vector<16xi32> to vector<16xi32>
      tpu.vector_store %arg9[%swap3A_2936], %swap3A_2939 {strides = array<i32>} : memref<144xi32, #tpu.memory_space<vmem>>, vector<16xi32>,
    } else {
    }
    %add3A_586 = arith.addi %add3A_566, %squeeze3A_571 : i32
    %sub3A_587 = arith.constant 1 : i32
    %sub3A_588 = arith.subi %sub3A_587, %squeeze3A_571 : i32
    %add3A_589 = arith.addi %add3A_569, %sub3A_588 : i32
    %slice3A_590 = vector.extract_strided_slice %select_n3A_369 {offsets = [11], sizes = [1], strides = [1]} : vector<16xi32> to vector<1xi32>
    %squeeze3A_591 = vector.extract %slice3A_590[0] : i32 from vector<1xi32>
    %add3A_592 = arith.constant 16 : i32
    %add3A_593 = arith.addi %mul3A_2, %add3A_592 : i32
    %add3A_594 = arith.constant 11 : i32
    %add3A_595 = arith.addi %add3A_593, %add3A_594 : i32
    %gt3A_596 = arith.constant 0 : i32
    %gt3A_597 = arith.cmpi sgt, %squeeze3A_591, %gt3A_596 : i32
    %convert_element_type3A_598 = arith.extui %gt3A_597 : i1 to i32
    %cond3A_599 = arith.constant 0 : i32
    %cond3A_600 = arith.cmpi ne, %convert_element_type3A_598, %cond3A_599 : i32
    scf.if %cond3A_600 {
      %broadcast_in_dim3A_2935 = vector.broadcast %add3A_595 : i32 to vector<16xi32>
      %swap3A_2936 = arith.index_cast %add3A_586 : i32 to index
      %swap3A_2937 = tpu.vector_load %arg8[%swap3A_2936] {strides = array<i32>} : memref<144xi32, #tpu.memory_space<vmem>>, vector<16xi32>,
      %swap3A_2938 = vector.shape_cast %swap3A_2937 : vector<16xi32> to vector<16xi32>
      %swap3A_2939 = vector.shape_cast %broadcast_in_dim3A_2935 : vector<16xi32> to vector<16xi32>
      tpu.vector_store %arg8[%swap3A_2936], %swap3A_2939 {strides = array<i32>} : memref<144xi32, #tpu.memory_space<vmem>>, vector<16xi32>,
    } else {
    }
    %eq3A_601 = arith.constant 0 : i32
    %eq3A_602 = arith.cmpi eq, %squeeze3A_591, %eq3A_601 : i32
    %convert_element_type3A_603 = arith.extui %eq3A_602 : i1 to i32
    %cond3A_604 = arith.constant 0 : i32
    %cond3A_605 = arith.cmpi ne, %convert_element_type3A_603, %cond3A_604 : i32
    scf.if %cond3A_605 {
      %broadcast_in_dim3A_2935 = vector.broadcast %add3A_595 : i32 to vector<16xi32>
      %swap3A_2936 = arith.index_cast %add3A_589 : i32 to index
      %swap3A_2937 = tpu.vector_load %arg9[%swap3A_2936] {strides = array<i32>} : memref<144xi32, #tpu.memory_space<vmem>>, vector<16xi32>,
      %swap3A_2938 = vector.shape_cast %swap3A_2937 : vector<16xi32> to vector<16xi32>
      %swap3A_2939 = vector.shape_cast %broadcast_in_dim3A_2935 : vector<16xi32> to vector<16xi32>
      tpu.vector_store %arg9[%swap3A_2936], %swap3A_2939 {strides = array<i32>} : memref<144xi32, #tpu.memory_space<vmem>>, vector<16xi32>,
    } else {
    }
    %add3A_606 = arith.addi %add3A_586, %squeeze3A_591 : i32
    %sub3A_607 = arith.constant 1 : i32
    %sub3A_608 = arith.subi %sub3A_607, %squeeze3A_591 : i32
    %add3A_609 = arith.addi %add3A_589, %sub3A_608 : i32
    %slice3A_610 = vector.extract_strided_slice %select_n3A_369 {offsets = [12], sizes = [1], strides = [1]} : vector<16xi32> to vector<1xi32>
    %squeeze3A_611 = vector.extract %slice3A_610[0] : i32 from vector<1xi32>
    %add3A_612 = arith.constant 16 : i32
    %add3A_613 = arith.addi %mul3A_2, %add3A_612 : i32
    %add3A_614 = arith.constant 12 : i32
    %add3A_615 = arith.addi %add3A_613, %add3A_614 : i32
    %gt3A_616 = arith.constant 0 : i32
    %gt3A_617 = arith.cmpi sgt, %squeeze3A_611, %gt3A_616 : i32
    %convert_element_type3A_618 = arith.extui %gt3A_617 : i1 to i32
    %cond3A_619 = arith.constant 0 : i32
    %cond3A_620 = arith.cmpi ne, %convert_element_type3A_618, %cond3A_619 : i32
    scf.if %cond3A_620 {
      %broadcast_in_dim3A_2935 = vector.broadcast %add3A_615 : i32 to vector<16xi32>
      %swap3A_2936 = arith.index_cast %add3A_606 : i32 to index
      %swap3A_2937 = tpu.vector_load %arg8[%swap3A_2936] {strides = array<i32>} : memref<144xi32, #tpu.memory_space<vmem>>, vector<16xi32>,
      %swap3A_2938 = vector.shape_cast %swap3A_2937 : vector<16xi32> to vector<16xi32>
      %swap3A_2939 = vector.shape_cast %broadcast_in_dim3A_2935 : vector<16xi32> to vector<16xi32>
      tpu.vector_store %arg8[%swap3A_2936], %swap3A_2939 {strides = array<i32>} : memref<144xi32, #tpu.memory_space<vmem>>, vector<16xi32>,
    } else {
    }
    %eq3A_621 = arith.constant 0 : i32
    %eq3A_622 = arith.cmpi eq, %squeeze3A_611, %eq3A_621 : i32
    %convert_element_type3A_623 = arith.extui %eq3A_622 : i1 to i32
    %cond3A_624 = arith.constant 0 : i32
    %cond3A_625 = arith.cmpi ne, %convert_element_type3A_623, %cond3A_624 : i32
    scf.if %cond3A_625 {
      %broadcast_in_dim3A_2935 = vector.broadcast %add3A_615 : i32 to vector<16xi32>
      %swap3A_2936 = arith.index_cast %add3A_609 : i32 to index
      %swap3A_2937 = tpu.vector_load %arg9[%swap3A_2936] {strides = array<i32>} : memref<144xi32, #tpu.memory_space<vmem>>, vector<16xi32>,
      %swap3A_2938 = vector.shape_cast %swap3A_2937 : vector<16xi32> to vector<16xi32>
      %swap3A_2939 = vector.shape_cast %broadcast_in_dim3A_2935 : vector<16xi32> to vector<16xi32>
      tpu.vector_store %arg9[%swap3A_2936], %swap3A_2939 {strides = array<i32>} : memref<144xi32, #tpu.memory_space<vmem>>, vector<16xi32>,
    } else {
    }
    %add3A_626 = arith.addi %add3A_606, %squeeze3A_611 : i32
    %sub3A_627 = arith.constant 1 : i32
    %sub3A_628 = arith.subi %sub3A_627, %squeeze3A_611 : i32
    %add3A_629 = arith.addi %add3A_609, %sub3A_628 : i32
    %slice3A_630 = vector.extract_strided_slice %select_n3A_369 {offsets = [13], sizes = [1], strides = [1]} : vector<16xi32> to vector<1xi32>
    %squeeze3A_631 = vector.extract %slice3A_630[0] : i32 from vector<1xi32>
    %add3A_632 = arith.constant 16 : i32
    %add3A_633 = arith.addi %mul3A_2, %add3A_632 : i32
    %add3A_634 = arith.constant 13 : i32
    %add3A_635 = arith.addi %add3A_633, %add3A_634 : i32
    %gt3A_636 = arith.constant 0 : i32
    %gt3A_637 = arith.cmpi sgt, %squeeze3A_631, %gt3A_636 : i32
    %convert_element_type3A_638 = arith.extui %gt3A_637 : i1 to i32
    %cond3A_639 = arith.constant 0 : i32
    %cond3A_640 = arith.cmpi ne, %convert_element_type3A_638, %cond3A_639 : i32
    scf.if %cond3A_640 {
      %broadcast_in_dim3A_2935 = vector.broadcast %add3A_635 : i32 to vector<16xi32>
      %swap3A_2936 = arith.index_cast %add3A_626 : i32 to index
      %swap3A_2937 = tpu.vector_load %arg8[%swap3A_2936] {strides = array<i32>} : memref<144xi32, #tpu.memory_space<vmem>>, vector<16xi32>,
      %swap3A_2938 = vector.shape_cast %swap3A_2937 : vector<16xi32> to vector<16xi32>
      %swap3A_2939 = vector.shape_cast %broadcast_in_dim3A_2935 : vector<16xi32> to vector<16xi32>
      tpu.vector_store %arg8[%swap3A_2936], %swap3A_2939 {strides = array<i32>} : memref<144xi32, #tpu.memory_space<vmem>>, vector<16xi32>,
    } else {
    }
    %eq3A_641 = arith.constant 0 : i32
    %eq3A_642 = arith.cmpi eq, %squeeze3A_631, %eq3A_641 : i32
    %convert_element_type3A_643 = arith.extui %eq3A_642 : i1 to i32
    %cond3A_644 = arith.constant 0 : i32
    %cond3A_645 = arith.cmpi ne, %convert_element_type3A_643, %cond3A_644 : i32
    scf.if %cond3A_645 {
      %broadcast_in_dim3A_2935 = vector.broadcast %add3A_635 : i32 to vector<16xi32>
      %swap3A_2936 = arith.index_cast %add3A_629 : i32 to index
      %swap3A_2937 = tpu.vector_load %arg9[%swap3A_2936] {strides = array<i32>} : memref<144xi32, #tpu.memory_space<vmem>>, vector<16xi32>,
      %swap3A_2938 = vector.shape_cast %swap3A_2937 : vector<16xi32> to vector<16xi32>
      %swap3A_2939 = vector.shape_cast %broadcast_in_dim3A_2935 : vector<16xi32> to vector<16xi32>
      tpu.vector_store %arg9[%swap3A_2936], %swap3A_2939 {strides = array<i32>} : memref<144xi32, #tpu.memory_space<vmem>>, vector<16xi32>,
    } else {
    }
    %add3A_646 = arith.addi %add3A_626, %squeeze3A_631 : i32
    %sub3A_647 = arith.constant 1 : i32
    %sub3A_648 = arith.subi %sub3A_647, %squeeze3A_631 : i32
    %add3A_649 = arith.addi %add3A_629, %sub3A_648 : i32
    %slice3A_650 = vector.extract_strided_slice %select_n3A_369 {offsets = [14], sizes = [1], strides = [1]} : vector<16xi32> to vector<1xi32>
    %squeeze3A_651 = vector.extract %slice3A_650[0] : i32 from vector<1xi32>
    %add3A_652 = arith.constant 16 : i32
    %add3A_653 = arith.addi %mul3A_2, %add3A_652 : i32
    %add3A_654 = arith.constant 14 : i32
    %add3A_655 = arith.addi %add3A_653, %add3A_654 : i32
    %gt3A_656 = arith.constant 0 : i32
    %gt3A_657 = arith.cmpi sgt, %squeeze3A_651, %gt3A_656 : i32
    %convert_element_type3A_658 = arith.extui %gt3A_657 : i1 to i32
    %cond3A_659 = arith.constant 0 : i32
    %cond3A_660 = arith.cmpi ne, %convert_element_type3A_658, %cond3A_659 : i32
    scf.if %cond3A_660 {
      %broadcast_in_dim3A_2935 = vector.broadcast %add3A_655 : i32 to vector<16xi32>
      %swap3A_2936 = arith.index_cast %add3A_646 : i32 to index
      %swap3A_2937 = tpu.vector_load %arg8[%swap3A_2936] {strides = array<i32>} : memref<144xi32, #tpu.memory_space<vmem>>, vector<16xi32>,
      %swap3A_2938 = vector.shape_cast %swap3A_2937 : vector<16xi32> to vector<16xi32>
      %swap3A_2939 = vector.shape_cast %broadcast_in_dim3A_2935 : vector<16xi32> to vector<16xi32>
      tpu.vector_store %arg8[%swap3A_2936], %swap3A_2939 {strides = array<i32>} : memref<144xi32, #tpu.memory_space<vmem>>, vector<16xi32>,
    } else {
    }
    %eq3A_661 = arith.constant 0 : i32
    %eq3A_662 = arith.cmpi eq, %squeeze3A_651, %eq3A_661 : i32
    %convert_element_type3A_663 = arith.extui %eq3A_662 : i1 to i32
    %cond3A_664 = arith.constant 0 : i32
    %cond3A_665 = arith.cmpi ne, %convert_element_type3A_663, %cond3A_664 : i32
    scf.if %cond3A_665 {
      %broadcast_in_dim3A_2935 = vector.broadcast %add3A_655 : i32 to vector<16xi32>
      %swap3A_2936 = arith.index_cast %add3A_649 : i32 to index
      %swap3A_2937 = tpu.vector_load %arg9[%swap3A_2936] {strides = array<i32>} : memref<144xi32, #tpu.memory_space<vmem>>, vector<16xi32>,
      %swap3A_2938 = vector.shape_cast %swap3A_2937 : vector<16xi32> to vector<16xi32>
      %swap3A_2939 = vector.shape_cast %broadcast_in_dim3A_2935 : vector<16xi32> to vector<16xi32>
      tpu.vector_store %arg9[%swap3A_2936], %swap3A_2939 {strides = array<i32>} : memref<144xi32, #tpu.memory_space<vmem>>, vector<16xi32>,
    } else {
    }
    %add3A_666 = arith.addi %add3A_646, %squeeze3A_651 : i32
    %sub3A_667 = arith.constant 1 : i32
    %sub3A_668 = arith.subi %sub3A_667, %squeeze3A_651 : i32
    %add3A_669 = arith.addi %add3A_649, %sub3A_668 : i32
    %slice3A_670 = vector.extract_strided_slice %select_n3A_369 {offsets = [15], sizes = [1], strides = [1]} : vector<16xi32> to vector<1xi32>
    %squeeze3A_671 = vector.extract %slice3A_670[0] : i32 from vector<1xi32>
    %add3A_672 = arith.constant 16 : i32
    %add3A_673 = arith.addi %mul3A_2, %add3A_672 : i32
    %add3A_674 = arith.constant 15 : i32
    %add3A_675 = arith.addi %add3A_673, %add3A_674 : i32
    %gt3A_676 = arith.constant 0 : i32
    %gt3A_677 = arith.cmpi sgt, %squeeze3A_671, %gt3A_676 : i32
    %convert_element_type3A_678 = arith.extui %gt3A_677 : i1 to i32
    %cond3A_679 = arith.constant 0 : i32
    %cond3A_680 = arith.cmpi ne, %convert_element_type3A_678, %cond3A_679 : i32
    scf.if %cond3A_680 {
      %broadcast_in_dim3A_2935 = vector.broadcast %add3A_675 : i32 to vector<16xi32>
      %swap3A_2936 = arith.index_cast %add3A_666 : i32 to index
      %swap3A_2937 = tpu.vector_load %arg8[%swap3A_2936] {strides = array<i32>} : memref<144xi32, #tpu.memory_space<vmem>>, vector<16xi32>,
      %swap3A_2938 = vector.shape_cast %swap3A_2937 : vector<16xi32> to vector<16xi32>
      %swap3A_2939 = vector.shape_cast %broadcast_in_dim3A_2935 : vector<16xi32> to vector<16xi32>
      tpu.vector_store %arg8[%swap3A_2936], %swap3A_2939 {strides = array<i32>} : memref<144xi32, #tpu.memory_space<vmem>>, vector<16xi32>,
    } else {
    }
    %eq3A_681 = arith.constant 0 : i32
    %eq3A_682 = arith.cmpi eq, %squeeze3A_671, %eq3A_681 : i32
    %convert_element_type3A_683 = arith.extui %eq3A_682 : i1 to i32
    %cond3A_684 = arith.constant 0 : i32
    %cond3A_685 = arith.cmpi ne, %convert_element_type3A_683, %cond3A_684 : i32
    scf.if %cond3A_685 {
      %broadcast_in_dim3A_2935 = vector.broadcast %add3A_675 : i32 to vector<16xi32>
      %swap3A_2936 = arith.index_cast %add3A_669 : i32 to index
      %swap3A_2937 = tpu.vector_load %arg9[%swap3A_2936] {strides = array<i32>} : memref<144xi32, #tpu.memory_space<vmem>>, vector<16xi32>,
      %swap3A_2938 = vector.shape_cast %swap3A_2937 : vector<16xi32> to vector<16xi32>
      %swap3A_2939 = vector.shape_cast %broadcast_in_dim3A_2935 : vector<16xi32> to vector<16xi32>
      tpu.vector_store %arg9[%swap3A_2936], %swap3A_2939 {strides = array<i32>} : memref<144xi32, #tpu.memory_space<vmem>>, vector<16xi32>,
    } else {
    }
    %add3A_686 = arith.addi %add3A_666, %squeeze3A_671 : i32
    %sub3A_687 = arith.constant 1 : i32
    %sub3A_688 = arith.subi %sub3A_687, %squeeze3A_671 : i32
    %add3A_689 = arith.addi %add3A_669, %sub3A_688 : i32
    %get3A_690 = arith.constant 32 : index
    %get3A_691 = tpu.vector_load %arg12[%get3A_690] {strides = array<i32>} : memref<128xf32, #tpu.memory_space<vmem>>, vector<16xf32>,
    %get3A_692 = vector.shape_cast %get3A_691 : vector<16xf32> to vector<16xf32>
    %ge3A_693 = arith.cmpf oge, %get3A_692, %get3A_36 : vector<16xf32>
    %broadcast_in_dim3A_694 = arith.constant 1 : i32
    %broadcast_in_dim3A_695 = vector.broadcast %broadcast_in_dim3A_694 : i32 to vector<16xi32>
    %select_n3A_696 = arith.select %ge3A_693, %broadcast_in_dim3A_695, %broadcast_in_dim3A_37 : vector<16xi1>, vector<16xi32>
    %slice3A_697 = vector.extract_strided_slice %select_n3A_696 {offsets = [0], sizes = [1], strides = [1]} : vector<16xi32> to vector<1xi32>
    %squeeze3A_698 = vector.extract %slice3A_697[0] : i32 from vector<1xi32>
    %add3A_699 = arith.constant 32 : i32
    %add3A_700 = arith.addi %mul3A_2, %add3A_699 : i32
    %add3A_701 = arith.constant 0 : i32
    %add3A_702 = arith.addi %add3A_700, %add3A_701 : i32
    %gt3A_703 = arith.constant 0 : i32
    %gt3A_704 = arith.cmpi sgt, %squeeze3A_698, %gt3A_703 : i32
    %convert_element_type3A_705 = arith.extui %gt3A_704 : i1 to i32
    %cond3A_706 = arith.constant 0 : i32
    %cond3A_707 = arith.cmpi ne, %convert_element_type3A_705, %cond3A_706 : i32
    scf.if %cond3A_707 {
      %broadcast_in_dim3A_2935 = vector.broadcast %add3A_702 : i32 to vector<16xi32>
      %swap3A_2936 = arith.index_cast %add3A_686 : i32 to index
      %swap3A_2937 = tpu.vector_load %arg8[%swap3A_2936] {strides = array<i32>} : memref<144xi32, #tpu.memory_space<vmem>>, vector<16xi32>,
      %swap3A_2938 = vector.shape_cast %swap3A_2937 : vector<16xi32> to vector<16xi32>
      %swap3A_2939 = vector.shape_cast %broadcast_in_dim3A_2935 : vector<16xi32> to vector<16xi32>
      tpu.vector_store %arg8[%swap3A_2936], %swap3A_2939 {strides = array<i32>} : memref<144xi32, #tpu.memory_space<vmem>>, vector<16xi32>,
    } else {
    }
    %eq3A_708 = arith.constant 0 : i32
    %eq3A_709 = arith.cmpi eq, %squeeze3A_698, %eq3A_708 : i32
    %convert_element_type3A_710 = arith.extui %eq3A_709 : i1 to i32
    %cond3A_711 = arith.constant 0 : i32
    %cond3A_712 = arith.cmpi ne, %convert_element_type3A_710, %cond3A_711 : i32
    scf.if %cond3A_712 {
      %broadcast_in_dim3A_2935 = vector.broadcast %add3A_702 : i32 to vector<16xi32>
      %swap3A_2936 = arith.index_cast %add3A_689 : i32 to index
      %swap3A_2937 = tpu.vector_load %arg9[%swap3A_2936] {strides = array<i32>} : memref<144xi32, #tpu.memory_space<vmem>>, vector<16xi32>,
      %swap3A_2938 = vector.shape_cast %swap3A_2937 : vector<16xi32> to vector<16xi32>
      %swap3A_2939 = vector.shape_cast %broadcast_in_dim3A_2935 : vector<16xi32> to vector<16xi32>
      tpu.vector_store %arg9[%swap3A_2936], %swap3A_2939 {strides = array<i32>} : memref<144xi32, #tpu.memory_space<vmem>>, vector<16xi32>,
    } else {
    }
    %add3A_713 = arith.addi %add3A_686, %squeeze3A_698 : i32
    %sub3A_714 = arith.constant 1 : i32
    %sub3A_715 = arith.subi %sub3A_714, %squeeze3A_698 : i32
    %add3A_716 = arith.addi %add3A_689, %sub3A_715 : i32
    %slice3A_717 = vector.extract_strided_slice %select_n3A_696 {offsets = [1], sizes = [1], strides = [1]} : vector<16xi32> to vector<1xi32>
    %squeeze3A_718 = vector.extract %slice3A_717[0] : i32 from vector<1xi32>
    %add3A_719 = arith.constant 32 : i32
    %add3A_720 = arith.addi %mul3A_2, %add3A_719 : i32
    %add3A_721 = arith.constant 1 : i32
    %add3A_722 = arith.addi %add3A_720, %add3A_721 : i32
    %gt3A_723 = arith.constant 0 : i32
    %gt3A_724 = arith.cmpi sgt, %squeeze3A_718, %gt3A_723 : i32
    %convert_element_type3A_725 = arith.extui %gt3A_724 : i1 to i32
    %cond3A_726 = arith.constant 0 : i32
    %cond3A_727 = arith.cmpi ne, %convert_element_type3A_725, %cond3A_726 : i32
    scf.if %cond3A_727 {
      %broadcast_in_dim3A_2935 = vector.broadcast %add3A_722 : i32 to vector<16xi32>
      %swap3A_2936 = arith.index_cast %add3A_713 : i32 to index
      %swap3A_2937 = tpu.vector_load %arg8[%swap3A_2936] {strides = array<i32>} : memref<144xi32, #tpu.memory_space<vmem>>, vector<16xi32>,
      %swap3A_2938 = vector.shape_cast %swap3A_2937 : vector<16xi32> to vector<16xi32>
      %swap3A_2939 = vector.shape_cast %broadcast_in_dim3A_2935 : vector<16xi32> to vector<16xi32>
      tpu.vector_store %arg8[%swap3A_2936], %swap3A_2939 {strides = array<i32>} : memref<144xi32, #tpu.memory_space<vmem>>, vector<16xi32>,
    } else {
    }
    %eq3A_728 = arith.constant 0 : i32
    %eq3A_729 = arith.cmpi eq, %squeeze3A_718, %eq3A_728 : i32
    %convert_element_type3A_730 = arith.extui %eq3A_729 : i1 to i32
    %cond3A_731 = arith.constant 0 : i32
    %cond3A_732 = arith.cmpi ne, %convert_element_type3A_730, %cond3A_731 : i32
    scf.if %cond3A_732 {
      %broadcast_in_dim3A_2935 = vector.broadcast %add3A_722 : i32 to vector<16xi32>
      %swap3A_2936 = arith.index_cast %add3A_716 : i32 to index
      %swap3A_2937 = tpu.vector_load %arg9[%swap3A_2936] {strides = array<i32>} : memref<144xi32, #tpu.memory_space<vmem>>, vector<16xi32>,
      %swap3A_2938 = vector.shape_cast %swap3A_2937 : vector<16xi32> to vector<16xi32>
      %swap3A_2939 = vector.shape_cast %broadcast_in_dim3A_2935 : vector<16xi32> to vector<16xi32>
      tpu.vector_store %arg9[%swap3A_2936], %swap3A_2939 {strides = array<i32>} : memref<144xi32, #tpu.memory_space<vmem>>, vector<16xi32>,
    } else {
    }
    %add3A_733 = arith.addi %add3A_713, %squeeze3A_718 : i32
    %sub3A_734 = arith.constant 1 : i32
    %sub3A_735 = arith.subi %sub3A_734, %squeeze3A_718 : i32
    %add3A_736 = arith.addi %add3A_716, %sub3A_735 : i32
    %slice3A_737 = vector.extract_strided_slice %select_n3A_696 {offsets = [2], sizes = [1], strides = [1]} : vector<16xi32> to vector<1xi32>
    %squeeze3A_738 = vector.extract %slice3A_737[0] : i32 from vector<1xi32>
    %add3A_739 = arith.constant 32 : i32
    %add3A_740 = arith.addi %mul3A_2, %add3A_739 : i32
    %add3A_741 = arith.constant 2 : i32
    %add3A_742 = arith.addi %add3A_740, %add3A_741 : i32
    %gt3A_743 = arith.constant 0 : i32
    %gt3A_744 = arith.cmpi sgt, %squeeze3A_738, %gt3A_743 : i32
    %convert_element_type3A_745 = arith.extui %gt3A_744 : i1 to i32
    %cond3A_746 = arith.constant 0 : i32
    %cond3A_747 = arith.cmpi ne, %convert_element_type3A_745, %cond3A_746 : i32
    scf.if %cond3A_747 {
      %broadcast_in_dim3A_2935 = vector.broadcast %add3A_742 : i32 to vector<16xi32>
      %swap3A_2936 = arith.index_cast %add3A_733 : i32 to index
      %swap3A_2937 = tpu.vector_load %arg8[%swap3A_2936] {strides = array<i32>} : memref<144xi32, #tpu.memory_space<vmem>>, vector<16xi32>,
      %swap3A_2938 = vector.shape_cast %swap3A_2937 : vector<16xi32> to vector<16xi32>
      %swap3A_2939 = vector.shape_cast %broadcast_in_dim3A_2935 : vector<16xi32> to vector<16xi32>
      tpu.vector_store %arg8[%swap3A_2936], %swap3A_2939 {strides = array<i32>} : memref<144xi32, #tpu.memory_space<vmem>>, vector<16xi32>,
    } else {
    }
    %eq3A_748 = arith.constant 0 : i32
    %eq3A_749 = arith.cmpi eq, %squeeze3A_738, %eq3A_748 : i32
    %convert_element_type3A_750 = arith.extui %eq3A_749 : i1 to i32
    %cond3A_751 = arith.constant 0 : i32
    %cond3A_752 = arith.cmpi ne, %convert_element_type3A_750, %cond3A_751 : i32
    scf.if %cond3A_752 {
      %broadcast_in_dim3A_2935 = vector.broadcast %add3A_742 : i32 to vector<16xi32>
      %swap3A_2936 = arith.index_cast %add3A_736 : i32 to index
      %swap3A_2937 = tpu.vector_load %arg9[%swap3A_2936] {strides = array<i32>} : memref<144xi32, #tpu.memory_space<vmem>>, vector<16xi32>,
      %swap3A_2938 = vector.shape_cast %swap3A_2937 : vector<16xi32> to vector<16xi32>
      %swap3A_2939 = vector.shape_cast %broadcast_in_dim3A_2935 : vector<16xi32> to vector<16xi32>
      tpu.vector_store %arg9[%swap3A_2936], %swap3A_2939 {strides = array<i32>} : memref<144xi32, #tpu.memory_space<vmem>>, vector<16xi32>,
    } else {
    }
    %add3A_753 = arith.addi %add3A_733, %squeeze3A_738 : i32
    %sub3A_754 = arith.constant 1 : i32
    %sub3A_755 = arith.subi %sub3A_754, %squeeze3A_738 : i32
    %add3A_756 = arith.addi %add3A_736, %sub3A_755 : i32
    %slice3A_757 = vector.extract_strided_slice %select_n3A_696 {offsets = [3], sizes = [1], strides = [1]} : vector<16xi32> to vector<1xi32>
    %squeeze3A_758 = vector.extract %slice3A_757[0] : i32 from vector<1xi32>
    %add3A_759 = arith.constant 32 : i32
    %add3A_760 = arith.addi %mul3A_2, %add3A_759 : i32
    %add3A_761 = arith.constant 3 : i32
    %add3A_762 = arith.addi %add3A_760, %add3A_761 : i32
    %gt3A_763 = arith.constant 0 : i32
    %gt3A_764 = arith.cmpi sgt, %squeeze3A_758, %gt3A_763 : i32
    %convert_element_type3A_765 = arith.extui %gt3A_764 : i1 to i32
    %cond3A_766 = arith.constant 0 : i32
    %cond3A_767 = arith.cmpi ne, %convert_element_type3A_765, %cond3A_766 : i32
    scf.if %cond3A_767 {
      %broadcast_in_dim3A_2935 = vector.broadcast %add3A_762 : i32 to vector<16xi32>
      %swap3A_2936 = arith.index_cast %add3A_753 : i32 to index
      %swap3A_2937 = tpu.vector_load %arg8[%swap3A_2936] {strides = array<i32>} : memref<144xi32, #tpu.memory_space<vmem>>, vector<16xi32>,
      %swap3A_2938 = vector.shape_cast %swap3A_2937 : vector<16xi32> to vector<16xi32>
      %swap3A_2939 = vector.shape_cast %broadcast_in_dim3A_2935 : vector<16xi32> to vector<16xi32>
      tpu.vector_store %arg8[%swap3A_2936], %swap3A_2939 {strides = array<i32>} : memref<144xi32, #tpu.memory_space<vmem>>, vector<16xi32>,
    } else {
    }
    %eq3A_768 = arith.constant 0 : i32
    %eq3A_769 = arith.cmpi eq, %squeeze3A_758, %eq3A_768 : i32
    %convert_element_type3A_770 = arith.extui %eq3A_769 : i1 to i32
    %cond3A_771 = arith.constant 0 : i32
    %cond3A_772 = arith.cmpi ne, %convert_element_type3A_770, %cond3A_771 : i32
    scf.if %cond3A_772 {
      %broadcast_in_dim3A_2935 = vector.broadcast %add3A_762 : i32 to vector<16xi32>
      %swap3A_2936 = arith.index_cast %add3A_756 : i32 to index
      %swap3A_2937 = tpu.vector_load %arg9[%swap3A_2936] {strides = array<i32>} : memref<144xi32, #tpu.memory_space<vmem>>, vector<16xi32>,
      %swap3A_2938 = vector.shape_cast %swap3A_2937 : vector<16xi32> to vector<16xi32>
      %swap3A_2939 = vector.shape_cast %broadcast_in_dim3A_2935 : vector<16xi32> to vector<16xi32>
      tpu.vector_store %arg9[%swap3A_2936], %swap3A_2939 {strides = array<i32>} : memref<144xi32, #tpu.memory_space<vmem>>, vector<16xi32>,
    } else {
    }
    %add3A_773 = arith.addi %add3A_753, %squeeze3A_758 : i32
    %sub3A_774 = arith.constant 1 : i32
    %sub3A_775 = arith.subi %sub3A_774, %squeeze3A_758 : i32
    %add3A_776 = arith.addi %add3A_756, %sub3A_775 : i32
    %slice3A_777 = vector.extract_strided_slice %select_n3A_696 {offsets = [4], sizes = [1], strides = [1]} : vector<16xi32> to vector<1xi32>
    %squeeze3A_778 = vector.extract %slice3A_777[0] : i32 from vector<1xi32>
    %add3A_779 = arith.constant 32 : i32
    %add3A_780 = arith.addi %mul3A_2, %add3A_779 : i32
    %add3A_781 = arith.constant 4 : i32
    %add3A_782 = arith.addi %add3A_780, %add3A_781 : i32
    %gt3A_783 = arith.constant 0 : i32
    %gt3A_784 = arith.cmpi sgt, %squeeze3A_778, %gt3A_783 : i32
    %convert_element_type3A_785 = arith.extui %gt3A_784 : i1 to i32
    %cond3A_786 = arith.constant 0 : i32
    %cond3A_787 = arith.cmpi ne, %convert_element_type3A_785, %cond3A_786 : i32
    scf.if %cond3A_787 {
      %broadcast_in_dim3A_2935 = vector.broadcast %add3A_782 : i32 to vector<16xi32>
      %swap3A_2936 = arith.index_cast %add3A_773 : i32 to index
      %swap3A_2937 = tpu.vector_load %arg8[%swap3A_2936] {strides = array<i32>} : memref<144xi32, #tpu.memory_space<vmem>>, vector<16xi32>,
      %swap3A_2938 = vector.shape_cast %swap3A_2937 : vector<16xi32> to vector<16xi32>
      %swap3A_2939 = vector.shape_cast %broadcast_in_dim3A_2935 : vector<16xi32> to vector<16xi32>
      tpu.vector_store %arg8[%swap3A_2936], %swap3A_2939 {strides = array<i32>} : memref<144xi32, #tpu.memory_space<vmem>>, vector<16xi32>,
    } else {
    }
    %eq3A_788 = arith.constant 0 : i32
    %eq3A_789 = arith.cmpi eq, %squeeze3A_778, %eq3A_788 : i32
    %convert_element_type3A_790 = arith.extui %eq3A_789 : i1 to i32
    %cond3A_791 = arith.constant 0 : i32
    %cond3A_792 = arith.cmpi ne, %convert_element_type3A_790, %cond3A_791 : i32
    scf.if %cond3A_792 {
      %broadcast_in_dim3A_2935 = vector.broadcast %add3A_782 : i32 to vector<16xi32>
      %swap3A_2936 = arith.index_cast %add3A_776 : i32 to index
      %swap3A_2937 = tpu.vector_load %arg9[%swap3A_2936] {strides = array<i32>} : memref<144xi32, #tpu.memory_space<vmem>>, vector<16xi32>,
      %swap3A_2938 = vector.shape_cast %swap3A_2937 : vector<16xi32> to vector<16xi32>
      %swap3A_2939 = vector.shape_cast %broadcast_in_dim3A_2935 : vector<16xi32> to vector<16xi32>
      tpu.vector_store %arg9[%swap3A_2936], %swap3A_2939 {strides = array<i32>} : memref<144xi32, #tpu.memory_space<vmem>>, vector<16xi32>,
    } else {
    }
    %add3A_793 = arith.addi %add3A_773, %squeeze3A_778 : i32
    %sub3A_794 = arith.constant 1 : i32
    %sub3A_795 = arith.subi %sub3A_794, %squeeze3A_778 : i32
    %add3A_796 = arith.addi %add3A_776, %sub3A_795 : i32
    %slice3A_797 = vector.extract_strided_slice %select_n3A_696 {offsets = [5], sizes = [1], strides = [1]} : vector<16xi32> to vector<1xi32>
    %squeeze3A_798 = vector.extract %slice3A_797[0] : i32 from vector<1xi32>
    %add3A_799 = arith.constant 32 : i32
    %add3A_800 = arith.addi %mul3A_2, %add3A_799 : i32
    %add3A_801 = arith.constant 5 : i32
    %add3A_802 = arith.addi %add3A_800, %add3A_801 : i32
    %gt3A_803 = arith.constant 0 : i32
    %gt3A_804 = arith.cmpi sgt, %squeeze3A_798, %gt3A_803 : i32
    %convert_element_type3A_805 = arith.extui %gt3A_804 : i1 to i32
    %cond3A_806 = arith.constant 0 : i32
    %cond3A_807 = arith.cmpi ne, %convert_element_type3A_805, %cond3A_806 : i32
    scf.if %cond3A_807 {
      %broadcast_in_dim3A_2935 = vector.broadcast %add3A_802 : i32 to vector<16xi32>
      %swap3A_2936 = arith.index_cast %add3A_793 : i32 to index
      %swap3A_2937 = tpu.vector_load %arg8[%swap3A_2936] {strides = array<i32>} : memref<144xi32, #tpu.memory_space<vmem>>, vector<16xi32>,
      %swap3A_2938 = vector.shape_cast %swap3A_2937 : vector<16xi32> to vector<16xi32>
      %swap3A_2939 = vector.shape_cast %broadcast_in_dim3A_2935 : vector<16xi32> to vector<16xi32>
      tpu.vector_store %arg8[%swap3A_2936], %swap3A_2939 {strides = array<i32>} : memref<144xi32, #tpu.memory_space<vmem>>, vector<16xi32>,
    } else {
    }
    %eq3A_808 = arith.constant 0 : i32
    %eq3A_809 = arith.cmpi eq, %squeeze3A_798, %eq3A_808 : i32
    %convert_element_type3A_810 = arith.extui %eq3A_809 : i1 to i32
    %cond3A_811 = arith.constant 0 : i32
    %cond3A_812 = arith.cmpi ne, %convert_element_type3A_810, %cond3A_811 : i32
    scf.if %cond3A_812 {
      %broadcast_in_dim3A_2935 = vector.broadcast %add3A_802 : i32 to vector<16xi32>
      %swap3A_2936 = arith.index_cast %add3A_796 : i32 to index
      %swap3A_2937 = tpu.vector_load %arg9[%swap3A_2936] {strides = array<i32>} : memref<144xi32, #tpu.memory_space<vmem>>, vector<16xi32>,
      %swap3A_2938 = vector.shape_cast %swap3A_2937 : vector<16xi32> to vector<16xi32>
      %swap3A_2939 = vector.shape_cast %broadcast_in_dim3A_2935 : vector<16xi32> to vector<16xi32>
      tpu.vector_store %arg9[%swap3A_2936], %swap3A_2939 {strides = array<i32>} : memref<144xi32, #tpu.memory_space<vmem>>, vector<16xi32>,
    } else {
    }
    %add3A_813 = arith.addi %add3A_793, %squeeze3A_798 : i32
    %sub3A_814 = arith.constant 1 : i32
    %sub3A_815 = arith.subi %sub3A_814, %squeeze3A_798 : i32
    %add3A_816 = arith.addi %add3A_796, %sub3A_815 : i32
    %slice3A_817 = vector.extract_strided_slice %select_n3A_696 {offsets = [6], sizes = [1], strides = [1]} : vector<16xi32> to vector<1xi32>
    %squeeze3A_818 = vector.extract %slice3A_817[0] : i32 from vector<1xi32>
    %add3A_819 = arith.constant 32 : i32
    %add3A_820 = arith.addi %mul3A_2, %add3A_819 : i32
    %add3A_821 = arith.constant 6 : i32
    %add3A_822 = arith.addi %add3A_820, %add3A_821 : i32
    %gt3A_823 = arith.constant 0 : i32
    %gt3A_824 = arith.cmpi sgt, %squeeze3A_818, %gt3A_823 : i32
    %convert_element_type3A_825 = arith.extui %gt3A_824 : i1 to i32
    %cond3A_826 = arith.constant 0 : i32
    %cond3A_827 = arith.cmpi ne, %convert_element_type3A_825, %cond3A_826 : i32
    scf.if %cond3A_827 {
      %broadcast_in_dim3A_2935 = vector.broadcast %add3A_822 : i32 to vector<16xi32>
      %swap3A_2936 = arith.index_cast %add3A_813 : i32 to index
      %swap3A_2937 = tpu.vector_load %arg8[%swap3A_2936] {strides = array<i32>} : memref<144xi32, #tpu.memory_space<vmem>>, vector<16xi32>,
      %swap3A_2938 = vector.shape_cast %swap3A_2937 : vector<16xi32> to vector<16xi32>
      %swap3A_2939 = vector.shape_cast %broadcast_in_dim3A_2935 : vector<16xi32> to vector<16xi32>
      tpu.vector_store %arg8[%swap3A_2936], %swap3A_2939 {strides = array<i32>} : memref<144xi32, #tpu.memory_space<vmem>>, vector<16xi32>,
    } else {
    }
    %eq3A_828 = arith.constant 0 : i32
    %eq3A_829 = arith.cmpi eq, %squeeze3A_818, %eq3A_828 : i32
    %convert_element_type3A_830 = arith.extui %eq3A_829 : i1 to i32
    %cond3A_831 = arith.constant 0 : i32
    %cond3A_832 = arith.cmpi ne, %convert_element_type3A_830, %cond3A_831 : i32
    scf.if %cond3A_832 {
      %broadcast_in_dim3A_2935 = vector.broadcast %add3A_822 : i32 to vector<16xi32>
      %swap3A_2936 = arith.index_cast %add3A_816 : i32 to index
      %swap3A_2937 = tpu.vector_load %arg9[%swap3A_2936] {strides = array<i32>} : memref<144xi32, #tpu.memory_space<vmem>>, vector<16xi32>,
      %swap3A_2938 = vector.shape_cast %swap3A_2937 : vector<16xi32> to vector<16xi32>
      %swap3A_2939 = vector.shape_cast %broadcast_in_dim3A_2935 : vector<16xi32> to vector<16xi32>
      tpu.vector_store %arg9[%swap3A_2936], %swap3A_2939 {strides = array<i32>} : memref<144xi32, #tpu.memory_space<vmem>>, vector<16xi32>,
    } else {
    }
    %add3A_833 = arith.addi %add3A_813, %squeeze3A_818 : i32
    %sub3A_834 = arith.constant 1 : i32
    %sub3A_835 = arith.subi %sub3A_834, %squeeze3A_818 : i32
    %add3A_836 = arith.addi %add3A_816, %sub3A_835 : i32
    %slice3A_837 = vector.extract_strided_slice %select_n3A_696 {offsets = [7], sizes = [1], strides = [1]} : vector<16xi32> to vector<1xi32>
    %squeeze3A_838 = vector.extract %slice3A_837[0] : i32 from vector<1xi32>
    %add3A_839 = arith.constant 32 : i32
    %add3A_840 = arith.addi %mul3A_2, %add3A_839 : i32
    %add3A_841 = arith.constant 7 : i32
    %add3A_842 = arith.addi %add3A_840, %add3A_841 : i32
    %gt3A_843 = arith.constant 0 : i32
    %gt3A_844 = arith.cmpi sgt, %squeeze3A_838, %gt3A_843 : i32
    %convert_element_type3A_845 = arith.extui %gt3A_844 : i1 to i32
    %cond3A_846 = arith.constant 0 : i32
    %cond3A_847 = arith.cmpi ne, %convert_element_type3A_845, %cond3A_846 : i32
    scf.if %cond3A_847 {
      %broadcast_in_dim3A_2935 = vector.broadcast %add3A_842 : i32 to vector<16xi32>
      %swap3A_2936 = arith.index_cast %add3A_833 : i32 to index
      %swap3A_2937 = tpu.vector_load %arg8[%swap3A_2936] {strides = array<i32>} : memref<144xi32, #tpu.memory_space<vmem>>, vector<16xi32>,
      %swap3A_2938 = vector.shape_cast %swap3A_2937 : vector<16xi32> to vector<16xi32>
      %swap3A_2939 = vector.shape_cast %broadcast_in_dim3A_2935 : vector<16xi32> to vector<16xi32>
      tpu.vector_store %arg8[%swap3A_2936], %swap3A_2939 {strides = array<i32>} : memref<144xi32, #tpu.memory_space<vmem>>, vector<16xi32>,
    } else {
    }
    %eq3A_848 = arith.constant 0 : i32
    %eq3A_849 = arith.cmpi eq, %squeeze3A_838, %eq3A_848 : i32
    %convert_element_type3A_850 = arith.extui %eq3A_849 : i1 to i32
    %cond3A_851 = arith.constant 0 : i32
    %cond3A_852 = arith.cmpi ne, %convert_element_type3A_850, %cond3A_851 : i32
    scf.if %cond3A_852 {
      %broadcast_in_dim3A_2935 = vector.broadcast %add3A_842 : i32 to vector<16xi32>
      %swap3A_2936 = arith.index_cast %add3A_836 : i32 to index
      %swap3A_2937 = tpu.vector_load %arg9[%swap3A_2936] {strides = array<i32>} : memref<144xi32, #tpu.memory_space<vmem>>, vector<16xi32>,
      %swap3A_2938 = vector.shape_cast %swap3A_2937 : vector<16xi32> to vector<16xi32>
      %swap3A_2939 = vector.shape_cast %broadcast_in_dim3A_2935 : vector<16xi32> to vector<16xi32>
      tpu.vector_store %arg9[%swap3A_2936], %swap3A_2939 {strides = array<i32>} : memref<144xi32, #tpu.memory_space<vmem>>, vector<16xi32>,
    } else {
    }
    %add3A_853 = arith.addi %add3A_833, %squeeze3A_838 : i32
    %sub3A_854 = arith.constant 1 : i32
    %sub3A_855 = arith.subi %sub3A_854, %squeeze3A_838 : i32
    %add3A_856 = arith.addi %add3A_836, %sub3A_855 : i32
    %slice3A_857 = vector.extract_strided_slice %select_n3A_696 {offsets = [8], sizes = [1], strides = [1]} : vector<16xi32> to vector<1xi32>
    %squeeze3A_858 = vector.extract %slice3A_857[0] : i32 from vector<1xi32>
    %add3A_859 = arith.constant 32 : i32
    %add3A_860 = arith.addi %mul3A_2, %add3A_859 : i32
    %add3A_861 = arith.constant 8 : i32
    %add3A_862 = arith.addi %add3A_860, %add3A_861 : i32
    %gt3A_863 = arith.constant 0 : i32
    %gt3A_864 = arith.cmpi sgt, %squeeze3A_858, %gt3A_863 : i32
    %convert_element_type3A_865 = arith.extui %gt3A_864 : i1 to i32
    %cond3A_866 = arith.constant 0 : i32
    %cond3A_867 = arith.cmpi ne, %convert_element_type3A_865, %cond3A_866 : i32
    scf.if %cond3A_867 {
      %broadcast_in_dim3A_2935 = vector.broadcast %add3A_862 : i32 to vector<16xi32>
      %swap3A_2936 = arith.index_cast %add3A_853 : i32 to index
      %swap3A_2937 = tpu.vector_load %arg8[%swap3A_2936] {strides = array<i32>} : memref<144xi32, #tpu.memory_space<vmem>>, vector<16xi32>,
      %swap3A_2938 = vector.shape_cast %swap3A_2937 : vector<16xi32> to vector<16xi32>
      %swap3A_2939 = vector.shape_cast %broadcast_in_dim3A_2935 : vector<16xi32> to vector<16xi32>
      tpu.vector_store %arg8[%swap3A_2936], %swap3A_2939 {strides = array<i32>} : memref<144xi32, #tpu.memory_space<vmem>>, vector<16xi32>,
    } else {
    }
    %eq3A_868 = arith.constant 0 : i32
    %eq3A_869 = arith.cmpi eq, %squeeze3A_858, %eq3A_868 : i32
    %convert_element_type3A_870 = arith.extui %eq3A_869 : i1 to i32
    %cond3A_871 = arith.constant 0 : i32
    %cond3A_872 = arith.cmpi ne, %convert_element_type3A_870, %cond3A_871 : i32
    scf.if %cond3A_872 {
      %broadcast_in_dim3A_2935 = vector.broadcast %add3A_862 : i32 to vector<16xi32>
      %swap3A_2936 = arith.index_cast %add3A_856 : i32 to index
      %swap3A_2937 = tpu.vector_load %arg9[%swap3A_2936] {strides = array<i32>} : memref<144xi32, #tpu.memory_space<vmem>>, vector<16xi32>,
      %swap3A_2938 = vector.shape_cast %swap3A_2937 : vector<16xi32> to vector<16xi32>
      %swap3A_2939 = vector.shape_cast %broadcast_in_dim3A_2935 : vector<16xi32> to vector<16xi32>
      tpu.vector_store %arg9[%swap3A_2936], %swap3A_2939 {strides = array<i32>} : memref<144xi32, #tpu.memory_space<vmem>>, vector<16xi32>,
    } else {
    }
    %add3A_873 = arith.addi %add3A_853, %squeeze3A_858 : i32
    %sub3A_874 = arith.constant 1 : i32
    %sub3A_875 = arith.subi %sub3A_874, %squeeze3A_858 : i32
    %add3A_876 = arith.addi %add3A_856, %sub3A_875 : i32
    %slice3A_877 = vector.extract_strided_slice %select_n3A_696 {offsets = [9], sizes = [1], strides = [1]} : vector<16xi32> to vector<1xi32>
    %squeeze3A_878 = vector.extract %slice3A_877[0] : i32 from vector<1xi32>
    %add3A_879 = arith.constant 32 : i32
    %add3A_880 = arith.addi %mul3A_2, %add3A_879 : i32
    %add3A_881 = arith.constant 9 : i32
    %add3A_882 = arith.addi %add3A_880, %add3A_881 : i32
    %gt3A_883 = arith.constant 0 : i32
    %gt3A_884 = arith.cmpi sgt, %squeeze3A_878, %gt3A_883 : i32
    %convert_element_type3A_885 = arith.extui %gt3A_884 : i1 to i32
    %cond3A_886 = arith.constant 0 : i32
    %cond3A_887 = arith.cmpi ne, %convert_element_type3A_885, %cond3A_886 : i32
    scf.if %cond3A_887 {
      %broadcast_in_dim3A_2935 = vector.broadcast %add3A_882 : i32 to vector<16xi32>
      %swap3A_2936 = arith.index_cast %add3A_873 : i32 to index
      %swap3A_2937 = tpu.vector_load %arg8[%swap3A_2936] {strides = array<i32>} : memref<144xi32, #tpu.memory_space<vmem>>, vector<16xi32>,
      %swap3A_2938 = vector.shape_cast %swap3A_2937 : vector<16xi32> to vector<16xi32>
      %swap3A_2939 = vector.shape_cast %broadcast_in_dim3A_2935 : vector<16xi32> to vector<16xi32>
      tpu.vector_store %arg8[%swap3A_2936], %swap3A_2939 {strides = array<i32>} : memref<144xi32, #tpu.memory_space<vmem>>, vector<16xi32>,
    } else {
    }
    %eq3A_888 = arith.constant 0 : i32
    %eq3A_889 = arith.cmpi eq, %squeeze3A_878, %eq3A_888 : i32
    %convert_element_type3A_890 = arith.extui %eq3A_889 : i1 to i32
    %cond3A_891 = arith.constant 0 : i32
    %cond3A_892 = arith.cmpi ne, %convert_element_type3A_890, %cond3A_891 : i32
    scf.if %cond3A_892 {
      %broadcast_in_dim3A_2935 = vector.broadcast %add3A_882 : i32 to vector<16xi32>
      %swap3A_2936 = arith.index_cast %add3A_876 : i32 to index
      %swap3A_2937 = tpu.vector_load %arg9[%swap3A_2936] {strides = array<i32>} : memref<144xi32, #tpu.memory_space<vmem>>, vector<16xi32>,
      %swap3A_2938 = vector.shape_cast %swap3A_2937 : vector<16xi32> to vector<16xi32>
      %swap3A_2939 = vector.shape_cast %broadcast_in_dim3A_2935 : vector<16xi32> to vector<16xi32>
      tpu.vector_store %arg9[%swap3A_2936], %swap3A_2939 {strides = array<i32>} : memref<144xi32, #tpu.memory_space<vmem>>, vector<16xi32>,
    } else {
    }
    %add3A_893 = arith.addi %add3A_873, %squeeze3A_878 : i32
    %sub3A_894 = arith.constant 1 : i32
    %sub3A_895 = arith.subi %sub3A_894, %squeeze3A_878 : i32
    %add3A_896 = arith.addi %add3A_876, %sub3A_895 : i32
    %slice3A_897 = vector.extract_strided_slice %select_n3A_696 {offsets = [10], sizes = [1], strides = [1]} : vector<16xi32> to vector<1xi32>
    %squeeze3A_898 = vector.extract %slice3A_897[0] : i32 from vector<1xi32>
    %add3A_899 = arith.constant 32 : i32
    %add3A_900 = arith.addi %mul3A_2, %add3A_899 : i32
    %add3A_901 = arith.constant 10 : i32
    %add3A_902 = arith.addi %add3A_900, %add3A_901 : i32
    %gt3A_903 = arith.constant 0 : i32
    %gt3A_904 = arith.cmpi sgt, %squeeze3A_898, %gt3A_903 : i32
    %convert_element_type3A_905 = arith.extui %gt3A_904 : i1 to i32
    %cond3A_906 = arith.constant 0 : i32
    %cond3A_907 = arith.cmpi ne, %convert_element_type3A_905, %cond3A_906 : i32
    scf.if %cond3A_907 {
      %broadcast_in_dim3A_2935 = vector.broadcast %add3A_902 : i32 to vector<16xi32>
      %swap3A_2936 = arith.index_cast %add3A_893 : i32 to index
      %swap3A_2937 = tpu.vector_load %arg8[%swap3A_2936] {strides = array<i32>} : memref<144xi32, #tpu.memory_space<vmem>>, vector<16xi32>,
      %swap3A_2938 = vector.shape_cast %swap3A_2937 : vector<16xi32> to vector<16xi32>
      %swap3A_2939 = vector.shape_cast %broadcast_in_dim3A_2935 : vector<16xi32> to vector<16xi32>
      tpu.vector_store %arg8[%swap3A_2936], %swap3A_2939 {strides = array<i32>} : memref<144xi32, #tpu.memory_space<vmem>>, vector<16xi32>,
    } else {
    }
    %eq3A_908 = arith.constant 0 : i32
    %eq3A_909 = arith.cmpi eq, %squeeze3A_898, %eq3A_908 : i32
    %convert_element_type3A_910 = arith.extui %eq3A_909 : i1 to i32
    %cond3A_911 = arith.constant 0 : i32
    %cond3A_912 = arith.cmpi ne, %convert_element_type3A_910, %cond3A_911 : i32
    scf.if %cond3A_912 {
      %broadcast_in_dim3A_2935 = vector.broadcast %add3A_902 : i32 to vector<16xi32>
      %swap3A_2936 = arith.index_cast %add3A_896 : i32 to index
      %swap3A_2937 = tpu.vector_load %arg9[%swap3A_2936] {strides = array<i32>} : memref<144xi32, #tpu.memory_space<vmem>>, vector<16xi32>,
      %swap3A_2938 = vector.shape_cast %swap3A_2937 : vector<16xi32> to vector<16xi32>
      %swap3A_2939 = vector.shape_cast %broadcast_in_dim3A_2935 : vector<16xi32> to vector<16xi32>
      tpu.vector_store %arg9[%swap3A_2936], %swap3A_2939 {strides = array<i32>} : memref<144xi32, #tpu.memory_space<vmem>>, vector<16xi32>,
    } else {
    }
    %add3A_913 = arith.addi %add3A_893, %squeeze3A_898 : i32
    %sub3A_914 = arith.constant 1 : i32
    %sub3A_915 = arith.subi %sub3A_914, %squeeze3A_898 : i32
    %add3A_916 = arith.addi %add3A_896, %sub3A_915 : i32
    %slice3A_917 = vector.extract_strided_slice %select_n3A_696 {offsets = [11], sizes = [1], strides = [1]} : vector<16xi32> to vector<1xi32>
    %squeeze3A_918 = vector.extract %slice3A_917[0] : i32 from vector<1xi32>
    %add3A_919 = arith.constant 32 : i32
    %add3A_920 = arith.addi %mul3A_2, %add3A_919 : i32
    %add3A_921 = arith.constant 11 : i32
    %add3A_922 = arith.addi %add3A_920, %add3A_921 : i32
    %gt3A_923 = arith.constant 0 : i32
    %gt3A_924 = arith.cmpi sgt, %squeeze3A_918, %gt3A_923 : i32
    %convert_element_type3A_925 = arith.extui %gt3A_924 : i1 to i32
    %cond3A_926 = arith.constant 0 : i32
    %cond3A_927 = arith.cmpi ne, %convert_element_type3A_925, %cond3A_926 : i32
    scf.if %cond3A_927 {
      %broadcast_in_dim3A_2935 = vector.broadcast %add3A_922 : i32 to vector<16xi32>
      %swap3A_2936 = arith.index_cast %add3A_913 : i32 to index
      %swap3A_2937 = tpu.vector_load %arg8[%swap3A_2936] {strides = array<i32>} : memref<144xi32, #tpu.memory_space<vmem>>, vector<16xi32>,
      %swap3A_2938 = vector.shape_cast %swap3A_2937 : vector<16xi32> to vector<16xi32>
      %swap3A_2939 = vector.shape_cast %broadcast_in_dim3A_2935 : vector<16xi32> to vector<16xi32>
      tpu.vector_store %arg8[%swap3A_2936], %swap3A_2939 {strides = array<i32>} : memref<144xi32, #tpu.memory_space<vmem>>, vector<16xi32>,
    } else {
    }
    %eq3A_928 = arith.constant 0 : i32
    %eq3A_929 = arith.cmpi eq, %squeeze3A_918, %eq3A_928 : i32
    %convert_element_type3A_930 = arith.extui %eq3A_929 : i1 to i32
    %cond3A_931 = arith.constant 0 : i32
    %cond3A_932 = arith.cmpi ne, %convert_element_type3A_930, %cond3A_931 : i32
    scf.if %cond3A_932 {
      %broadcast_in_dim3A_2935 = vector.broadcast %add3A_922 : i32 to vector<16xi32>
      %swap3A_2936 = arith.index_cast %add3A_916 : i32 to index
      %swap3A_2937 = tpu.vector_load %arg9[%swap3A_2936] {strides = array<i32>} : memref<144xi32, #tpu.memory_space<vmem>>, vector<16xi32>,
      %swap3A_2938 = vector.shape_cast %swap3A_2937 : vector<16xi32> to vector<16xi32>
      %swap3A_2939 = vector.shape_cast %broadcast_in_dim3A_2935 : vector<16xi32> to vector<16xi32>
      tpu.vector_store %arg9[%swap3A_2936], %swap3A_2939 {strides = array<i32>} : memref<144xi32, #tpu.memory_space<vmem>>, vector<16xi32>,
    } else {
    }
    %add3A_933 = arith.addi %add3A_913, %squeeze3A_918 : i32
    %sub3A_934 = arith.constant 1 : i32
    %sub3A_935 = arith.subi %sub3A_934, %squeeze3A_918 : i32
    %add3A_936 = arith.addi %add3A_916, %sub3A_935 : i32
    %slice3A_937 = vector.extract_strided_slice %select_n3A_696 {offsets = [12], sizes = [1], strides = [1]} : vector<16xi32> to vector<1xi32>
    %squeeze3A_938 = vector.extract %slice3A_937[0] : i32 from vector<1xi32>
    %add3A_939 = arith.constant 32 : i32
    %add3A_940 = arith.addi %mul3A_2, %add3A_939 : i32
    %add3A_941 = arith.constant 12 : i32
    %add3A_942 = arith.addi %add3A_940, %add3A_941 : i32
    %gt3A_943 = arith.constant 0 : i32
    %gt3A_944 = arith.cmpi sgt, %squeeze3A_938, %gt3A_943 : i32
    %convert_element_type3A_945 = arith.extui %gt3A_944 : i1 to i32
    %cond3A_946 = arith.constant 0 : i32
    %cond3A_947 = arith.cmpi ne, %convert_element_type3A_945, %cond3A_946 : i32
    scf.if %cond3A_947 {
      %broadcast_in_dim3A_2935 = vector.broadcast %add3A_942 : i32 to vector<16xi32>
      %swap3A_2936 = arith.index_cast %add3A_933 : i32 to index
      %swap3A_2937 = tpu.vector_load %arg8[%swap3A_2936] {strides = array<i32>} : memref<144xi32, #tpu.memory_space<vmem>>, vector<16xi32>,
      %swap3A_2938 = vector.shape_cast %swap3A_2937 : vector<16xi32> to vector<16xi32>
      %swap3A_2939 = vector.shape_cast %broadcast_in_dim3A_2935 : vector<16xi32> to vector<16xi32>
      tpu.vector_store %arg8[%swap3A_2936], %swap3A_2939 {strides = array<i32>} : memref<144xi32, #tpu.memory_space<vmem>>, vector<16xi32>,
    } else {
    }
    %eq3A_948 = arith.constant 0 : i32
    %eq3A_949 = arith.cmpi eq, %squeeze3A_938, %eq3A_948 : i32
    %convert_element_type3A_950 = arith.extui %eq3A_949 : i1 to i32
    %cond3A_951 = arith.constant 0 : i32
    %cond3A_952 = arith.cmpi ne, %convert_element_type3A_950, %cond3A_951 : i32
    scf.if %cond3A_952 {
      %broadcast_in_dim3A_2935 = vector.broadcast %add3A_942 : i32 to vector<16xi32>
      %swap3A_2936 = arith.index_cast %add3A_936 : i32 to index
      %swap3A_2937 = tpu.vector_load %arg9[%swap3A_2936] {strides = array<i32>} : memref<144xi32, #tpu.memory_space<vmem>>, vector<16xi32>,
      %swap3A_2938 = vector.shape_cast %swap3A_2937 : vector<16xi32> to vector<16xi32>
      %swap3A_2939 = vector.shape_cast %broadcast_in_dim3A_2935 : vector<16xi32> to vector<16xi32>
      tpu.vector_store %arg9[%swap3A_2936], %swap3A_2939 {strides = array<i32>} : memref<144xi32, #tpu.memory_space<vmem>>, vector<16xi32>,
    } else {
    }
    %add3A_953 = arith.addi %add3A_933, %squeeze3A_938 : i32
    %sub3A_954 = arith.constant 1 : i32
    %sub3A_955 = arith.subi %sub3A_954, %squeeze3A_938 : i32
    %add3A_956 = arith.addi %add3A_936, %sub3A_955 : i32
    %slice3A_957 = vector.extract_strided_slice %select_n3A_696 {offsets = [13], sizes = [1], strides = [1]} : vector<16xi32> to vector<1xi32>
    %squeeze3A_958 = vector.extract %slice3A_957[0] : i32 from vector<1xi32>
    %add3A_959 = arith.constant 32 : i32
    %add3A_960 = arith.addi %mul3A_2, %add3A_959 : i32
    %add3A_961 = arith.constant 13 : i32
    %add3A_962 = arith.addi %add3A_960, %add3A_961 : i32
    %gt3A_963 = arith.constant 0 : i32
    %gt3A_964 = arith.cmpi sgt, %squeeze3A_958, %gt3A_963 : i32
    %convert_element_type3A_965 = arith.extui %gt3A_964 : i1 to i32
    %cond3A_966 = arith.constant 0 : i32
    %cond3A_967 = arith.cmpi ne, %convert_element_type3A_965, %cond3A_966 : i32
    scf.if %cond3A_967 {
      %broadcast_in_dim3A_2935 = vector.broadcast %add3A_962 : i32 to vector<16xi32>
      %swap3A_2936 = arith.index_cast %add3A_953 : i32 to index
      %swap3A_2937 = tpu.vector_load %arg8[%swap3A_2936] {strides = array<i32>} : memref<144xi32, #tpu.memory_space<vmem>>, vector<16xi32>,
      %swap3A_2938 = vector.shape_cast %swap3A_2937 : vector<16xi32> to vector<16xi32>
      %swap3A_2939 = vector.shape_cast %broadcast_in_dim3A_2935 : vector<16xi32> to vector<16xi32>
      tpu.vector_store %arg8[%swap3A_2936], %swap3A_2939 {strides = array<i32>} : memref<144xi32, #tpu.memory_space<vmem>>, vector<16xi32>,
    } else {
    }
    %eq3A_968 = arith.constant 0 : i32
    %eq3A_969 = arith.cmpi eq, %squeeze3A_958, %eq3A_968 : i32
    %convert_element_type3A_970 = arith.extui %eq3A_969 : i1 to i32
    %cond3A_971 = arith.constant 0 : i32
    %cond3A_972 = arith.cmpi ne, %convert_element_type3A_970, %cond3A_971 : i32
    scf.if %cond3A_972 {
      %broadcast_in_dim3A_2935 = vector.broadcast %add3A_962 : i32 to vector<16xi32>
      %swap3A_2936 = arith.index_cast %add3A_956 : i32 to index
      %swap3A_2937 = tpu.vector_load %arg9[%swap3A_2936] {strides = array<i32>} : memref<144xi32, #tpu.memory_space<vmem>>, vector<16xi32>,
      %swap3A_2938 = vector.shape_cast %swap3A_2937 : vector<16xi32> to vector<16xi32>
      %swap3A_2939 = vector.shape_cast %broadcast_in_dim3A_2935 : vector<16xi32> to vector<16xi32>
      tpu.vector_store %arg9[%swap3A_2936], %swap3A_2939 {strides = array<i32>} : memref<144xi32, #tpu.memory_space<vmem>>, vector<16xi32>,
    } else {
    }
    %add3A_973 = arith.addi %add3A_953, %squeeze3A_958 : i32
    %sub3A_974 = arith.constant 1 : i32
    %sub3A_975 = arith.subi %sub3A_974, %squeeze3A_958 : i32
    %add3A_976 = arith.addi %add3A_956, %sub3A_975 : i32
    %slice3A_977 = vector.extract_strided_slice %select_n3A_696 {offsets = [14], sizes = [1], strides = [1]} : vector<16xi32> to vector<1xi32>
    %squeeze3A_978 = vector.extract %slice3A_977[0] : i32 from vector<1xi32>
    %add3A_979 = arith.constant 32 : i32
    %add3A_980 = arith.addi %mul3A_2, %add3A_979 : i32
    %add3A_981 = arith.constant 14 : i32
    %add3A_982 = arith.addi %add3A_980, %add3A_981 : i32
    %gt3A_983 = arith.constant 0 : i32
    %gt3A_984 = arith.cmpi sgt, %squeeze3A_978, %gt3A_983 : i32
    %convert_element_type3A_985 = arith.extui %gt3A_984 : i1 to i32
    %cond3A_986 = arith.constant 0 : i32
    %cond3A_987 = arith.cmpi ne, %convert_element_type3A_985, %cond3A_986 : i32
    scf.if %cond3A_987 {
      %broadcast_in_dim3A_2935 = vector.broadcast %add3A_982 : i32 to vector<16xi32>
      %swap3A_2936 = arith.index_cast %add3A_973 : i32 to index
      %swap3A_2937 = tpu.vector_load %arg8[%swap3A_2936] {strides = array<i32>} : memref<144xi32, #tpu.memory_space<vmem>>, vector<16xi32>,
      %swap3A_2938 = vector.shape_cast %swap3A_2937 : vector<16xi32> to vector<16xi32>
      %swap3A_2939 = vector.shape_cast %broadcast_in_dim3A_2935 : vector<16xi32> to vector<16xi32>
      tpu.vector_store %arg8[%swap3A_2936], %swap3A_2939 {strides = array<i32>} : memref<144xi32, #tpu.memory_space<vmem>>, vector<16xi32>,
    } else {
    }
    %eq3A_988 = arith.constant 0 : i32
    %eq3A_989 = arith.cmpi eq, %squeeze3A_978, %eq3A_988 : i32
    %convert_element_type3A_990 = arith.extui %eq3A_989 : i1 to i32
    %cond3A_991 = arith.constant 0 : i32
    %cond3A_992 = arith.cmpi ne, %convert_element_type3A_990, %cond3A_991 : i32
    scf.if %cond3A_992 {
      %broadcast_in_dim3A_2935 = vector.broadcast %add3A_982 : i32 to vector<16xi32>
      %swap3A_2936 = arith.index_cast %add3A_976 : i32 to index
      %swap3A_2937 = tpu.vector_load %arg9[%swap3A_2936] {strides = array<i32>} : memref<144xi32, #tpu.memory_space<vmem>>, vector<16xi32>,
      %swap3A_2938 = vector.shape_cast %swap3A_2937 : vector<16xi32> to vector<16xi32>
      %swap3A_2939 = vector.shape_cast %broadcast_in_dim3A_2935 : vector<16xi32> to vector<16xi32>
      tpu.vector_store %arg9[%swap3A_2936], %swap3A_2939 {strides = array<i32>} : memref<144xi32, #tpu.memory_space<vmem>>, vector<16xi32>,
    } else {
    }
    %add3A_993 = arith.addi %add3A_973, %squeeze3A_978 : i32
    %sub3A_994 = arith.constant 1 : i32
    %sub3A_995 = arith.subi %sub3A_994, %squeeze3A_978 : i32
    %add3A_996 = arith.addi %add3A_976, %sub3A_995 : i32
    %slice3A_997 = vector.extract_strided_slice %select_n3A_696 {offsets = [15], sizes = [1], strides = [1]} : vector<16xi32> to vector<1xi32>
    %squeeze3A_998 = vector.extract %slice3A_997[0] : i32 from vector<1xi32>
    %add3A_999 = arith.constant 32 : i32
    %add3A_1000 = arith.addi %mul3A_2, %add3A_999 : i32
    %add3A_1001 = arith.constant 15 : i32
    %add3A_1002 = arith.addi %add3A_1000, %add3A_1001 : i32
    %gt3A_1003 = arith.constant 0 : i32
    %gt3A_1004 = arith.cmpi sgt, %squeeze3A_998, %gt3A_1003 : i32
    %convert_element_type3A_1005 = arith.extui %gt3A_1004 : i1 to i32
    %cond3A_1006 = arith.constant 0 : i32
    %cond3A_1007 = arith.cmpi ne, %convert_element_type3A_1005, %cond3A_1006 : i32
    scf.if %cond3A_1007 {
      %broadcast_in_dim3A_2935 = vector.broadcast %add3A_1002 : i32 to vector<16xi32>
      %swap3A_2936 = arith.index_cast %add3A_993 : i32 to index
      %swap3A_2937 = tpu.vector_load %arg8[%swap3A_2936] {strides = array<i32>} : memref<144xi32, #tpu.memory_space<vmem>>, vector<16xi32>,
      %swap3A_2938 = vector.shape_cast %swap3A_2937 : vector<16xi32> to vector<16xi32>
      %swap3A_2939 = vector.shape_cast %broadcast_in_dim3A_2935 : vector<16xi32> to vector<16xi32>
      tpu.vector_store %arg8[%swap3A_2936], %swap3A_2939 {strides = array<i32>} : memref<144xi32, #tpu.memory_space<vmem>>, vector<16xi32>,
    } else {
    }
    %eq3A_1008 = arith.constant 0 : i32
    %eq3A_1009 = arith.cmpi eq, %squeeze3A_998, %eq3A_1008 : i32
    %convert_element_type3A_1010 = arith.extui %eq3A_1009 : i1 to i32
    %cond3A_1011 = arith.constant 0 : i32
    %cond3A_1012 = arith.cmpi ne, %convert_element_type3A_1010, %cond3A_1011 : i32
    scf.if %cond3A_1012 {
      %broadcast_in_dim3A_2935 = vector.broadcast %add3A_1002 : i32 to vector<16xi32>
      %swap3A_2936 = arith.index_cast %add3A_996 : i32 to index
      %swap3A_2937 = tpu.vector_load %arg9[%swap3A_2936] {strides = array<i32>} : memref<144xi32, #tpu.memory_space<vmem>>, vector<16xi32>,
      %swap3A_2938 = vector.shape_cast %swap3A_2937 : vector<16xi32> to vector<16xi32>
      %swap3A_2939 = vector.shape_cast %broadcast_in_dim3A_2935 : vector<16xi32> to vector<16xi32>
      tpu.vector_store %arg9[%swap3A_2936], %swap3A_2939 {strides = array<i32>} : memref<144xi32, #tpu.memory_space<vmem>>, vector<16xi32>,
    } else {
    }
    %add3A_1013 = arith.addi %add3A_993, %squeeze3A_998 : i32
    %sub3A_1014 = arith.constant 1 : i32
    %sub3A_1015 = arith.subi %sub3A_1014, %squeeze3A_998 : i32
    %add3A_1016 = arith.addi %add3A_996, %sub3A_1015 : i32
    %get3A_1017 = arith.constant 48 : index
    %get3A_1018 = tpu.vector_load %arg12[%get3A_1017] {strides = array<i32>} : memref<128xf32, #tpu.memory_space<vmem>>, vector<16xf32>,
    %get3A_1019 = vector.shape_cast %get3A_1018 : vector<16xf32> to vector<16xf32>
    %ge3A_1020 = arith.cmpf oge, %get3A_1019, %get3A_36 : vector<16xf32>
    %broadcast_in_dim3A_1021 = arith.constant 1 : i32
    %broadcast_in_dim3A_1022 = vector.broadcast %broadcast_in_dim3A_1021 : i32 to vector<16xi32>
    %select_n3A_1023 = arith.select %ge3A_1020, %broadcast_in_dim3A_1022, %broadcast_in_dim3A_37 : vector<16xi1>, vector<16xi32>
    %slice3A_1024 = vector.extract_strided_slice %select_n3A_1023 {offsets = [0], sizes = [1], strides = [1]} : vector<16xi32> to vector<1xi32>
    %squeeze3A_1025 = vector.extract %slice3A_1024[0] : i32 from vector<1xi32>
    %add3A_1026 = arith.constant 48 : i32
    %add3A_1027 = arith.addi %mul3A_2, %add3A_1026 : i32
    %add3A_1028 = arith.constant 0 : i32
    %add3A_1029 = arith.addi %add3A_1027, %add3A_1028 : i32
    %gt3A_1030 = arith.constant 0 : i32
    %gt3A_1031 = arith.cmpi sgt, %squeeze3A_1025, %gt3A_1030 : i32
    %convert_element_type3A_1032 = arith.extui %gt3A_1031 : i1 to i32
    %cond3A_1033 = arith.constant 0 : i32
    %cond3A_1034 = arith.cmpi ne, %convert_element_type3A_1032, %cond3A_1033 : i32
    scf.if %cond3A_1034 {
      %broadcast_in_dim3A_2935 = vector.broadcast %add3A_1029 : i32 to vector<16xi32>
      %swap3A_2936 = arith.index_cast %add3A_1013 : i32 to index
      %swap3A_2937 = tpu.vector_load %arg8[%swap3A_2936] {strides = array<i32>} : memref<144xi32, #tpu.memory_space<vmem>>, vector<16xi32>,
      %swap3A_2938 = vector.shape_cast %swap3A_2937 : vector<16xi32> to vector<16xi32>
      %swap3A_2939 = vector.shape_cast %broadcast_in_dim3A_2935 : vector<16xi32> to vector<16xi32>
      tpu.vector_store %arg8[%swap3A_2936], %swap3A_2939 {strides = array<i32>} : memref<144xi32, #tpu.memory_space<vmem>>, vector<16xi32>,
    } else {
    }
    %eq3A_1035 = arith.constant 0 : i32
    %eq3A_1036 = arith.cmpi eq, %squeeze3A_1025, %eq3A_1035 : i32
    %convert_element_type3A_1037 = arith.extui %eq3A_1036 : i1 to i32
    %cond3A_1038 = arith.constant 0 : i32
    %cond3A_1039 = arith.cmpi ne, %convert_element_type3A_1037, %cond3A_1038 : i32
    scf.if %cond3A_1039 {
      %broadcast_in_dim3A_2935 = vector.broadcast %add3A_1029 : i32 to vector<16xi32>
      %swap3A_2936 = arith.index_cast %add3A_1016 : i32 to index
      %swap3A_2937 = tpu.vector_load %arg9[%swap3A_2936] {strides = array<i32>} : memref<144xi32, #tpu.memory_space<vmem>>, vector<16xi32>,
      %swap3A_2938 = vector.shape_cast %swap3A_2937 : vector<16xi32> to vector<16xi32>
      %swap3A_2939 = vector.shape_cast %broadcast_in_dim3A_2935 : vector<16xi32> to vector<16xi32>
      tpu.vector_store %arg9[%swap3A_2936], %swap3A_2939 {strides = array<i32>} : memref<144xi32, #tpu.memory_space<vmem>>, vector<16xi32>,
    } else {
    }
    %add3A_1040 = arith.addi %add3A_1013, %squeeze3A_1025 : i32
    %sub3A_1041 = arith.constant 1 : i32
    %sub3A_1042 = arith.subi %sub3A_1041, %squeeze3A_1025 : i32
    %add3A_1043 = arith.addi %add3A_1016, %sub3A_1042 : i32
    %slice3A_1044 = vector.extract_strided_slice %select_n3A_1023 {offsets = [1], sizes = [1], strides = [1]} : vector<16xi32> to vector<1xi32>
    %squeeze3A_1045 = vector.extract %slice3A_1044[0] : i32 from vector<1xi32>
    %add3A_1046 = arith.constant 48 : i32
    %add3A_1047 = arith.addi %mul3A_2, %add3A_1046 : i32
    %add3A_1048 = arith.constant 1 : i32
    %add3A_1049 = arith.addi %add3A_1047, %add3A_1048 : i32
    %gt3A_1050 = arith.constant 0 : i32
    %gt3A_1051 = arith.cmpi sgt, %squeeze3A_1045, %gt3A_1050 : i32
    %convert_element_type3A_1052 = arith.extui %gt3A_1051 : i1 to i32
    %cond3A_1053 = arith.constant 0 : i32
    %cond3A_1054 = arith.cmpi ne, %convert_element_type3A_1052, %cond3A_1053 : i32
    scf.if %cond3A_1054 {
      %broadcast_in_dim3A_2935 = vector.broadcast %add3A_1049 : i32 to vector<16xi32>
      %swap3A_2936 = arith.index_cast %add3A_1040 : i32 to index
      %swap3A_2937 = tpu.vector_load %arg8[%swap3A_2936] {strides = array<i32>} : memref<144xi32, #tpu.memory_space<vmem>>, vector<16xi32>,
      %swap3A_2938 = vector.shape_cast %swap3A_2937 : vector<16xi32> to vector<16xi32>
      %swap3A_2939 = vector.shape_cast %broadcast_in_dim3A_2935 : vector<16xi32> to vector<16xi32>
      tpu.vector_store %arg8[%swap3A_2936], %swap3A_2939 {strides = array<i32>} : memref<144xi32, #tpu.memory_space<vmem>>, vector<16xi32>,
    } else {
    }
    %eq3A_1055 = arith.constant 0 : i32
    %eq3A_1056 = arith.cmpi eq, %squeeze3A_1045, %eq3A_1055 : i32
    %convert_element_type3A_1057 = arith.extui %eq3A_1056 : i1 to i32
    %cond3A_1058 = arith.constant 0 : i32
    %cond3A_1059 = arith.cmpi ne, %convert_element_type3A_1057, %cond3A_1058 : i32
    scf.if %cond3A_1059 {
      %broadcast_in_dim3A_2935 = vector.broadcast %add3A_1049 : i32 to vector<16xi32>
      %swap3A_2936 = arith.index_cast %add3A_1043 : i32 to index
      %swap3A_2937 = tpu.vector_load %arg9[%swap3A_2936] {strides = array<i32>} : memref<144xi32, #tpu.memory_space<vmem>>, vector<16xi32>,
      %swap3A_2938 = vector.shape_cast %swap3A_2937 : vector<16xi32> to vector<16xi32>
      %swap3A_2939 = vector.shape_cast %broadcast_in_dim3A_2935 : vector<16xi32> to vector<16xi32>
      tpu.vector_store %arg9[%swap3A_2936], %swap3A_2939 {strides = array<i32>} : memref<144xi32, #tpu.memory_space<vmem>>, vector<16xi32>,
    } else {
    }
    %add3A_1060 = arith.addi %add3A_1040, %squeeze3A_1045 : i32
    %sub3A_1061 = arith.constant 1 : i32
    %sub3A_1062 = arith.subi %sub3A_1061, %squeeze3A_1045 : i32
    %add3A_1063 = arith.addi %add3A_1043, %sub3A_1062 : i32
    %slice3A_1064 = vector.extract_strided_slice %select_n3A_1023 {offsets = [2], sizes = [1], strides = [1]} : vector<16xi32> to vector<1xi32>
    %squeeze3A_1065 = vector.extract %slice3A_1064[0] : i32 from vector<1xi32>
    %add3A_1066 = arith.constant 48 : i32
    %add3A_1067 = arith.addi %mul3A_2, %add3A_1066 : i32
    %add3A_1068 = arith.constant 2 : i32
    %add3A_1069 = arith.addi %add3A_1067, %add3A_1068 : i32
    %gt3A_1070 = arith.constant 0 : i32
    %gt3A_1071 = arith.cmpi sgt, %squeeze3A_1065, %gt3A_1070 : i32
    %convert_element_type3A_1072 = arith.extui %gt3A_1071 : i1 to i32
    %cond3A_1073 = arith.constant 0 : i32
    %cond3A_1074 = arith.cmpi ne, %convert_element_type3A_1072, %cond3A_1073 : i32
    scf.if %cond3A_1074 {
      %broadcast_in_dim3A_2935 = vector.broadcast %add3A_1069 : i32 to vector<16xi32>
      %swap3A_2936 = arith.index_cast %add3A_1060 : i32 to index
      %swap3A_2937 = tpu.vector_load %arg8[%swap3A_2936] {strides = array<i32>} : memref<144xi32, #tpu.memory_space<vmem>>, vector<16xi32>,
      %swap3A_2938 = vector.shape_cast %swap3A_2937 : vector<16xi32> to vector<16xi32>
      %swap3A_2939 = vector.shape_cast %broadcast_in_dim3A_2935 : vector<16xi32> to vector<16xi32>
      tpu.vector_store %arg8[%swap3A_2936], %swap3A_2939 {strides = array<i32>} : memref<144xi32, #tpu.memory_space<vmem>>, vector<16xi32>,
    } else {
    }
    %eq3A_1075 = arith.constant 0 : i32
    %eq3A_1076 = arith.cmpi eq, %squeeze3A_1065, %eq3A_1075 : i32
    %convert_element_type3A_1077 = arith.extui %eq3A_1076 : i1 to i32
    %cond3A_1078 = arith.constant 0 : i32
    %cond3A_1079 = arith.cmpi ne, %convert_element_type3A_1077, %cond3A_1078 : i32
    scf.if %cond3A_1079 {
      %broadcast_in_dim3A_2935 = vector.broadcast %add3A_1069 : i32 to vector<16xi32>
      %swap3A_2936 = arith.index_cast %add3A_1063 : i32 to index
      %swap3A_2937 = tpu.vector_load %arg9[%swap3A_2936] {strides = array<i32>} : memref<144xi32, #tpu.memory_space<vmem>>, vector<16xi32>,
      %swap3A_2938 = vector.shape_cast %swap3A_2937 : vector<16xi32> to vector<16xi32>
      %swap3A_2939 = vector.shape_cast %broadcast_in_dim3A_2935 : vector<16xi32> to vector<16xi32>
      tpu.vector_store %arg9[%swap3A_2936], %swap3A_2939 {strides = array<i32>} : memref<144xi32, #tpu.memory_space<vmem>>, vector<16xi32>,
    } else {
    }
    %add3A_1080 = arith.addi %add3A_1060, %squeeze3A_1065 : i32
    %sub3A_1081 = arith.constant 1 : i32
    %sub3A_1082 = arith.subi %sub3A_1081, %squeeze3A_1065 : i32
    %add3A_1083 = arith.addi %add3A_1063, %sub3A_1082 : i32
    %slice3A_1084 = vector.extract_strided_slice %select_n3A_1023 {offsets = [3], sizes = [1], strides = [1]} : vector<16xi32> to vector<1xi32>
    %squeeze3A_1085 = vector.extract %slice3A_1084[0] : i32 from vector<1xi32>
    %add3A_1086 = arith.constant 48 : i32
    %add3A_1087 = arith.addi %mul3A_2, %add3A_1086 : i32
    %add3A_1088 = arith.constant 3 : i32
    %add3A_1089 = arith.addi %add3A_1087, %add3A_1088 : i32
    %gt3A_1090 = arith.constant 0 : i32
    %gt3A_1091 = arith.cmpi sgt, %squeeze3A_1085, %gt3A_1090 : i32
    %convert_element_type3A_1092 = arith.extui %gt3A_1091 : i1 to i32
    %cond3A_1093 = arith.constant 0 : i32
    %cond3A_1094 = arith.cmpi ne, %convert_element_type3A_1092, %cond3A_1093 : i32
    scf.if %cond3A_1094 {
      %broadcast_in_dim3A_2935 = vector.broadcast %add3A_1089 : i32 to vector<16xi32>
      %swap3A_2936 = arith.index_cast %add3A_1080 : i32 to index
      %swap3A_2937 = tpu.vector_load %arg8[%swap3A_2936] {strides = array<i32>} : memref<144xi32, #tpu.memory_space<vmem>>, vector<16xi32>,
      %swap3A_2938 = vector.shape_cast %swap3A_2937 : vector<16xi32> to vector<16xi32>
      %swap3A_2939 = vector.shape_cast %broadcast_in_dim3A_2935 : vector<16xi32> to vector<16xi32>
      tpu.vector_store %arg8[%swap3A_2936], %swap3A_2939 {strides = array<i32>} : memref<144xi32, #tpu.memory_space<vmem>>, vector<16xi32>,
    } else {
    }
    %eq3A_1095 = arith.constant 0 : i32
    %eq3A_1096 = arith.cmpi eq, %squeeze3A_1085, %eq3A_1095 : i32
    %convert_element_type3A_1097 = arith.extui %eq3A_1096 : i1 to i32
    %cond3A_1098 = arith.constant 0 : i32
    %cond3A_1099 = arith.cmpi ne, %convert_element_type3A_1097, %cond3A_1098 : i32
    scf.if %cond3A_1099 {
      %broadcast_in_dim3A_2935 = vector.broadcast %add3A_1089 : i32 to vector<16xi32>
      %swap3A_2936 = arith.index_cast %add3A_1083 : i32 to index
      %swap3A_2937 = tpu.vector_load %arg9[%swap3A_2936] {strides = array<i32>} : memref<144xi32, #tpu.memory_space<vmem>>, vector<16xi32>,
      %swap3A_2938 = vector.shape_cast %swap3A_2937 : vector<16xi32> to vector<16xi32>
      %swap3A_2939 = vector.shape_cast %broadcast_in_dim3A_2935 : vector<16xi32> to vector<16xi32>
      tpu.vector_store %arg9[%swap3A_2936], %swap3A_2939 {strides = array<i32>} : memref<144xi32, #tpu.memory_space<vmem>>, vector<16xi32>,
    } else {
    }
    %add3A_1100 = arith.addi %add3A_1080, %squeeze3A_1085 : i32
    %sub3A_1101 = arith.constant 1 : i32
    %sub3A_1102 = arith.subi %sub3A_1101, %squeeze3A_1085 : i32
    %add3A_1103 = arith.addi %add3A_1083, %sub3A_1102 : i32
    %slice3A_1104 = vector.extract_strided_slice %select_n3A_1023 {offsets = [4], sizes = [1], strides = [1]} : vector<16xi32> to vector<1xi32>
    %squeeze3A_1105 = vector.extract %slice3A_1104[0] : i32 from vector<1xi32>
    %add3A_1106 = arith.constant 48 : i32
    %add3A_1107 = arith.addi %mul3A_2, %add3A_1106 : i32
    %add3A_1108 = arith.constant 4 : i32
    %add3A_1109 = arith.addi %add3A_1107, %add3A_1108 : i32
    %gt3A_1110 = arith.constant 0 : i32
    %gt3A_1111 = arith.cmpi sgt, %squeeze3A_1105, %gt3A_1110 : i32
    %convert_element_type3A_1112 = arith.extui %gt3A_1111 : i1 to i32
    %cond3A_1113 = arith.constant 0 : i32
    %cond3A_1114 = arith.cmpi ne, %convert_element_type3A_1112, %cond3A_1113 : i32
    scf.if %cond3A_1114 {
      %broadcast_in_dim3A_2935 = vector.broadcast %add3A_1109 : i32 to vector<16xi32>
      %swap3A_2936 = arith.index_cast %add3A_1100 : i32 to index
      %swap3A_2937 = tpu.vector_load %arg8[%swap3A_2936] {strides = array<i32>} : memref<144xi32, #tpu.memory_space<vmem>>, vector<16xi32>,
      %swap3A_2938 = vector.shape_cast %swap3A_2937 : vector<16xi32> to vector<16xi32>
      %swap3A_2939 = vector.shape_cast %broadcast_in_dim3A_2935 : vector<16xi32> to vector<16xi32>
      tpu.vector_store %arg8[%swap3A_2936], %swap3A_2939 {strides = array<i32>} : memref<144xi32, #tpu.memory_space<vmem>>, vector<16xi32>,
    } else {
    }
    %eq3A_1115 = arith.constant 0 : i32
    %eq3A_1116 = arith.cmpi eq, %squeeze3A_1105, %eq3A_1115 : i32
    %convert_element_type3A_1117 = arith.extui %eq3A_1116 : i1 to i32
    %cond3A_1118 = arith.constant 0 : i32
    %cond3A_1119 = arith.cmpi ne, %convert_element_type3A_1117, %cond3A_1118 : i32
    scf.if %cond3A_1119 {
      %broadcast_in_dim3A_2935 = vector.broadcast %add3A_1109 : i32 to vector<16xi32>
      %swap3A_2936 = arith.index_cast %add3A_1103 : i32 to index
      %swap3A_2937 = tpu.vector_load %arg9[%swap3A_2936] {strides = array<i32>} : memref<144xi32, #tpu.memory_space<vmem>>, vector<16xi32>,
      %swap3A_2938 = vector.shape_cast %swap3A_2937 : vector<16xi32> to vector<16xi32>
      %swap3A_2939 = vector.shape_cast %broadcast_in_dim3A_2935 : vector<16xi32> to vector<16xi32>
      tpu.vector_store %arg9[%swap3A_2936], %swap3A_2939 {strides = array<i32>} : memref<144xi32, #tpu.memory_space<vmem>>, vector<16xi32>,
    } else {
    }
    %add3A_1120 = arith.addi %add3A_1100, %squeeze3A_1105 : i32
    %sub3A_1121 = arith.constant 1 : i32
    %sub3A_1122 = arith.subi %sub3A_1121, %squeeze3A_1105 : i32
    %add3A_1123 = arith.addi %add3A_1103, %sub3A_1122 : i32
    %slice3A_1124 = vector.extract_strided_slice %select_n3A_1023 {offsets = [5], sizes = [1], strides = [1]} : vector<16xi32> to vector<1xi32>
    %squeeze3A_1125 = vector.extract %slice3A_1124[0] : i32 from vector<1xi32>
    %add3A_1126 = arith.constant 48 : i32
    %add3A_1127 = arith.addi %mul3A_2, %add3A_1126 : i32
    %add3A_1128 = arith.constant 5 : i32
    %add3A_1129 = arith.addi %add3A_1127, %add3A_1128 : i32
    %gt3A_1130 = arith.constant 0 : i32
    %gt3A_1131 = arith.cmpi sgt, %squeeze3A_1125, %gt3A_1130 : i32
    %convert_element_type3A_1132 = arith.extui %gt3A_1131 : i1 to i32
    %cond3A_1133 = arith.constant 0 : i32
    %cond3A_1134 = arith.cmpi ne, %convert_element_type3A_1132, %cond3A_1133 : i32
    scf.if %cond3A_1134 {
      %broadcast_in_dim3A_2935 = vector.broadcast %add3A_1129 : i32 to vector<16xi32>
      %swap3A_2936 = arith.index_cast %add3A_1120 : i32 to index
      %swap3A_2937 = tpu.vector_load %arg8[%swap3A_2936] {strides = array<i32>} : memref<144xi32, #tpu.memory_space<vmem>>, vector<16xi32>,
      %swap3A_2938 = vector.shape_cast %swap3A_2937 : vector<16xi32> to vector<16xi32>
      %swap3A_2939 = vector.shape_cast %broadcast_in_dim3A_2935 : vector<16xi32> to vector<16xi32>
      tpu.vector_store %arg8[%swap3A_2936], %swap3A_2939 {strides = array<i32>} : memref<144xi32, #tpu.memory_space<vmem>>, vector<16xi32>,
    } else {
    }
    %eq3A_1135 = arith.constant 0 : i32
    %eq3A_1136 = arith.cmpi eq, %squeeze3A_1125, %eq3A_1135 : i32
    %convert_element_type3A_1137 = arith.extui %eq3A_1136 : i1 to i32
    %cond3A_1138 = arith.constant 0 : i32
    %cond3A_1139 = arith.cmpi ne, %convert_element_type3A_1137, %cond3A_1138 : i32
    scf.if %cond3A_1139 {
      %broadcast_in_dim3A_2935 = vector.broadcast %add3A_1129 : i32 to vector<16xi32>
      %swap3A_2936 = arith.index_cast %add3A_1123 : i32 to index
      %swap3A_2937 = tpu.vector_load %arg9[%swap3A_2936] {strides = array<i32>} : memref<144xi32, #tpu.memory_space<vmem>>, vector<16xi32>,
      %swap3A_2938 = vector.shape_cast %swap3A_2937 : vector<16xi32> to vector<16xi32>
      %swap3A_2939 = vector.shape_cast %broadcast_in_dim3A_2935 : vector<16xi32> to vector<16xi32>
      tpu.vector_store %arg9[%swap3A_2936], %swap3A_2939 {strides = array<i32>} : memref<144xi32, #tpu.memory_space<vmem>>, vector<16xi32>,
    } else {
    }
    %add3A_1140 = arith.addi %add3A_1120, %squeeze3A_1125 : i32
    %sub3A_1141 = arith.constant 1 : i32
    %sub3A_1142 = arith.subi %sub3A_1141, %squeeze3A_1125 : i32
    %add3A_1143 = arith.addi %add3A_1123, %sub3A_1142 : i32
    %slice3A_1144 = vector.extract_strided_slice %select_n3A_1023 {offsets = [6], sizes = [1], strides = [1]} : vector<16xi32> to vector<1xi32>
    %squeeze3A_1145 = vector.extract %slice3A_1144[0] : i32 from vector<1xi32>
    %add3A_1146 = arith.constant 48 : i32
    %add3A_1147 = arith.addi %mul3A_2, %add3A_1146 : i32
    %add3A_1148 = arith.constant 6 : i32
    %add3A_1149 = arith.addi %add3A_1147, %add3A_1148 : i32
    %gt3A_1150 = arith.constant 0 : i32
    %gt3A_1151 = arith.cmpi sgt, %squeeze3A_1145, %gt3A_1150 : i32
    %convert_element_type3A_1152 = arith.extui %gt3A_1151 : i1 to i32
    %cond3A_1153 = arith.constant 0 : i32
    %cond3A_1154 = arith.cmpi ne, %convert_element_type3A_1152, %cond3A_1153 : i32
    scf.if %cond3A_1154 {
      %broadcast_in_dim3A_2935 = vector.broadcast %add3A_1149 : i32 to vector<16xi32>
      %swap3A_2936 = arith.index_cast %add3A_1140 : i32 to index
      %swap3A_2937 = tpu.vector_load %arg8[%swap3A_2936] {strides = array<i32>} : memref<144xi32, #tpu.memory_space<vmem>>, vector<16xi32>,
      %swap3A_2938 = vector.shape_cast %swap3A_2937 : vector<16xi32> to vector<16xi32>
      %swap3A_2939 = vector.shape_cast %broadcast_in_dim3A_2935 : vector<16xi32> to vector<16xi32>
      tpu.vector_store %arg8[%swap3A_2936], %swap3A_2939 {strides = array<i32>} : memref<144xi32, #tpu.memory_space<vmem>>, vector<16xi32>,
    } else {
    }
    %eq3A_1155 = arith.constant 0 : i32
    %eq3A_1156 = arith.cmpi eq, %squeeze3A_1145, %eq3A_1155 : i32
    %convert_element_type3A_1157 = arith.extui %eq3A_1156 : i1 to i32
    %cond3A_1158 = arith.constant 0 : i32
    %cond3A_1159 = arith.cmpi ne, %convert_element_type3A_1157, %cond3A_1158 : i32
    scf.if %cond3A_1159 {
      %broadcast_in_dim3A_2935 = vector.broadcast %add3A_1149 : i32 to vector<16xi32>
      %swap3A_2936 = arith.index_cast %add3A_1143 : i32 to index
      %swap3A_2937 = tpu.vector_load %arg9[%swap3A_2936] {strides = array<i32>} : memref<144xi32, #tpu.memory_space<vmem>>, vector<16xi32>,
      %swap3A_2938 = vector.shape_cast %swap3A_2937 : vector<16xi32> to vector<16xi32>
      %swap3A_2939 = vector.shape_cast %broadcast_in_dim3A_2935 : vector<16xi32> to vector<16xi32>
      tpu.vector_store %arg9[%swap3A_2936], %swap3A_2939 {strides = array<i32>} : memref<144xi32, #tpu.memory_space<vmem>>, vector<16xi32>,
    } else {
    }
    %add3A_1160 = arith.addi %add3A_1140, %squeeze3A_1145 : i32
    %sub3A_1161 = arith.constant 1 : i32
    %sub3A_1162 = arith.subi %sub3A_1161, %squeeze3A_1145 : i32
    %add3A_1163 = arith.addi %add3A_1143, %sub3A_1162 : i32
    %slice3A_1164 = vector.extract_strided_slice %select_n3A_1023 {offsets = [7], sizes = [1], strides = [1]} : vector<16xi32> to vector<1xi32>
    %squeeze3A_1165 = vector.extract %slice3A_1164[0] : i32 from vector<1xi32>
    %add3A_1166 = arith.constant 48 : i32
    %add3A_1167 = arith.addi %mul3A_2, %add3A_1166 : i32
    %add3A_1168 = arith.constant 7 : i32
    %add3A_1169 = arith.addi %add3A_1167, %add3A_1168 : i32
    %gt3A_1170 = arith.constant 0 : i32
    %gt3A_1171 = arith.cmpi sgt, %squeeze3A_1165, %gt3A_1170 : i32
    %convert_element_type3A_1172 = arith.extui %gt3A_1171 : i1 to i32
    %cond3A_1173 = arith.constant 0 : i32
    %cond3A_1174 = arith.cmpi ne, %convert_element_type3A_1172, %cond3A_1173 : i32
    scf.if %cond3A_1174 {
      %broadcast_in_dim3A_2935 = vector.broadcast %add3A_1169 : i32 to vector<16xi32>
      %swap3A_2936 = arith.index_cast %add3A_1160 : i32 to index
      %swap3A_2937 = tpu.vector_load %arg8[%swap3A_2936] {strides = array<i32>} : memref<144xi32, #tpu.memory_space<vmem>>, vector<16xi32>,
      %swap3A_2938 = vector.shape_cast %swap3A_2937 : vector<16xi32> to vector<16xi32>
      %swap3A_2939 = vector.shape_cast %broadcast_in_dim3A_2935 : vector<16xi32> to vector<16xi32>
      tpu.vector_store %arg8[%swap3A_2936], %swap3A_2939 {strides = array<i32>} : memref<144xi32, #tpu.memory_space<vmem>>, vector<16xi32>,
    } else {
    }
    %eq3A_1175 = arith.constant 0 : i32
    %eq3A_1176 = arith.cmpi eq, %squeeze3A_1165, %eq3A_1175 : i32
    %convert_element_type3A_1177 = arith.extui %eq3A_1176 : i1 to i32
    %cond3A_1178 = arith.constant 0 : i32
    %cond3A_1179 = arith.cmpi ne, %convert_element_type3A_1177, %cond3A_1178 : i32
    scf.if %cond3A_1179 {
      %broadcast_in_dim3A_2935 = vector.broadcast %add3A_1169 : i32 to vector<16xi32>
      %swap3A_2936 = arith.index_cast %add3A_1163 : i32 to index
      %swap3A_2937 = tpu.vector_load %arg9[%swap3A_2936] {strides = array<i32>} : memref<144xi32, #tpu.memory_space<vmem>>, vector<16xi32>,
      %swap3A_2938 = vector.shape_cast %swap3A_2937 : vector<16xi32> to vector<16xi32>
      %swap3A_2939 = vector.shape_cast %broadcast_in_dim3A_2935 : vector<16xi32> to vector<16xi32>
      tpu.vector_store %arg9[%swap3A_2936], %swap3A_2939 {strides = array<i32>} : memref<144xi32, #tpu.memory_space<vmem>>, vector<16xi32>,
    } else {
    }
    %add3A_1180 = arith.addi %add3A_1160, %squeeze3A_1165 : i32
    %sub3A_1181 = arith.constant 1 : i32
    %sub3A_1182 = arith.subi %sub3A_1181, %squeeze3A_1165 : i32
    %add3A_1183 = arith.addi %add3A_1163, %sub3A_1182 : i32
    %slice3A_1184 = vector.extract_strided_slice %select_n3A_1023 {offsets = [8], sizes = [1], strides = [1]} : vector<16xi32> to vector<1xi32>
    %squeeze3A_1185 = vector.extract %slice3A_1184[0] : i32 from vector<1xi32>
    %add3A_1186 = arith.constant 48 : i32
    %add3A_1187 = arith.addi %mul3A_2, %add3A_1186 : i32
    %add3A_1188 = arith.constant 8 : i32
    %add3A_1189 = arith.addi %add3A_1187, %add3A_1188 : i32
    %gt3A_1190 = arith.constant 0 : i32
    %gt3A_1191 = arith.cmpi sgt, %squeeze3A_1185, %gt3A_1190 : i32
    %convert_element_type3A_1192 = arith.extui %gt3A_1191 : i1 to i32
    %cond3A_1193 = arith.constant 0 : i32
    %cond3A_1194 = arith.cmpi ne, %convert_element_type3A_1192, %cond3A_1193 : i32
    scf.if %cond3A_1194 {
      %broadcast_in_dim3A_2935 = vector.broadcast %add3A_1189 : i32 to vector<16xi32>
      %swap3A_2936 = arith.index_cast %add3A_1180 : i32 to index
      %swap3A_2937 = tpu.vector_load %arg8[%swap3A_2936] {strides = array<i32>} : memref<144xi32, #tpu.memory_space<vmem>>, vector<16xi32>,
      %swap3A_2938 = vector.shape_cast %swap3A_2937 : vector<16xi32> to vector<16xi32>
      %swap3A_2939 = vector.shape_cast %broadcast_in_dim3A_2935 : vector<16xi32> to vector<16xi32>
      tpu.vector_store %arg8[%swap3A_2936], %swap3A_2939 {strides = array<i32>} : memref<144xi32, #tpu.memory_space<vmem>>, vector<16xi32>,
    } else {
    }
    %eq3A_1195 = arith.constant 0 : i32
    %eq3A_1196 = arith.cmpi eq, %squeeze3A_1185, %eq3A_1195 : i32
    %convert_element_type3A_1197 = arith.extui %eq3A_1196 : i1 to i32
    %cond3A_1198 = arith.constant 0 : i32
    %cond3A_1199 = arith.cmpi ne, %convert_element_type3A_1197, %cond3A_1198 : i32
    scf.if %cond3A_1199 {
      %broadcast_in_dim3A_2935 = vector.broadcast %add3A_1189 : i32 to vector<16xi32>
      %swap3A_2936 = arith.index_cast %add3A_1183 : i32 to index
      %swap3A_2937 = tpu.vector_load %arg9[%swap3A_2936] {strides = array<i32>} : memref<144xi32, #tpu.memory_space<vmem>>, vector<16xi32>,
      %swap3A_2938 = vector.shape_cast %swap3A_2937 : vector<16xi32> to vector<16xi32>
      %swap3A_2939 = vector.shape_cast %broadcast_in_dim3A_2935 : vector<16xi32> to vector<16xi32>
      tpu.vector_store %arg9[%swap3A_2936], %swap3A_2939 {strides = array<i32>} : memref<144xi32, #tpu.memory_space<vmem>>, vector<16xi32>,
    } else {
    }
    %add3A_1200 = arith.addi %add3A_1180, %squeeze3A_1185 : i32
    %sub3A_1201 = arith.constant 1 : i32
    %sub3A_1202 = arith.subi %sub3A_1201, %squeeze3A_1185 : i32
    %add3A_1203 = arith.addi %add3A_1183, %sub3A_1202 : i32
    %slice3A_1204 = vector.extract_strided_slice %select_n3A_1023 {offsets = [9], sizes = [1], strides = [1]} : vector<16xi32> to vector<1xi32>
    %squeeze3A_1205 = vector.extract %slice3A_1204[0] : i32 from vector<1xi32>
    %add3A_1206 = arith.constant 48 : i32
    %add3A_1207 = arith.addi %mul3A_2, %add3A_1206 : i32
    %add3A_1208 = arith.constant 9 : i32
    %add3A_1209 = arith.addi %add3A_1207, %add3A_1208 : i32
    %gt3A_1210 = arith.constant 0 : i32
    %gt3A_1211 = arith.cmpi sgt, %squeeze3A_1205, %gt3A_1210 : i32
    %convert_element_type3A_1212 = arith.extui %gt3A_1211 : i1 to i32
    %cond3A_1213 = arith.constant 0 : i32
    %cond3A_1214 = arith.cmpi ne, %convert_element_type3A_1212, %cond3A_1213 : i32
    scf.if %cond3A_1214 {
      %broadcast_in_dim3A_2935 = vector.broadcast %add3A_1209 : i32 to vector<16xi32>
      %swap3A_2936 = arith.index_cast %add3A_1200 : i32 to index
      %swap3A_2937 = tpu.vector_load %arg8[%swap3A_2936] {strides = array<i32>} : memref<144xi32, #tpu.memory_space<vmem>>, vector<16xi32>,
      %swap3A_2938 = vector.shape_cast %swap3A_2937 : vector<16xi32> to vector<16xi32>
      %swap3A_2939 = vector.shape_cast %broadcast_in_dim3A_2935 : vector<16xi32> to vector<16xi32>
      tpu.vector_store %arg8[%swap3A_2936], %swap3A_2939 {strides = array<i32>} : memref<144xi32, #tpu.memory_space<vmem>>, vector<16xi32>,
    } else {
    }
    %eq3A_1215 = arith.constant 0 : i32
    %eq3A_1216 = arith.cmpi eq, %squeeze3A_1205, %eq3A_1215 : i32
    %convert_element_type3A_1217 = arith.extui %eq3A_1216 : i1 to i32
    %cond3A_1218 = arith.constant 0 : i32
    %cond3A_1219 = arith.cmpi ne, %convert_element_type3A_1217, %cond3A_1218 : i32
    scf.if %cond3A_1219 {
      %broadcast_in_dim3A_2935 = vector.broadcast %add3A_1209 : i32 to vector<16xi32>
      %swap3A_2936 = arith.index_cast %add3A_1203 : i32 to index
      %swap3A_2937 = tpu.vector_load %arg9[%swap3A_2936] {strides = array<i32>} : memref<144xi32, #tpu.memory_space<vmem>>, vector<16xi32>,
      %swap3A_2938 = vector.shape_cast %swap3A_2937 : vector<16xi32> to vector<16xi32>
      %swap3A_2939 = vector.shape_cast %broadcast_in_dim3A_2935 : vector<16xi32> to vector<16xi32>
      tpu.vector_store %arg9[%swap3A_2936], %swap3A_2939 {strides = array<i32>} : memref<144xi32, #tpu.memory_space<vmem>>, vector<16xi32>,
    } else {
    }
    %add3A_1220 = arith.addi %add3A_1200, %squeeze3A_1205 : i32
    %sub3A_1221 = arith.constant 1 : i32
    %sub3A_1222 = arith.subi %sub3A_1221, %squeeze3A_1205 : i32
    %add3A_1223 = arith.addi %add3A_1203, %sub3A_1222 : i32
    %slice3A_1224 = vector.extract_strided_slice %select_n3A_1023 {offsets = [10], sizes = [1], strides = [1]} : vector<16xi32> to vector<1xi32>
    %squeeze3A_1225 = vector.extract %slice3A_1224[0] : i32 from vector<1xi32>
    %add3A_1226 = arith.constant 48 : i32
    %add3A_1227 = arith.addi %mul3A_2, %add3A_1226 : i32
    %add3A_1228 = arith.constant 10 : i32
    %add3A_1229 = arith.addi %add3A_1227, %add3A_1228 : i32
    %gt3A_1230 = arith.constant 0 : i32
    %gt3A_1231 = arith.cmpi sgt, %squeeze3A_1225, %gt3A_1230 : i32
    %convert_element_type3A_1232 = arith.extui %gt3A_1231 : i1 to i32
    %cond3A_1233 = arith.constant 0 : i32
    %cond3A_1234 = arith.cmpi ne, %convert_element_type3A_1232, %cond3A_1233 : i32
    scf.if %cond3A_1234 {
      %broadcast_in_dim3A_2935 = vector.broadcast %add3A_1229 : i32 to vector<16xi32>
      %swap3A_2936 = arith.index_cast %add3A_1220 : i32 to index
      %swap3A_2937 = tpu.vector_load %arg8[%swap3A_2936] {strides = array<i32>} : memref<144xi32, #tpu.memory_space<vmem>>, vector<16xi32>,
      %swap3A_2938 = vector.shape_cast %swap3A_2937 : vector<16xi32> to vector<16xi32>
      %swap3A_2939 = vector.shape_cast %broadcast_in_dim3A_2935 : vector<16xi32> to vector<16xi32>
      tpu.vector_store %arg8[%swap3A_2936], %swap3A_2939 {strides = array<i32>} : memref<144xi32, #tpu.memory_space<vmem>>, vector<16xi32>,
    } else {
    }
    %eq3A_1235 = arith.constant 0 : i32
    %eq3A_1236 = arith.cmpi eq, %squeeze3A_1225, %eq3A_1235 : i32
    %convert_element_type3A_1237 = arith.extui %eq3A_1236 : i1 to i32
    %cond3A_1238 = arith.constant 0 : i32
    %cond3A_1239 = arith.cmpi ne, %convert_element_type3A_1237, %cond3A_1238 : i32
    scf.if %cond3A_1239 {
      %broadcast_in_dim3A_2935 = vector.broadcast %add3A_1229 : i32 to vector<16xi32>
      %swap3A_2936 = arith.index_cast %add3A_1223 : i32 to index
      %swap3A_2937 = tpu.vector_load %arg9[%swap3A_2936] {strides = array<i32>} : memref<144xi32, #tpu.memory_space<vmem>>, vector<16xi32>,
      %swap3A_2938 = vector.shape_cast %swap3A_2937 : vector<16xi32> to vector<16xi32>
      %swap3A_2939 = vector.shape_cast %broadcast_in_dim3A_2935 : vector<16xi32> to vector<16xi32>
      tpu.vector_store %arg9[%swap3A_2936], %swap3A_2939 {strides = array<i32>} : memref<144xi32, #tpu.memory_space<vmem>>, vector<16xi32>,
    } else {
    }
    %add3A_1240 = arith.addi %add3A_1220, %squeeze3A_1225 : i32
    %sub3A_1241 = arith.constant 1 : i32
    %sub3A_1242 = arith.subi %sub3A_1241, %squeeze3A_1225 : i32
    %add3A_1243 = arith.addi %add3A_1223, %sub3A_1242 : i32
    %slice3A_1244 = vector.extract_strided_slice %select_n3A_1023 {offsets = [11], sizes = [1], strides = [1]} : vector<16xi32> to vector<1xi32>
    %squeeze3A_1245 = vector.extract %slice3A_1244[0] : i32 from vector<1xi32>
    %add3A_1246 = arith.constant 48 : i32
    %add3A_1247 = arith.addi %mul3A_2, %add3A_1246 : i32
    %add3A_1248 = arith.constant 11 : i32
    %add3A_1249 = arith.addi %add3A_1247, %add3A_1248 : i32
    %gt3A_1250 = arith.constant 0 : i32
    %gt3A_1251 = arith.cmpi sgt, %squeeze3A_1245, %gt3A_1250 : i32
    %convert_element_type3A_1252 = arith.extui %gt3A_1251 : i1 to i32
    %cond3A_1253 = arith.constant 0 : i32
    %cond3A_1254 = arith.cmpi ne, %convert_element_type3A_1252, %cond3A_1253 : i32
    scf.if %cond3A_1254 {
      %broadcast_in_dim3A_2935 = vector.broadcast %add3A_1249 : i32 to vector<16xi32>
      %swap3A_2936 = arith.index_cast %add3A_1240 : i32 to index
      %swap3A_2937 = tpu.vector_load %arg8[%swap3A_2936] {strides = array<i32>} : memref<144xi32, #tpu.memory_space<vmem>>, vector<16xi32>,
      %swap3A_2938 = vector.shape_cast %swap3A_2937 : vector<16xi32> to vector<16xi32>
      %swap3A_2939 = vector.shape_cast %broadcast_in_dim3A_2935 : vector<16xi32> to vector<16xi32>
      tpu.vector_store %arg8[%swap3A_2936], %swap3A_2939 {strides = array<i32>} : memref<144xi32, #tpu.memory_space<vmem>>, vector<16xi32>,
    } else {
    }
    %eq3A_1255 = arith.constant 0 : i32
    %eq3A_1256 = arith.cmpi eq, %squeeze3A_1245, %eq3A_1255 : i32
    %convert_element_type3A_1257 = arith.extui %eq3A_1256 : i1 to i32
    %cond3A_1258 = arith.constant 0 : i32
    %cond3A_1259 = arith.cmpi ne, %convert_element_type3A_1257, %cond3A_1258 : i32
    scf.if %cond3A_1259 {
      %broadcast_in_dim3A_2935 = vector.broadcast %add3A_1249 : i32 to vector<16xi32>
      %swap3A_2936 = arith.index_cast %add3A_1243 : i32 to index
      %swap3A_2937 = tpu.vector_load %arg9[%swap3A_2936] {strides = array<i32>} : memref<144xi32, #tpu.memory_space<vmem>>, vector<16xi32>,
      %swap3A_2938 = vector.shape_cast %swap3A_2937 : vector<16xi32> to vector<16xi32>
      %swap3A_2939 = vector.shape_cast %broadcast_in_dim3A_2935 : vector<16xi32> to vector<16xi32>
      tpu.vector_store %arg9[%swap3A_2936], %swap3A_2939 {strides = array<i32>} : memref<144xi32, #tpu.memory_space<vmem>>, vector<16xi32>,
    } else {
    }
    %add3A_1260 = arith.addi %add3A_1240, %squeeze3A_1245 : i32
    %sub3A_1261 = arith.constant 1 : i32
    %sub3A_1262 = arith.subi %sub3A_1261, %squeeze3A_1245 : i32
    %add3A_1263 = arith.addi %add3A_1243, %sub3A_1262 : i32
    %slice3A_1264 = vector.extract_strided_slice %select_n3A_1023 {offsets = [12], sizes = [1], strides = [1]} : vector<16xi32> to vector<1xi32>
    %squeeze3A_1265 = vector.extract %slice3A_1264[0] : i32 from vector<1xi32>
    %add3A_1266 = arith.constant 48 : i32
    %add3A_1267 = arith.addi %mul3A_2, %add3A_1266 : i32
    %add3A_1268 = arith.constant 12 : i32
    %add3A_1269 = arith.addi %add3A_1267, %add3A_1268 : i32
    %gt3A_1270 = arith.constant 0 : i32
    %gt3A_1271 = arith.cmpi sgt, %squeeze3A_1265, %gt3A_1270 : i32
    %convert_element_type3A_1272 = arith.extui %gt3A_1271 : i1 to i32
    %cond3A_1273 = arith.constant 0 : i32
    %cond3A_1274 = arith.cmpi ne, %convert_element_type3A_1272, %cond3A_1273 : i32
    scf.if %cond3A_1274 {
      %broadcast_in_dim3A_2935 = vector.broadcast %add3A_1269 : i32 to vector<16xi32>
      %swap3A_2936 = arith.index_cast %add3A_1260 : i32 to index
      %swap3A_2937 = tpu.vector_load %arg8[%swap3A_2936] {strides = array<i32>} : memref<144xi32, #tpu.memory_space<vmem>>, vector<16xi32>,
      %swap3A_2938 = vector.shape_cast %swap3A_2937 : vector<16xi32> to vector<16xi32>
      %swap3A_2939 = vector.shape_cast %broadcast_in_dim3A_2935 : vector<16xi32> to vector<16xi32>
      tpu.vector_store %arg8[%swap3A_2936], %swap3A_2939 {strides = array<i32>} : memref<144xi32, #tpu.memory_space<vmem>>, vector<16xi32>,
    } else {
    }
    %eq3A_1275 = arith.constant 0 : i32
    %eq3A_1276 = arith.cmpi eq, %squeeze3A_1265, %eq3A_1275 : i32
    %convert_element_type3A_1277 = arith.extui %eq3A_1276 : i1 to i32
    %cond3A_1278 = arith.constant 0 : i32
    %cond3A_1279 = arith.cmpi ne, %convert_element_type3A_1277, %cond3A_1278 : i32
    scf.if %cond3A_1279 {
      %broadcast_in_dim3A_2935 = vector.broadcast %add3A_1269 : i32 to vector<16xi32>
      %swap3A_2936 = arith.index_cast %add3A_1263 : i32 to index
      %swap3A_2937 = tpu.vector_load %arg9[%swap3A_2936] {strides = array<i32>} : memref<144xi32, #tpu.memory_space<vmem>>, vector<16xi32>,
      %swap3A_2938 = vector.shape_cast %swap3A_2937 : vector<16xi32> to vector<16xi32>
      %swap3A_2939 = vector.shape_cast %broadcast_in_dim3A_2935 : vector<16xi32> to vector<16xi32>
      tpu.vector_store %arg9[%swap3A_2936], %swap3A_2939 {strides = array<i32>} : memref<144xi32, #tpu.memory_space<vmem>>, vector<16xi32>,
    } else {
    }
    %add3A_1280 = arith.addi %add3A_1260, %squeeze3A_1265 : i32
    %sub3A_1281 = arith.constant 1 : i32
    %sub3A_1282 = arith.subi %sub3A_1281, %squeeze3A_1265 : i32
    %add3A_1283 = arith.addi %add3A_1263, %sub3A_1282 : i32
    %slice3A_1284 = vector.extract_strided_slice %select_n3A_1023 {offsets = [13], sizes = [1], strides = [1]} : vector<16xi32> to vector<1xi32>
    %squeeze3A_1285 = vector.extract %slice3A_1284[0] : i32 from vector<1xi32>
    %add3A_1286 = arith.constant 48 : i32
    %add3A_1287 = arith.addi %mul3A_2, %add3A_1286 : i32
    %add3A_1288 = arith.constant 13 : i32
    %add3A_1289 = arith.addi %add3A_1287, %add3A_1288 : i32
    %gt3A_1290 = arith.constant 0 : i32
    %gt3A_1291 = arith.cmpi sgt, %squeeze3A_1285, %gt3A_1290 : i32
    %convert_element_type3A_1292 = arith.extui %gt3A_1291 : i1 to i32
    %cond3A_1293 = arith.constant 0 : i32
    %cond3A_1294 = arith.cmpi ne, %convert_element_type3A_1292, %cond3A_1293 : i32
    scf.if %cond3A_1294 {
      %broadcast_in_dim3A_2935 = vector.broadcast %add3A_1289 : i32 to vector<16xi32>
      %swap3A_2936 = arith.index_cast %add3A_1280 : i32 to index
      %swap3A_2937 = tpu.vector_load %arg8[%swap3A_2936] {strides = array<i32>} : memref<144xi32, #tpu.memory_space<vmem>>, vector<16xi32>,
      %swap3A_2938 = vector.shape_cast %swap3A_2937 : vector<16xi32> to vector<16xi32>
      %swap3A_2939 = vector.shape_cast %broadcast_in_dim3A_2935 : vector<16xi32> to vector<16xi32>
      tpu.vector_store %arg8[%swap3A_2936], %swap3A_2939 {strides = array<i32>} : memref<144xi32, #tpu.memory_space<vmem>>, vector<16xi32>,
    } else {
    }
    %eq3A_1295 = arith.constant 0 : i32
    %eq3A_1296 = arith.cmpi eq, %squeeze3A_1285, %eq3A_1295 : i32
    %convert_element_type3A_1297 = arith.extui %eq3A_1296 : i1 to i32
    %cond3A_1298 = arith.constant 0 : i32
    %cond3A_1299 = arith.cmpi ne, %convert_element_type3A_1297, %cond3A_1298 : i32
    scf.if %cond3A_1299 {
      %broadcast_in_dim3A_2935 = vector.broadcast %add3A_1289 : i32 to vector<16xi32>
      %swap3A_2936 = arith.index_cast %add3A_1283 : i32 to index
      %swap3A_2937 = tpu.vector_load %arg9[%swap3A_2936] {strides = array<i32>} : memref<144xi32, #tpu.memory_space<vmem>>, vector<16xi32>,
      %swap3A_2938 = vector.shape_cast %swap3A_2937 : vector<16xi32> to vector<16xi32>
      %swap3A_2939 = vector.shape_cast %broadcast_in_dim3A_2935 : vector<16xi32> to vector<16xi32>
      tpu.vector_store %arg9[%swap3A_2936], %swap3A_2939 {strides = array<i32>} : memref<144xi32, #tpu.memory_space<vmem>>, vector<16xi32>,
    } else {
    }
    %add3A_1300 = arith.addi %add3A_1280, %squeeze3A_1285 : i32
    %sub3A_1301 = arith.constant 1 : i32
    %sub3A_1302 = arith.subi %sub3A_1301, %squeeze3A_1285 : i32
    %add3A_1303 = arith.addi %add3A_1283, %sub3A_1302 : i32
    %slice3A_1304 = vector.extract_strided_slice %select_n3A_1023 {offsets = [14], sizes = [1], strides = [1]} : vector<16xi32> to vector<1xi32>
    %squeeze3A_1305 = vector.extract %slice3A_1304[0] : i32 from vector<1xi32>
    %add3A_1306 = arith.constant 48 : i32
    %add3A_1307 = arith.addi %mul3A_2, %add3A_1306 : i32
    %add3A_1308 = arith.constant 14 : i32
    %add3A_1309 = arith.addi %add3A_1307, %add3A_1308 : i32
    %gt3A_1310 = arith.constant 0 : i32
    %gt3A_1311 = arith.cmpi sgt, %squeeze3A_1305, %gt3A_1310 : i32
    %convert_element_type3A_1312 = arith.extui %gt3A_1311 : i1 to i32
    %cond3A_1313 = arith.constant 0 : i32
    %cond3A_1314 = arith.cmpi ne, %convert_element_type3A_1312, %cond3A_1313 : i32
    scf.if %cond3A_1314 {
      %broadcast_in_dim3A_2935 = vector.broadcast %add3A_1309 : i32 to vector<16xi32>
      %swap3A_2936 = arith.index_cast %add3A_1300 : i32 to index
      %swap3A_2937 = tpu.vector_load %arg8[%swap3A_2936] {strides = array<i32>} : memref<144xi32, #tpu.memory_space<vmem>>, vector<16xi32>,
      %swap3A_2938 = vector.shape_cast %swap3A_2937 : vector<16xi32> to vector<16xi32>
      %swap3A_2939 = vector.shape_cast %broadcast_in_dim3A_2935 : vector<16xi32> to vector<16xi32>
      tpu.vector_store %arg8[%swap3A_2936], %swap3A_2939 {strides = array<i32>} : memref<144xi32, #tpu.memory_space<vmem>>, vector<16xi32>,
    } else {
    }
    %eq3A_1315 = arith.constant 0 : i32
    %eq3A_1316 = arith.cmpi eq, %squeeze3A_1305, %eq3A_1315 : i32
    %convert_element_type3A_1317 = arith.extui %eq3A_1316 : i1 to i32
    %cond3A_1318 = arith.constant 0 : i32
    %cond3A_1319 = arith.cmpi ne, %convert_element_type3A_1317, %cond3A_1318 : i32
    scf.if %cond3A_1319 {
      %broadcast_in_dim3A_2935 = vector.broadcast %add3A_1309 : i32 to vector<16xi32>
      %swap3A_2936 = arith.index_cast %add3A_1303 : i32 to index
      %swap3A_2937 = tpu.vector_load %arg9[%swap3A_2936] {strides = array<i32>} : memref<144xi32, #tpu.memory_space<vmem>>, vector<16xi32>,
      %swap3A_2938 = vector.shape_cast %swap3A_2937 : vector<16xi32> to vector<16xi32>
      %swap3A_2939 = vector.shape_cast %broadcast_in_dim3A_2935 : vector<16xi32> to vector<16xi32>
      tpu.vector_store %arg9[%swap3A_2936], %swap3A_2939 {strides = array<i32>} : memref<144xi32, #tpu.memory_space<vmem>>, vector<16xi32>,
    } else {
    }
    %add3A_1320 = arith.addi %add3A_1300, %squeeze3A_1305 : i32
    %sub3A_1321 = arith.constant 1 : i32
    %sub3A_1322 = arith.subi %sub3A_1321, %squeeze3A_1305 : i32
    %add3A_1323 = arith.addi %add3A_1303, %sub3A_1322 : i32
    %slice3A_1324 = vector.extract_strided_slice %select_n3A_1023 {offsets = [15], sizes = [1], strides = [1]} : vector<16xi32> to vector<1xi32>
    %squeeze3A_1325 = vector.extract %slice3A_1324[0] : i32 from vector<1xi32>
    %add3A_1326 = arith.constant 48 : i32
    %add3A_1327 = arith.addi %mul3A_2, %add3A_1326 : i32
    %add3A_1328 = arith.constant 15 : i32
    %add3A_1329 = arith.addi %add3A_1327, %add3A_1328 : i32
    %gt3A_1330 = arith.constant 0 : i32
    %gt3A_1331 = arith.cmpi sgt, %squeeze3A_1325, %gt3A_1330 : i32
    %convert_element_type3A_1332 = arith.extui %gt3A_1331 : i1 to i32
    %cond3A_1333 = arith.constant 0 : i32
    %cond3A_1334 = arith.cmpi ne, %convert_element_type3A_1332, %cond3A_1333 : i32
    scf.if %cond3A_1334 {
      %broadcast_in_dim3A_2935 = vector.broadcast %add3A_1329 : i32 to vector<16xi32>
      %swap3A_2936 = arith.index_cast %add3A_1320 : i32 to index
      %swap3A_2937 = tpu.vector_load %arg8[%swap3A_2936] {strides = array<i32>} : memref<144xi32, #tpu.memory_space<vmem>>, vector<16xi32>,
      %swap3A_2938 = vector.shape_cast %swap3A_2937 : vector<16xi32> to vector<16xi32>
      %swap3A_2939 = vector.shape_cast %broadcast_in_dim3A_2935 : vector<16xi32> to vector<16xi32>
      tpu.vector_store %arg8[%swap3A_2936], %swap3A_2939 {strides = array<i32>} : memref<144xi32, #tpu.memory_space<vmem>>, vector<16xi32>,
    } else {
    }
    %eq3A_1335 = arith.constant 0 : i32
    %eq3A_1336 = arith.cmpi eq, %squeeze3A_1325, %eq3A_1335 : i32
    %convert_element_type3A_1337 = arith.extui %eq3A_1336 : i1 to i32
    %cond3A_1338 = arith.constant 0 : i32
    %cond3A_1339 = arith.cmpi ne, %convert_element_type3A_1337, %cond3A_1338 : i32
    scf.if %cond3A_1339 {
      %broadcast_in_dim3A_2935 = vector.broadcast %add3A_1329 : i32 to vector<16xi32>
      %swap3A_2936 = arith.index_cast %add3A_1323 : i32 to index
      %swap3A_2937 = tpu.vector_load %arg9[%swap3A_2936] {strides = array<i32>} : memref<144xi32, #tpu.memory_space<vmem>>, vector<16xi32>,
      %swap3A_2938 = vector.shape_cast %swap3A_2937 : vector<16xi32> to vector<16xi32>
      %swap3A_2939 = vector.shape_cast %broadcast_in_dim3A_2935 : vector<16xi32> to vector<16xi32>
      tpu.vector_store %arg9[%swap3A_2936], %swap3A_2939 {strides = array<i32>} : memref<144xi32, #tpu.memory_space<vmem>>, vector<16xi32>,
    } else {
    }
    %add3A_1340 = arith.addi %add3A_1320, %squeeze3A_1325 : i32
    %sub3A_1341 = arith.constant 1 : i32
    %sub3A_1342 = arith.subi %sub3A_1341, %squeeze3A_1325 : i32
    %add3A_1343 = arith.addi %add3A_1323, %sub3A_1342 : i32
    %get3A_1344 = arith.constant 64 : index
    %get3A_1345 = tpu.vector_load %arg12[%get3A_1344] {strides = array<i32>} : memref<128xf32, #tpu.memory_space<vmem>>, vector<16xf32>,
    %get3A_1346 = vector.shape_cast %get3A_1345 : vector<16xf32> to vector<16xf32>
    %ge3A_1347 = arith.cmpf oge, %get3A_1346, %get3A_36 : vector<16xf32>
    %broadcast_in_dim3A_1348 = arith.constant 1 : i32
    %broadcast_in_dim3A_1349 = vector.broadcast %broadcast_in_dim3A_1348 : i32 to vector<16xi32>
    %select_n3A_1350 = arith.select %ge3A_1347, %broadcast_in_dim3A_1349, %broadcast_in_dim3A_37 : vector<16xi1>, vector<16xi32>
    %slice3A_1351 = vector.extract_strided_slice %select_n3A_1350 {offsets = [0], sizes = [1], strides = [1]} : vector<16xi32> to vector<1xi32>
    %squeeze3A_1352 = vector.extract %slice3A_1351[0] : i32 from vector<1xi32>
    %add3A_1353 = arith.constant 64 : i32
    %add3A_1354 = arith.addi %mul3A_2, %add3A_1353 : i32
    %add3A_1355 = arith.constant 0 : i32
    %add3A_1356 = arith.addi %add3A_1354, %add3A_1355 : i32
    %gt3A_1357 = arith.constant 0 : i32
    %gt3A_1358 = arith.cmpi sgt, %squeeze3A_1352, %gt3A_1357 : i32
    %convert_element_type3A_1359 = arith.extui %gt3A_1358 : i1 to i32
    %cond3A_1360 = arith.constant 0 : i32
    %cond3A_1361 = arith.cmpi ne, %convert_element_type3A_1359, %cond3A_1360 : i32
    scf.if %cond3A_1361 {
      %broadcast_in_dim3A_2935 = vector.broadcast %add3A_1356 : i32 to vector<16xi32>
      %swap3A_2936 = arith.index_cast %add3A_1340 : i32 to index
      %swap3A_2937 = tpu.vector_load %arg8[%swap3A_2936] {strides = array<i32>} : memref<144xi32, #tpu.memory_space<vmem>>, vector<16xi32>,
      %swap3A_2938 = vector.shape_cast %swap3A_2937 : vector<16xi32> to vector<16xi32>
      %swap3A_2939 = vector.shape_cast %broadcast_in_dim3A_2935 : vector<16xi32> to vector<16xi32>
      tpu.vector_store %arg8[%swap3A_2936], %swap3A_2939 {strides = array<i32>} : memref<144xi32, #tpu.memory_space<vmem>>, vector<16xi32>,
    } else {
    }
    %eq3A_1362 = arith.constant 0 : i32
    %eq3A_1363 = arith.cmpi eq, %squeeze3A_1352, %eq3A_1362 : i32
    %convert_element_type3A_1364 = arith.extui %eq3A_1363 : i1 to i32
    %cond3A_1365 = arith.constant 0 : i32
    %cond3A_1366 = arith.cmpi ne, %convert_element_type3A_1364, %cond3A_1365 : i32
    scf.if %cond3A_1366 {
      %broadcast_in_dim3A_2935 = vector.broadcast %add3A_1356 : i32 to vector<16xi32>
      %swap3A_2936 = arith.index_cast %add3A_1343 : i32 to index
      %swap3A_2937 = tpu.vector_load %arg9[%swap3A_2936] {strides = array<i32>} : memref<144xi32, #tpu.memory_space<vmem>>, vector<16xi32>,
      %swap3A_2938 = vector.shape_cast %swap3A_2937 : vector<16xi32> to vector<16xi32>
      %swap3A_2939 = vector.shape_cast %broadcast_in_dim3A_2935 : vector<16xi32> to vector<16xi32>
      tpu.vector_store %arg9[%swap3A_2936], %swap3A_2939 {strides = array<i32>} : memref<144xi32, #tpu.memory_space<vmem>>, vector<16xi32>,
    } else {
    }
    %add3A_1367 = arith.addi %add3A_1340, %squeeze3A_1352 : i32
    %sub3A_1368 = arith.constant 1 : i32
    %sub3A_1369 = arith.subi %sub3A_1368, %squeeze3A_1352 : i32
    %add3A_1370 = arith.addi %add3A_1343, %sub3A_1369 : i32
    %slice3A_1371 = vector.extract_strided_slice %select_n3A_1350 {offsets = [1], sizes = [1], strides = [1]} : vector<16xi32> to vector<1xi32>
    %squeeze3A_1372 = vector.extract %slice3A_1371[0] : i32 from vector<1xi32>
    %add3A_1373 = arith.constant 64 : i32
    %add3A_1374 = arith.addi %mul3A_2, %add3A_1373 : i32
    %add3A_1375 = arith.constant 1 : i32
    %add3A_1376 = arith.addi %add3A_1374, %add3A_1375 : i32
    %gt3A_1377 = arith.constant 0 : i32
    %gt3A_1378 = arith.cmpi sgt, %squeeze3A_1372, %gt3A_1377 : i32
    %convert_element_type3A_1379 = arith.extui %gt3A_1378 : i1 to i32
    %cond3A_1380 = arith.constant 0 : i32
    %cond3A_1381 = arith.cmpi ne, %convert_element_type3A_1379, %cond3A_1380 : i32
    scf.if %cond3A_1381 {
      %broadcast_in_dim3A_2935 = vector.broadcast %add3A_1376 : i32 to vector<16xi32>
      %swap3A_2936 = arith.index_cast %add3A_1367 : i32 to index
      %swap3A_2937 = tpu.vector_load %arg8[%swap3A_2936] {strides = array<i32>} : memref<144xi32, #tpu.memory_space<vmem>>, vector<16xi32>,
      %swap3A_2938 = vector.shape_cast %swap3A_2937 : vector<16xi32> to vector<16xi32>
      %swap3A_2939 = vector.shape_cast %broadcast_in_dim3A_2935 : vector<16xi32> to vector<16xi32>
      tpu.vector_store %arg8[%swap3A_2936], %swap3A_2939 {strides = array<i32>} : memref<144xi32, #tpu.memory_space<vmem>>, vector<16xi32>,
    } else {
    }
    %eq3A_1382 = arith.constant 0 : i32
    %eq3A_1383 = arith.cmpi eq, %squeeze3A_1372, %eq3A_1382 : i32
    %convert_element_type3A_1384 = arith.extui %eq3A_1383 : i1 to i32
    %cond3A_1385 = arith.constant 0 : i32
    %cond3A_1386 = arith.cmpi ne, %convert_element_type3A_1384, %cond3A_1385 : i32
    scf.if %cond3A_1386 {
      %broadcast_in_dim3A_2935 = vector.broadcast %add3A_1376 : i32 to vector<16xi32>
      %swap3A_2936 = arith.index_cast %add3A_1370 : i32 to index
      %swap3A_2937 = tpu.vector_load %arg9[%swap3A_2936] {strides = array<i32>} : memref<144xi32, #tpu.memory_space<vmem>>, vector<16xi32>,
      %swap3A_2938 = vector.shape_cast %swap3A_2937 : vector<16xi32> to vector<16xi32>
      %swap3A_2939 = vector.shape_cast %broadcast_in_dim3A_2935 : vector<16xi32> to vector<16xi32>
      tpu.vector_store %arg9[%swap3A_2936], %swap3A_2939 {strides = array<i32>} : memref<144xi32, #tpu.memory_space<vmem>>, vector<16xi32>,
    } else {
    }
    %add3A_1387 = arith.addi %add3A_1367, %squeeze3A_1372 : i32
    %sub3A_1388 = arith.constant 1 : i32
    %sub3A_1389 = arith.subi %sub3A_1388, %squeeze3A_1372 : i32
    %add3A_1390 = arith.addi %add3A_1370, %sub3A_1389 : i32
    %slice3A_1391 = vector.extract_strided_slice %select_n3A_1350 {offsets = [2], sizes = [1], strides = [1]} : vector<16xi32> to vector<1xi32>
    %squeeze3A_1392 = vector.extract %slice3A_1391[0] : i32 from vector<1xi32>
    %add3A_1393 = arith.constant 64 : i32
    %add3A_1394 = arith.addi %mul3A_2, %add3A_1393 : i32
    %add3A_1395 = arith.constant 2 : i32
    %add3A_1396 = arith.addi %add3A_1394, %add3A_1395 : i32
    %gt3A_1397 = arith.constant 0 : i32
    %gt3A_1398 = arith.cmpi sgt, %squeeze3A_1392, %gt3A_1397 : i32
    %convert_element_type3A_1399 = arith.extui %gt3A_1398 : i1 to i32
    %cond3A_1400 = arith.constant 0 : i32
    %cond3A_1401 = arith.cmpi ne, %convert_element_type3A_1399, %cond3A_1400 : i32
    scf.if %cond3A_1401 {
      %broadcast_in_dim3A_2935 = vector.broadcast %add3A_1396 : i32 to vector<16xi32>
      %swap3A_2936 = arith.index_cast %add3A_1387 : i32 to index
      %swap3A_2937 = tpu.vector_load %arg8[%swap3A_2936] {strides = array<i32>} : memref<144xi32, #tpu.memory_space<vmem>>, vector<16xi32>,
      %swap3A_2938 = vector.shape_cast %swap3A_2937 : vector<16xi32> to vector<16xi32>
      %swap3A_2939 = vector.shape_cast %broadcast_in_dim3A_2935 : vector<16xi32> to vector<16xi32>
      tpu.vector_store %arg8[%swap3A_2936], %swap3A_2939 {strides = array<i32>} : memref<144xi32, #tpu.memory_space<vmem>>, vector<16xi32>,
    } else {
    }
    %eq3A_1402 = arith.constant 0 : i32
    %eq3A_1403 = arith.cmpi eq, %squeeze3A_1392, %eq3A_1402 : i32
    %convert_element_type3A_1404 = arith.extui %eq3A_1403 : i1 to i32
    %cond3A_1405 = arith.constant 0 : i32
    %cond3A_1406 = arith.cmpi ne, %convert_element_type3A_1404, %cond3A_1405 : i32
    scf.if %cond3A_1406 {
      %broadcast_in_dim3A_2935 = vector.broadcast %add3A_1396 : i32 to vector<16xi32>
      %swap3A_2936 = arith.index_cast %add3A_1390 : i32 to index
      %swap3A_2937 = tpu.vector_load %arg9[%swap3A_2936] {strides = array<i32>} : memref<144xi32, #tpu.memory_space<vmem>>, vector<16xi32>,
      %swap3A_2938 = vector.shape_cast %swap3A_2937 : vector<16xi32> to vector<16xi32>
      %swap3A_2939 = vector.shape_cast %broadcast_in_dim3A_2935 : vector<16xi32> to vector<16xi32>
      tpu.vector_store %arg9[%swap3A_2936], %swap3A_2939 {strides = array<i32>} : memref<144xi32, #tpu.memory_space<vmem>>, vector<16xi32>,
    } else {
    }
    %add3A_1407 = arith.addi %add3A_1387, %squeeze3A_1392 : i32
    %sub3A_1408 = arith.constant 1 : i32
    %sub3A_1409 = arith.subi %sub3A_1408, %squeeze3A_1392 : i32
    %add3A_1410 = arith.addi %add3A_1390, %sub3A_1409 : i32
    %slice3A_1411 = vector.extract_strided_slice %select_n3A_1350 {offsets = [3], sizes = [1], strides = [1]} : vector<16xi32> to vector<1xi32>
    %squeeze3A_1412 = vector.extract %slice3A_1411[0] : i32 from vector<1xi32>
    %add3A_1413 = arith.constant 64 : i32
    %add3A_1414 = arith.addi %mul3A_2, %add3A_1413 : i32
    %add3A_1415 = arith.constant 3 : i32
    %add3A_1416 = arith.addi %add3A_1414, %add3A_1415 : i32
    %gt3A_1417 = arith.constant 0 : i32
    %gt3A_1418 = arith.cmpi sgt, %squeeze3A_1412, %gt3A_1417 : i32
    %convert_element_type3A_1419 = arith.extui %gt3A_1418 : i1 to i32
    %cond3A_1420 = arith.constant 0 : i32
    %cond3A_1421 = arith.cmpi ne, %convert_element_type3A_1419, %cond3A_1420 : i32
    scf.if %cond3A_1421 {
      %broadcast_in_dim3A_2935 = vector.broadcast %add3A_1416 : i32 to vector<16xi32>
      %swap3A_2936 = arith.index_cast %add3A_1407 : i32 to index
      %swap3A_2937 = tpu.vector_load %arg8[%swap3A_2936] {strides = array<i32>} : memref<144xi32, #tpu.memory_space<vmem>>, vector<16xi32>,
      %swap3A_2938 = vector.shape_cast %swap3A_2937 : vector<16xi32> to vector<16xi32>
      %swap3A_2939 = vector.shape_cast %broadcast_in_dim3A_2935 : vector<16xi32> to vector<16xi32>
      tpu.vector_store %arg8[%swap3A_2936], %swap3A_2939 {strides = array<i32>} : memref<144xi32, #tpu.memory_space<vmem>>, vector<16xi32>,
    } else {
    }
    %eq3A_1422 = arith.constant 0 : i32
    %eq3A_1423 = arith.cmpi eq, %squeeze3A_1412, %eq3A_1422 : i32
    %convert_element_type3A_1424 = arith.extui %eq3A_1423 : i1 to i32
    %cond3A_1425 = arith.constant 0 : i32
    %cond3A_1426 = arith.cmpi ne, %convert_element_type3A_1424, %cond3A_1425 : i32
    scf.if %cond3A_1426 {
      %broadcast_in_dim3A_2935 = vector.broadcast %add3A_1416 : i32 to vector<16xi32>
      %swap3A_2936 = arith.index_cast %add3A_1410 : i32 to index
      %swap3A_2937 = tpu.vector_load %arg9[%swap3A_2936] {strides = array<i32>} : memref<144xi32, #tpu.memory_space<vmem>>, vector<16xi32>,
      %swap3A_2938 = vector.shape_cast %swap3A_2937 : vector<16xi32> to vector<16xi32>
      %swap3A_2939 = vector.shape_cast %broadcast_in_dim3A_2935 : vector<16xi32> to vector<16xi32>
      tpu.vector_store %arg9[%swap3A_2936], %swap3A_2939 {strides = array<i32>} : memref<144xi32, #tpu.memory_space<vmem>>, vector<16xi32>,
    } else {
    }
    %add3A_1427 = arith.addi %add3A_1407, %squeeze3A_1412 : i32
    %sub3A_1428 = arith.constant 1 : i32
    %sub3A_1429 = arith.subi %sub3A_1428, %squeeze3A_1412 : i32
    %add3A_1430 = arith.addi %add3A_1410, %sub3A_1429 : i32
    %slice3A_1431 = vector.extract_strided_slice %select_n3A_1350 {offsets = [4], sizes = [1], strides = [1]} : vector<16xi32> to vector<1xi32>
    %squeeze3A_1432 = vector.extract %slice3A_1431[0] : i32 from vector<1xi32>
    %add3A_1433 = arith.constant 64 : i32
    %add3A_1434 = arith.addi %mul3A_2, %add3A_1433 : i32
    %add3A_1435 = arith.constant 4 : i32
    %add3A_1436 = arith.addi %add3A_1434, %add3A_1435 : i32
    %gt3A_1437 = arith.constant 0 : i32
    %gt3A_1438 = arith.cmpi sgt, %squeeze3A_1432, %gt3A_1437 : i32
    %convert_element_type3A_1439 = arith.extui %gt3A_1438 : i1 to i32
    %cond3A_1440 = arith.constant 0 : i32
    %cond3A_1441 = arith.cmpi ne, %convert_element_type3A_1439, %cond3A_1440 : i32
    scf.if %cond3A_1441 {
      %broadcast_in_dim3A_2935 = vector.broadcast %add3A_1436 : i32 to vector<16xi32>
      %swap3A_2936 = arith.index_cast %add3A_1427 : i32 to index
      %swap3A_2937 = tpu.vector_load %arg8[%swap3A_2936] {strides = array<i32>} : memref<144xi32, #tpu.memory_space<vmem>>, vector<16xi32>,
      %swap3A_2938 = vector.shape_cast %swap3A_2937 : vector<16xi32> to vector<16xi32>
      %swap3A_2939 = vector.shape_cast %broadcast_in_dim3A_2935 : vector<16xi32> to vector<16xi32>
      tpu.vector_store %arg8[%swap3A_2936], %swap3A_2939 {strides = array<i32>} : memref<144xi32, #tpu.memory_space<vmem>>, vector<16xi32>,
    } else {
    }
    %eq3A_1442 = arith.constant 0 : i32
    %eq3A_1443 = arith.cmpi eq, %squeeze3A_1432, %eq3A_1442 : i32
    %convert_element_type3A_1444 = arith.extui %eq3A_1443 : i1 to i32
    %cond3A_1445 = arith.constant 0 : i32
    %cond3A_1446 = arith.cmpi ne, %convert_element_type3A_1444, %cond3A_1445 : i32
    scf.if %cond3A_1446 {
      %broadcast_in_dim3A_2935 = vector.broadcast %add3A_1436 : i32 to vector<16xi32>
      %swap3A_2936 = arith.index_cast %add3A_1430 : i32 to index
      %swap3A_2937 = tpu.vector_load %arg9[%swap3A_2936] {strides = array<i32>} : memref<144xi32, #tpu.memory_space<vmem>>, vector<16xi32>,
      %swap3A_2938 = vector.shape_cast %swap3A_2937 : vector<16xi32> to vector<16xi32>
      %swap3A_2939 = vector.shape_cast %broadcast_in_dim3A_2935 : vector<16xi32> to vector<16xi32>
      tpu.vector_store %arg9[%swap3A_2936], %swap3A_2939 {strides = array<i32>} : memref<144xi32, #tpu.memory_space<vmem>>, vector<16xi32>,
    } else {
    }
    %add3A_1447 = arith.addi %add3A_1427, %squeeze3A_1432 : i32
    %sub3A_1448 = arith.constant 1 : i32
    %sub3A_1449 = arith.subi %sub3A_1448, %squeeze3A_1432 : i32
    %add3A_1450 = arith.addi %add3A_1430, %sub3A_1449 : i32
    %slice3A_1451 = vector.extract_strided_slice %select_n3A_1350 {offsets = [5], sizes = [1], strides = [1]} : vector<16xi32> to vector<1xi32>
    %squeeze3A_1452 = vector.extract %slice3A_1451[0] : i32 from vector<1xi32>
    %add3A_1453 = arith.constant 64 : i32
    %add3A_1454 = arith.addi %mul3A_2, %add3A_1453 : i32
    %add3A_1455 = arith.constant 5 : i32
    %add3A_1456 = arith.addi %add3A_1454, %add3A_1455 : i32
    %gt3A_1457 = arith.constant 0 : i32
    %gt3A_1458 = arith.cmpi sgt, %squeeze3A_1452, %gt3A_1457 : i32
    %convert_element_type3A_1459 = arith.extui %gt3A_1458 : i1 to i32
    %cond3A_1460 = arith.constant 0 : i32
    %cond3A_1461 = arith.cmpi ne, %convert_element_type3A_1459, %cond3A_1460 : i32
    scf.if %cond3A_1461 {
      %broadcast_in_dim3A_2935 = vector.broadcast %add3A_1456 : i32 to vector<16xi32>
      %swap3A_2936 = arith.index_cast %add3A_1447 : i32 to index
      %swap3A_2937 = tpu.vector_load %arg8[%swap3A_2936] {strides = array<i32>} : memref<144xi32, #tpu.memory_space<vmem>>, vector<16xi32>,
      %swap3A_2938 = vector.shape_cast %swap3A_2937 : vector<16xi32> to vector<16xi32>
      %swap3A_2939 = vector.shape_cast %broadcast_in_dim3A_2935 : vector<16xi32> to vector<16xi32>
      tpu.vector_store %arg8[%swap3A_2936], %swap3A_2939 {strides = array<i32>} : memref<144xi32, #tpu.memory_space<vmem>>, vector<16xi32>,
    } else {
    }
    %eq3A_1462 = arith.constant 0 : i32
    %eq3A_1463 = arith.cmpi eq, %squeeze3A_1452, %eq3A_1462 : i32
    %convert_element_type3A_1464 = arith.extui %eq3A_1463 : i1 to i32
    %cond3A_1465 = arith.constant 0 : i32
    %cond3A_1466 = arith.cmpi ne, %convert_element_type3A_1464, %cond3A_1465 : i32
    scf.if %cond3A_1466 {
      %broadcast_in_dim3A_2935 = vector.broadcast %add3A_1456 : i32 to vector<16xi32>
      %swap3A_2936 = arith.index_cast %add3A_1450 : i32 to index
      %swap3A_2937 = tpu.vector_load %arg9[%swap3A_2936] {strides = array<i32>} : memref<144xi32, #tpu.memory_space<vmem>>, vector<16xi32>,
      %swap3A_2938 = vector.shape_cast %swap3A_2937 : vector<16xi32> to vector<16xi32>
      %swap3A_2939 = vector.shape_cast %broadcast_in_dim3A_2935 : vector<16xi32> to vector<16xi32>
      tpu.vector_store %arg9[%swap3A_2936], %swap3A_2939 {strides = array<i32>} : memref<144xi32, #tpu.memory_space<vmem>>, vector<16xi32>,
    } else {
    }
    %add3A_1467 = arith.addi %add3A_1447, %squeeze3A_1452 : i32
    %sub3A_1468 = arith.constant 1 : i32
    %sub3A_1469 = arith.subi %sub3A_1468, %squeeze3A_1452 : i32
    %add3A_1470 = arith.addi %add3A_1450, %sub3A_1469 : i32
    %slice3A_1471 = vector.extract_strided_slice %select_n3A_1350 {offsets = [6], sizes = [1], strides = [1]} : vector<16xi32> to vector<1xi32>
    %squeeze3A_1472 = vector.extract %slice3A_1471[0] : i32 from vector<1xi32>
    %add3A_1473 = arith.constant 64 : i32
    %add3A_1474 = arith.addi %mul3A_2, %add3A_1473 : i32
    %add3A_1475 = arith.constant 6 : i32
    %add3A_1476 = arith.addi %add3A_1474, %add3A_1475 : i32
    %gt3A_1477 = arith.constant 0 : i32
    %gt3A_1478 = arith.cmpi sgt, %squeeze3A_1472, %gt3A_1477 : i32
    %convert_element_type3A_1479 = arith.extui %gt3A_1478 : i1 to i32
    %cond3A_1480 = arith.constant 0 : i32
    %cond3A_1481 = arith.cmpi ne, %convert_element_type3A_1479, %cond3A_1480 : i32
    scf.if %cond3A_1481 {
      %broadcast_in_dim3A_2935 = vector.broadcast %add3A_1476 : i32 to vector<16xi32>
      %swap3A_2936 = arith.index_cast %add3A_1467 : i32 to index
      %swap3A_2937 = tpu.vector_load %arg8[%swap3A_2936] {strides = array<i32>} : memref<144xi32, #tpu.memory_space<vmem>>, vector<16xi32>,
      %swap3A_2938 = vector.shape_cast %swap3A_2937 : vector<16xi32> to vector<16xi32>
      %swap3A_2939 = vector.shape_cast %broadcast_in_dim3A_2935 : vector<16xi32> to vector<16xi32>
      tpu.vector_store %arg8[%swap3A_2936], %swap3A_2939 {strides = array<i32>} : memref<144xi32, #tpu.memory_space<vmem>>, vector<16xi32>,
    } else {
    }
    %eq3A_1482 = arith.constant 0 : i32
    %eq3A_1483 = arith.cmpi eq, %squeeze3A_1472, %eq3A_1482 : i32
    %convert_element_type3A_1484 = arith.extui %eq3A_1483 : i1 to i32
    %cond3A_1485 = arith.constant 0 : i32
    %cond3A_1486 = arith.cmpi ne, %convert_element_type3A_1484, %cond3A_1485 : i32
    scf.if %cond3A_1486 {
      %broadcast_in_dim3A_2935 = vector.broadcast %add3A_1476 : i32 to vector<16xi32>
      %swap3A_2936 = arith.index_cast %add3A_1470 : i32 to index
      %swap3A_2937 = tpu.vector_load %arg9[%swap3A_2936] {strides = array<i32>} : memref<144xi32, #tpu.memory_space<vmem>>, vector<16xi32>,
      %swap3A_2938 = vector.shape_cast %swap3A_2937 : vector<16xi32> to vector<16xi32>
      %swap3A_2939 = vector.shape_cast %broadcast_in_dim3A_2935 : vector<16xi32> to vector<16xi32>
      tpu.vector_store %arg9[%swap3A_2936], %swap3A_2939 {strides = array<i32>} : memref<144xi32, #tpu.memory_space<vmem>>, vector<16xi32>,
    } else {
    }
    %add3A_1487 = arith.addi %add3A_1467, %squeeze3A_1472 : i32
    %sub3A_1488 = arith.constant 1 : i32
    %sub3A_1489 = arith.subi %sub3A_1488, %squeeze3A_1472 : i32
    %add3A_1490 = arith.addi %add3A_1470, %sub3A_1489 : i32
    %slice3A_1491 = vector.extract_strided_slice %select_n3A_1350 {offsets = [7], sizes = [1], strides = [1]} : vector<16xi32> to vector<1xi32>
    %squeeze3A_1492 = vector.extract %slice3A_1491[0] : i32 from vector<1xi32>
    %add3A_1493 = arith.constant 64 : i32
    %add3A_1494 = arith.addi %mul3A_2, %add3A_1493 : i32
    %add3A_1495 = arith.constant 7 : i32
    %add3A_1496 = arith.addi %add3A_1494, %add3A_1495 : i32
    %gt3A_1497 = arith.constant 0 : i32
    %gt3A_1498 = arith.cmpi sgt, %squeeze3A_1492, %gt3A_1497 : i32
    %convert_element_type3A_1499 = arith.extui %gt3A_1498 : i1 to i32
    %cond3A_1500 = arith.constant 0 : i32
    %cond3A_1501 = arith.cmpi ne, %convert_element_type3A_1499, %cond3A_1500 : i32
    scf.if %cond3A_1501 {
      %broadcast_in_dim3A_2935 = vector.broadcast %add3A_1496 : i32 to vector<16xi32>
      %swap3A_2936 = arith.index_cast %add3A_1487 : i32 to index
      %swap3A_2937 = tpu.vector_load %arg8[%swap3A_2936] {strides = array<i32>} : memref<144xi32, #tpu.memory_space<vmem>>, vector<16xi32>,
      %swap3A_2938 = vector.shape_cast %swap3A_2937 : vector<16xi32> to vector<16xi32>
      %swap3A_2939 = vector.shape_cast %broadcast_in_dim3A_2935 : vector<16xi32> to vector<16xi32>
      tpu.vector_store %arg8[%swap3A_2936], %swap3A_2939 {strides = array<i32>} : memref<144xi32, #tpu.memory_space<vmem>>, vector<16xi32>,
    } else {
    }
    %eq3A_1502 = arith.constant 0 : i32
    %eq3A_1503 = arith.cmpi eq, %squeeze3A_1492, %eq3A_1502 : i32
    %convert_element_type3A_1504 = arith.extui %eq3A_1503 : i1 to i32
    %cond3A_1505 = arith.constant 0 : i32
    %cond3A_1506 = arith.cmpi ne, %convert_element_type3A_1504, %cond3A_1505 : i32
    scf.if %cond3A_1506 {
      %broadcast_in_dim3A_2935 = vector.broadcast %add3A_1496 : i32 to vector<16xi32>
      %swap3A_2936 = arith.index_cast %add3A_1490 : i32 to index
      %swap3A_2937 = tpu.vector_load %arg9[%swap3A_2936] {strides = array<i32>} : memref<144xi32, #tpu.memory_space<vmem>>, vector<16xi32>,
      %swap3A_2938 = vector.shape_cast %swap3A_2937 : vector<16xi32> to vector<16xi32>
      %swap3A_2939 = vector.shape_cast %broadcast_in_dim3A_2935 : vector<16xi32> to vector<16xi32>
      tpu.vector_store %arg9[%swap3A_2936], %swap3A_2939 {strides = array<i32>} : memref<144xi32, #tpu.memory_space<vmem>>, vector<16xi32>,
    } else {
    }
    %add3A_1507 = arith.addi %add3A_1487, %squeeze3A_1492 : i32
    %sub3A_1508 = arith.constant 1 : i32
    %sub3A_1509 = arith.subi %sub3A_1508, %squeeze3A_1492 : i32
    %add3A_1510 = arith.addi %add3A_1490, %sub3A_1509 : i32
    %slice3A_1511 = vector.extract_strided_slice %select_n3A_1350 {offsets = [8], sizes = [1], strides = [1]} : vector<16xi32> to vector<1xi32>
    %squeeze3A_1512 = vector.extract %slice3A_1511[0] : i32 from vector<1xi32>
    %add3A_1513 = arith.constant 64 : i32
    %add3A_1514 = arith.addi %mul3A_2, %add3A_1513 : i32
    %add3A_1515 = arith.constant 8 : i32
    %add3A_1516 = arith.addi %add3A_1514, %add3A_1515 : i32
    %gt3A_1517 = arith.constant 0 : i32
    %gt3A_1518 = arith.cmpi sgt, %squeeze3A_1512, %gt3A_1517 : i32
    %convert_element_type3A_1519 = arith.extui %gt3A_1518 : i1 to i32
    %cond3A_1520 = arith.constant 0 : i32
    %cond3A_1521 = arith.cmpi ne, %convert_element_type3A_1519, %cond3A_1520 : i32
    scf.if %cond3A_1521 {
      %broadcast_in_dim3A_2935 = vector.broadcast %add3A_1516 : i32 to vector<16xi32>
      %swap3A_2936 = arith.index_cast %add3A_1507 : i32 to index
      %swap3A_2937 = tpu.vector_load %arg8[%swap3A_2936] {strides = array<i32>} : memref<144xi32, #tpu.memory_space<vmem>>, vector<16xi32>,
      %swap3A_2938 = vector.shape_cast %swap3A_2937 : vector<16xi32> to vector<16xi32>
      %swap3A_2939 = vector.shape_cast %broadcast_in_dim3A_2935 : vector<16xi32> to vector<16xi32>
      tpu.vector_store %arg8[%swap3A_2936], %swap3A_2939 {strides = array<i32>} : memref<144xi32, #tpu.memory_space<vmem>>, vector<16xi32>,
    } else {
    }
    %eq3A_1522 = arith.constant 0 : i32
    %eq3A_1523 = arith.cmpi eq, %squeeze3A_1512, %eq3A_1522 : i32
    %convert_element_type3A_1524 = arith.extui %eq3A_1523 : i1 to i32
    %cond3A_1525 = arith.constant 0 : i32
    %cond3A_1526 = arith.cmpi ne, %convert_element_type3A_1524, %cond3A_1525 : i32
    scf.if %cond3A_1526 {
      %broadcast_in_dim3A_2935 = vector.broadcast %add3A_1516 : i32 to vector<16xi32>
      %swap3A_2936 = arith.index_cast %add3A_1510 : i32 to index
      %swap3A_2937 = tpu.vector_load %arg9[%swap3A_2936] {strides = array<i32>} : memref<144xi32, #tpu.memory_space<vmem>>, vector<16xi32>,
      %swap3A_2938 = vector.shape_cast %swap3A_2937 : vector<16xi32> to vector<16xi32>
      %swap3A_2939 = vector.shape_cast %broadcast_in_dim3A_2935 : vector<16xi32> to vector<16xi32>
      tpu.vector_store %arg9[%swap3A_2936], %swap3A_2939 {strides = array<i32>} : memref<144xi32, #tpu.memory_space<vmem>>, vector<16xi32>,
    } else {
    }
    %add3A_1527 = arith.addi %add3A_1507, %squeeze3A_1512 : i32
    %sub3A_1528 = arith.constant 1 : i32
    %sub3A_1529 = arith.subi %sub3A_1528, %squeeze3A_1512 : i32
    %add3A_1530 = arith.addi %add3A_1510, %sub3A_1529 : i32
    %slice3A_1531 = vector.extract_strided_slice %select_n3A_1350 {offsets = [9], sizes = [1], strides = [1]} : vector<16xi32> to vector<1xi32>
    %squeeze3A_1532 = vector.extract %slice3A_1531[0] : i32 from vector<1xi32>
    %add3A_1533 = arith.constant 64 : i32
    %add3A_1534 = arith.addi %mul3A_2, %add3A_1533 : i32
    %add3A_1535 = arith.constant 9 : i32
    %add3A_1536 = arith.addi %add3A_1534, %add3A_1535 : i32
    %gt3A_1537 = arith.constant 0 : i32
    %gt3A_1538 = arith.cmpi sgt, %squeeze3A_1532, %gt3A_1537 : i32
    %convert_element_type3A_1539 = arith.extui %gt3A_1538 : i1 to i32
    %cond3A_1540 = arith.constant 0 : i32
    %cond3A_1541 = arith.cmpi ne, %convert_element_type3A_1539, %cond3A_1540 : i32
    scf.if %cond3A_1541 {
      %broadcast_in_dim3A_2935 = vector.broadcast %add3A_1536 : i32 to vector<16xi32>
      %swap3A_2936 = arith.index_cast %add3A_1527 : i32 to index
      %swap3A_2937 = tpu.vector_load %arg8[%swap3A_2936] {strides = array<i32>} : memref<144xi32, #tpu.memory_space<vmem>>, vector<16xi32>,
      %swap3A_2938 = vector.shape_cast %swap3A_2937 : vector<16xi32> to vector<16xi32>
      %swap3A_2939 = vector.shape_cast %broadcast_in_dim3A_2935 : vector<16xi32> to vector<16xi32>
      tpu.vector_store %arg8[%swap3A_2936], %swap3A_2939 {strides = array<i32>} : memref<144xi32, #tpu.memory_space<vmem>>, vector<16xi32>,
    } else {
    }
    %eq3A_1542 = arith.constant 0 : i32
    %eq3A_1543 = arith.cmpi eq, %squeeze3A_1532, %eq3A_1542 : i32
    %convert_element_type3A_1544 = arith.extui %eq3A_1543 : i1 to i32
    %cond3A_1545 = arith.constant 0 : i32
    %cond3A_1546 = arith.cmpi ne, %convert_element_type3A_1544, %cond3A_1545 : i32
    scf.if %cond3A_1546 {
      %broadcast_in_dim3A_2935 = vector.broadcast %add3A_1536 : i32 to vector<16xi32>
      %swap3A_2936 = arith.index_cast %add3A_1530 : i32 to index
      %swap3A_2937 = tpu.vector_load %arg9[%swap3A_2936] {strides = array<i32>} : memref<144xi32, #tpu.memory_space<vmem>>, vector<16xi32>,
      %swap3A_2938 = vector.shape_cast %swap3A_2937 : vector<16xi32> to vector<16xi32>
      %swap3A_2939 = vector.shape_cast %broadcast_in_dim3A_2935 : vector<16xi32> to vector<16xi32>
      tpu.vector_store %arg9[%swap3A_2936], %swap3A_2939 {strides = array<i32>} : memref<144xi32, #tpu.memory_space<vmem>>, vector<16xi32>,
    } else {
    }
    %add3A_1547 = arith.addi %add3A_1527, %squeeze3A_1532 : i32
    %sub3A_1548 = arith.constant 1 : i32
    %sub3A_1549 = arith.subi %sub3A_1548, %squeeze3A_1532 : i32
    %add3A_1550 = arith.addi %add3A_1530, %sub3A_1549 : i32
    %slice3A_1551 = vector.extract_strided_slice %select_n3A_1350 {offsets = [10], sizes = [1], strides = [1]} : vector<16xi32> to vector<1xi32>
    %squeeze3A_1552 = vector.extract %slice3A_1551[0] : i32 from vector<1xi32>
    %add3A_1553 = arith.constant 64 : i32
    %add3A_1554 = arith.addi %mul3A_2, %add3A_1553 : i32
    %add3A_1555 = arith.constant 10 : i32
    %add3A_1556 = arith.addi %add3A_1554, %add3A_1555 : i32
    %gt3A_1557 = arith.constant 0 : i32
    %gt3A_1558 = arith.cmpi sgt, %squeeze3A_1552, %gt3A_1557 : i32
    %convert_element_type3A_1559 = arith.extui %gt3A_1558 : i1 to i32
    %cond3A_1560 = arith.constant 0 : i32
    %cond3A_1561 = arith.cmpi ne, %convert_element_type3A_1559, %cond3A_1560 : i32
    scf.if %cond3A_1561 {
      %broadcast_in_dim3A_2935 = vector.broadcast %add3A_1556 : i32 to vector<16xi32>
      %swap3A_2936 = arith.index_cast %add3A_1547 : i32 to index
      %swap3A_2937 = tpu.vector_load %arg8[%swap3A_2936] {strides = array<i32>} : memref<144xi32, #tpu.memory_space<vmem>>, vector<16xi32>,
      %swap3A_2938 = vector.shape_cast %swap3A_2937 : vector<16xi32> to vector<16xi32>
      %swap3A_2939 = vector.shape_cast %broadcast_in_dim3A_2935 : vector<16xi32> to vector<16xi32>
      tpu.vector_store %arg8[%swap3A_2936], %swap3A_2939 {strides = array<i32>} : memref<144xi32, #tpu.memory_space<vmem>>, vector<16xi32>,
    } else {
    }
    %eq3A_1562 = arith.constant 0 : i32
    %eq3A_1563 = arith.cmpi eq, %squeeze3A_1552, %eq3A_1562 : i32
    %convert_element_type3A_1564 = arith.extui %eq3A_1563 : i1 to i32
    %cond3A_1565 = arith.constant 0 : i32
    %cond3A_1566 = arith.cmpi ne, %convert_element_type3A_1564, %cond3A_1565 : i32
    scf.if %cond3A_1566 {
      %broadcast_in_dim3A_2935 = vector.broadcast %add3A_1556 : i32 to vector<16xi32>
      %swap3A_2936 = arith.index_cast %add3A_1550 : i32 to index
      %swap3A_2937 = tpu.vector_load %arg9[%swap3A_2936] {strides = array<i32>} : memref<144xi32, #tpu.memory_space<vmem>>, vector<16xi32>,
      %swap3A_2938 = vector.shape_cast %swap3A_2937 : vector<16xi32> to vector<16xi32>
      %swap3A_2939 = vector.shape_cast %broadcast_in_dim3A_2935 : vector<16xi32> to vector<16xi32>
      tpu.vector_store %arg9[%swap3A_2936], %swap3A_2939 {strides = array<i32>} : memref<144xi32, #tpu.memory_space<vmem>>, vector<16xi32>,
    } else {
    }
    %add3A_1567 = arith.addi %add3A_1547, %squeeze3A_1552 : i32
    %sub3A_1568 = arith.constant 1 : i32
    %sub3A_1569 = arith.subi %sub3A_1568, %squeeze3A_1552 : i32
    %add3A_1570 = arith.addi %add3A_1550, %sub3A_1569 : i32
    %slice3A_1571 = vector.extract_strided_slice %select_n3A_1350 {offsets = [11], sizes = [1], strides = [1]} : vector<16xi32> to vector<1xi32>
    %squeeze3A_1572 = vector.extract %slice3A_1571[0] : i32 from vector<1xi32>
    %add3A_1573 = arith.constant 64 : i32
    %add3A_1574 = arith.addi %mul3A_2, %add3A_1573 : i32
    %add3A_1575 = arith.constant 11 : i32
    %add3A_1576 = arith.addi %add3A_1574, %add3A_1575 : i32
    %gt3A_1577 = arith.constant 0 : i32
    %gt3A_1578 = arith.cmpi sgt, %squeeze3A_1572, %gt3A_1577 : i32
    %convert_element_type3A_1579 = arith.extui %gt3A_1578 : i1 to i32
    %cond3A_1580 = arith.constant 0 : i32
    %cond3A_1581 = arith.cmpi ne, %convert_element_type3A_1579, %cond3A_1580 : i32
    scf.if %cond3A_1581 {
      %broadcast_in_dim3A_2935 = vector.broadcast %add3A_1576 : i32 to vector<16xi32>
      %swap3A_2936 = arith.index_cast %add3A_1567 : i32 to index
      %swap3A_2937 = tpu.vector_load %arg8[%swap3A_2936] {strides = array<i32>} : memref<144xi32, #tpu.memory_space<vmem>>, vector<16xi32>,
      %swap3A_2938 = vector.shape_cast %swap3A_2937 : vector<16xi32> to vector<16xi32>
      %swap3A_2939 = vector.shape_cast %broadcast_in_dim3A_2935 : vector<16xi32> to vector<16xi32>
      tpu.vector_store %arg8[%swap3A_2936], %swap3A_2939 {strides = array<i32>} : memref<144xi32, #tpu.memory_space<vmem>>, vector<16xi32>,
    } else {
    }
    %eq3A_1582 = arith.constant 0 : i32
    %eq3A_1583 = arith.cmpi eq, %squeeze3A_1572, %eq3A_1582 : i32
    %convert_element_type3A_1584 = arith.extui %eq3A_1583 : i1 to i32
    %cond3A_1585 = arith.constant 0 : i32
    %cond3A_1586 = arith.cmpi ne, %convert_element_type3A_1584, %cond3A_1585 : i32
    scf.if %cond3A_1586 {
      %broadcast_in_dim3A_2935 = vector.broadcast %add3A_1576 : i32 to vector<16xi32>
      %swap3A_2936 = arith.index_cast %add3A_1570 : i32 to index
      %swap3A_2937 = tpu.vector_load %arg9[%swap3A_2936] {strides = array<i32>} : memref<144xi32, #tpu.memory_space<vmem>>, vector<16xi32>,
      %swap3A_2938 = vector.shape_cast %swap3A_2937 : vector<16xi32> to vector<16xi32>
      %swap3A_2939 = vector.shape_cast %broadcast_in_dim3A_2935 : vector<16xi32> to vector<16xi32>
      tpu.vector_store %arg9[%swap3A_2936], %swap3A_2939 {strides = array<i32>} : memref<144xi32, #tpu.memory_space<vmem>>, vector<16xi32>,
    } else {
    }
    %add3A_1587 = arith.addi %add3A_1567, %squeeze3A_1572 : i32
    %sub3A_1588 = arith.constant 1 : i32
    %sub3A_1589 = arith.subi %sub3A_1588, %squeeze3A_1572 : i32
    %add3A_1590 = arith.addi %add3A_1570, %sub3A_1589 : i32
    %slice3A_1591 = vector.extract_strided_slice %select_n3A_1350 {offsets = [12], sizes = [1], strides = [1]} : vector<16xi32> to vector<1xi32>
    %squeeze3A_1592 = vector.extract %slice3A_1591[0] : i32 from vector<1xi32>
    %add3A_1593 = arith.constant 64 : i32
    %add3A_1594 = arith.addi %mul3A_2, %add3A_1593 : i32
    %add3A_1595 = arith.constant 12 : i32
    %add3A_1596 = arith.addi %add3A_1594, %add3A_1595 : i32
    %gt3A_1597 = arith.constant 0 : i32
    %gt3A_1598 = arith.cmpi sgt, %squeeze3A_1592, %gt3A_1597 : i32
    %convert_element_type3A_1599 = arith.extui %gt3A_1598 : i1 to i32
    %cond3A_1600 = arith.constant 0 : i32
    %cond3A_1601 = arith.cmpi ne, %convert_element_type3A_1599, %cond3A_1600 : i32
    scf.if %cond3A_1601 {
      %broadcast_in_dim3A_2935 = vector.broadcast %add3A_1596 : i32 to vector<16xi32>
      %swap3A_2936 = arith.index_cast %add3A_1587 : i32 to index
      %swap3A_2937 = tpu.vector_load %arg8[%swap3A_2936] {strides = array<i32>} : memref<144xi32, #tpu.memory_space<vmem>>, vector<16xi32>,
      %swap3A_2938 = vector.shape_cast %swap3A_2937 : vector<16xi32> to vector<16xi32>
      %swap3A_2939 = vector.shape_cast %broadcast_in_dim3A_2935 : vector<16xi32> to vector<16xi32>
      tpu.vector_store %arg8[%swap3A_2936], %swap3A_2939 {strides = array<i32>} : memref<144xi32, #tpu.memory_space<vmem>>, vector<16xi32>,
    } else {
    }
    %eq3A_1602 = arith.constant 0 : i32
    %eq3A_1603 = arith.cmpi eq, %squeeze3A_1592, %eq3A_1602 : i32
    %convert_element_type3A_1604 = arith.extui %eq3A_1603 : i1 to i32
    %cond3A_1605 = arith.constant 0 : i32
    %cond3A_1606 = arith.cmpi ne, %convert_element_type3A_1604, %cond3A_1605 : i32
    scf.if %cond3A_1606 {
      %broadcast_in_dim3A_2935 = vector.broadcast %add3A_1596 : i32 to vector<16xi32>
      %swap3A_2936 = arith.index_cast %add3A_1590 : i32 to index
      %swap3A_2937 = tpu.vector_load %arg9[%swap3A_2936] {strides = array<i32>} : memref<144xi32, #tpu.memory_space<vmem>>, vector<16xi32>,
      %swap3A_2938 = vector.shape_cast %swap3A_2937 : vector<16xi32> to vector<16xi32>
      %swap3A_2939 = vector.shape_cast %broadcast_in_dim3A_2935 : vector<16xi32> to vector<16xi32>
      tpu.vector_store %arg9[%swap3A_2936], %swap3A_2939 {strides = array<i32>} : memref<144xi32, #tpu.memory_space<vmem>>, vector<16xi32>,
    } else {
    }
    %add3A_1607 = arith.addi %add3A_1587, %squeeze3A_1592 : i32
    %sub3A_1608 = arith.constant 1 : i32
    %sub3A_1609 = arith.subi %sub3A_1608, %squeeze3A_1592 : i32
    %add3A_1610 = arith.addi %add3A_1590, %sub3A_1609 : i32
    %slice3A_1611 = vector.extract_strided_slice %select_n3A_1350 {offsets = [13], sizes = [1], strides = [1]} : vector<16xi32> to vector<1xi32>
    %squeeze3A_1612 = vector.extract %slice3A_1611[0] : i32 from vector<1xi32>
    %add3A_1613 = arith.constant 64 : i32
    %add3A_1614 = arith.addi %mul3A_2, %add3A_1613 : i32
    %add3A_1615 = arith.constant 13 : i32
    %add3A_1616 = arith.addi %add3A_1614, %add3A_1615 : i32
    %gt3A_1617 = arith.constant 0 : i32
    %gt3A_1618 = arith.cmpi sgt, %squeeze3A_1612, %gt3A_1617 : i32
    %convert_element_type3A_1619 = arith.extui %gt3A_1618 : i1 to i32
    %cond3A_1620 = arith.constant 0 : i32
    %cond3A_1621 = arith.cmpi ne, %convert_element_type3A_1619, %cond3A_1620 : i32
    scf.if %cond3A_1621 {
      %broadcast_in_dim3A_2935 = vector.broadcast %add3A_1616 : i32 to vector<16xi32>
      %swap3A_2936 = arith.index_cast %add3A_1607 : i32 to index
      %swap3A_2937 = tpu.vector_load %arg8[%swap3A_2936] {strides = array<i32>} : memref<144xi32, #tpu.memory_space<vmem>>, vector<16xi32>,
      %swap3A_2938 = vector.shape_cast %swap3A_2937 : vector<16xi32> to vector<16xi32>
      %swap3A_2939 = vector.shape_cast %broadcast_in_dim3A_2935 : vector<16xi32> to vector<16xi32>
      tpu.vector_store %arg8[%swap3A_2936], %swap3A_2939 {strides = array<i32>} : memref<144xi32, #tpu.memory_space<vmem>>, vector<16xi32>,
    } else {
    }
    %eq3A_1622 = arith.constant 0 : i32
    %eq3A_1623 = arith.cmpi eq, %squeeze3A_1612, %eq3A_1622 : i32
    %convert_element_type3A_1624 = arith.extui %eq3A_1623 : i1 to i32
    %cond3A_1625 = arith.constant 0 : i32
    %cond3A_1626 = arith.cmpi ne, %convert_element_type3A_1624, %cond3A_1625 : i32
    scf.if %cond3A_1626 {
      %broadcast_in_dim3A_2935 = vector.broadcast %add3A_1616 : i32 to vector<16xi32>
      %swap3A_2936 = arith.index_cast %add3A_1610 : i32 to index
      %swap3A_2937 = tpu.vector_load %arg9[%swap3A_2936] {strides = array<i32>} : memref<144xi32, #tpu.memory_space<vmem>>, vector<16xi32>,
      %swap3A_2938 = vector.shape_cast %swap3A_2937 : vector<16xi32> to vector<16xi32>
      %swap3A_2939 = vector.shape_cast %broadcast_in_dim3A_2935 : vector<16xi32> to vector<16xi32>
      tpu.vector_store %arg9[%swap3A_2936], %swap3A_2939 {strides = array<i32>} : memref<144xi32, #tpu.memory_space<vmem>>, vector<16xi32>,
    } else {
    }
    %add3A_1627 = arith.addi %add3A_1607, %squeeze3A_1612 : i32
    %sub3A_1628 = arith.constant 1 : i32
    %sub3A_1629 = arith.subi %sub3A_1628, %squeeze3A_1612 : i32
    %add3A_1630 = arith.addi %add3A_1610, %sub3A_1629 : i32
    %slice3A_1631 = vector.extract_strided_slice %select_n3A_1350 {offsets = [14], sizes = [1], strides = [1]} : vector<16xi32> to vector<1xi32>
    %squeeze3A_1632 = vector.extract %slice3A_1631[0] : i32 from vector<1xi32>
    %add3A_1633 = arith.constant 64 : i32
    %add3A_1634 = arith.addi %mul3A_2, %add3A_1633 : i32
    %add3A_1635 = arith.constant 14 : i32
    %add3A_1636 = arith.addi %add3A_1634, %add3A_1635 : i32
    %gt3A_1637 = arith.constant 0 : i32
    %gt3A_1638 = arith.cmpi sgt, %squeeze3A_1632, %gt3A_1637 : i32
    %convert_element_type3A_1639 = arith.extui %gt3A_1638 : i1 to i32
    %cond3A_1640 = arith.constant 0 : i32
    %cond3A_1641 = arith.cmpi ne, %convert_element_type3A_1639, %cond3A_1640 : i32
    scf.if %cond3A_1641 {
      %broadcast_in_dim3A_2935 = vector.broadcast %add3A_1636 : i32 to vector<16xi32>
      %swap3A_2936 = arith.index_cast %add3A_1627 : i32 to index
      %swap3A_2937 = tpu.vector_load %arg8[%swap3A_2936] {strides = array<i32>} : memref<144xi32, #tpu.memory_space<vmem>>, vector<16xi32>,
      %swap3A_2938 = vector.shape_cast %swap3A_2937 : vector<16xi32> to vector<16xi32>
      %swap3A_2939 = vector.shape_cast %broadcast_in_dim3A_2935 : vector<16xi32> to vector<16xi32>
      tpu.vector_store %arg8[%swap3A_2936], %swap3A_2939 {strides = array<i32>} : memref<144xi32, #tpu.memory_space<vmem>>, vector<16xi32>,
    } else {
    }
    %eq3A_1642 = arith.constant 0 : i32
    %eq3A_1643 = arith.cmpi eq, %squeeze3A_1632, %eq3A_1642 : i32
    %convert_element_type3A_1644 = arith.extui %eq3A_1643 : i1 to i32
    %cond3A_1645 = arith.constant 0 : i32
    %cond3A_1646 = arith.cmpi ne, %convert_element_type3A_1644, %cond3A_1645 : i32
    scf.if %cond3A_1646 {
      %broadcast_in_dim3A_2935 = vector.broadcast %add3A_1636 : i32 to vector<16xi32>
      %swap3A_2936 = arith.index_cast %add3A_1630 : i32 to index
      %swap3A_2937 = tpu.vector_load %arg9[%swap3A_2936] {strides = array<i32>} : memref<144xi32, #tpu.memory_space<vmem>>, vector<16xi32>,
      %swap3A_2938 = vector.shape_cast %swap3A_2937 : vector<16xi32> to vector<16xi32>
      %swap3A_2939 = vector.shape_cast %broadcast_in_dim3A_2935 : vector<16xi32> to vector<16xi32>
      tpu.vector_store %arg9[%swap3A_2936], %swap3A_2939 {strides = array<i32>} : memref<144xi32, #tpu.memory_space<vmem>>, vector<16xi32>,
    } else {
    }
    %add3A_1647 = arith.addi %add3A_1627, %squeeze3A_1632 : i32
    %sub3A_1648 = arith.constant 1 : i32
    %sub3A_1649 = arith.subi %sub3A_1648, %squeeze3A_1632 : i32
    %add3A_1650 = arith.addi %add3A_1630, %sub3A_1649 : i32
    %slice3A_1651 = vector.extract_strided_slice %select_n3A_1350 {offsets = [15], sizes = [1], strides = [1]} : vector<16xi32> to vector<1xi32>
    %squeeze3A_1652 = vector.extract %slice3A_1651[0] : i32 from vector<1xi32>
    %add3A_1653 = arith.constant 64 : i32
    %add3A_1654 = arith.addi %mul3A_2, %add3A_1653 : i32
    %add3A_1655 = arith.constant 15 : i32
    %add3A_1656 = arith.addi %add3A_1654, %add3A_1655 : i32
    %gt3A_1657 = arith.constant 0 : i32
    %gt3A_1658 = arith.cmpi sgt, %squeeze3A_1652, %gt3A_1657 : i32
    %convert_element_type3A_1659 = arith.extui %gt3A_1658 : i1 to i32
    %cond3A_1660 = arith.constant 0 : i32
    %cond3A_1661 = arith.cmpi ne, %convert_element_type3A_1659, %cond3A_1660 : i32
    scf.if %cond3A_1661 {
      %broadcast_in_dim3A_2935 = vector.broadcast %add3A_1656 : i32 to vector<16xi32>
      %swap3A_2936 = arith.index_cast %add3A_1647 : i32 to index
      %swap3A_2937 = tpu.vector_load %arg8[%swap3A_2936] {strides = array<i32>} : memref<144xi32, #tpu.memory_space<vmem>>, vector<16xi32>,
      %swap3A_2938 = vector.shape_cast %swap3A_2937 : vector<16xi32> to vector<16xi32>
      %swap3A_2939 = vector.shape_cast %broadcast_in_dim3A_2935 : vector<16xi32> to vector<16xi32>
      tpu.vector_store %arg8[%swap3A_2936], %swap3A_2939 {strides = array<i32>} : memref<144xi32, #tpu.memory_space<vmem>>, vector<16xi32>,
    } else {
    }
    %eq3A_1662 = arith.constant 0 : i32
    %eq3A_1663 = arith.cmpi eq, %squeeze3A_1652, %eq3A_1662 : i32
    %convert_element_type3A_1664 = arith.extui %eq3A_1663 : i1 to i32
    %cond3A_1665 = arith.constant 0 : i32
    %cond3A_1666 = arith.cmpi ne, %convert_element_type3A_1664, %cond3A_1665 : i32
    scf.if %cond3A_1666 {
      %broadcast_in_dim3A_2935 = vector.broadcast %add3A_1656 : i32 to vector<16xi32>
      %swap3A_2936 = arith.index_cast %add3A_1650 : i32 to index
      %swap3A_2937 = tpu.vector_load %arg9[%swap3A_2936] {strides = array<i32>} : memref<144xi32, #tpu.memory_space<vmem>>, vector<16xi32>,
      %swap3A_2938 = vector.shape_cast %swap3A_2937 : vector<16xi32> to vector<16xi32>
      %swap3A_2939 = vector.shape_cast %broadcast_in_dim3A_2935 : vector<16xi32> to vector<16xi32>
      tpu.vector_store %arg9[%swap3A_2936], %swap3A_2939 {strides = array<i32>} : memref<144xi32, #tpu.memory_space<vmem>>, vector<16xi32>,
    } else {
    }
    %add3A_1667 = arith.addi %add3A_1647, %squeeze3A_1652 : i32
    %sub3A_1668 = arith.constant 1 : i32
    %sub3A_1669 = arith.subi %sub3A_1668, %squeeze3A_1652 : i32
    %add3A_1670 = arith.addi %add3A_1650, %sub3A_1669 : i32
    %get3A_1671 = arith.constant 80 : index
    %get3A_1672 = tpu.vector_load %arg12[%get3A_1671] {strides = array<i32>} : memref<128xf32, #tpu.memory_space<vmem>>, vector<16xf32>,
    %get3A_1673 = vector.shape_cast %get3A_1672 : vector<16xf32> to vector<16xf32>
    %ge3A_1674 = arith.cmpf oge, %get3A_1673, %get3A_36 : vector<16xf32>
    %broadcast_in_dim3A_1675 = arith.constant 1 : i32
    %broadcast_in_dim3A_1676 = vector.broadcast %broadcast_in_dim3A_1675 : i32 to vector<16xi32>
    %select_n3A_1677 = arith.select %ge3A_1674, %broadcast_in_dim3A_1676, %broadcast_in_dim3A_37 : vector<16xi1>, vector<16xi32>
    %slice3A_1678 = vector.extract_strided_slice %select_n3A_1677 {offsets = [0], sizes = [1], strides = [1]} : vector<16xi32> to vector<1xi32>
    %squeeze3A_1679 = vector.extract %slice3A_1678[0] : i32 from vector<1xi32>
    %add3A_1680 = arith.constant 80 : i32
    %add3A_1681 = arith.addi %mul3A_2, %add3A_1680 : i32
    %add3A_1682 = arith.constant 0 : i32
    %add3A_1683 = arith.addi %add3A_1681, %add3A_1682 : i32
    %gt3A_1684 = arith.constant 0 : i32
    %gt3A_1685 = arith.cmpi sgt, %squeeze3A_1679, %gt3A_1684 : i32
    %convert_element_type3A_1686 = arith.extui %gt3A_1685 : i1 to i32
    %cond3A_1687 = arith.constant 0 : i32
    %cond3A_1688 = arith.cmpi ne, %convert_element_type3A_1686, %cond3A_1687 : i32
    scf.if %cond3A_1688 {
      %broadcast_in_dim3A_2935 = vector.broadcast %add3A_1683 : i32 to vector<16xi32>
      %swap3A_2936 = arith.index_cast %add3A_1667 : i32 to index
      %swap3A_2937 = tpu.vector_load %arg8[%swap3A_2936] {strides = array<i32>} : memref<144xi32, #tpu.memory_space<vmem>>, vector<16xi32>,
      %swap3A_2938 = vector.shape_cast %swap3A_2937 : vector<16xi32> to vector<16xi32>
      %swap3A_2939 = vector.shape_cast %broadcast_in_dim3A_2935 : vector<16xi32> to vector<16xi32>
      tpu.vector_store %arg8[%swap3A_2936], %swap3A_2939 {strides = array<i32>} : memref<144xi32, #tpu.memory_space<vmem>>, vector<16xi32>,
    } else {
    }
    %eq3A_1689 = arith.constant 0 : i32
    %eq3A_1690 = arith.cmpi eq, %squeeze3A_1679, %eq3A_1689 : i32
    %convert_element_type3A_1691 = arith.extui %eq3A_1690 : i1 to i32
    %cond3A_1692 = arith.constant 0 : i32
    %cond3A_1693 = arith.cmpi ne, %convert_element_type3A_1691, %cond3A_1692 : i32
    scf.if %cond3A_1693 {
      %broadcast_in_dim3A_2935 = vector.broadcast %add3A_1683 : i32 to vector<16xi32>
      %swap3A_2936 = arith.index_cast %add3A_1670 : i32 to index
      %swap3A_2937 = tpu.vector_load %arg9[%swap3A_2936] {strides = array<i32>} : memref<144xi32, #tpu.memory_space<vmem>>, vector<16xi32>,
      %swap3A_2938 = vector.shape_cast %swap3A_2937 : vector<16xi32> to vector<16xi32>
      %swap3A_2939 = vector.shape_cast %broadcast_in_dim3A_2935 : vector<16xi32> to vector<16xi32>
      tpu.vector_store %arg9[%swap3A_2936], %swap3A_2939 {strides = array<i32>} : memref<144xi32, #tpu.memory_space<vmem>>, vector<16xi32>,
    } else {
    }
    %add3A_1694 = arith.addi %add3A_1667, %squeeze3A_1679 : i32
    %sub3A_1695 = arith.constant 1 : i32
    %sub3A_1696 = arith.subi %sub3A_1695, %squeeze3A_1679 : i32
    %add3A_1697 = arith.addi %add3A_1670, %sub3A_1696 : i32
    %slice3A_1698 = vector.extract_strided_slice %select_n3A_1677 {offsets = [1], sizes = [1], strides = [1]} : vector<16xi32> to vector<1xi32>
    %squeeze3A_1699 = vector.extract %slice3A_1698[0] : i32 from vector<1xi32>
    %add3A_1700 = arith.constant 80 : i32
    %add3A_1701 = arith.addi %mul3A_2, %add3A_1700 : i32
    %add3A_1702 = arith.constant 1 : i32
    %add3A_1703 = arith.addi %add3A_1701, %add3A_1702 : i32
    %gt3A_1704 = arith.constant 0 : i32
    %gt3A_1705 = arith.cmpi sgt, %squeeze3A_1699, %gt3A_1704 : i32
    %convert_element_type3A_1706 = arith.extui %gt3A_1705 : i1 to i32
    %cond3A_1707 = arith.constant 0 : i32
    %cond3A_1708 = arith.cmpi ne, %convert_element_type3A_1706, %cond3A_1707 : i32
    scf.if %cond3A_1708 {
      %broadcast_in_dim3A_2935 = vector.broadcast %add3A_1703 : i32 to vector<16xi32>
      %swap3A_2936 = arith.index_cast %add3A_1694 : i32 to index
      %swap3A_2937 = tpu.vector_load %arg8[%swap3A_2936] {strides = array<i32>} : memref<144xi32, #tpu.memory_space<vmem>>, vector<16xi32>,
      %swap3A_2938 = vector.shape_cast %swap3A_2937 : vector<16xi32> to vector<16xi32>
      %swap3A_2939 = vector.shape_cast %broadcast_in_dim3A_2935 : vector<16xi32> to vector<16xi32>
      tpu.vector_store %arg8[%swap3A_2936], %swap3A_2939 {strides = array<i32>} : memref<144xi32, #tpu.memory_space<vmem>>, vector<16xi32>,
    } else {
    }
    %eq3A_1709 = arith.constant 0 : i32
    %eq3A_1710 = arith.cmpi eq, %squeeze3A_1699, %eq3A_1709 : i32
    %convert_element_type3A_1711 = arith.extui %eq3A_1710 : i1 to i32
    %cond3A_1712 = arith.constant 0 : i32
    %cond3A_1713 = arith.cmpi ne, %convert_element_type3A_1711, %cond3A_1712 : i32
    scf.if %cond3A_1713 {
      %broadcast_in_dim3A_2935 = vector.broadcast %add3A_1703 : i32 to vector<16xi32>
      %swap3A_2936 = arith.index_cast %add3A_1697 : i32 to index
      %swap3A_2937 = tpu.vector_load %arg9[%swap3A_2936] {strides = array<i32>} : memref<144xi32, #tpu.memory_space<vmem>>, vector<16xi32>,
      %swap3A_2938 = vector.shape_cast %swap3A_2937 : vector<16xi32> to vector<16xi32>
      %swap3A_2939 = vector.shape_cast %broadcast_in_dim3A_2935 : vector<16xi32> to vector<16xi32>
      tpu.vector_store %arg9[%swap3A_2936], %swap3A_2939 {strides = array<i32>} : memref<144xi32, #tpu.memory_space<vmem>>, vector<16xi32>,
    } else {
    }
    %add3A_1714 = arith.addi %add3A_1694, %squeeze3A_1699 : i32
    %sub3A_1715 = arith.constant 1 : i32
    %sub3A_1716 = arith.subi %sub3A_1715, %squeeze3A_1699 : i32
    %add3A_1717 = arith.addi %add3A_1697, %sub3A_1716 : i32
    %slice3A_1718 = vector.extract_strided_slice %select_n3A_1677 {offsets = [2], sizes = [1], strides = [1]} : vector<16xi32> to vector<1xi32>
    %squeeze3A_1719 = vector.extract %slice3A_1718[0] : i32 from vector<1xi32>
    %add3A_1720 = arith.constant 80 : i32
    %add3A_1721 = arith.addi %mul3A_2, %add3A_1720 : i32
    %add3A_1722 = arith.constant 2 : i32
    %add3A_1723 = arith.addi %add3A_1721, %add3A_1722 : i32
    %gt3A_1724 = arith.constant 0 : i32
    %gt3A_1725 = arith.cmpi sgt, %squeeze3A_1719, %gt3A_1724 : i32
    %convert_element_type3A_1726 = arith.extui %gt3A_1725 : i1 to i32
    %cond3A_1727 = arith.constant 0 : i32
    %cond3A_1728 = arith.cmpi ne, %convert_element_type3A_1726, %cond3A_1727 : i32
    scf.if %cond3A_1728 {
      %broadcast_in_dim3A_2935 = vector.broadcast %add3A_1723 : i32 to vector<16xi32>
      %swap3A_2936 = arith.index_cast %add3A_1714 : i32 to index
      %swap3A_2937 = tpu.vector_load %arg8[%swap3A_2936] {strides = array<i32>} : memref<144xi32, #tpu.memory_space<vmem>>, vector<16xi32>,
      %swap3A_2938 = vector.shape_cast %swap3A_2937 : vector<16xi32> to vector<16xi32>
      %swap3A_2939 = vector.shape_cast %broadcast_in_dim3A_2935 : vector<16xi32> to vector<16xi32>
      tpu.vector_store %arg8[%swap3A_2936], %swap3A_2939 {strides = array<i32>} : memref<144xi32, #tpu.memory_space<vmem>>, vector<16xi32>,
    } else {
    }
    %eq3A_1729 = arith.constant 0 : i32
    %eq3A_1730 = arith.cmpi eq, %squeeze3A_1719, %eq3A_1729 : i32
    %convert_element_type3A_1731 = arith.extui %eq3A_1730 : i1 to i32
    %cond3A_1732 = arith.constant 0 : i32
    %cond3A_1733 = arith.cmpi ne, %convert_element_type3A_1731, %cond3A_1732 : i32
    scf.if %cond3A_1733 {
      %broadcast_in_dim3A_2935 = vector.broadcast %add3A_1723 : i32 to vector<16xi32>
      %swap3A_2936 = arith.index_cast %add3A_1717 : i32 to index
      %swap3A_2937 = tpu.vector_load %arg9[%swap3A_2936] {strides = array<i32>} : memref<144xi32, #tpu.memory_space<vmem>>, vector<16xi32>,
      %swap3A_2938 = vector.shape_cast %swap3A_2937 : vector<16xi32> to vector<16xi32>
      %swap3A_2939 = vector.shape_cast %broadcast_in_dim3A_2935 : vector<16xi32> to vector<16xi32>
      tpu.vector_store %arg9[%swap3A_2936], %swap3A_2939 {strides = array<i32>} : memref<144xi32, #tpu.memory_space<vmem>>, vector<16xi32>,
    } else {
    }
    %add3A_1734 = arith.addi %add3A_1714, %squeeze3A_1719 : i32
    %sub3A_1735 = arith.constant 1 : i32
    %sub3A_1736 = arith.subi %sub3A_1735, %squeeze3A_1719 : i32
    %add3A_1737 = arith.addi %add3A_1717, %sub3A_1736 : i32
    %slice3A_1738 = vector.extract_strided_slice %select_n3A_1677 {offsets = [3], sizes = [1], strides = [1]} : vector<16xi32> to vector<1xi32>
    %squeeze3A_1739 = vector.extract %slice3A_1738[0] : i32 from vector<1xi32>
    %add3A_1740 = arith.constant 80 : i32
    %add3A_1741 = arith.addi %mul3A_2, %add3A_1740 : i32
    %add3A_1742 = arith.constant 3 : i32
    %add3A_1743 = arith.addi %add3A_1741, %add3A_1742 : i32
    %gt3A_1744 = arith.constant 0 : i32
    %gt3A_1745 = arith.cmpi sgt, %squeeze3A_1739, %gt3A_1744 : i32
    %convert_element_type3A_1746 = arith.extui %gt3A_1745 : i1 to i32
    %cond3A_1747 = arith.constant 0 : i32
    %cond3A_1748 = arith.cmpi ne, %convert_element_type3A_1746, %cond3A_1747 : i32
    scf.if %cond3A_1748 {
      %broadcast_in_dim3A_2935 = vector.broadcast %add3A_1743 : i32 to vector<16xi32>
      %swap3A_2936 = arith.index_cast %add3A_1734 : i32 to index
      %swap3A_2937 = tpu.vector_load %arg8[%swap3A_2936] {strides = array<i32>} : memref<144xi32, #tpu.memory_space<vmem>>, vector<16xi32>,
      %swap3A_2938 = vector.shape_cast %swap3A_2937 : vector<16xi32> to vector<16xi32>
      %swap3A_2939 = vector.shape_cast %broadcast_in_dim3A_2935 : vector<16xi32> to vector<16xi32>
      tpu.vector_store %arg8[%swap3A_2936], %swap3A_2939 {strides = array<i32>} : memref<144xi32, #tpu.memory_space<vmem>>, vector<16xi32>,
    } else {
    }
    %eq3A_1749 = arith.constant 0 : i32
    %eq3A_1750 = arith.cmpi eq, %squeeze3A_1739, %eq3A_1749 : i32
    %convert_element_type3A_1751 = arith.extui %eq3A_1750 : i1 to i32
    %cond3A_1752 = arith.constant 0 : i32
    %cond3A_1753 = arith.cmpi ne, %convert_element_type3A_1751, %cond3A_1752 : i32
    scf.if %cond3A_1753 {
      %broadcast_in_dim3A_2935 = vector.broadcast %add3A_1743 : i32 to vector<16xi32>
      %swap3A_2936 = arith.index_cast %add3A_1737 : i32 to index
      %swap3A_2937 = tpu.vector_load %arg9[%swap3A_2936] {strides = array<i32>} : memref<144xi32, #tpu.memory_space<vmem>>, vector<16xi32>,
      %swap3A_2938 = vector.shape_cast %swap3A_2937 : vector<16xi32> to vector<16xi32>
      %swap3A_2939 = vector.shape_cast %broadcast_in_dim3A_2935 : vector<16xi32> to vector<16xi32>
      tpu.vector_store %arg9[%swap3A_2936], %swap3A_2939 {strides = array<i32>} : memref<144xi32, #tpu.memory_space<vmem>>, vector<16xi32>,
    } else {
    }
    %add3A_1754 = arith.addi %add3A_1734, %squeeze3A_1739 : i32
    %sub3A_1755 = arith.constant 1 : i32
    %sub3A_1756 = arith.subi %sub3A_1755, %squeeze3A_1739 : i32
    %add3A_1757 = arith.addi %add3A_1737, %sub3A_1756 : i32
    %slice3A_1758 = vector.extract_strided_slice %select_n3A_1677 {offsets = [4], sizes = [1], strides = [1]} : vector<16xi32> to vector<1xi32>
    %squeeze3A_1759 = vector.extract %slice3A_1758[0] : i32 from vector<1xi32>
    %add3A_1760 = arith.constant 80 : i32
    %add3A_1761 = arith.addi %mul3A_2, %add3A_1760 : i32
    %add3A_1762 = arith.constant 4 : i32
    %add3A_1763 = arith.addi %add3A_1761, %add3A_1762 : i32
    %gt3A_1764 = arith.constant 0 : i32
    %gt3A_1765 = arith.cmpi sgt, %squeeze3A_1759, %gt3A_1764 : i32
    %convert_element_type3A_1766 = arith.extui %gt3A_1765 : i1 to i32
    %cond3A_1767 = arith.constant 0 : i32
    %cond3A_1768 = arith.cmpi ne, %convert_element_type3A_1766, %cond3A_1767 : i32
    scf.if %cond3A_1768 {
      %broadcast_in_dim3A_2935 = vector.broadcast %add3A_1763 : i32 to vector<16xi32>
      %swap3A_2936 = arith.index_cast %add3A_1754 : i32 to index
      %swap3A_2937 = tpu.vector_load %arg8[%swap3A_2936] {strides = array<i32>} : memref<144xi32, #tpu.memory_space<vmem>>, vector<16xi32>,
      %swap3A_2938 = vector.shape_cast %swap3A_2937 : vector<16xi32> to vector<16xi32>
      %swap3A_2939 = vector.shape_cast %broadcast_in_dim3A_2935 : vector<16xi32> to vector<16xi32>
      tpu.vector_store %arg8[%swap3A_2936], %swap3A_2939 {strides = array<i32>} : memref<144xi32, #tpu.memory_space<vmem>>, vector<16xi32>,
    } else {
    }
    %eq3A_1769 = arith.constant 0 : i32
    %eq3A_1770 = arith.cmpi eq, %squeeze3A_1759, %eq3A_1769 : i32
    %convert_element_type3A_1771 = arith.extui %eq3A_1770 : i1 to i32
    %cond3A_1772 = arith.constant 0 : i32
    %cond3A_1773 = arith.cmpi ne, %convert_element_type3A_1771, %cond3A_1772 : i32
    scf.if %cond3A_1773 {
      %broadcast_in_dim3A_2935 = vector.broadcast %add3A_1763 : i32 to vector<16xi32>
      %swap3A_2936 = arith.index_cast %add3A_1757 : i32 to index
      %swap3A_2937 = tpu.vector_load %arg9[%swap3A_2936] {strides = array<i32>} : memref<144xi32, #tpu.memory_space<vmem>>, vector<16xi32>,
      %swap3A_2938 = vector.shape_cast %swap3A_2937 : vector<16xi32> to vector<16xi32>
      %swap3A_2939 = vector.shape_cast %broadcast_in_dim3A_2935 : vector<16xi32> to vector<16xi32>
      tpu.vector_store %arg9[%swap3A_2936], %swap3A_2939 {strides = array<i32>} : memref<144xi32, #tpu.memory_space<vmem>>, vector<16xi32>,
    } else {
    }
    %add3A_1774 = arith.addi %add3A_1754, %squeeze3A_1759 : i32
    %sub3A_1775 = arith.constant 1 : i32
    %sub3A_1776 = arith.subi %sub3A_1775, %squeeze3A_1759 : i32
    %add3A_1777 = arith.addi %add3A_1757, %sub3A_1776 : i32
    %slice3A_1778 = vector.extract_strided_slice %select_n3A_1677 {offsets = [5], sizes = [1], strides = [1]} : vector<16xi32> to vector<1xi32>
    %squeeze3A_1779 = vector.extract %slice3A_1778[0] : i32 from vector<1xi32>
    %add3A_1780 = arith.constant 80 : i32
    %add3A_1781 = arith.addi %mul3A_2, %add3A_1780 : i32
    %add3A_1782 = arith.constant 5 : i32
    %add3A_1783 = arith.addi %add3A_1781, %add3A_1782 : i32
    %gt3A_1784 = arith.constant 0 : i32
    %gt3A_1785 = arith.cmpi sgt, %squeeze3A_1779, %gt3A_1784 : i32
    %convert_element_type3A_1786 = arith.extui %gt3A_1785 : i1 to i32
    %cond3A_1787 = arith.constant 0 : i32
    %cond3A_1788 = arith.cmpi ne, %convert_element_type3A_1786, %cond3A_1787 : i32
    scf.if %cond3A_1788 {
      %broadcast_in_dim3A_2935 = vector.broadcast %add3A_1783 : i32 to vector<16xi32>
      %swap3A_2936 = arith.index_cast %add3A_1774 : i32 to index
      %swap3A_2937 = tpu.vector_load %arg8[%swap3A_2936] {strides = array<i32>} : memref<144xi32, #tpu.memory_space<vmem>>, vector<16xi32>,
      %swap3A_2938 = vector.shape_cast %swap3A_2937 : vector<16xi32> to vector<16xi32>
      %swap3A_2939 = vector.shape_cast %broadcast_in_dim3A_2935 : vector<16xi32> to vector<16xi32>
      tpu.vector_store %arg8[%swap3A_2936], %swap3A_2939 {strides = array<i32>} : memref<144xi32, #tpu.memory_space<vmem>>, vector<16xi32>,
    } else {
    }
    %eq3A_1789 = arith.constant 0 : i32
    %eq3A_1790 = arith.cmpi eq, %squeeze3A_1779, %eq3A_1789 : i32
    %convert_element_type3A_1791 = arith.extui %eq3A_1790 : i1 to i32
    %cond3A_1792 = arith.constant 0 : i32
    %cond3A_1793 = arith.cmpi ne, %convert_element_type3A_1791, %cond3A_1792 : i32
    scf.if %cond3A_1793 {
      %broadcast_in_dim3A_2935 = vector.broadcast %add3A_1783 : i32 to vector<16xi32>
      %swap3A_2936 = arith.index_cast %add3A_1777 : i32 to index
      %swap3A_2937 = tpu.vector_load %arg9[%swap3A_2936] {strides = array<i32>} : memref<144xi32, #tpu.memory_space<vmem>>, vector<16xi32>,
      %swap3A_2938 = vector.shape_cast %swap3A_2937 : vector<16xi32> to vector<16xi32>
      %swap3A_2939 = vector.shape_cast %broadcast_in_dim3A_2935 : vector<16xi32> to vector<16xi32>
      tpu.vector_store %arg9[%swap3A_2936], %swap3A_2939 {strides = array<i32>} : memref<144xi32, #tpu.memory_space<vmem>>, vector<16xi32>,
    } else {
    }
    %add3A_1794 = arith.addi %add3A_1774, %squeeze3A_1779 : i32
    %sub3A_1795 = arith.constant 1 : i32
    %sub3A_1796 = arith.subi %sub3A_1795, %squeeze3A_1779 : i32
    %add3A_1797 = arith.addi %add3A_1777, %sub3A_1796 : i32
    %slice3A_1798 = vector.extract_strided_slice %select_n3A_1677 {offsets = [6], sizes = [1], strides = [1]} : vector<16xi32> to vector<1xi32>
    %squeeze3A_1799 = vector.extract %slice3A_1798[0] : i32 from vector<1xi32>
    %add3A_1800 = arith.constant 80 : i32
    %add3A_1801 = arith.addi %mul3A_2, %add3A_1800 : i32
    %add3A_1802 = arith.constant 6 : i32
    %add3A_1803 = arith.addi %add3A_1801, %add3A_1802 : i32
    %gt3A_1804 = arith.constant 0 : i32
    %gt3A_1805 = arith.cmpi sgt, %squeeze3A_1799, %gt3A_1804 : i32
    %convert_element_type3A_1806 = arith.extui %gt3A_1805 : i1 to i32
    %cond3A_1807 = arith.constant 0 : i32
    %cond3A_1808 = arith.cmpi ne, %convert_element_type3A_1806, %cond3A_1807 : i32
    scf.if %cond3A_1808 {
      %broadcast_in_dim3A_2935 = vector.broadcast %add3A_1803 : i32 to vector<16xi32>
      %swap3A_2936 = arith.index_cast %add3A_1794 : i32 to index
      %swap3A_2937 = tpu.vector_load %arg8[%swap3A_2936] {strides = array<i32>} : memref<144xi32, #tpu.memory_space<vmem>>, vector<16xi32>,
      %swap3A_2938 = vector.shape_cast %swap3A_2937 : vector<16xi32> to vector<16xi32>
      %swap3A_2939 = vector.shape_cast %broadcast_in_dim3A_2935 : vector<16xi32> to vector<16xi32>
      tpu.vector_store %arg8[%swap3A_2936], %swap3A_2939 {strides = array<i32>} : memref<144xi32, #tpu.memory_space<vmem>>, vector<16xi32>,
    } else {
    }
    %eq3A_1809 = arith.constant 0 : i32
    %eq3A_1810 = arith.cmpi eq, %squeeze3A_1799, %eq3A_1809 : i32
    %convert_element_type3A_1811 = arith.extui %eq3A_1810 : i1 to i32
    %cond3A_1812 = arith.constant 0 : i32
    %cond3A_1813 = arith.cmpi ne, %convert_element_type3A_1811, %cond3A_1812 : i32
    scf.if %cond3A_1813 {
      %broadcast_in_dim3A_2935 = vector.broadcast %add3A_1803 : i32 to vector<16xi32>
      %swap3A_2936 = arith.index_cast %add3A_1797 : i32 to index
      %swap3A_2937 = tpu.vector_load %arg9[%swap3A_2936] {strides = array<i32>} : memref<144xi32, #tpu.memory_space<vmem>>, vector<16xi32>,
      %swap3A_2938 = vector.shape_cast %swap3A_2937 : vector<16xi32> to vector<16xi32>
      %swap3A_2939 = vector.shape_cast %broadcast_in_dim3A_2935 : vector<16xi32> to vector<16xi32>
      tpu.vector_store %arg9[%swap3A_2936], %swap3A_2939 {strides = array<i32>} : memref<144xi32, #tpu.memory_space<vmem>>, vector<16xi32>,
    } else {
    }
    %add3A_1814 = arith.addi %add3A_1794, %squeeze3A_1799 : i32
    %sub3A_1815 = arith.constant 1 : i32
    %sub3A_1816 = arith.subi %sub3A_1815, %squeeze3A_1799 : i32
    %add3A_1817 = arith.addi %add3A_1797, %sub3A_1816 : i32
    %slice3A_1818 = vector.extract_strided_slice %select_n3A_1677 {offsets = [7], sizes = [1], strides = [1]} : vector<16xi32> to vector<1xi32>
    %squeeze3A_1819 = vector.extract %slice3A_1818[0] : i32 from vector<1xi32>
    %add3A_1820 = arith.constant 80 : i32
    %add3A_1821 = arith.addi %mul3A_2, %add3A_1820 : i32
    %add3A_1822 = arith.constant 7 : i32
    %add3A_1823 = arith.addi %add3A_1821, %add3A_1822 : i32
    %gt3A_1824 = arith.constant 0 : i32
    %gt3A_1825 = arith.cmpi sgt, %squeeze3A_1819, %gt3A_1824 : i32
    %convert_element_type3A_1826 = arith.extui %gt3A_1825 : i1 to i32
    %cond3A_1827 = arith.constant 0 : i32
    %cond3A_1828 = arith.cmpi ne, %convert_element_type3A_1826, %cond3A_1827 : i32
    scf.if %cond3A_1828 {
      %broadcast_in_dim3A_2935 = vector.broadcast %add3A_1823 : i32 to vector<16xi32>
      %swap3A_2936 = arith.index_cast %add3A_1814 : i32 to index
      %swap3A_2937 = tpu.vector_load %arg8[%swap3A_2936] {strides = array<i32>} : memref<144xi32, #tpu.memory_space<vmem>>, vector<16xi32>,
      %swap3A_2938 = vector.shape_cast %swap3A_2937 : vector<16xi32> to vector<16xi32>
      %swap3A_2939 = vector.shape_cast %broadcast_in_dim3A_2935 : vector<16xi32> to vector<16xi32>
      tpu.vector_store %arg8[%swap3A_2936], %swap3A_2939 {strides = array<i32>} : memref<144xi32, #tpu.memory_space<vmem>>, vector<16xi32>,
    } else {
    }
    %eq3A_1829 = arith.constant 0 : i32
    %eq3A_1830 = arith.cmpi eq, %squeeze3A_1819, %eq3A_1829 : i32
    %convert_element_type3A_1831 = arith.extui %eq3A_1830 : i1 to i32
    %cond3A_1832 = arith.constant 0 : i32
    %cond3A_1833 = arith.cmpi ne, %convert_element_type3A_1831, %cond3A_1832 : i32
    scf.if %cond3A_1833 {
      %broadcast_in_dim3A_2935 = vector.broadcast %add3A_1823 : i32 to vector<16xi32>
      %swap3A_2936 = arith.index_cast %add3A_1817 : i32 to index
      %swap3A_2937 = tpu.vector_load %arg9[%swap3A_2936] {strides = array<i32>} : memref<144xi32, #tpu.memory_space<vmem>>, vector<16xi32>,
      %swap3A_2938 = vector.shape_cast %swap3A_2937 : vector<16xi32> to vector<16xi32>
      %swap3A_2939 = vector.shape_cast %broadcast_in_dim3A_2935 : vector<16xi32> to vector<16xi32>
      tpu.vector_store %arg9[%swap3A_2936], %swap3A_2939 {strides = array<i32>} : memref<144xi32, #tpu.memory_space<vmem>>, vector<16xi32>,
    } else {
    }
    %add3A_1834 = arith.addi %add3A_1814, %squeeze3A_1819 : i32
    %sub3A_1835 = arith.constant 1 : i32
    %sub3A_1836 = arith.subi %sub3A_1835, %squeeze3A_1819 : i32
    %add3A_1837 = arith.addi %add3A_1817, %sub3A_1836 : i32
    %slice3A_1838 = vector.extract_strided_slice %select_n3A_1677 {offsets = [8], sizes = [1], strides = [1]} : vector<16xi32> to vector<1xi32>
    %squeeze3A_1839 = vector.extract %slice3A_1838[0] : i32 from vector<1xi32>
    %add3A_1840 = arith.constant 80 : i32
    %add3A_1841 = arith.addi %mul3A_2, %add3A_1840 : i32
    %add3A_1842 = arith.constant 8 : i32
    %add3A_1843 = arith.addi %add3A_1841, %add3A_1842 : i32
    %gt3A_1844 = arith.constant 0 : i32
    %gt3A_1845 = arith.cmpi sgt, %squeeze3A_1839, %gt3A_1844 : i32
    %convert_element_type3A_1846 = arith.extui %gt3A_1845 : i1 to i32
    %cond3A_1847 = arith.constant 0 : i32
    %cond3A_1848 = arith.cmpi ne, %convert_element_type3A_1846, %cond3A_1847 : i32
    scf.if %cond3A_1848 {
      %broadcast_in_dim3A_2935 = vector.broadcast %add3A_1843 : i32 to vector<16xi32>
      %swap3A_2936 = arith.index_cast %add3A_1834 : i32 to index
      %swap3A_2937 = tpu.vector_load %arg8[%swap3A_2936] {strides = array<i32>} : memref<144xi32, #tpu.memory_space<vmem>>, vector<16xi32>,
      %swap3A_2938 = vector.shape_cast %swap3A_2937 : vector<16xi32> to vector<16xi32>
      %swap3A_2939 = vector.shape_cast %broadcast_in_dim3A_2935 : vector<16xi32> to vector<16xi32>
      tpu.vector_store %arg8[%swap3A_2936], %swap3A_2939 {strides = array<i32>} : memref<144xi32, #tpu.memory_space<vmem>>, vector<16xi32>,
    } else {
    }
    %eq3A_1849 = arith.constant 0 : i32
    %eq3A_1850 = arith.cmpi eq, %squeeze3A_1839, %eq3A_1849 : i32
    %convert_element_type3A_1851 = arith.extui %eq3A_1850 : i1 to i32
    %cond3A_1852 = arith.constant 0 : i32
    %cond3A_1853 = arith.cmpi ne, %convert_element_type3A_1851, %cond3A_1852 : i32
    scf.if %cond3A_1853 {
      %broadcast_in_dim3A_2935 = vector.broadcast %add3A_1843 : i32 to vector<16xi32>
      %swap3A_2936 = arith.index_cast %add3A_1837 : i32 to index
      %swap3A_2937 = tpu.vector_load %arg9[%swap3A_2936] {strides = array<i32>} : memref<144xi32, #tpu.memory_space<vmem>>, vector<16xi32>,
      %swap3A_2938 = vector.shape_cast %swap3A_2937 : vector<16xi32> to vector<16xi32>
      %swap3A_2939 = vector.shape_cast %broadcast_in_dim3A_2935 : vector<16xi32> to vector<16xi32>
      tpu.vector_store %arg9[%swap3A_2936], %swap3A_2939 {strides = array<i32>} : memref<144xi32, #tpu.memory_space<vmem>>, vector<16xi32>,
    } else {
    }
    %add3A_1854 = arith.addi %add3A_1834, %squeeze3A_1839 : i32
    %sub3A_1855 = arith.constant 1 : i32
    %sub3A_1856 = arith.subi %sub3A_1855, %squeeze3A_1839 : i32
    %add3A_1857 = arith.addi %add3A_1837, %sub3A_1856 : i32
    %slice3A_1858 = vector.extract_strided_slice %select_n3A_1677 {offsets = [9], sizes = [1], strides = [1]} : vector<16xi32> to vector<1xi32>
    %squeeze3A_1859 = vector.extract %slice3A_1858[0] : i32 from vector<1xi32>
    %add3A_1860 = arith.constant 80 : i32
    %add3A_1861 = arith.addi %mul3A_2, %add3A_1860 : i32
    %add3A_1862 = arith.constant 9 : i32
    %add3A_1863 = arith.addi %add3A_1861, %add3A_1862 : i32
    %gt3A_1864 = arith.constant 0 : i32
    %gt3A_1865 = arith.cmpi sgt, %squeeze3A_1859, %gt3A_1864 : i32
    %convert_element_type3A_1866 = arith.extui %gt3A_1865 : i1 to i32
    %cond3A_1867 = arith.constant 0 : i32
    %cond3A_1868 = arith.cmpi ne, %convert_element_type3A_1866, %cond3A_1867 : i32
    scf.if %cond3A_1868 {
      %broadcast_in_dim3A_2935 = vector.broadcast %add3A_1863 : i32 to vector<16xi32>
      %swap3A_2936 = arith.index_cast %add3A_1854 : i32 to index
      %swap3A_2937 = tpu.vector_load %arg8[%swap3A_2936] {strides = array<i32>} : memref<144xi32, #tpu.memory_space<vmem>>, vector<16xi32>,
      %swap3A_2938 = vector.shape_cast %swap3A_2937 : vector<16xi32> to vector<16xi32>
      %swap3A_2939 = vector.shape_cast %broadcast_in_dim3A_2935 : vector<16xi32> to vector<16xi32>
      tpu.vector_store %arg8[%swap3A_2936], %swap3A_2939 {strides = array<i32>} : memref<144xi32, #tpu.memory_space<vmem>>, vector<16xi32>,
    } else {
    }
    %eq3A_1869 = arith.constant 0 : i32
    %eq3A_1870 = arith.cmpi eq, %squeeze3A_1859, %eq3A_1869 : i32
    %convert_element_type3A_1871 = arith.extui %eq3A_1870 : i1 to i32
    %cond3A_1872 = arith.constant 0 : i32
    %cond3A_1873 = arith.cmpi ne, %convert_element_type3A_1871, %cond3A_1872 : i32
    scf.if %cond3A_1873 {
      %broadcast_in_dim3A_2935 = vector.broadcast %add3A_1863 : i32 to vector<16xi32>
      %swap3A_2936 = arith.index_cast %add3A_1857 : i32 to index
      %swap3A_2937 = tpu.vector_load %arg9[%swap3A_2936] {strides = array<i32>} : memref<144xi32, #tpu.memory_space<vmem>>, vector<16xi32>,
      %swap3A_2938 = vector.shape_cast %swap3A_2937 : vector<16xi32> to vector<16xi32>
      %swap3A_2939 = vector.shape_cast %broadcast_in_dim3A_2935 : vector<16xi32> to vector<16xi32>
      tpu.vector_store %arg9[%swap3A_2936], %swap3A_2939 {strides = array<i32>} : memref<144xi32, #tpu.memory_space<vmem>>, vector<16xi32>,
    } else {
    }
    %add3A_1874 = arith.addi %add3A_1854, %squeeze3A_1859 : i32
    %sub3A_1875 = arith.constant 1 : i32
    %sub3A_1876 = arith.subi %sub3A_1875, %squeeze3A_1859 : i32
    %add3A_1877 = arith.addi %add3A_1857, %sub3A_1876 : i32
    %slice3A_1878 = vector.extract_strided_slice %select_n3A_1677 {offsets = [10], sizes = [1], strides = [1]} : vector<16xi32> to vector<1xi32>
    %squeeze3A_1879 = vector.extract %slice3A_1878[0] : i32 from vector<1xi32>
    %add3A_1880 = arith.constant 80 : i32
    %add3A_1881 = arith.addi %mul3A_2, %add3A_1880 : i32
    %add3A_1882 = arith.constant 10 : i32
    %add3A_1883 = arith.addi %add3A_1881, %add3A_1882 : i32
    %gt3A_1884 = arith.constant 0 : i32
    %gt3A_1885 = arith.cmpi sgt, %squeeze3A_1879, %gt3A_1884 : i32
    %convert_element_type3A_1886 = arith.extui %gt3A_1885 : i1 to i32
    %cond3A_1887 = arith.constant 0 : i32
    %cond3A_1888 = arith.cmpi ne, %convert_element_type3A_1886, %cond3A_1887 : i32
    scf.if %cond3A_1888 {
      %broadcast_in_dim3A_2935 = vector.broadcast %add3A_1883 : i32 to vector<16xi32>
      %swap3A_2936 = arith.index_cast %add3A_1874 : i32 to index
      %swap3A_2937 = tpu.vector_load %arg8[%swap3A_2936] {strides = array<i32>} : memref<144xi32, #tpu.memory_space<vmem>>, vector<16xi32>,
      %swap3A_2938 = vector.shape_cast %swap3A_2937 : vector<16xi32> to vector<16xi32>
      %swap3A_2939 = vector.shape_cast %broadcast_in_dim3A_2935 : vector<16xi32> to vector<16xi32>
      tpu.vector_store %arg8[%swap3A_2936], %swap3A_2939 {strides = array<i32>} : memref<144xi32, #tpu.memory_space<vmem>>, vector<16xi32>,
    } else {
    }
    %eq3A_1889 = arith.constant 0 : i32
    %eq3A_1890 = arith.cmpi eq, %squeeze3A_1879, %eq3A_1889 : i32
    %convert_element_type3A_1891 = arith.extui %eq3A_1890 : i1 to i32
    %cond3A_1892 = arith.constant 0 : i32
    %cond3A_1893 = arith.cmpi ne, %convert_element_type3A_1891, %cond3A_1892 : i32
    scf.if %cond3A_1893 {
      %broadcast_in_dim3A_2935 = vector.broadcast %add3A_1883 : i32 to vector<16xi32>
      %swap3A_2936 = arith.index_cast %add3A_1877 : i32 to index
      %swap3A_2937 = tpu.vector_load %arg9[%swap3A_2936] {strides = array<i32>} : memref<144xi32, #tpu.memory_space<vmem>>, vector<16xi32>,
      %swap3A_2938 = vector.shape_cast %swap3A_2937 : vector<16xi32> to vector<16xi32>
      %swap3A_2939 = vector.shape_cast %broadcast_in_dim3A_2935 : vector<16xi32> to vector<16xi32>
      tpu.vector_store %arg9[%swap3A_2936], %swap3A_2939 {strides = array<i32>} : memref<144xi32, #tpu.memory_space<vmem>>, vector<16xi32>,
    } else {
    }
    %add3A_1894 = arith.addi %add3A_1874, %squeeze3A_1879 : i32
    %sub3A_1895 = arith.constant 1 : i32
    %sub3A_1896 = arith.subi %sub3A_1895, %squeeze3A_1879 : i32
    %add3A_1897 = arith.addi %add3A_1877, %sub3A_1896 : i32
    %slice3A_1898 = vector.extract_strided_slice %select_n3A_1677 {offsets = [11], sizes = [1], strides = [1]} : vector<16xi32> to vector<1xi32>
    %squeeze3A_1899 = vector.extract %slice3A_1898[0] : i32 from vector<1xi32>
    %add3A_1900 = arith.constant 80 : i32
    %add3A_1901 = arith.addi %mul3A_2, %add3A_1900 : i32
    %add3A_1902 = arith.constant 11 : i32
    %add3A_1903 = arith.addi %add3A_1901, %add3A_1902 : i32
    %gt3A_1904 = arith.constant 0 : i32
    %gt3A_1905 = arith.cmpi sgt, %squeeze3A_1899, %gt3A_1904 : i32
    %convert_element_type3A_1906 = arith.extui %gt3A_1905 : i1 to i32
    %cond3A_1907 = arith.constant 0 : i32
    %cond3A_1908 = arith.cmpi ne, %convert_element_type3A_1906, %cond3A_1907 : i32
    scf.if %cond3A_1908 {
      %broadcast_in_dim3A_2935 = vector.broadcast %add3A_1903 : i32 to vector<16xi32>
      %swap3A_2936 = arith.index_cast %add3A_1894 : i32 to index
      %swap3A_2937 = tpu.vector_load %arg8[%swap3A_2936] {strides = array<i32>} : memref<144xi32, #tpu.memory_space<vmem>>, vector<16xi32>,
      %swap3A_2938 = vector.shape_cast %swap3A_2937 : vector<16xi32> to vector<16xi32>
      %swap3A_2939 = vector.shape_cast %broadcast_in_dim3A_2935 : vector<16xi32> to vector<16xi32>
      tpu.vector_store %arg8[%swap3A_2936], %swap3A_2939 {strides = array<i32>} : memref<144xi32, #tpu.memory_space<vmem>>, vector<16xi32>,
    } else {
    }
    %eq3A_1909 = arith.constant 0 : i32
    %eq3A_1910 = arith.cmpi eq, %squeeze3A_1899, %eq3A_1909 : i32
    %convert_element_type3A_1911 = arith.extui %eq3A_1910 : i1 to i32
    %cond3A_1912 = arith.constant 0 : i32
    %cond3A_1913 = arith.cmpi ne, %convert_element_type3A_1911, %cond3A_1912 : i32
    scf.if %cond3A_1913 {
      %broadcast_in_dim3A_2935 = vector.broadcast %add3A_1903 : i32 to vector<16xi32>
      %swap3A_2936 = arith.index_cast %add3A_1897 : i32 to index
      %swap3A_2937 = tpu.vector_load %arg9[%swap3A_2936] {strides = array<i32>} : memref<144xi32, #tpu.memory_space<vmem>>, vector<16xi32>,
      %swap3A_2938 = vector.shape_cast %swap3A_2937 : vector<16xi32> to vector<16xi32>
      %swap3A_2939 = vector.shape_cast %broadcast_in_dim3A_2935 : vector<16xi32> to vector<16xi32>
      tpu.vector_store %arg9[%swap3A_2936], %swap3A_2939 {strides = array<i32>} : memref<144xi32, #tpu.memory_space<vmem>>, vector<16xi32>,
    } else {
    }
    %add3A_1914 = arith.addi %add3A_1894, %squeeze3A_1899 : i32
    %sub3A_1915 = arith.constant 1 : i32
    %sub3A_1916 = arith.subi %sub3A_1915, %squeeze3A_1899 : i32
    %add3A_1917 = arith.addi %add3A_1897, %sub3A_1916 : i32
    %slice3A_1918 = vector.extract_strided_slice %select_n3A_1677 {offsets = [12], sizes = [1], strides = [1]} : vector<16xi32> to vector<1xi32>
    %squeeze3A_1919 = vector.extract %slice3A_1918[0] : i32 from vector<1xi32>
    %add3A_1920 = arith.constant 80 : i32
    %add3A_1921 = arith.addi %mul3A_2, %add3A_1920 : i32
    %add3A_1922 = arith.constant 12 : i32
    %add3A_1923 = arith.addi %add3A_1921, %add3A_1922 : i32
    %gt3A_1924 = arith.constant 0 : i32
    %gt3A_1925 = arith.cmpi sgt, %squeeze3A_1919, %gt3A_1924 : i32
    %convert_element_type3A_1926 = arith.extui %gt3A_1925 : i1 to i32
    %cond3A_1927 = arith.constant 0 : i32
    %cond3A_1928 = arith.cmpi ne, %convert_element_type3A_1926, %cond3A_1927 : i32
    scf.if %cond3A_1928 {
      %broadcast_in_dim3A_2935 = vector.broadcast %add3A_1923 : i32 to vector<16xi32>
      %swap3A_2936 = arith.index_cast %add3A_1914 : i32 to index
      %swap3A_2937 = tpu.vector_load %arg8[%swap3A_2936] {strides = array<i32>} : memref<144xi32, #tpu.memory_space<vmem>>, vector<16xi32>,
      %swap3A_2938 = vector.shape_cast %swap3A_2937 : vector<16xi32> to vector<16xi32>
      %swap3A_2939 = vector.shape_cast %broadcast_in_dim3A_2935 : vector<16xi32> to vector<16xi32>
      tpu.vector_store %arg8[%swap3A_2936], %swap3A_2939 {strides = array<i32>} : memref<144xi32, #tpu.memory_space<vmem>>, vector<16xi32>,
    } else {
    }
    %eq3A_1929 = arith.constant 0 : i32
    %eq3A_1930 = arith.cmpi eq, %squeeze3A_1919, %eq3A_1929 : i32
    %convert_element_type3A_1931 = arith.extui %eq3A_1930 : i1 to i32
    %cond3A_1932 = arith.constant 0 : i32
    %cond3A_1933 = arith.cmpi ne, %convert_element_type3A_1931, %cond3A_1932 : i32
    scf.if %cond3A_1933 {
      %broadcast_in_dim3A_2935 = vector.broadcast %add3A_1923 : i32 to vector<16xi32>
      %swap3A_2936 = arith.index_cast %add3A_1917 : i32 to index
      %swap3A_2937 = tpu.vector_load %arg9[%swap3A_2936] {strides = array<i32>} : memref<144xi32, #tpu.memory_space<vmem>>, vector<16xi32>,
      %swap3A_2938 = vector.shape_cast %swap3A_2937 : vector<16xi32> to vector<16xi32>
      %swap3A_2939 = vector.shape_cast %broadcast_in_dim3A_2935 : vector<16xi32> to vector<16xi32>
      tpu.vector_store %arg9[%swap3A_2936], %swap3A_2939 {strides = array<i32>} : memref<144xi32, #tpu.memory_space<vmem>>, vector<16xi32>,
    } else {
    }
    %add3A_1934 = arith.addi %add3A_1914, %squeeze3A_1919 : i32
    %sub3A_1935 = arith.constant 1 : i32
    %sub3A_1936 = arith.subi %sub3A_1935, %squeeze3A_1919 : i32
    %add3A_1937 = arith.addi %add3A_1917, %sub3A_1936 : i32
    %slice3A_1938 = vector.extract_strided_slice %select_n3A_1677 {offsets = [13], sizes = [1], strides = [1]} : vector<16xi32> to vector<1xi32>
    %squeeze3A_1939 = vector.extract %slice3A_1938[0] : i32 from vector<1xi32>
    %add3A_1940 = arith.constant 80 : i32
    %add3A_1941 = arith.addi %mul3A_2, %add3A_1940 : i32
    %add3A_1942 = arith.constant 13 : i32
    %add3A_1943 = arith.addi %add3A_1941, %add3A_1942 : i32
    %gt3A_1944 = arith.constant 0 : i32
    %gt3A_1945 = arith.cmpi sgt, %squeeze3A_1939, %gt3A_1944 : i32
    %convert_element_type3A_1946 = arith.extui %gt3A_1945 : i1 to i32
    %cond3A_1947 = arith.constant 0 : i32
    %cond3A_1948 = arith.cmpi ne, %convert_element_type3A_1946, %cond3A_1947 : i32
    scf.if %cond3A_1948 {
      %broadcast_in_dim3A_2935 = vector.broadcast %add3A_1943 : i32 to vector<16xi32>
      %swap3A_2936 = arith.index_cast %add3A_1934 : i32 to index
      %swap3A_2937 = tpu.vector_load %arg8[%swap3A_2936] {strides = array<i32>} : memref<144xi32, #tpu.memory_space<vmem>>, vector<16xi32>,
      %swap3A_2938 = vector.shape_cast %swap3A_2937 : vector<16xi32> to vector<16xi32>
      %swap3A_2939 = vector.shape_cast %broadcast_in_dim3A_2935 : vector<16xi32> to vector<16xi32>
      tpu.vector_store %arg8[%swap3A_2936], %swap3A_2939 {strides = array<i32>} : memref<144xi32, #tpu.memory_space<vmem>>, vector<16xi32>,
    } else {
    }
    %eq3A_1949 = arith.constant 0 : i32
    %eq3A_1950 = arith.cmpi eq, %squeeze3A_1939, %eq3A_1949 : i32
    %convert_element_type3A_1951 = arith.extui %eq3A_1950 : i1 to i32
    %cond3A_1952 = arith.constant 0 : i32
    %cond3A_1953 = arith.cmpi ne, %convert_element_type3A_1951, %cond3A_1952 : i32
    scf.if %cond3A_1953 {
      %broadcast_in_dim3A_2935 = vector.broadcast %add3A_1943 : i32 to vector<16xi32>
      %swap3A_2936 = arith.index_cast %add3A_1937 : i32 to index
      %swap3A_2937 = tpu.vector_load %arg9[%swap3A_2936] {strides = array<i32>} : memref<144xi32, #tpu.memory_space<vmem>>, vector<16xi32>,
      %swap3A_2938 = vector.shape_cast %swap3A_2937 : vector<16xi32> to vector<16xi32>
      %swap3A_2939 = vector.shape_cast %broadcast_in_dim3A_2935 : vector<16xi32> to vector<16xi32>
      tpu.vector_store %arg9[%swap3A_2936], %swap3A_2939 {strides = array<i32>} : memref<144xi32, #tpu.memory_space<vmem>>, vector<16xi32>,
    } else {
    }
    %add3A_1954 = arith.addi %add3A_1934, %squeeze3A_1939 : i32
    %sub3A_1955 = arith.constant 1 : i32
    %sub3A_1956 = arith.subi %sub3A_1955, %squeeze3A_1939 : i32
    %add3A_1957 = arith.addi %add3A_1937, %sub3A_1956 : i32
    %slice3A_1958 = vector.extract_strided_slice %select_n3A_1677 {offsets = [14], sizes = [1], strides = [1]} : vector<16xi32> to vector<1xi32>
    %squeeze3A_1959 = vector.extract %slice3A_1958[0] : i32 from vector<1xi32>
    %add3A_1960 = arith.constant 80 : i32
    %add3A_1961 = arith.addi %mul3A_2, %add3A_1960 : i32
    %add3A_1962 = arith.constant 14 : i32
    %add3A_1963 = arith.addi %add3A_1961, %add3A_1962 : i32
    %gt3A_1964 = arith.constant 0 : i32
    %gt3A_1965 = arith.cmpi sgt, %squeeze3A_1959, %gt3A_1964 : i32
    %convert_element_type3A_1966 = arith.extui %gt3A_1965 : i1 to i32
    %cond3A_1967 = arith.constant 0 : i32
    %cond3A_1968 = arith.cmpi ne, %convert_element_type3A_1966, %cond3A_1967 : i32
    scf.if %cond3A_1968 {
      %broadcast_in_dim3A_2935 = vector.broadcast %add3A_1963 : i32 to vector<16xi32>
      %swap3A_2936 = arith.index_cast %add3A_1954 : i32 to index
      %swap3A_2937 = tpu.vector_load %arg8[%swap3A_2936] {strides = array<i32>} : memref<144xi32, #tpu.memory_space<vmem>>, vector<16xi32>,
      %swap3A_2938 = vector.shape_cast %swap3A_2937 : vector<16xi32> to vector<16xi32>
      %swap3A_2939 = vector.shape_cast %broadcast_in_dim3A_2935 : vector<16xi32> to vector<16xi32>
      tpu.vector_store %arg8[%swap3A_2936], %swap3A_2939 {strides = array<i32>} : memref<144xi32, #tpu.memory_space<vmem>>, vector<16xi32>,
    } else {
    }
    %eq3A_1969 = arith.constant 0 : i32
    %eq3A_1970 = arith.cmpi eq, %squeeze3A_1959, %eq3A_1969 : i32
    %convert_element_type3A_1971 = arith.extui %eq3A_1970 : i1 to i32
    %cond3A_1972 = arith.constant 0 : i32
    %cond3A_1973 = arith.cmpi ne, %convert_element_type3A_1971, %cond3A_1972 : i32
    scf.if %cond3A_1973 {
      %broadcast_in_dim3A_2935 = vector.broadcast %add3A_1963 : i32 to vector<16xi32>
      %swap3A_2936 = arith.index_cast %add3A_1957 : i32 to index
      %swap3A_2937 = tpu.vector_load %arg9[%swap3A_2936] {strides = array<i32>} : memref<144xi32, #tpu.memory_space<vmem>>, vector<16xi32>,
      %swap3A_2938 = vector.shape_cast %swap3A_2937 : vector<16xi32> to vector<16xi32>
      %swap3A_2939 = vector.shape_cast %broadcast_in_dim3A_2935 : vector<16xi32> to vector<16xi32>
      tpu.vector_store %arg9[%swap3A_2936], %swap3A_2939 {strides = array<i32>} : memref<144xi32, #tpu.memory_space<vmem>>, vector<16xi32>,
    } else {
    }
    %add3A_1974 = arith.addi %add3A_1954, %squeeze3A_1959 : i32
    %sub3A_1975 = arith.constant 1 : i32
    %sub3A_1976 = arith.subi %sub3A_1975, %squeeze3A_1959 : i32
    %add3A_1977 = arith.addi %add3A_1957, %sub3A_1976 : i32
    %slice3A_1978 = vector.extract_strided_slice %select_n3A_1677 {offsets = [15], sizes = [1], strides = [1]} : vector<16xi32> to vector<1xi32>
    %squeeze3A_1979 = vector.extract %slice3A_1978[0] : i32 from vector<1xi32>
    %add3A_1980 = arith.constant 80 : i32
    %add3A_1981 = arith.addi %mul3A_2, %add3A_1980 : i32
    %add3A_1982 = arith.constant 15 : i32
    %add3A_1983 = arith.addi %add3A_1981, %add3A_1982 : i32
    %gt3A_1984 = arith.constant 0 : i32
    %gt3A_1985 = arith.cmpi sgt, %squeeze3A_1979, %gt3A_1984 : i32
    %convert_element_type3A_1986 = arith.extui %gt3A_1985 : i1 to i32
    %cond3A_1987 = arith.constant 0 : i32
    %cond3A_1988 = arith.cmpi ne, %convert_element_type3A_1986, %cond3A_1987 : i32
    scf.if %cond3A_1988 {
      %broadcast_in_dim3A_2935 = vector.broadcast %add3A_1983 : i32 to vector<16xi32>
      %swap3A_2936 = arith.index_cast %add3A_1974 : i32 to index
      %swap3A_2937 = tpu.vector_load %arg8[%swap3A_2936] {strides = array<i32>} : memref<144xi32, #tpu.memory_space<vmem>>, vector<16xi32>,
      %swap3A_2938 = vector.shape_cast %swap3A_2937 : vector<16xi32> to vector<16xi32>
      %swap3A_2939 = vector.shape_cast %broadcast_in_dim3A_2935 : vector<16xi32> to vector<16xi32>
      tpu.vector_store %arg8[%swap3A_2936], %swap3A_2939 {strides = array<i32>} : memref<144xi32, #tpu.memory_space<vmem>>, vector<16xi32>,
    } else {
    }
    %eq3A_1989 = arith.constant 0 : i32
    %eq3A_1990 = arith.cmpi eq, %squeeze3A_1979, %eq3A_1989 : i32
    %convert_element_type3A_1991 = arith.extui %eq3A_1990 : i1 to i32
    %cond3A_1992 = arith.constant 0 : i32
    %cond3A_1993 = arith.cmpi ne, %convert_element_type3A_1991, %cond3A_1992 : i32
    scf.if %cond3A_1993 {
      %broadcast_in_dim3A_2935 = vector.broadcast %add3A_1983 : i32 to vector<16xi32>
      %swap3A_2936 = arith.index_cast %add3A_1977 : i32 to index
      %swap3A_2937 = tpu.vector_load %arg9[%swap3A_2936] {strides = array<i32>} : memref<144xi32, #tpu.memory_space<vmem>>, vector<16xi32>,
      %swap3A_2938 = vector.shape_cast %swap3A_2937 : vector<16xi32> to vector<16xi32>
      %swap3A_2939 = vector.shape_cast %broadcast_in_dim3A_2935 : vector<16xi32> to vector<16xi32>
      tpu.vector_store %arg9[%swap3A_2936], %swap3A_2939 {strides = array<i32>} : memref<144xi32, #tpu.memory_space<vmem>>, vector<16xi32>,
    } else {
    }
    %add3A_1994 = arith.addi %add3A_1974, %squeeze3A_1979 : i32
    %sub3A_1995 = arith.constant 1 : i32
    %sub3A_1996 = arith.subi %sub3A_1995, %squeeze3A_1979 : i32
    %add3A_1997 = arith.addi %add3A_1977, %sub3A_1996 : i32
    %get3A_1998 = arith.constant 96 : index
    %get3A_1999 = tpu.vector_load %arg12[%get3A_1998] {strides = array<i32>} : memref<128xf32, #tpu.memory_space<vmem>>, vector<16xf32>,
    %get3A_2000 = vector.shape_cast %get3A_1999 : vector<16xf32> to vector<16xf32>
    %ge3A_2001 = arith.cmpf oge, %get3A_2000, %get3A_36 : vector<16xf32>
    %broadcast_in_dim3A_2002 = arith.constant 1 : i32
    %broadcast_in_dim3A_2003 = vector.broadcast %broadcast_in_dim3A_2002 : i32 to vector<16xi32>
    %select_n3A_2004 = arith.select %ge3A_2001, %broadcast_in_dim3A_2003, %broadcast_in_dim3A_37 : vector<16xi1>, vector<16xi32>
    %slice3A_2005 = vector.extract_strided_slice %select_n3A_2004 {offsets = [0], sizes = [1], strides = [1]} : vector<16xi32> to vector<1xi32>
    %squeeze3A_2006 = vector.extract %slice3A_2005[0] : i32 from vector<1xi32>
    %add3A_2007 = arith.constant 96 : i32
    %add3A_2008 = arith.addi %mul3A_2, %add3A_2007 : i32
    %add3A_2009 = arith.constant 0 : i32
    %add3A_2010 = arith.addi %add3A_2008, %add3A_2009 : i32
    %gt3A_2011 = arith.constant 0 : i32
    %gt3A_2012 = arith.cmpi sgt, %squeeze3A_2006, %gt3A_2011 : i32
    %convert_element_type3A_2013 = arith.extui %gt3A_2012 : i1 to i32
    %cond3A_2014 = arith.constant 0 : i32
    %cond3A_2015 = arith.cmpi ne, %convert_element_type3A_2013, %cond3A_2014 : i32
    scf.if %cond3A_2015 {
      %broadcast_in_dim3A_2935 = vector.broadcast %add3A_2010 : i32 to vector<16xi32>
      %swap3A_2936 = arith.index_cast %add3A_1994 : i32 to index
      %swap3A_2937 = tpu.vector_load %arg8[%swap3A_2936] {strides = array<i32>} : memref<144xi32, #tpu.memory_space<vmem>>, vector<16xi32>,
      %swap3A_2938 = vector.shape_cast %swap3A_2937 : vector<16xi32> to vector<16xi32>
      %swap3A_2939 = vector.shape_cast %broadcast_in_dim3A_2935 : vector<16xi32> to vector<16xi32>
      tpu.vector_store %arg8[%swap3A_2936], %swap3A_2939 {strides = array<i32>} : memref<144xi32, #tpu.memory_space<vmem>>, vector<16xi32>,
    } else {
    }
    %eq3A_2016 = arith.constant 0 : i32
    %eq3A_2017 = arith.cmpi eq, %squeeze3A_2006, %eq3A_2016 : i32
    %convert_element_type3A_2018 = arith.extui %eq3A_2017 : i1 to i32
    %cond3A_2019 = arith.constant 0 : i32
    %cond3A_2020 = arith.cmpi ne, %convert_element_type3A_2018, %cond3A_2019 : i32
    scf.if %cond3A_2020 {
      %broadcast_in_dim3A_2935 = vector.broadcast %add3A_2010 : i32 to vector<16xi32>
      %swap3A_2936 = arith.index_cast %add3A_1997 : i32 to index
      %swap3A_2937 = tpu.vector_load %arg9[%swap3A_2936] {strides = array<i32>} : memref<144xi32, #tpu.memory_space<vmem>>, vector<16xi32>,
      %swap3A_2938 = vector.shape_cast %swap3A_2937 : vector<16xi32> to vector<16xi32>
      %swap3A_2939 = vector.shape_cast %broadcast_in_dim3A_2935 : vector<16xi32> to vector<16xi32>
      tpu.vector_store %arg9[%swap3A_2936], %swap3A_2939 {strides = array<i32>} : memref<144xi32, #tpu.memory_space<vmem>>, vector<16xi32>,
    } else {
    }
    %add3A_2021 = arith.addi %add3A_1994, %squeeze3A_2006 : i32
    %sub3A_2022 = arith.constant 1 : i32
    %sub3A_2023 = arith.subi %sub3A_2022, %squeeze3A_2006 : i32
    %add3A_2024 = arith.addi %add3A_1997, %sub3A_2023 : i32
    %slice3A_2025 = vector.extract_strided_slice %select_n3A_2004 {offsets = [1], sizes = [1], strides = [1]} : vector<16xi32> to vector<1xi32>
    %squeeze3A_2026 = vector.extract %slice3A_2025[0] : i32 from vector<1xi32>
    %add3A_2027 = arith.constant 96 : i32
    %add3A_2028 = arith.addi %mul3A_2, %add3A_2027 : i32
    %add3A_2029 = arith.constant 1 : i32
    %add3A_2030 = arith.addi %add3A_2028, %add3A_2029 : i32
    %gt3A_2031 = arith.constant 0 : i32
    %gt3A_2032 = arith.cmpi sgt, %squeeze3A_2026, %gt3A_2031 : i32
    %convert_element_type3A_2033 = arith.extui %gt3A_2032 : i1 to i32
    %cond3A_2034 = arith.constant 0 : i32
    %cond3A_2035 = arith.cmpi ne, %convert_element_type3A_2033, %cond3A_2034 : i32
    scf.if %cond3A_2035 {
      %broadcast_in_dim3A_2935 = vector.broadcast %add3A_2030 : i32 to vector<16xi32>
      %swap3A_2936 = arith.index_cast %add3A_2021 : i32 to index
      %swap3A_2937 = tpu.vector_load %arg8[%swap3A_2936] {strides = array<i32>} : memref<144xi32, #tpu.memory_space<vmem>>, vector<16xi32>,
      %swap3A_2938 = vector.shape_cast %swap3A_2937 : vector<16xi32> to vector<16xi32>
      %swap3A_2939 = vector.shape_cast %broadcast_in_dim3A_2935 : vector<16xi32> to vector<16xi32>
      tpu.vector_store %arg8[%swap3A_2936], %swap3A_2939 {strides = array<i32>} : memref<144xi32, #tpu.memory_space<vmem>>, vector<16xi32>,
    } else {
    }
    %eq3A_2036 = arith.constant 0 : i32
    %eq3A_2037 = arith.cmpi eq, %squeeze3A_2026, %eq3A_2036 : i32
    %convert_element_type3A_2038 = arith.extui %eq3A_2037 : i1 to i32
    %cond3A_2039 = arith.constant 0 : i32
    %cond3A_2040 = arith.cmpi ne, %convert_element_type3A_2038, %cond3A_2039 : i32
    scf.if %cond3A_2040 {
      %broadcast_in_dim3A_2935 = vector.broadcast %add3A_2030 : i32 to vector<16xi32>
      %swap3A_2936 = arith.index_cast %add3A_2024 : i32 to index
      %swap3A_2937 = tpu.vector_load %arg9[%swap3A_2936] {strides = array<i32>} : memref<144xi32, #tpu.memory_space<vmem>>, vector<16xi32>,
      %swap3A_2938 = vector.shape_cast %swap3A_2937 : vector<16xi32> to vector<16xi32>
      %swap3A_2939 = vector.shape_cast %broadcast_in_dim3A_2935 : vector<16xi32> to vector<16xi32>
      tpu.vector_store %arg9[%swap3A_2936], %swap3A_2939 {strides = array<i32>} : memref<144xi32, #tpu.memory_space<vmem>>, vector<16xi32>,
    } else {
    }
    %add3A_2041 = arith.addi %add3A_2021, %squeeze3A_2026 : i32
    %sub3A_2042 = arith.constant 1 : i32
    %sub3A_2043 = arith.subi %sub3A_2042, %squeeze3A_2026 : i32
    %add3A_2044 = arith.addi %add3A_2024, %sub3A_2043 : i32
    %slice3A_2045 = vector.extract_strided_slice %select_n3A_2004 {offsets = [2], sizes = [1], strides = [1]} : vector<16xi32> to vector<1xi32>
    %squeeze3A_2046 = vector.extract %slice3A_2045[0] : i32 from vector<1xi32>
    %add3A_2047 = arith.constant 96 : i32
    %add3A_2048 = arith.addi %mul3A_2, %add3A_2047 : i32
    %add3A_2049 = arith.constant 2 : i32
    %add3A_2050 = arith.addi %add3A_2048, %add3A_2049 : i32
    %gt3A_2051 = arith.constant 0 : i32
    %gt3A_2052 = arith.cmpi sgt, %squeeze3A_2046, %gt3A_2051 : i32
    %convert_element_type3A_2053 = arith.extui %gt3A_2052 : i1 to i32
    %cond3A_2054 = arith.constant 0 : i32
    %cond3A_2055 = arith.cmpi ne, %convert_element_type3A_2053, %cond3A_2054 : i32
    scf.if %cond3A_2055 {
      %broadcast_in_dim3A_2935 = vector.broadcast %add3A_2050 : i32 to vector<16xi32>
      %swap3A_2936 = arith.index_cast %add3A_2041 : i32 to index
      %swap3A_2937 = tpu.vector_load %arg8[%swap3A_2936] {strides = array<i32>} : memref<144xi32, #tpu.memory_space<vmem>>, vector<16xi32>,
      %swap3A_2938 = vector.shape_cast %swap3A_2937 : vector<16xi32> to vector<16xi32>
      %swap3A_2939 = vector.shape_cast %broadcast_in_dim3A_2935 : vector<16xi32> to vector<16xi32>
      tpu.vector_store %arg8[%swap3A_2936], %swap3A_2939 {strides = array<i32>} : memref<144xi32, #tpu.memory_space<vmem>>, vector<16xi32>,
    } else {
    }
    %eq3A_2056 = arith.constant 0 : i32
    %eq3A_2057 = arith.cmpi eq, %squeeze3A_2046, %eq3A_2056 : i32
    %convert_element_type3A_2058 = arith.extui %eq3A_2057 : i1 to i32
    %cond3A_2059 = arith.constant 0 : i32
    %cond3A_2060 = arith.cmpi ne, %convert_element_type3A_2058, %cond3A_2059 : i32
    scf.if %cond3A_2060 {
      %broadcast_in_dim3A_2935 = vector.broadcast %add3A_2050 : i32 to vector<16xi32>
      %swap3A_2936 = arith.index_cast %add3A_2044 : i32 to index
      %swap3A_2937 = tpu.vector_load %arg9[%swap3A_2936] {strides = array<i32>} : memref<144xi32, #tpu.memory_space<vmem>>, vector<16xi32>,
      %swap3A_2938 = vector.shape_cast %swap3A_2937 : vector<16xi32> to vector<16xi32>
      %swap3A_2939 = vector.shape_cast %broadcast_in_dim3A_2935 : vector<16xi32> to vector<16xi32>
      tpu.vector_store %arg9[%swap3A_2936], %swap3A_2939 {strides = array<i32>} : memref<144xi32, #tpu.memory_space<vmem>>, vector<16xi32>,
    } else {
    }
    %add3A_2061 = arith.addi %add3A_2041, %squeeze3A_2046 : i32
    %sub3A_2062 = arith.constant 1 : i32
    %sub3A_2063 = arith.subi %sub3A_2062, %squeeze3A_2046 : i32
    %add3A_2064 = arith.addi %add3A_2044, %sub3A_2063 : i32
    %slice3A_2065 = vector.extract_strided_slice %select_n3A_2004 {offsets = [3], sizes = [1], strides = [1]} : vector<16xi32> to vector<1xi32>
    %squeeze3A_2066 = vector.extract %slice3A_2065[0] : i32 from vector<1xi32>
    %add3A_2067 = arith.constant 96 : i32
    %add3A_2068 = arith.addi %mul3A_2, %add3A_2067 : i32
    %add3A_2069 = arith.constant 3 : i32
    %add3A_2070 = arith.addi %add3A_2068, %add3A_2069 : i32
    %gt3A_2071 = arith.constant 0 : i32
    %gt3A_2072 = arith.cmpi sgt, %squeeze3A_2066, %gt3A_2071 : i32
    %convert_element_type3A_2073 = arith.extui %gt3A_2072 : i1 to i32
    %cond3A_2074 = arith.constant 0 : i32
    %cond3A_2075 = arith.cmpi ne, %convert_element_type3A_2073, %cond3A_2074 : i32
    scf.if %cond3A_2075 {
      %broadcast_in_dim3A_2935 = vector.broadcast %add3A_2070 : i32 to vector<16xi32>
      %swap3A_2936 = arith.index_cast %add3A_2061 : i32 to index
      %swap3A_2937 = tpu.vector_load %arg8[%swap3A_2936] {strides = array<i32>} : memref<144xi32, #tpu.memory_space<vmem>>, vector<16xi32>,
      %swap3A_2938 = vector.shape_cast %swap3A_2937 : vector<16xi32> to vector<16xi32>
      %swap3A_2939 = vector.shape_cast %broadcast_in_dim3A_2935 : vector<16xi32> to vector<16xi32>
      tpu.vector_store %arg8[%swap3A_2936], %swap3A_2939 {strides = array<i32>} : memref<144xi32, #tpu.memory_space<vmem>>, vector<16xi32>,
    } else {
    }
    %eq3A_2076 = arith.constant 0 : i32
    %eq3A_2077 = arith.cmpi eq, %squeeze3A_2066, %eq3A_2076 : i32
    %convert_element_type3A_2078 = arith.extui %eq3A_2077 : i1 to i32
    %cond3A_2079 = arith.constant 0 : i32
    %cond3A_2080 = arith.cmpi ne, %convert_element_type3A_2078, %cond3A_2079 : i32
    scf.if %cond3A_2080 {
      %broadcast_in_dim3A_2935 = vector.broadcast %add3A_2070 : i32 to vector<16xi32>
      %swap3A_2936 = arith.index_cast %add3A_2064 : i32 to index
      %swap3A_2937 = tpu.vector_load %arg9[%swap3A_2936] {strides = array<i32>} : memref<144xi32, #tpu.memory_space<vmem>>, vector<16xi32>,
      %swap3A_2938 = vector.shape_cast %swap3A_2937 : vector<16xi32> to vector<16xi32>
      %swap3A_2939 = vector.shape_cast %broadcast_in_dim3A_2935 : vector<16xi32> to vector<16xi32>
      tpu.vector_store %arg9[%swap3A_2936], %swap3A_2939 {strides = array<i32>} : memref<144xi32, #tpu.memory_space<vmem>>, vector<16xi32>,
    } else {
    }
    %add3A_2081 = arith.addi %add3A_2061, %squeeze3A_2066 : i32
    %sub3A_2082 = arith.constant 1 : i32
    %sub3A_2083 = arith.subi %sub3A_2082, %squeeze3A_2066 : i32
    %add3A_2084 = arith.addi %add3A_2064, %sub3A_2083 : i32
    %slice3A_2085 = vector.extract_strided_slice %select_n3A_2004 {offsets = [4], sizes = [1], strides = [1]} : vector<16xi32> to vector<1xi32>
    %squeeze3A_2086 = vector.extract %slice3A_2085[0] : i32 from vector<1xi32>
    %add3A_2087 = arith.constant 96 : i32
    %add3A_2088 = arith.addi %mul3A_2, %add3A_2087 : i32
    %add3A_2089 = arith.constant 4 : i32
    %add3A_2090 = arith.addi %add3A_2088, %add3A_2089 : i32
    %gt3A_2091 = arith.constant 0 : i32
    %gt3A_2092 = arith.cmpi sgt, %squeeze3A_2086, %gt3A_2091 : i32
    %convert_element_type3A_2093 = arith.extui %gt3A_2092 : i1 to i32
    %cond3A_2094 = arith.constant 0 : i32
    %cond3A_2095 = arith.cmpi ne, %convert_element_type3A_2093, %cond3A_2094 : i32
    scf.if %cond3A_2095 {
      %broadcast_in_dim3A_2935 = vector.broadcast %add3A_2090 : i32 to vector<16xi32>
      %swap3A_2936 = arith.index_cast %add3A_2081 : i32 to index
      %swap3A_2937 = tpu.vector_load %arg8[%swap3A_2936] {strides = array<i32>} : memref<144xi32, #tpu.memory_space<vmem>>, vector<16xi32>,
      %swap3A_2938 = vector.shape_cast %swap3A_2937 : vector<16xi32> to vector<16xi32>
      %swap3A_2939 = vector.shape_cast %broadcast_in_dim3A_2935 : vector<16xi32> to vector<16xi32>
      tpu.vector_store %arg8[%swap3A_2936], %swap3A_2939 {strides = array<i32>} : memref<144xi32, #tpu.memory_space<vmem>>, vector<16xi32>,
    } else {
    }
    %eq3A_2096 = arith.constant 0 : i32
    %eq3A_2097 = arith.cmpi eq, %squeeze3A_2086, %eq3A_2096 : i32
    %convert_element_type3A_2098 = arith.extui %eq3A_2097 : i1 to i32
    %cond3A_2099 = arith.constant 0 : i32
    %cond3A_2100 = arith.cmpi ne, %convert_element_type3A_2098, %cond3A_2099 : i32
    scf.if %cond3A_2100 {
      %broadcast_in_dim3A_2935 = vector.broadcast %add3A_2090 : i32 to vector<16xi32>
      %swap3A_2936 = arith.index_cast %add3A_2084 : i32 to index
      %swap3A_2937 = tpu.vector_load %arg9[%swap3A_2936] {strides = array<i32>} : memref<144xi32, #tpu.memory_space<vmem>>, vector<16xi32>,
      %swap3A_2938 = vector.shape_cast %swap3A_2937 : vector<16xi32> to vector<16xi32>
      %swap3A_2939 = vector.shape_cast %broadcast_in_dim3A_2935 : vector<16xi32> to vector<16xi32>
      tpu.vector_store %arg9[%swap3A_2936], %swap3A_2939 {strides = array<i32>} : memref<144xi32, #tpu.memory_space<vmem>>, vector<16xi32>,
    } else {
    }
    %add3A_2101 = arith.addi %add3A_2081, %squeeze3A_2086 : i32
    %sub3A_2102 = arith.constant 1 : i32
    %sub3A_2103 = arith.subi %sub3A_2102, %squeeze3A_2086 : i32
    %add3A_2104 = arith.addi %add3A_2084, %sub3A_2103 : i32
    %slice3A_2105 = vector.extract_strided_slice %select_n3A_2004 {offsets = [5], sizes = [1], strides = [1]} : vector<16xi32> to vector<1xi32>
    %squeeze3A_2106 = vector.extract %slice3A_2105[0] : i32 from vector<1xi32>
    %add3A_2107 = arith.constant 96 : i32
    %add3A_2108 = arith.addi %mul3A_2, %add3A_2107 : i32
    %add3A_2109 = arith.constant 5 : i32
    %add3A_2110 = arith.addi %add3A_2108, %add3A_2109 : i32
    %gt3A_2111 = arith.constant 0 : i32
    %gt3A_2112 = arith.cmpi sgt, %squeeze3A_2106, %gt3A_2111 : i32
    %convert_element_type3A_2113 = arith.extui %gt3A_2112 : i1 to i32
    %cond3A_2114 = arith.constant 0 : i32
    %cond3A_2115 = arith.cmpi ne, %convert_element_type3A_2113, %cond3A_2114 : i32
    scf.if %cond3A_2115 {
      %broadcast_in_dim3A_2935 = vector.broadcast %add3A_2110 : i32 to vector<16xi32>
      %swap3A_2936 = arith.index_cast %add3A_2101 : i32 to index
      %swap3A_2937 = tpu.vector_load %arg8[%swap3A_2936] {strides = array<i32>} : memref<144xi32, #tpu.memory_space<vmem>>, vector<16xi32>,
      %swap3A_2938 = vector.shape_cast %swap3A_2937 : vector<16xi32> to vector<16xi32>
      %swap3A_2939 = vector.shape_cast %broadcast_in_dim3A_2935 : vector<16xi32> to vector<16xi32>
      tpu.vector_store %arg8[%swap3A_2936], %swap3A_2939 {strides = array<i32>} : memref<144xi32, #tpu.memory_space<vmem>>, vector<16xi32>,
    } else {
    }
    %eq3A_2116 = arith.constant 0 : i32
    %eq3A_2117 = arith.cmpi eq, %squeeze3A_2106, %eq3A_2116 : i32
    %convert_element_type3A_2118 = arith.extui %eq3A_2117 : i1 to i32
    %cond3A_2119 = arith.constant 0 : i32
    %cond3A_2120 = arith.cmpi ne, %convert_element_type3A_2118, %cond3A_2119 : i32
    scf.if %cond3A_2120 {
      %broadcast_in_dim3A_2935 = vector.broadcast %add3A_2110 : i32 to vector<16xi32>
      %swap3A_2936 = arith.index_cast %add3A_2104 : i32 to index
      %swap3A_2937 = tpu.vector_load %arg9[%swap3A_2936] {strides = array<i32>} : memref<144xi32, #tpu.memory_space<vmem>>, vector<16xi32>,
      %swap3A_2938 = vector.shape_cast %swap3A_2937 : vector<16xi32> to vector<16xi32>
      %swap3A_2939 = vector.shape_cast %broadcast_in_dim3A_2935 : vector<16xi32> to vector<16xi32>
      tpu.vector_store %arg9[%swap3A_2936], %swap3A_2939 {strides = array<i32>} : memref<144xi32, #tpu.memory_space<vmem>>, vector<16xi32>,
    } else {
    }
    %add3A_2121 = arith.addi %add3A_2101, %squeeze3A_2106 : i32
    %sub3A_2122 = arith.constant 1 : i32
    %sub3A_2123 = arith.subi %sub3A_2122, %squeeze3A_2106 : i32
    %add3A_2124 = arith.addi %add3A_2104, %sub3A_2123 : i32
    %slice3A_2125 = vector.extract_strided_slice %select_n3A_2004 {offsets = [6], sizes = [1], strides = [1]} : vector<16xi32> to vector<1xi32>
    %squeeze3A_2126 = vector.extract %slice3A_2125[0] : i32 from vector<1xi32>
    %add3A_2127 = arith.constant 96 : i32
    %add3A_2128 = arith.addi %mul3A_2, %add3A_2127 : i32
    %add3A_2129 = arith.constant 6 : i32
    %add3A_2130 = arith.addi %add3A_2128, %add3A_2129 : i32
    %gt3A_2131 = arith.constant 0 : i32
    %gt3A_2132 = arith.cmpi sgt, %squeeze3A_2126, %gt3A_2131 : i32
    %convert_element_type3A_2133 = arith.extui %gt3A_2132 : i1 to i32
    %cond3A_2134 = arith.constant 0 : i32
    %cond3A_2135 = arith.cmpi ne, %convert_element_type3A_2133, %cond3A_2134 : i32
    scf.if %cond3A_2135 {
      %broadcast_in_dim3A_2935 = vector.broadcast %add3A_2130 : i32 to vector<16xi32>
      %swap3A_2936 = arith.index_cast %add3A_2121 : i32 to index
      %swap3A_2937 = tpu.vector_load %arg8[%swap3A_2936] {strides = array<i32>} : memref<144xi32, #tpu.memory_space<vmem>>, vector<16xi32>,
      %swap3A_2938 = vector.shape_cast %swap3A_2937 : vector<16xi32> to vector<16xi32>
      %swap3A_2939 = vector.shape_cast %broadcast_in_dim3A_2935 : vector<16xi32> to vector<16xi32>
      tpu.vector_store %arg8[%swap3A_2936], %swap3A_2939 {strides = array<i32>} : memref<144xi32, #tpu.memory_space<vmem>>, vector<16xi32>,
    } else {
    }
    %eq3A_2136 = arith.constant 0 : i32
    %eq3A_2137 = arith.cmpi eq, %squeeze3A_2126, %eq3A_2136 : i32
    %convert_element_type3A_2138 = arith.extui %eq3A_2137 : i1 to i32
    %cond3A_2139 = arith.constant 0 : i32
    %cond3A_2140 = arith.cmpi ne, %convert_element_type3A_2138, %cond3A_2139 : i32
    scf.if %cond3A_2140 {
      %broadcast_in_dim3A_2935 = vector.broadcast %add3A_2130 : i32 to vector<16xi32>
      %swap3A_2936 = arith.index_cast %add3A_2124 : i32 to index
      %swap3A_2937 = tpu.vector_load %arg9[%swap3A_2936] {strides = array<i32>} : memref<144xi32, #tpu.memory_space<vmem>>, vector<16xi32>,
      %swap3A_2938 = vector.shape_cast %swap3A_2937 : vector<16xi32> to vector<16xi32>
      %swap3A_2939 = vector.shape_cast %broadcast_in_dim3A_2935 : vector<16xi32> to vector<16xi32>
      tpu.vector_store %arg9[%swap3A_2936], %swap3A_2939 {strides = array<i32>} : memref<144xi32, #tpu.memory_space<vmem>>, vector<16xi32>,
    } else {
    }
    %add3A_2141 = arith.addi %add3A_2121, %squeeze3A_2126 : i32
    %sub3A_2142 = arith.constant 1 : i32
    %sub3A_2143 = arith.subi %sub3A_2142, %squeeze3A_2126 : i32
    %add3A_2144 = arith.addi %add3A_2124, %sub3A_2143 : i32
    %slice3A_2145 = vector.extract_strided_slice %select_n3A_2004 {offsets = [7], sizes = [1], strides = [1]} : vector<16xi32> to vector<1xi32>
    %squeeze3A_2146 = vector.extract %slice3A_2145[0] : i32 from vector<1xi32>
    %add3A_2147 = arith.constant 96 : i32
    %add3A_2148 = arith.addi %mul3A_2, %add3A_2147 : i32
    %add3A_2149 = arith.constant 7 : i32
    %add3A_2150 = arith.addi %add3A_2148, %add3A_2149 : i32
    %gt3A_2151 = arith.constant 0 : i32
    %gt3A_2152 = arith.cmpi sgt, %squeeze3A_2146, %gt3A_2151 : i32
    %convert_element_type3A_2153 = arith.extui %gt3A_2152 : i1 to i32
    %cond3A_2154 = arith.constant 0 : i32
    %cond3A_2155 = arith.cmpi ne, %convert_element_type3A_2153, %cond3A_2154 : i32
    scf.if %cond3A_2155 {
      %broadcast_in_dim3A_2935 = vector.broadcast %add3A_2150 : i32 to vector<16xi32>
      %swap3A_2936 = arith.index_cast %add3A_2141 : i32 to index
      %swap3A_2937 = tpu.vector_load %arg8[%swap3A_2936] {strides = array<i32>} : memref<144xi32, #tpu.memory_space<vmem>>, vector<16xi32>,
      %swap3A_2938 = vector.shape_cast %swap3A_2937 : vector<16xi32> to vector<16xi32>
      %swap3A_2939 = vector.shape_cast %broadcast_in_dim3A_2935 : vector<16xi32> to vector<16xi32>
      tpu.vector_store %arg8[%swap3A_2936], %swap3A_2939 {strides = array<i32>} : memref<144xi32, #tpu.memory_space<vmem>>, vector<16xi32>,
    } else {
    }
    %eq3A_2156 = arith.constant 0 : i32
    %eq3A_2157 = arith.cmpi eq, %squeeze3A_2146, %eq3A_2156 : i32
    %convert_element_type3A_2158 = arith.extui %eq3A_2157 : i1 to i32
    %cond3A_2159 = arith.constant 0 : i32
    %cond3A_2160 = arith.cmpi ne, %convert_element_type3A_2158, %cond3A_2159 : i32
    scf.if %cond3A_2160 {
      %broadcast_in_dim3A_2935 = vector.broadcast %add3A_2150 : i32 to vector<16xi32>
      %swap3A_2936 = arith.index_cast %add3A_2144 : i32 to index
      %swap3A_2937 = tpu.vector_load %arg9[%swap3A_2936] {strides = array<i32>} : memref<144xi32, #tpu.memory_space<vmem>>, vector<16xi32>,
      %swap3A_2938 = vector.shape_cast %swap3A_2937 : vector<16xi32> to vector<16xi32>
      %swap3A_2939 = vector.shape_cast %broadcast_in_dim3A_2935 : vector<16xi32> to vector<16xi32>
      tpu.vector_store %arg9[%swap3A_2936], %swap3A_2939 {strides = array<i32>} : memref<144xi32, #tpu.memory_space<vmem>>, vector<16xi32>,
    } else {
    }
    %add3A_2161 = arith.addi %add3A_2141, %squeeze3A_2146 : i32
    %sub3A_2162 = arith.constant 1 : i32
    %sub3A_2163 = arith.subi %sub3A_2162, %squeeze3A_2146 : i32
    %add3A_2164 = arith.addi %add3A_2144, %sub3A_2163 : i32
    %slice3A_2165 = vector.extract_strided_slice %select_n3A_2004 {offsets = [8], sizes = [1], strides = [1]} : vector<16xi32> to vector<1xi32>
    %squeeze3A_2166 = vector.extract %slice3A_2165[0] : i32 from vector<1xi32>
    %add3A_2167 = arith.constant 96 : i32
    %add3A_2168 = arith.addi %mul3A_2, %add3A_2167 : i32
    %add3A_2169 = arith.constant 8 : i32
    %add3A_2170 = arith.addi %add3A_2168, %add3A_2169 : i32
    %gt3A_2171 = arith.constant 0 : i32
    %gt3A_2172 = arith.cmpi sgt, %squeeze3A_2166, %gt3A_2171 : i32
    %convert_element_type3A_2173 = arith.extui %gt3A_2172 : i1 to i32
    %cond3A_2174 = arith.constant 0 : i32
    %cond3A_2175 = arith.cmpi ne, %convert_element_type3A_2173, %cond3A_2174 : i32
    scf.if %cond3A_2175 {
      %broadcast_in_dim3A_2935 = vector.broadcast %add3A_2170 : i32 to vector<16xi32>
      %swap3A_2936 = arith.index_cast %add3A_2161 : i32 to index
      %swap3A_2937 = tpu.vector_load %arg8[%swap3A_2936] {strides = array<i32>} : memref<144xi32, #tpu.memory_space<vmem>>, vector<16xi32>,
      %swap3A_2938 = vector.shape_cast %swap3A_2937 : vector<16xi32> to vector<16xi32>
      %swap3A_2939 = vector.shape_cast %broadcast_in_dim3A_2935 : vector<16xi32> to vector<16xi32>
      tpu.vector_store %arg8[%swap3A_2936], %swap3A_2939 {strides = array<i32>} : memref<144xi32, #tpu.memory_space<vmem>>, vector<16xi32>,
    } else {
    }
    %eq3A_2176 = arith.constant 0 : i32
    %eq3A_2177 = arith.cmpi eq, %squeeze3A_2166, %eq3A_2176 : i32
    %convert_element_type3A_2178 = arith.extui %eq3A_2177 : i1 to i32
    %cond3A_2179 = arith.constant 0 : i32
    %cond3A_2180 = arith.cmpi ne, %convert_element_type3A_2178, %cond3A_2179 : i32
    scf.if %cond3A_2180 {
      %broadcast_in_dim3A_2935 = vector.broadcast %add3A_2170 : i32 to vector<16xi32>
      %swap3A_2936 = arith.index_cast %add3A_2164 : i32 to index
      %swap3A_2937 = tpu.vector_load %arg9[%swap3A_2936] {strides = array<i32>} : memref<144xi32, #tpu.memory_space<vmem>>, vector<16xi32>,
      %swap3A_2938 = vector.shape_cast %swap3A_2937 : vector<16xi32> to vector<16xi32>
      %swap3A_2939 = vector.shape_cast %broadcast_in_dim3A_2935 : vector<16xi32> to vector<16xi32>
      tpu.vector_store %arg9[%swap3A_2936], %swap3A_2939 {strides = array<i32>} : memref<144xi32, #tpu.memory_space<vmem>>, vector<16xi32>,
    } else {
    }
    %add3A_2181 = arith.addi %add3A_2161, %squeeze3A_2166 : i32
    %sub3A_2182 = arith.constant 1 : i32
    %sub3A_2183 = arith.subi %sub3A_2182, %squeeze3A_2166 : i32
    %add3A_2184 = arith.addi %add3A_2164, %sub3A_2183 : i32
    %slice3A_2185 = vector.extract_strided_slice %select_n3A_2004 {offsets = [9], sizes = [1], strides = [1]} : vector<16xi32> to vector<1xi32>
    %squeeze3A_2186 = vector.extract %slice3A_2185[0] : i32 from vector<1xi32>
    %add3A_2187 = arith.constant 96 : i32
    %add3A_2188 = arith.addi %mul3A_2, %add3A_2187 : i32
    %add3A_2189 = arith.constant 9 : i32
    %add3A_2190 = arith.addi %add3A_2188, %add3A_2189 : i32
    %gt3A_2191 = arith.constant 0 : i32
    %gt3A_2192 = arith.cmpi sgt, %squeeze3A_2186, %gt3A_2191 : i32
    %convert_element_type3A_2193 = arith.extui %gt3A_2192 : i1 to i32
    %cond3A_2194 = arith.constant 0 : i32
    %cond3A_2195 = arith.cmpi ne, %convert_element_type3A_2193, %cond3A_2194 : i32
    scf.if %cond3A_2195 {
      %broadcast_in_dim3A_2935 = vector.broadcast %add3A_2190 : i32 to vector<16xi32>
      %swap3A_2936 = arith.index_cast %add3A_2181 : i32 to index
      %swap3A_2937 = tpu.vector_load %arg8[%swap3A_2936] {strides = array<i32>} : memref<144xi32, #tpu.memory_space<vmem>>, vector<16xi32>,
      %swap3A_2938 = vector.shape_cast %swap3A_2937 : vector<16xi32> to vector<16xi32>
      %swap3A_2939 = vector.shape_cast %broadcast_in_dim3A_2935 : vector<16xi32> to vector<16xi32>
      tpu.vector_store %arg8[%swap3A_2936], %swap3A_2939 {strides = array<i32>} : memref<144xi32, #tpu.memory_space<vmem>>, vector<16xi32>,
    } else {
    }
    %eq3A_2196 = arith.constant 0 : i32
    %eq3A_2197 = arith.cmpi eq, %squeeze3A_2186, %eq3A_2196 : i32
    %convert_element_type3A_2198 = arith.extui %eq3A_2197 : i1 to i32
    %cond3A_2199 = arith.constant 0 : i32
    %cond3A_2200 = arith.cmpi ne, %convert_element_type3A_2198, %cond3A_2199 : i32
    scf.if %cond3A_2200 {
      %broadcast_in_dim3A_2935 = vector.broadcast %add3A_2190 : i32 to vector<16xi32>
      %swap3A_2936 = arith.index_cast %add3A_2184 : i32 to index
      %swap3A_2937 = tpu.vector_load %arg9[%swap3A_2936] {strides = array<i32>} : memref<144xi32, #tpu.memory_space<vmem>>, vector<16xi32>,
      %swap3A_2938 = vector.shape_cast %swap3A_2937 : vector<16xi32> to vector<16xi32>
      %swap3A_2939 = vector.shape_cast %broadcast_in_dim3A_2935 : vector<16xi32> to vector<16xi32>
      tpu.vector_store %arg9[%swap3A_2936], %swap3A_2939 {strides = array<i32>} : memref<144xi32, #tpu.memory_space<vmem>>, vector<16xi32>,
    } else {
    }
    %add3A_2201 = arith.addi %add3A_2181, %squeeze3A_2186 : i32
    %sub3A_2202 = arith.constant 1 : i32
    %sub3A_2203 = arith.subi %sub3A_2202, %squeeze3A_2186 : i32
    %add3A_2204 = arith.addi %add3A_2184, %sub3A_2203 : i32
    %slice3A_2205 = vector.extract_strided_slice %select_n3A_2004 {offsets = [10], sizes = [1], strides = [1]} : vector<16xi32> to vector<1xi32>
    %squeeze3A_2206 = vector.extract %slice3A_2205[0] : i32 from vector<1xi32>
    %add3A_2207 = arith.constant 96 : i32
    %add3A_2208 = arith.addi %mul3A_2, %add3A_2207 : i32
    %add3A_2209 = arith.constant 10 : i32
    %add3A_2210 = arith.addi %add3A_2208, %add3A_2209 : i32
    %gt3A_2211 = arith.constant 0 : i32
    %gt3A_2212 = arith.cmpi sgt, %squeeze3A_2206, %gt3A_2211 : i32
    %convert_element_type3A_2213 = arith.extui %gt3A_2212 : i1 to i32
    %cond3A_2214 = arith.constant 0 : i32
    %cond3A_2215 = arith.cmpi ne, %convert_element_type3A_2213, %cond3A_2214 : i32
    scf.if %cond3A_2215 {
      %broadcast_in_dim3A_2935 = vector.broadcast %add3A_2210 : i32 to vector<16xi32>
      %swap3A_2936 = arith.index_cast %add3A_2201 : i32 to index
      %swap3A_2937 = tpu.vector_load %arg8[%swap3A_2936] {strides = array<i32>} : memref<144xi32, #tpu.memory_space<vmem>>, vector<16xi32>,
      %swap3A_2938 = vector.shape_cast %swap3A_2937 : vector<16xi32> to vector<16xi32>
      %swap3A_2939 = vector.shape_cast %broadcast_in_dim3A_2935 : vector<16xi32> to vector<16xi32>
      tpu.vector_store %arg8[%swap3A_2936], %swap3A_2939 {strides = array<i32>} : memref<144xi32, #tpu.memory_space<vmem>>, vector<16xi32>,
    } else {
    }
    %eq3A_2216 = arith.constant 0 : i32
    %eq3A_2217 = arith.cmpi eq, %squeeze3A_2206, %eq3A_2216 : i32
    %convert_element_type3A_2218 = arith.extui %eq3A_2217 : i1 to i32
    %cond3A_2219 = arith.constant 0 : i32
    %cond3A_2220 = arith.cmpi ne, %convert_element_type3A_2218, %cond3A_2219 : i32
    scf.if %cond3A_2220 {
      %broadcast_in_dim3A_2935 = vector.broadcast %add3A_2210 : i32 to vector<16xi32>
      %swap3A_2936 = arith.index_cast %add3A_2204 : i32 to index
      %swap3A_2937 = tpu.vector_load %arg9[%swap3A_2936] {strides = array<i32>} : memref<144xi32, #tpu.memory_space<vmem>>, vector<16xi32>,
      %swap3A_2938 = vector.shape_cast %swap3A_2937 : vector<16xi32> to vector<16xi32>
      %swap3A_2939 = vector.shape_cast %broadcast_in_dim3A_2935 : vector<16xi32> to vector<16xi32>
      tpu.vector_store %arg9[%swap3A_2936], %swap3A_2939 {strides = array<i32>} : memref<144xi32, #tpu.memory_space<vmem>>, vector<16xi32>,
    } else {
    }
    %add3A_2221 = arith.addi %add3A_2201, %squeeze3A_2206 : i32
    %sub3A_2222 = arith.constant 1 : i32
    %sub3A_2223 = arith.subi %sub3A_2222, %squeeze3A_2206 : i32
    %add3A_2224 = arith.addi %add3A_2204, %sub3A_2223 : i32
    %slice3A_2225 = vector.extract_strided_slice %select_n3A_2004 {offsets = [11], sizes = [1], strides = [1]} : vector<16xi32> to vector<1xi32>
    %squeeze3A_2226 = vector.extract %slice3A_2225[0] : i32 from vector<1xi32>
    %add3A_2227 = arith.constant 96 : i32
    %add3A_2228 = arith.addi %mul3A_2, %add3A_2227 : i32
    %add3A_2229 = arith.constant 11 : i32
    %add3A_2230 = arith.addi %add3A_2228, %add3A_2229 : i32
    %gt3A_2231 = arith.constant 0 : i32
    %gt3A_2232 = arith.cmpi sgt, %squeeze3A_2226, %gt3A_2231 : i32
    %convert_element_type3A_2233 = arith.extui %gt3A_2232 : i1 to i32
    %cond3A_2234 = arith.constant 0 : i32
    %cond3A_2235 = arith.cmpi ne, %convert_element_type3A_2233, %cond3A_2234 : i32
    scf.if %cond3A_2235 {
      %broadcast_in_dim3A_2935 = vector.broadcast %add3A_2230 : i32 to vector<16xi32>
      %swap3A_2936 = arith.index_cast %add3A_2221 : i32 to index
      %swap3A_2937 = tpu.vector_load %arg8[%swap3A_2936] {strides = array<i32>} : memref<144xi32, #tpu.memory_space<vmem>>, vector<16xi32>,
      %swap3A_2938 = vector.shape_cast %swap3A_2937 : vector<16xi32> to vector<16xi32>
      %swap3A_2939 = vector.shape_cast %broadcast_in_dim3A_2935 : vector<16xi32> to vector<16xi32>
      tpu.vector_store %arg8[%swap3A_2936], %swap3A_2939 {strides = array<i32>} : memref<144xi32, #tpu.memory_space<vmem>>, vector<16xi32>,
    } else {
    }
    %eq3A_2236 = arith.constant 0 : i32
    %eq3A_2237 = arith.cmpi eq, %squeeze3A_2226, %eq3A_2236 : i32
    %convert_element_type3A_2238 = arith.extui %eq3A_2237 : i1 to i32
    %cond3A_2239 = arith.constant 0 : i32
    %cond3A_2240 = arith.cmpi ne, %convert_element_type3A_2238, %cond3A_2239 : i32
    scf.if %cond3A_2240 {
      %broadcast_in_dim3A_2935 = vector.broadcast %add3A_2230 : i32 to vector<16xi32>
      %swap3A_2936 = arith.index_cast %add3A_2224 : i32 to index
      %swap3A_2937 = tpu.vector_load %arg9[%swap3A_2936] {strides = array<i32>} : memref<144xi32, #tpu.memory_space<vmem>>, vector<16xi32>,
      %swap3A_2938 = vector.shape_cast %swap3A_2937 : vector<16xi32> to vector<16xi32>
      %swap3A_2939 = vector.shape_cast %broadcast_in_dim3A_2935 : vector<16xi32> to vector<16xi32>
      tpu.vector_store %arg9[%swap3A_2936], %swap3A_2939 {strides = array<i32>} : memref<144xi32, #tpu.memory_space<vmem>>, vector<16xi32>,
    } else {
    }
    %add3A_2241 = arith.addi %add3A_2221, %squeeze3A_2226 : i32
    %sub3A_2242 = arith.constant 1 : i32
    %sub3A_2243 = arith.subi %sub3A_2242, %squeeze3A_2226 : i32
    %add3A_2244 = arith.addi %add3A_2224, %sub3A_2243 : i32
    %slice3A_2245 = vector.extract_strided_slice %select_n3A_2004 {offsets = [12], sizes = [1], strides = [1]} : vector<16xi32> to vector<1xi32>
    %squeeze3A_2246 = vector.extract %slice3A_2245[0] : i32 from vector<1xi32>
    %add3A_2247 = arith.constant 96 : i32
    %add3A_2248 = arith.addi %mul3A_2, %add3A_2247 : i32
    %add3A_2249 = arith.constant 12 : i32
    %add3A_2250 = arith.addi %add3A_2248, %add3A_2249 : i32
    %gt3A_2251 = arith.constant 0 : i32
    %gt3A_2252 = arith.cmpi sgt, %squeeze3A_2246, %gt3A_2251 : i32
    %convert_element_type3A_2253 = arith.extui %gt3A_2252 : i1 to i32
    %cond3A_2254 = arith.constant 0 : i32
    %cond3A_2255 = arith.cmpi ne, %convert_element_type3A_2253, %cond3A_2254 : i32
    scf.if %cond3A_2255 {
      %broadcast_in_dim3A_2935 = vector.broadcast %add3A_2250 : i32 to vector<16xi32>
      %swap3A_2936 = arith.index_cast %add3A_2241 : i32 to index
      %swap3A_2937 = tpu.vector_load %arg8[%swap3A_2936] {strides = array<i32>} : memref<144xi32, #tpu.memory_space<vmem>>, vector<16xi32>,
      %swap3A_2938 = vector.shape_cast %swap3A_2937 : vector<16xi32> to vector<16xi32>
      %swap3A_2939 = vector.shape_cast %broadcast_in_dim3A_2935 : vector<16xi32> to vector<16xi32>
      tpu.vector_store %arg8[%swap3A_2936], %swap3A_2939 {strides = array<i32>} : memref<144xi32, #tpu.memory_space<vmem>>, vector<16xi32>,
    } else {
    }
    %eq3A_2256 = arith.constant 0 : i32
    %eq3A_2257 = arith.cmpi eq, %squeeze3A_2246, %eq3A_2256 : i32
    %convert_element_type3A_2258 = arith.extui %eq3A_2257 : i1 to i32
    %cond3A_2259 = arith.constant 0 : i32
    %cond3A_2260 = arith.cmpi ne, %convert_element_type3A_2258, %cond3A_2259 : i32
    scf.if %cond3A_2260 {
      %broadcast_in_dim3A_2935 = vector.broadcast %add3A_2250 : i32 to vector<16xi32>
      %swap3A_2936 = arith.index_cast %add3A_2244 : i32 to index
      %swap3A_2937 = tpu.vector_load %arg9[%swap3A_2936] {strides = array<i32>} : memref<144xi32, #tpu.memory_space<vmem>>, vector<16xi32>,
      %swap3A_2938 = vector.shape_cast %swap3A_2937 : vector<16xi32> to vector<16xi32>
      %swap3A_2939 = vector.shape_cast %broadcast_in_dim3A_2935 : vector<16xi32> to vector<16xi32>
      tpu.vector_store %arg9[%swap3A_2936], %swap3A_2939 {strides = array<i32>} : memref<144xi32, #tpu.memory_space<vmem>>, vector<16xi32>,
    } else {
    }
    %add3A_2261 = arith.addi %add3A_2241, %squeeze3A_2246 : i32
    %sub3A_2262 = arith.constant 1 : i32
    %sub3A_2263 = arith.subi %sub3A_2262, %squeeze3A_2246 : i32
    %add3A_2264 = arith.addi %add3A_2244, %sub3A_2263 : i32
    %slice3A_2265 = vector.extract_strided_slice %select_n3A_2004 {offsets = [13], sizes = [1], strides = [1]} : vector<16xi32> to vector<1xi32>
    %squeeze3A_2266 = vector.extract %slice3A_2265[0] : i32 from vector<1xi32>
    %add3A_2267 = arith.constant 96 : i32
    %add3A_2268 = arith.addi %mul3A_2, %add3A_2267 : i32
    %add3A_2269 = arith.constant 13 : i32
    %add3A_2270 = arith.addi %add3A_2268, %add3A_2269 : i32
    %gt3A_2271 = arith.constant 0 : i32
    %gt3A_2272 = arith.cmpi sgt, %squeeze3A_2266, %gt3A_2271 : i32
    %convert_element_type3A_2273 = arith.extui %gt3A_2272 : i1 to i32
    %cond3A_2274 = arith.constant 0 : i32
    %cond3A_2275 = arith.cmpi ne, %convert_element_type3A_2273, %cond3A_2274 : i32
    scf.if %cond3A_2275 {
      %broadcast_in_dim3A_2935 = vector.broadcast %add3A_2270 : i32 to vector<16xi32>
      %swap3A_2936 = arith.index_cast %add3A_2261 : i32 to index
      %swap3A_2937 = tpu.vector_load %arg8[%swap3A_2936] {strides = array<i32>} : memref<144xi32, #tpu.memory_space<vmem>>, vector<16xi32>,
      %swap3A_2938 = vector.shape_cast %swap3A_2937 : vector<16xi32> to vector<16xi32>
      %swap3A_2939 = vector.shape_cast %broadcast_in_dim3A_2935 : vector<16xi32> to vector<16xi32>
      tpu.vector_store %arg8[%swap3A_2936], %swap3A_2939 {strides = array<i32>} : memref<144xi32, #tpu.memory_space<vmem>>, vector<16xi32>,
    } else {
    }
    %eq3A_2276 = arith.constant 0 : i32
    %eq3A_2277 = arith.cmpi eq, %squeeze3A_2266, %eq3A_2276 : i32
    %convert_element_type3A_2278 = arith.extui %eq3A_2277 : i1 to i32
    %cond3A_2279 = arith.constant 0 : i32
    %cond3A_2280 = arith.cmpi ne, %convert_element_type3A_2278, %cond3A_2279 : i32
    scf.if %cond3A_2280 {
      %broadcast_in_dim3A_2935 = vector.broadcast %add3A_2270 : i32 to vector<16xi32>
      %swap3A_2936 = arith.index_cast %add3A_2264 : i32 to index
      %swap3A_2937 = tpu.vector_load %arg9[%swap3A_2936] {strides = array<i32>} : memref<144xi32, #tpu.memory_space<vmem>>, vector<16xi32>,
      %swap3A_2938 = vector.shape_cast %swap3A_2937 : vector<16xi32> to vector<16xi32>
      %swap3A_2939 = vector.shape_cast %broadcast_in_dim3A_2935 : vector<16xi32> to vector<16xi32>
      tpu.vector_store %arg9[%swap3A_2936], %swap3A_2939 {strides = array<i32>} : memref<144xi32, #tpu.memory_space<vmem>>, vector<16xi32>,
    } else {
    }
    %add3A_2281 = arith.addi %add3A_2261, %squeeze3A_2266 : i32
    %sub3A_2282 = arith.constant 1 : i32
    %sub3A_2283 = arith.subi %sub3A_2282, %squeeze3A_2266 : i32
    %add3A_2284 = arith.addi %add3A_2264, %sub3A_2283 : i32
    %slice3A_2285 = vector.extract_strided_slice %select_n3A_2004 {offsets = [14], sizes = [1], strides = [1]} : vector<16xi32> to vector<1xi32>
    %squeeze3A_2286 = vector.extract %slice3A_2285[0] : i32 from vector<1xi32>
    %add3A_2287 = arith.constant 96 : i32
    %add3A_2288 = arith.addi %mul3A_2, %add3A_2287 : i32
    %add3A_2289 = arith.constant 14 : i32
    %add3A_2290 = arith.addi %add3A_2288, %add3A_2289 : i32
    %gt3A_2291 = arith.constant 0 : i32
    %gt3A_2292 = arith.cmpi sgt, %squeeze3A_2286, %gt3A_2291 : i32
    %convert_element_type3A_2293 = arith.extui %gt3A_2292 : i1 to i32
    %cond3A_2294 = arith.constant 0 : i32
    %cond3A_2295 = arith.cmpi ne, %convert_element_type3A_2293, %cond3A_2294 : i32
    scf.if %cond3A_2295 {
      %broadcast_in_dim3A_2935 = vector.broadcast %add3A_2290 : i32 to vector<16xi32>
      %swap3A_2936 = arith.index_cast %add3A_2281 : i32 to index
      %swap3A_2937 = tpu.vector_load %arg8[%swap3A_2936] {strides = array<i32>} : memref<144xi32, #tpu.memory_space<vmem>>, vector<16xi32>,
      %swap3A_2938 = vector.shape_cast %swap3A_2937 : vector<16xi32> to vector<16xi32>
      %swap3A_2939 = vector.shape_cast %broadcast_in_dim3A_2935 : vector<16xi32> to vector<16xi32>
      tpu.vector_store %arg8[%swap3A_2936], %swap3A_2939 {strides = array<i32>} : memref<144xi32, #tpu.memory_space<vmem>>, vector<16xi32>,
    } else {
    }
    %eq3A_2296 = arith.constant 0 : i32
    %eq3A_2297 = arith.cmpi eq, %squeeze3A_2286, %eq3A_2296 : i32
    %convert_element_type3A_2298 = arith.extui %eq3A_2297 : i1 to i32
    %cond3A_2299 = arith.constant 0 : i32
    %cond3A_2300 = arith.cmpi ne, %convert_element_type3A_2298, %cond3A_2299 : i32
    scf.if %cond3A_2300 {
      %broadcast_in_dim3A_2935 = vector.broadcast %add3A_2290 : i32 to vector<16xi32>
      %swap3A_2936 = arith.index_cast %add3A_2284 : i32 to index
      %swap3A_2937 = tpu.vector_load %arg9[%swap3A_2936] {strides = array<i32>} : memref<144xi32, #tpu.memory_space<vmem>>, vector<16xi32>,
      %swap3A_2938 = vector.shape_cast %swap3A_2937 : vector<16xi32> to vector<16xi32>
      %swap3A_2939 = vector.shape_cast %broadcast_in_dim3A_2935 : vector<16xi32> to vector<16xi32>
      tpu.vector_store %arg9[%swap3A_2936], %swap3A_2939 {strides = array<i32>} : memref<144xi32, #tpu.memory_space<vmem>>, vector<16xi32>,
    } else {
    }
    %add3A_2301 = arith.addi %add3A_2281, %squeeze3A_2286 : i32
    %sub3A_2302 = arith.constant 1 : i32
    %sub3A_2303 = arith.subi %sub3A_2302, %squeeze3A_2286 : i32
    %add3A_2304 = arith.addi %add3A_2284, %sub3A_2303 : i32
    %slice3A_2305 = vector.extract_strided_slice %select_n3A_2004 {offsets = [15], sizes = [1], strides = [1]} : vector<16xi32> to vector<1xi32>
    %squeeze3A_2306 = vector.extract %slice3A_2305[0] : i32 from vector<1xi32>
    %add3A_2307 = arith.constant 96 : i32
    %add3A_2308 = arith.addi %mul3A_2, %add3A_2307 : i32
    %add3A_2309 = arith.constant 15 : i32
    %add3A_2310 = arith.addi %add3A_2308, %add3A_2309 : i32
    %gt3A_2311 = arith.constant 0 : i32
    %gt3A_2312 = arith.cmpi sgt, %squeeze3A_2306, %gt3A_2311 : i32
    %convert_element_type3A_2313 = arith.extui %gt3A_2312 : i1 to i32
    %cond3A_2314 = arith.constant 0 : i32
    %cond3A_2315 = arith.cmpi ne, %convert_element_type3A_2313, %cond3A_2314 : i32
    scf.if %cond3A_2315 {
      %broadcast_in_dim3A_2935 = vector.broadcast %add3A_2310 : i32 to vector<16xi32>
      %swap3A_2936 = arith.index_cast %add3A_2301 : i32 to index
      %swap3A_2937 = tpu.vector_load %arg8[%swap3A_2936] {strides = array<i32>} : memref<144xi32, #tpu.memory_space<vmem>>, vector<16xi32>,
      %swap3A_2938 = vector.shape_cast %swap3A_2937 : vector<16xi32> to vector<16xi32>
      %swap3A_2939 = vector.shape_cast %broadcast_in_dim3A_2935 : vector<16xi32> to vector<16xi32>
      tpu.vector_store %arg8[%swap3A_2936], %swap3A_2939 {strides = array<i32>} : memref<144xi32, #tpu.memory_space<vmem>>, vector<16xi32>,
    } else {
    }
    %eq3A_2316 = arith.constant 0 : i32
    %eq3A_2317 = arith.cmpi eq, %squeeze3A_2306, %eq3A_2316 : i32
    %convert_element_type3A_2318 = arith.extui %eq3A_2317 : i1 to i32
    %cond3A_2319 = arith.constant 0 : i32
    %cond3A_2320 = arith.cmpi ne, %convert_element_type3A_2318, %cond3A_2319 : i32
    scf.if %cond3A_2320 {
      %broadcast_in_dim3A_2935 = vector.broadcast %add3A_2310 : i32 to vector<16xi32>
      %swap3A_2936 = arith.index_cast %add3A_2304 : i32 to index
      %swap3A_2937 = tpu.vector_load %arg9[%swap3A_2936] {strides = array<i32>} : memref<144xi32, #tpu.memory_space<vmem>>, vector<16xi32>,
      %swap3A_2938 = vector.shape_cast %swap3A_2937 : vector<16xi32> to vector<16xi32>
      %swap3A_2939 = vector.shape_cast %broadcast_in_dim3A_2935 : vector<16xi32> to vector<16xi32>
      tpu.vector_store %arg9[%swap3A_2936], %swap3A_2939 {strides = array<i32>} : memref<144xi32, #tpu.memory_space<vmem>>, vector<16xi32>,
    } else {
    }
    %add3A_2321 = arith.addi %add3A_2301, %squeeze3A_2306 : i32
    %sub3A_2322 = arith.constant 1 : i32
    %sub3A_2323 = arith.subi %sub3A_2322, %squeeze3A_2306 : i32
    %add3A_2324 = arith.addi %add3A_2304, %sub3A_2323 : i32
    %get3A_2325 = arith.constant 112 : index
    %get3A_2326 = tpu.vector_load %arg12[%get3A_2325] {strides = array<i32>} : memref<128xf32, #tpu.memory_space<vmem>>, vector<16xf32>,
    %get3A_2327 = vector.shape_cast %get3A_2326 : vector<16xf32> to vector<16xf32>
    %ge3A_2328 = arith.cmpf oge, %get3A_2327, %get3A_36 : vector<16xf32>
    %broadcast_in_dim3A_2329 = arith.constant 1 : i32
    %broadcast_in_dim3A_2330 = vector.broadcast %broadcast_in_dim3A_2329 : i32 to vector<16xi32>
    %select_n3A_2331 = arith.select %ge3A_2328, %broadcast_in_dim3A_2330, %broadcast_in_dim3A_37 : vector<16xi1>, vector<16xi32>
    %slice3A_2332 = vector.extract_strided_slice %select_n3A_2331 {offsets = [0], sizes = [1], strides = [1]} : vector<16xi32> to vector<1xi32>
    %squeeze3A_2333 = vector.extract %slice3A_2332[0] : i32 from vector<1xi32>
    %add3A_2334 = arith.constant 112 : i32
    %add3A_2335 = arith.addi %mul3A_2, %add3A_2334 : i32
    %add3A_2336 = arith.constant 0 : i32
    %add3A_2337 = arith.addi %add3A_2335, %add3A_2336 : i32
    %gt3A_2338 = arith.constant 0 : i32
    %gt3A_2339 = arith.cmpi sgt, %squeeze3A_2333, %gt3A_2338 : i32
    %convert_element_type3A_2340 = arith.extui %gt3A_2339 : i1 to i32
    %cond3A_2341 = arith.constant 0 : i32
    %cond3A_2342 = arith.cmpi ne, %convert_element_type3A_2340, %cond3A_2341 : i32
    scf.if %cond3A_2342 {
      %broadcast_in_dim3A_2935 = vector.broadcast %add3A_2337 : i32 to vector<16xi32>
      %swap3A_2936 = arith.index_cast %add3A_2321 : i32 to index
      %swap3A_2937 = tpu.vector_load %arg8[%swap3A_2936] {strides = array<i32>} : memref<144xi32, #tpu.memory_space<vmem>>, vector<16xi32>,
      %swap3A_2938 = vector.shape_cast %swap3A_2937 : vector<16xi32> to vector<16xi32>
      %swap3A_2939 = vector.shape_cast %broadcast_in_dim3A_2935 : vector<16xi32> to vector<16xi32>
      tpu.vector_store %arg8[%swap3A_2936], %swap3A_2939 {strides = array<i32>} : memref<144xi32, #tpu.memory_space<vmem>>, vector<16xi32>,
    } else {
    }
    %eq3A_2343 = arith.constant 0 : i32
    %eq3A_2344 = arith.cmpi eq, %squeeze3A_2333, %eq3A_2343 : i32
    %convert_element_type3A_2345 = arith.extui %eq3A_2344 : i1 to i32
    %cond3A_2346 = arith.constant 0 : i32
    %cond3A_2347 = arith.cmpi ne, %convert_element_type3A_2345, %cond3A_2346 : i32
    scf.if %cond3A_2347 {
      %broadcast_in_dim3A_2935 = vector.broadcast %add3A_2337 : i32 to vector<16xi32>
      %swap3A_2936 = arith.index_cast %add3A_2324 : i32 to index
      %swap3A_2937 = tpu.vector_load %arg9[%swap3A_2936] {strides = array<i32>} : memref<144xi32, #tpu.memory_space<vmem>>, vector<16xi32>,
      %swap3A_2938 = vector.shape_cast %swap3A_2937 : vector<16xi32> to vector<16xi32>
      %swap3A_2939 = vector.shape_cast %broadcast_in_dim3A_2935 : vector<16xi32> to vector<16xi32>
      tpu.vector_store %arg9[%swap3A_2936], %swap3A_2939 {strides = array<i32>} : memref<144xi32, #tpu.memory_space<vmem>>, vector<16xi32>,
    } else {
    }
    %add3A_2348 = arith.addi %add3A_2321, %squeeze3A_2333 : i32
    %sub3A_2349 = arith.constant 1 : i32
    %sub3A_2350 = arith.subi %sub3A_2349, %squeeze3A_2333 : i32
    %add3A_2351 = arith.addi %add3A_2324, %sub3A_2350 : i32
    %slice3A_2352 = vector.extract_strided_slice %select_n3A_2331 {offsets = [1], sizes = [1], strides = [1]} : vector<16xi32> to vector<1xi32>
    %squeeze3A_2353 = vector.extract %slice3A_2352[0] : i32 from vector<1xi32>
    %add3A_2354 = arith.constant 112 : i32
    %add3A_2355 = arith.addi %mul3A_2, %add3A_2354 : i32
    %add3A_2356 = arith.constant 1 : i32
    %add3A_2357 = arith.addi %add3A_2355, %add3A_2356 : i32
    %gt3A_2358 = arith.constant 0 : i32
    %gt3A_2359 = arith.cmpi sgt, %squeeze3A_2353, %gt3A_2358 : i32
    %convert_element_type3A_2360 = arith.extui %gt3A_2359 : i1 to i32
    %cond3A_2361 = arith.constant 0 : i32
    %cond3A_2362 = arith.cmpi ne, %convert_element_type3A_2360, %cond3A_2361 : i32
    scf.if %cond3A_2362 {
      %broadcast_in_dim3A_2935 = vector.broadcast %add3A_2357 : i32 to vector<16xi32>
      %swap3A_2936 = arith.index_cast %add3A_2348 : i32 to index
      %swap3A_2937 = tpu.vector_load %arg8[%swap3A_2936] {strides = array<i32>} : memref<144xi32, #tpu.memory_space<vmem>>, vector<16xi32>,
      %swap3A_2938 = vector.shape_cast %swap3A_2937 : vector<16xi32> to vector<16xi32>
      %swap3A_2939 = vector.shape_cast %broadcast_in_dim3A_2935 : vector<16xi32> to vector<16xi32>
      tpu.vector_store %arg8[%swap3A_2936], %swap3A_2939 {strides = array<i32>} : memref<144xi32, #tpu.memory_space<vmem>>, vector<16xi32>,
    } else {
    }
    %eq3A_2363 = arith.constant 0 : i32
    %eq3A_2364 = arith.cmpi eq, %squeeze3A_2353, %eq3A_2363 : i32
    %convert_element_type3A_2365 = arith.extui %eq3A_2364 : i1 to i32
    %cond3A_2366 = arith.constant 0 : i32
    %cond3A_2367 = arith.cmpi ne, %convert_element_type3A_2365, %cond3A_2366 : i32
    scf.if %cond3A_2367 {
      %broadcast_in_dim3A_2935 = vector.broadcast %add3A_2357 : i32 to vector<16xi32>
      %swap3A_2936 = arith.index_cast %add3A_2351 : i32 to index
      %swap3A_2937 = tpu.vector_load %arg9[%swap3A_2936] {strides = array<i32>} : memref<144xi32, #tpu.memory_space<vmem>>, vector<16xi32>,
      %swap3A_2938 = vector.shape_cast %swap3A_2937 : vector<16xi32> to vector<16xi32>
      %swap3A_2939 = vector.shape_cast %broadcast_in_dim3A_2935 : vector<16xi32> to vector<16xi32>
      tpu.vector_store %arg9[%swap3A_2936], %swap3A_2939 {strides = array<i32>} : memref<144xi32, #tpu.memory_space<vmem>>, vector<16xi32>,
    } else {
    }
    %add3A_2368 = arith.addi %add3A_2348, %squeeze3A_2353 : i32
    %sub3A_2369 = arith.constant 1 : i32
    %sub3A_2370 = arith.subi %sub3A_2369, %squeeze3A_2353 : i32
    %add3A_2371 = arith.addi %add3A_2351, %sub3A_2370 : i32
    %slice3A_2372 = vector.extract_strided_slice %select_n3A_2331 {offsets = [2], sizes = [1], strides = [1]} : vector<16xi32> to vector<1xi32>
    %squeeze3A_2373 = vector.extract %slice3A_2372[0] : i32 from vector<1xi32>
    %add3A_2374 = arith.constant 112 : i32
    %add3A_2375 = arith.addi %mul3A_2, %add3A_2374 : i32
    %add3A_2376 = arith.constant 2 : i32
    %add3A_2377 = arith.addi %add3A_2375, %add3A_2376 : i32
    %gt3A_2378 = arith.constant 0 : i32
    %gt3A_2379 = arith.cmpi sgt, %squeeze3A_2373, %gt3A_2378 : i32
    %convert_element_type3A_2380 = arith.extui %gt3A_2379 : i1 to i32
    %cond3A_2381 = arith.constant 0 : i32
    %cond3A_2382 = arith.cmpi ne, %convert_element_type3A_2380, %cond3A_2381 : i32
    scf.if %cond3A_2382 {
      %broadcast_in_dim3A_2935 = vector.broadcast %add3A_2377 : i32 to vector<16xi32>
      %swap3A_2936 = arith.index_cast %add3A_2368 : i32 to index
      %swap3A_2937 = tpu.vector_load %arg8[%swap3A_2936] {strides = array<i32>} : memref<144xi32, #tpu.memory_space<vmem>>, vector<16xi32>,
      %swap3A_2938 = vector.shape_cast %swap3A_2937 : vector<16xi32> to vector<16xi32>
      %swap3A_2939 = vector.shape_cast %broadcast_in_dim3A_2935 : vector<16xi32> to vector<16xi32>
      tpu.vector_store %arg8[%swap3A_2936], %swap3A_2939 {strides = array<i32>} : memref<144xi32, #tpu.memory_space<vmem>>, vector<16xi32>,
    } else {
    }
    %eq3A_2383 = arith.constant 0 : i32
    %eq3A_2384 = arith.cmpi eq, %squeeze3A_2373, %eq3A_2383 : i32
    %convert_element_type3A_2385 = arith.extui %eq3A_2384 : i1 to i32
    %cond3A_2386 = arith.constant 0 : i32
    %cond3A_2387 = arith.cmpi ne, %convert_element_type3A_2385, %cond3A_2386 : i32
    scf.if %cond3A_2387 {
      %broadcast_in_dim3A_2935 = vector.broadcast %add3A_2377 : i32 to vector<16xi32>
      %swap3A_2936 = arith.index_cast %add3A_2371 : i32 to index
      %swap3A_2937 = tpu.vector_load %arg9[%swap3A_2936] {strides = array<i32>} : memref<144xi32, #tpu.memory_space<vmem>>, vector<16xi32>,
      %swap3A_2938 = vector.shape_cast %swap3A_2937 : vector<16xi32> to vector<16xi32>
      %swap3A_2939 = vector.shape_cast %broadcast_in_dim3A_2935 : vector<16xi32> to vector<16xi32>
      tpu.vector_store %arg9[%swap3A_2936], %swap3A_2939 {strides = array<i32>} : memref<144xi32, #tpu.memory_space<vmem>>, vector<16xi32>,
    } else {
    }
    %add3A_2388 = arith.addi %add3A_2368, %squeeze3A_2373 : i32
    %sub3A_2389 = arith.constant 1 : i32
    %sub3A_2390 = arith.subi %sub3A_2389, %squeeze3A_2373 : i32
    %add3A_2391 = arith.addi %add3A_2371, %sub3A_2390 : i32
    %slice3A_2392 = vector.extract_strided_slice %select_n3A_2331 {offsets = [3], sizes = [1], strides = [1]} : vector<16xi32> to vector<1xi32>
    %squeeze3A_2393 = vector.extract %slice3A_2392[0] : i32 from vector<1xi32>
    %add3A_2394 = arith.constant 112 : i32
    %add3A_2395 = arith.addi %mul3A_2, %add3A_2394 : i32
    %add3A_2396 = arith.constant 3 : i32
    %add3A_2397 = arith.addi %add3A_2395, %add3A_2396 : i32
    %gt3A_2398 = arith.constant 0 : i32
    %gt3A_2399 = arith.cmpi sgt, %squeeze3A_2393, %gt3A_2398 : i32
    %convert_element_type3A_2400 = arith.extui %gt3A_2399 : i1 to i32
    %cond3A_2401 = arith.constant 0 : i32
    %cond3A_2402 = arith.cmpi ne, %convert_element_type3A_2400, %cond3A_2401 : i32
    scf.if %cond3A_2402 {
      %broadcast_in_dim3A_2935 = vector.broadcast %add3A_2397 : i32 to vector<16xi32>
      %swap3A_2936 = arith.index_cast %add3A_2388 : i32 to index
      %swap3A_2937 = tpu.vector_load %arg8[%swap3A_2936] {strides = array<i32>} : memref<144xi32, #tpu.memory_space<vmem>>, vector<16xi32>,
      %swap3A_2938 = vector.shape_cast %swap3A_2937 : vector<16xi32> to vector<16xi32>
      %swap3A_2939 = vector.shape_cast %broadcast_in_dim3A_2935 : vector<16xi32> to vector<16xi32>
      tpu.vector_store %arg8[%swap3A_2936], %swap3A_2939 {strides = array<i32>} : memref<144xi32, #tpu.memory_space<vmem>>, vector<16xi32>,
    } else {
    }
    %eq3A_2403 = arith.constant 0 : i32
    %eq3A_2404 = arith.cmpi eq, %squeeze3A_2393, %eq3A_2403 : i32
    %convert_element_type3A_2405 = arith.extui %eq3A_2404 : i1 to i32
    %cond3A_2406 = arith.constant 0 : i32
    %cond3A_2407 = arith.cmpi ne, %convert_element_type3A_2405, %cond3A_2406 : i32
    scf.if %cond3A_2407 {
      %broadcast_in_dim3A_2935 = vector.broadcast %add3A_2397 : i32 to vector<16xi32>
      %swap3A_2936 = arith.index_cast %add3A_2391 : i32 to index
      %swap3A_2937 = tpu.vector_load %arg9[%swap3A_2936] {strides = array<i32>} : memref<144xi32, #tpu.memory_space<vmem>>, vector<16xi32>,
      %swap3A_2938 = vector.shape_cast %swap3A_2937 : vector<16xi32> to vector<16xi32>
      %swap3A_2939 = vector.shape_cast %broadcast_in_dim3A_2935 : vector<16xi32> to vector<16xi32>
      tpu.vector_store %arg9[%swap3A_2936], %swap3A_2939 {strides = array<i32>} : memref<144xi32, #tpu.memory_space<vmem>>, vector<16xi32>,
    } else {
    }
    %add3A_2408 = arith.addi %add3A_2388, %squeeze3A_2393 : i32
    %sub3A_2409 = arith.constant 1 : i32
    %sub3A_2410 = arith.subi %sub3A_2409, %squeeze3A_2393 : i32
    %add3A_2411 = arith.addi %add3A_2391, %sub3A_2410 : i32
    %slice3A_2412 = vector.extract_strided_slice %select_n3A_2331 {offsets = [4], sizes = [1], strides = [1]} : vector<16xi32> to vector<1xi32>
    %squeeze3A_2413 = vector.extract %slice3A_2412[0] : i32 from vector<1xi32>
    %add3A_2414 = arith.constant 112 : i32
    %add3A_2415 = arith.addi %mul3A_2, %add3A_2414 : i32
    %add3A_2416 = arith.constant 4 : i32
    %add3A_2417 = arith.addi %add3A_2415, %add3A_2416 : i32
    %gt3A_2418 = arith.constant 0 : i32
    %gt3A_2419 = arith.cmpi sgt, %squeeze3A_2413, %gt3A_2418 : i32
    %convert_element_type3A_2420 = arith.extui %gt3A_2419 : i1 to i32
    %cond3A_2421 = arith.constant 0 : i32
    %cond3A_2422 = arith.cmpi ne, %convert_element_type3A_2420, %cond3A_2421 : i32
    scf.if %cond3A_2422 {
      %broadcast_in_dim3A_2935 = vector.broadcast %add3A_2417 : i32 to vector<16xi32>
      %swap3A_2936 = arith.index_cast %add3A_2408 : i32 to index
      %swap3A_2937 = tpu.vector_load %arg8[%swap3A_2936] {strides = array<i32>} : memref<144xi32, #tpu.memory_space<vmem>>, vector<16xi32>,
      %swap3A_2938 = vector.shape_cast %swap3A_2937 : vector<16xi32> to vector<16xi32>
      %swap3A_2939 = vector.shape_cast %broadcast_in_dim3A_2935 : vector<16xi32> to vector<16xi32>
      tpu.vector_store %arg8[%swap3A_2936], %swap3A_2939 {strides = array<i32>} : memref<144xi32, #tpu.memory_space<vmem>>, vector<16xi32>,
    } else {
    }
    %eq3A_2423 = arith.constant 0 : i32
    %eq3A_2424 = arith.cmpi eq, %squeeze3A_2413, %eq3A_2423 : i32
    %convert_element_type3A_2425 = arith.extui %eq3A_2424 : i1 to i32
    %cond3A_2426 = arith.constant 0 : i32
    %cond3A_2427 = arith.cmpi ne, %convert_element_type3A_2425, %cond3A_2426 : i32
    scf.if %cond3A_2427 {
      %broadcast_in_dim3A_2935 = vector.broadcast %add3A_2417 : i32 to vector<16xi32>
      %swap3A_2936 = arith.index_cast %add3A_2411 : i32 to index
      %swap3A_2937 = tpu.vector_load %arg9[%swap3A_2936] {strides = array<i32>} : memref<144xi32, #tpu.memory_space<vmem>>, vector<16xi32>,
      %swap3A_2938 = vector.shape_cast %swap3A_2937 : vector<16xi32> to vector<16xi32>
      %swap3A_2939 = vector.shape_cast %broadcast_in_dim3A_2935 : vector<16xi32> to vector<16xi32>
      tpu.vector_store %arg9[%swap3A_2936], %swap3A_2939 {strides = array<i32>} : memref<144xi32, #tpu.memory_space<vmem>>, vector<16xi32>,
    } else {
    }
    %add3A_2428 = arith.addi %add3A_2408, %squeeze3A_2413 : i32
    %sub3A_2429 = arith.constant 1 : i32
    %sub3A_2430 = arith.subi %sub3A_2429, %squeeze3A_2413 : i32
    %add3A_2431 = arith.addi %add3A_2411, %sub3A_2430 : i32
    %slice3A_2432 = vector.extract_strided_slice %select_n3A_2331 {offsets = [5], sizes = [1], strides = [1]} : vector<16xi32> to vector<1xi32>
    %squeeze3A_2433 = vector.extract %slice3A_2432[0] : i32 from vector<1xi32>
    %add3A_2434 = arith.constant 112 : i32
    %add3A_2435 = arith.addi %mul3A_2, %add3A_2434 : i32
    %add3A_2436 = arith.constant 5 : i32
    %add3A_2437 = arith.addi %add3A_2435, %add3A_2436 : i32
    %gt3A_2438 = arith.constant 0 : i32
    %gt3A_2439 = arith.cmpi sgt, %squeeze3A_2433, %gt3A_2438 : i32
    %convert_element_type3A_2440 = arith.extui %gt3A_2439 : i1 to i32
    %cond3A_2441 = arith.constant 0 : i32
    %cond3A_2442 = arith.cmpi ne, %convert_element_type3A_2440, %cond3A_2441 : i32
    scf.if %cond3A_2442 {
      %broadcast_in_dim3A_2935 = vector.broadcast %add3A_2437 : i32 to vector<16xi32>
      %swap3A_2936 = arith.index_cast %add3A_2428 : i32 to index
      %swap3A_2937 = tpu.vector_load %arg8[%swap3A_2936] {strides = array<i32>} : memref<144xi32, #tpu.memory_space<vmem>>, vector<16xi32>,
      %swap3A_2938 = vector.shape_cast %swap3A_2937 : vector<16xi32> to vector<16xi32>
      %swap3A_2939 = vector.shape_cast %broadcast_in_dim3A_2935 : vector<16xi32> to vector<16xi32>
      tpu.vector_store %arg8[%swap3A_2936], %swap3A_2939 {strides = array<i32>} : memref<144xi32, #tpu.memory_space<vmem>>, vector<16xi32>,
    } else {
    }
    %eq3A_2443 = arith.constant 0 : i32
    %eq3A_2444 = arith.cmpi eq, %squeeze3A_2433, %eq3A_2443 : i32
    %convert_element_type3A_2445 = arith.extui %eq3A_2444 : i1 to i32
    %cond3A_2446 = arith.constant 0 : i32
    %cond3A_2447 = arith.cmpi ne, %convert_element_type3A_2445, %cond3A_2446 : i32
    scf.if %cond3A_2447 {
      %broadcast_in_dim3A_2935 = vector.broadcast %add3A_2437 : i32 to vector<16xi32>
      %swap3A_2936 = arith.index_cast %add3A_2431 : i32 to index
      %swap3A_2937 = tpu.vector_load %arg9[%swap3A_2936] {strides = array<i32>} : memref<144xi32, #tpu.memory_space<vmem>>, vector<16xi32>,
      %swap3A_2938 = vector.shape_cast %swap3A_2937 : vector<16xi32> to vector<16xi32>
      %swap3A_2939 = vector.shape_cast %broadcast_in_dim3A_2935 : vector<16xi32> to vector<16xi32>
      tpu.vector_store %arg9[%swap3A_2936], %swap3A_2939 {strides = array<i32>} : memref<144xi32, #tpu.memory_space<vmem>>, vector<16xi32>,
    } else {
    }
    %add3A_2448 = arith.addi %add3A_2428, %squeeze3A_2433 : i32
    %sub3A_2449 = arith.constant 1 : i32
    %sub3A_2450 = arith.subi %sub3A_2449, %squeeze3A_2433 : i32
    %add3A_2451 = arith.addi %add3A_2431, %sub3A_2450 : i32
    %slice3A_2452 = vector.extract_strided_slice %select_n3A_2331 {offsets = [6], sizes = [1], strides = [1]} : vector<16xi32> to vector<1xi32>
    %squeeze3A_2453 = vector.extract %slice3A_2452[0] : i32 from vector<1xi32>
    %add3A_2454 = arith.constant 112 : i32
    %add3A_2455 = arith.addi %mul3A_2, %add3A_2454 : i32
    %add3A_2456 = arith.constant 6 : i32
    %add3A_2457 = arith.addi %add3A_2455, %add3A_2456 : i32
    %gt3A_2458 = arith.constant 0 : i32
    %gt3A_2459 = arith.cmpi sgt, %squeeze3A_2453, %gt3A_2458 : i32
    %convert_element_type3A_2460 = arith.extui %gt3A_2459 : i1 to i32
    %cond3A_2461 = arith.constant 0 : i32
    %cond3A_2462 = arith.cmpi ne, %convert_element_type3A_2460, %cond3A_2461 : i32
    scf.if %cond3A_2462 {
      %broadcast_in_dim3A_2935 = vector.broadcast %add3A_2457 : i32 to vector<16xi32>
      %swap3A_2936 = arith.index_cast %add3A_2448 : i32 to index
      %swap3A_2937 = tpu.vector_load %arg8[%swap3A_2936] {strides = array<i32>} : memref<144xi32, #tpu.memory_space<vmem>>, vector<16xi32>,
      %swap3A_2938 = vector.shape_cast %swap3A_2937 : vector<16xi32> to vector<16xi32>
      %swap3A_2939 = vector.shape_cast %broadcast_in_dim3A_2935 : vector<16xi32> to vector<16xi32>
      tpu.vector_store %arg8[%swap3A_2936], %swap3A_2939 {strides = array<i32>} : memref<144xi32, #tpu.memory_space<vmem>>, vector<16xi32>,
    } else {
    }
    %eq3A_2463 = arith.constant 0 : i32
    %eq3A_2464 = arith.cmpi eq, %squeeze3A_2453, %eq3A_2463 : i32
    %convert_element_type3A_2465 = arith.extui %eq3A_2464 : i1 to i32
    %cond3A_2466 = arith.constant 0 : i32
    %cond3A_2467 = arith.cmpi ne, %convert_element_type3A_2465, %cond3A_2466 : i32
    scf.if %cond3A_2467 {
      %broadcast_in_dim3A_2935 = vector.broadcast %add3A_2457 : i32 to vector<16xi32>
      %swap3A_2936 = arith.index_cast %add3A_2451 : i32 to index
      %swap3A_2937 = tpu.vector_load %arg9[%swap3A_2936] {strides = array<i32>} : memref<144xi32, #tpu.memory_space<vmem>>, vector<16xi32>,
      %swap3A_2938 = vector.shape_cast %swap3A_2937 : vector<16xi32> to vector<16xi32>
      %swap3A_2939 = vector.shape_cast %broadcast_in_dim3A_2935 : vector<16xi32> to vector<16xi32>
      tpu.vector_store %arg9[%swap3A_2936], %swap3A_2939 {strides = array<i32>} : memref<144xi32, #tpu.memory_space<vmem>>, vector<16xi32>,
    } else {
    }
    %add3A_2468 = arith.addi %add3A_2448, %squeeze3A_2453 : i32
    %sub3A_2469 = arith.constant 1 : i32
    %sub3A_2470 = arith.subi %sub3A_2469, %squeeze3A_2453 : i32
    %add3A_2471 = arith.addi %add3A_2451, %sub3A_2470 : i32
    %slice3A_2472 = vector.extract_strided_slice %select_n3A_2331 {offsets = [7], sizes = [1], strides = [1]} : vector<16xi32> to vector<1xi32>
    %squeeze3A_2473 = vector.extract %slice3A_2472[0] : i32 from vector<1xi32>
    %add3A_2474 = arith.constant 112 : i32
    %add3A_2475 = arith.addi %mul3A_2, %add3A_2474 : i32
    %add3A_2476 = arith.constant 7 : i32
    %add3A_2477 = arith.addi %add3A_2475, %add3A_2476 : i32
    %gt3A_2478 = arith.constant 0 : i32
    %gt3A_2479 = arith.cmpi sgt, %squeeze3A_2473, %gt3A_2478 : i32
    %convert_element_type3A_2480 = arith.extui %gt3A_2479 : i1 to i32
    %cond3A_2481 = arith.constant 0 : i32
    %cond3A_2482 = arith.cmpi ne, %convert_element_type3A_2480, %cond3A_2481 : i32
    scf.if %cond3A_2482 {
      %broadcast_in_dim3A_2935 = vector.broadcast %add3A_2477 : i32 to vector<16xi32>
      %swap3A_2936 = arith.index_cast %add3A_2468 : i32 to index
      %swap3A_2937 = tpu.vector_load %arg8[%swap3A_2936] {strides = array<i32>} : memref<144xi32, #tpu.memory_space<vmem>>, vector<16xi32>,
      %swap3A_2938 = vector.shape_cast %swap3A_2937 : vector<16xi32> to vector<16xi32>
      %swap3A_2939 = vector.shape_cast %broadcast_in_dim3A_2935 : vector<16xi32> to vector<16xi32>
      tpu.vector_store %arg8[%swap3A_2936], %swap3A_2939 {strides = array<i32>} : memref<144xi32, #tpu.memory_space<vmem>>, vector<16xi32>,
    } else {
    }
    %eq3A_2483 = arith.constant 0 : i32
    %eq3A_2484 = arith.cmpi eq, %squeeze3A_2473, %eq3A_2483 : i32
    %convert_element_type3A_2485 = arith.extui %eq3A_2484 : i1 to i32
    %cond3A_2486 = arith.constant 0 : i32
    %cond3A_2487 = arith.cmpi ne, %convert_element_type3A_2485, %cond3A_2486 : i32
    scf.if %cond3A_2487 {
      %broadcast_in_dim3A_2935 = vector.broadcast %add3A_2477 : i32 to vector<16xi32>
      %swap3A_2936 = arith.index_cast %add3A_2471 : i32 to index
      %swap3A_2937 = tpu.vector_load %arg9[%swap3A_2936] {strides = array<i32>} : memref<144xi32, #tpu.memory_space<vmem>>, vector<16xi32>,
      %swap3A_2938 = vector.shape_cast %swap3A_2937 : vector<16xi32> to vector<16xi32>
      %swap3A_2939 = vector.shape_cast %broadcast_in_dim3A_2935 : vector<16xi32> to vector<16xi32>
      tpu.vector_store %arg9[%swap3A_2936], %swap3A_2939 {strides = array<i32>} : memref<144xi32, #tpu.memory_space<vmem>>, vector<16xi32>,
    } else {
    }
    %add3A_2488 = arith.addi %add3A_2468, %squeeze3A_2473 : i32
    %sub3A_2489 = arith.constant 1 : i32
    %sub3A_2490 = arith.subi %sub3A_2489, %squeeze3A_2473 : i32
    %add3A_2491 = arith.addi %add3A_2471, %sub3A_2490 : i32
    %slice3A_2492 = vector.extract_strided_slice %select_n3A_2331 {offsets = [8], sizes = [1], strides = [1]} : vector<16xi32> to vector<1xi32>
    %squeeze3A_2493 = vector.extract %slice3A_2492[0] : i32 from vector<1xi32>
    %add3A_2494 = arith.constant 112 : i32
    %add3A_2495 = arith.addi %mul3A_2, %add3A_2494 : i32
    %add3A_2496 = arith.constant 8 : i32
    %add3A_2497 = arith.addi %add3A_2495, %add3A_2496 : i32
    %gt3A_2498 = arith.constant 0 : i32
    %gt3A_2499 = arith.cmpi sgt, %squeeze3A_2493, %gt3A_2498 : i32
    %convert_element_type3A_2500 = arith.extui %gt3A_2499 : i1 to i32
    %cond3A_2501 = arith.constant 0 : i32
    %cond3A_2502 = arith.cmpi ne, %convert_element_type3A_2500, %cond3A_2501 : i32
    scf.if %cond3A_2502 {
      %broadcast_in_dim3A_2935 = vector.broadcast %add3A_2497 : i32 to vector<16xi32>
      %swap3A_2936 = arith.index_cast %add3A_2488 : i32 to index
      %swap3A_2937 = tpu.vector_load %arg8[%swap3A_2936] {strides = array<i32>} : memref<144xi32, #tpu.memory_space<vmem>>, vector<16xi32>,
      %swap3A_2938 = vector.shape_cast %swap3A_2937 : vector<16xi32> to vector<16xi32>
      %swap3A_2939 = vector.shape_cast %broadcast_in_dim3A_2935 : vector<16xi32> to vector<16xi32>
      tpu.vector_store %arg8[%swap3A_2936], %swap3A_2939 {strides = array<i32>} : memref<144xi32, #tpu.memory_space<vmem>>, vector<16xi32>,
    } else {
    }
    %eq3A_2503 = arith.constant 0 : i32
    %eq3A_2504 = arith.cmpi eq, %squeeze3A_2493, %eq3A_2503 : i32
    %convert_element_type3A_2505 = arith.extui %eq3A_2504 : i1 to i32
    %cond3A_2506 = arith.constant 0 : i32
    %cond3A_2507 = arith.cmpi ne, %convert_element_type3A_2505, %cond3A_2506 : i32
    scf.if %cond3A_2507 {
      %broadcast_in_dim3A_2935 = vector.broadcast %add3A_2497 : i32 to vector<16xi32>
      %swap3A_2936 = arith.index_cast %add3A_2491 : i32 to index
      %swap3A_2937 = tpu.vector_load %arg9[%swap3A_2936] {strides = array<i32>} : memref<144xi32, #tpu.memory_space<vmem>>, vector<16xi32>,
      %swap3A_2938 = vector.shape_cast %swap3A_2937 : vector<16xi32> to vector<16xi32>
      %swap3A_2939 = vector.shape_cast %broadcast_in_dim3A_2935 : vector<16xi32> to vector<16xi32>
      tpu.vector_store %arg9[%swap3A_2936], %swap3A_2939 {strides = array<i32>} : memref<144xi32, #tpu.memory_space<vmem>>, vector<16xi32>,
    } else {
    }
    %add3A_2508 = arith.addi %add3A_2488, %squeeze3A_2493 : i32
    %sub3A_2509 = arith.constant 1 : i32
    %sub3A_2510 = arith.subi %sub3A_2509, %squeeze3A_2493 : i32
    %add3A_2511 = arith.addi %add3A_2491, %sub3A_2510 : i32
    %slice3A_2512 = vector.extract_strided_slice %select_n3A_2331 {offsets = [9], sizes = [1], strides = [1]} : vector<16xi32> to vector<1xi32>
    %squeeze3A_2513 = vector.extract %slice3A_2512[0] : i32 from vector<1xi32>
    %add3A_2514 = arith.constant 112 : i32
    %add3A_2515 = arith.addi %mul3A_2, %add3A_2514 : i32
    %add3A_2516 = arith.constant 9 : i32
    %add3A_2517 = arith.addi %add3A_2515, %add3A_2516 : i32
    %gt3A_2518 = arith.constant 0 : i32
    %gt3A_2519 = arith.cmpi sgt, %squeeze3A_2513, %gt3A_2518 : i32
    %convert_element_type3A_2520 = arith.extui %gt3A_2519 : i1 to i32
    %cond3A_2521 = arith.constant 0 : i32
    %cond3A_2522 = arith.cmpi ne, %convert_element_type3A_2520, %cond3A_2521 : i32
    scf.if %cond3A_2522 {
      %broadcast_in_dim3A_2935 = vector.broadcast %add3A_2517 : i32 to vector<16xi32>
      %swap3A_2936 = arith.index_cast %add3A_2508 : i32 to index
      %swap3A_2937 = tpu.vector_load %arg8[%swap3A_2936] {strides = array<i32>} : memref<144xi32, #tpu.memory_space<vmem>>, vector<16xi32>,
      %swap3A_2938 = vector.shape_cast %swap3A_2937 : vector<16xi32> to vector<16xi32>
      %swap3A_2939 = vector.shape_cast %broadcast_in_dim3A_2935 : vector<16xi32> to vector<16xi32>
      tpu.vector_store %arg8[%swap3A_2936], %swap3A_2939 {strides = array<i32>} : memref<144xi32, #tpu.memory_space<vmem>>, vector<16xi32>,
    } else {
    }
    %eq3A_2523 = arith.constant 0 : i32
    %eq3A_2524 = arith.cmpi eq, %squeeze3A_2513, %eq3A_2523 : i32
    %convert_element_type3A_2525 = arith.extui %eq3A_2524 : i1 to i32
    %cond3A_2526 = arith.constant 0 : i32
    %cond3A_2527 = arith.cmpi ne, %convert_element_type3A_2525, %cond3A_2526 : i32
    scf.if %cond3A_2527 {
      %broadcast_in_dim3A_2935 = vector.broadcast %add3A_2517 : i32 to vector<16xi32>
      %swap3A_2936 = arith.index_cast %add3A_2511 : i32 to index
      %swap3A_2937 = tpu.vector_load %arg9[%swap3A_2936] {strides = array<i32>} : memref<144xi32, #tpu.memory_space<vmem>>, vector<16xi32>,
      %swap3A_2938 = vector.shape_cast %swap3A_2937 : vector<16xi32> to vector<16xi32>
      %swap3A_2939 = vector.shape_cast %broadcast_in_dim3A_2935 : vector<16xi32> to vector<16xi32>
      tpu.vector_store %arg9[%swap3A_2936], %swap3A_2939 {strides = array<i32>} : memref<144xi32, #tpu.memory_space<vmem>>, vector<16xi32>,
    } else {
    }
    %add3A_2528 = arith.addi %add3A_2508, %squeeze3A_2513 : i32
    %sub3A_2529 = arith.constant 1 : i32
    %sub3A_2530 = arith.subi %sub3A_2529, %squeeze3A_2513 : i32
    %add3A_2531 = arith.addi %add3A_2511, %sub3A_2530 : i32
    %slice3A_2532 = vector.extract_strided_slice %select_n3A_2331 {offsets = [10], sizes = [1], strides = [1]} : vector<16xi32> to vector<1xi32>
    %squeeze3A_2533 = vector.extract %slice3A_2532[0] : i32 from vector<1xi32>
    %add3A_2534 = arith.constant 112 : i32
    %add3A_2535 = arith.addi %mul3A_2, %add3A_2534 : i32
    %add3A_2536 = arith.constant 10 : i32
    %add3A_2537 = arith.addi %add3A_2535, %add3A_2536 : i32
    %gt3A_2538 = arith.constant 0 : i32
    %gt3A_2539 = arith.cmpi sgt, %squeeze3A_2533, %gt3A_2538 : i32
    %convert_element_type3A_2540 = arith.extui %gt3A_2539 : i1 to i32
    %cond3A_2541 = arith.constant 0 : i32
    %cond3A_2542 = arith.cmpi ne, %convert_element_type3A_2540, %cond3A_2541 : i32
    scf.if %cond3A_2542 {
      %broadcast_in_dim3A_2935 = vector.broadcast %add3A_2537 : i32 to vector<16xi32>
      %swap3A_2936 = arith.index_cast %add3A_2528 : i32 to index
      %swap3A_2937 = tpu.vector_load %arg8[%swap3A_2936] {strides = array<i32>} : memref<144xi32, #tpu.memory_space<vmem>>, vector<16xi32>,
      %swap3A_2938 = vector.shape_cast %swap3A_2937 : vector<16xi32> to vector<16xi32>
      %swap3A_2939 = vector.shape_cast %broadcast_in_dim3A_2935 : vector<16xi32> to vector<16xi32>
      tpu.vector_store %arg8[%swap3A_2936], %swap3A_2939 {strides = array<i32>} : memref<144xi32, #tpu.memory_space<vmem>>, vector<16xi32>,
    } else {
    }
    %eq3A_2543 = arith.constant 0 : i32
    %eq3A_2544 = arith.cmpi eq, %squeeze3A_2533, %eq3A_2543 : i32
    %convert_element_type3A_2545 = arith.extui %eq3A_2544 : i1 to i32
    %cond3A_2546 = arith.constant 0 : i32
    %cond3A_2547 = arith.cmpi ne, %convert_element_type3A_2545, %cond3A_2546 : i32
    scf.if %cond3A_2547 {
      %broadcast_in_dim3A_2935 = vector.broadcast %add3A_2537 : i32 to vector<16xi32>
      %swap3A_2936 = arith.index_cast %add3A_2531 : i32 to index
      %swap3A_2937 = tpu.vector_load %arg9[%swap3A_2936] {strides = array<i32>} : memref<144xi32, #tpu.memory_space<vmem>>, vector<16xi32>,
      %swap3A_2938 = vector.shape_cast %swap3A_2937 : vector<16xi32> to vector<16xi32>
      %swap3A_2939 = vector.shape_cast %broadcast_in_dim3A_2935 : vector<16xi32> to vector<16xi32>
      tpu.vector_store %arg9[%swap3A_2936], %swap3A_2939 {strides = array<i32>} : memref<144xi32, #tpu.memory_space<vmem>>, vector<16xi32>,
    } else {
    }
    %add3A_2548 = arith.addi %add3A_2528, %squeeze3A_2533 : i32
    %sub3A_2549 = arith.constant 1 : i32
    %sub3A_2550 = arith.subi %sub3A_2549, %squeeze3A_2533 : i32
    %add3A_2551 = arith.addi %add3A_2531, %sub3A_2550 : i32
    %slice3A_2552 = vector.extract_strided_slice %select_n3A_2331 {offsets = [11], sizes = [1], strides = [1]} : vector<16xi32> to vector<1xi32>
    %squeeze3A_2553 = vector.extract %slice3A_2552[0] : i32 from vector<1xi32>
    %add3A_2554 = arith.constant 112 : i32
    %add3A_2555 = arith.addi %mul3A_2, %add3A_2554 : i32
    %add3A_2556 = arith.constant 11 : i32
    %add3A_2557 = arith.addi %add3A_2555, %add3A_2556 : i32
    %gt3A_2558 = arith.constant 0 : i32
    %gt3A_2559 = arith.cmpi sgt, %squeeze3A_2553, %gt3A_2558 : i32
    %convert_element_type3A_2560 = arith.extui %gt3A_2559 : i1 to i32
    %cond3A_2561 = arith.constant 0 : i32
    %cond3A_2562 = arith.cmpi ne, %convert_element_type3A_2560, %cond3A_2561 : i32
    scf.if %cond3A_2562 {
      %broadcast_in_dim3A_2935 = vector.broadcast %add3A_2557 : i32 to vector<16xi32>
      %swap3A_2936 = arith.index_cast %add3A_2548 : i32 to index
      %swap3A_2937 = tpu.vector_load %arg8[%swap3A_2936] {strides = array<i32>} : memref<144xi32, #tpu.memory_space<vmem>>, vector<16xi32>,
      %swap3A_2938 = vector.shape_cast %swap3A_2937 : vector<16xi32> to vector<16xi32>
      %swap3A_2939 = vector.shape_cast %broadcast_in_dim3A_2935 : vector<16xi32> to vector<16xi32>
      tpu.vector_store %arg8[%swap3A_2936], %swap3A_2939 {strides = array<i32>} : memref<144xi32, #tpu.memory_space<vmem>>, vector<16xi32>,
    } else {
    }
    %eq3A_2563 = arith.constant 0 : i32
    %eq3A_2564 = arith.cmpi eq, %squeeze3A_2553, %eq3A_2563 : i32
    %convert_element_type3A_2565 = arith.extui %eq3A_2564 : i1 to i32
    %cond3A_2566 = arith.constant 0 : i32
    %cond3A_2567 = arith.cmpi ne, %convert_element_type3A_2565, %cond3A_2566 : i32
    scf.if %cond3A_2567 {
      %broadcast_in_dim3A_2935 = vector.broadcast %add3A_2557 : i32 to vector<16xi32>
      %swap3A_2936 = arith.index_cast %add3A_2551 : i32 to index
      %swap3A_2937 = tpu.vector_load %arg9[%swap3A_2936] {strides = array<i32>} : memref<144xi32, #tpu.memory_space<vmem>>, vector<16xi32>,
      %swap3A_2938 = vector.shape_cast %swap3A_2937 : vector<16xi32> to vector<16xi32>
      %swap3A_2939 = vector.shape_cast %broadcast_in_dim3A_2935 : vector<16xi32> to vector<16xi32>
      tpu.vector_store %arg9[%swap3A_2936], %swap3A_2939 {strides = array<i32>} : memref<144xi32, #tpu.memory_space<vmem>>, vector<16xi32>,
    } else {
    }
    %add3A_2568 = arith.addi %add3A_2548, %squeeze3A_2553 : i32
    %sub3A_2569 = arith.constant 1 : i32
    %sub3A_2570 = arith.subi %sub3A_2569, %squeeze3A_2553 : i32
    %add3A_2571 = arith.addi %add3A_2551, %sub3A_2570 : i32
    %slice3A_2572 = vector.extract_strided_slice %select_n3A_2331 {offsets = [12], sizes = [1], strides = [1]} : vector<16xi32> to vector<1xi32>
    %squeeze3A_2573 = vector.extract %slice3A_2572[0] : i32 from vector<1xi32>
    %add3A_2574 = arith.constant 112 : i32
    %add3A_2575 = arith.addi %mul3A_2, %add3A_2574 : i32
    %add3A_2576 = arith.constant 12 : i32
    %add3A_2577 = arith.addi %add3A_2575, %add3A_2576 : i32
    %gt3A_2578 = arith.constant 0 : i32
    %gt3A_2579 = arith.cmpi sgt, %squeeze3A_2573, %gt3A_2578 : i32
    %convert_element_type3A_2580 = arith.extui %gt3A_2579 : i1 to i32
    %cond3A_2581 = arith.constant 0 : i32
    %cond3A_2582 = arith.cmpi ne, %convert_element_type3A_2580, %cond3A_2581 : i32
    scf.if %cond3A_2582 {
      %broadcast_in_dim3A_2935 = vector.broadcast %add3A_2577 : i32 to vector<16xi32>
      %swap3A_2936 = arith.index_cast %add3A_2568 : i32 to index
      %swap3A_2937 = tpu.vector_load %arg8[%swap3A_2936] {strides = array<i32>} : memref<144xi32, #tpu.memory_space<vmem>>, vector<16xi32>,
      %swap3A_2938 = vector.shape_cast %swap3A_2937 : vector<16xi32> to vector<16xi32>
      %swap3A_2939 = vector.shape_cast %broadcast_in_dim3A_2935 : vector<16xi32> to vector<16xi32>
      tpu.vector_store %arg8[%swap3A_2936], %swap3A_2939 {strides = array<i32>} : memref<144xi32, #tpu.memory_space<vmem>>, vector<16xi32>,
    } else {
    }
    %eq3A_2583 = arith.constant 0 : i32
    %eq3A_2584 = arith.cmpi eq, %squeeze3A_2573, %eq3A_2583 : i32
    %convert_element_type3A_2585 = arith.extui %eq3A_2584 : i1 to i32
    %cond3A_2586 = arith.constant 0 : i32
    %cond3A_2587 = arith.cmpi ne, %convert_element_type3A_2585, %cond3A_2586 : i32
    scf.if %cond3A_2587 {
      %broadcast_in_dim3A_2935 = vector.broadcast %add3A_2577 : i32 to vector<16xi32>
      %swap3A_2936 = arith.index_cast %add3A_2571 : i32 to index
      %swap3A_2937 = tpu.vector_load %arg9[%swap3A_2936] {strides = array<i32>} : memref<144xi32, #tpu.memory_space<vmem>>, vector<16xi32>,
      %swap3A_2938 = vector.shape_cast %swap3A_2937 : vector<16xi32> to vector<16xi32>
      %swap3A_2939 = vector.shape_cast %broadcast_in_dim3A_2935 : vector<16xi32> to vector<16xi32>
      tpu.vector_store %arg9[%swap3A_2936], %swap3A_2939 {strides = array<i32>} : memref<144xi32, #tpu.memory_space<vmem>>, vector<16xi32>,
    } else {
    }
    %add3A_2588 = arith.addi %add3A_2568, %squeeze3A_2573 : i32
    %sub3A_2589 = arith.constant 1 : i32
    %sub3A_2590 = arith.subi %sub3A_2589, %squeeze3A_2573 : i32
    %add3A_2591 = arith.addi %add3A_2571, %sub3A_2590 : i32
    %slice3A_2592 = vector.extract_strided_slice %select_n3A_2331 {offsets = [13], sizes = [1], strides = [1]} : vector<16xi32> to vector<1xi32>
    %squeeze3A_2593 = vector.extract %slice3A_2592[0] : i32 from vector<1xi32>
    %add3A_2594 = arith.constant 112 : i32
    %add3A_2595 = arith.addi %mul3A_2, %add3A_2594 : i32
    %add3A_2596 = arith.constant 13 : i32
    %add3A_2597 = arith.addi %add3A_2595, %add3A_2596 : i32
    %gt3A_2598 = arith.constant 0 : i32
    %gt3A_2599 = arith.cmpi sgt, %squeeze3A_2593, %gt3A_2598 : i32
    %convert_element_type3A_2600 = arith.extui %gt3A_2599 : i1 to i32
    %cond3A_2601 = arith.constant 0 : i32
    %cond3A_2602 = arith.cmpi ne, %convert_element_type3A_2600, %cond3A_2601 : i32
    scf.if %cond3A_2602 {
      %broadcast_in_dim3A_2935 = vector.broadcast %add3A_2597 : i32 to vector<16xi32>
      %swap3A_2936 = arith.index_cast %add3A_2588 : i32 to index
      %swap3A_2937 = tpu.vector_load %arg8[%swap3A_2936] {strides = array<i32>} : memref<144xi32, #tpu.memory_space<vmem>>, vector<16xi32>,
      %swap3A_2938 = vector.shape_cast %swap3A_2937 : vector<16xi32> to vector<16xi32>
      %swap3A_2939 = vector.shape_cast %broadcast_in_dim3A_2935 : vector<16xi32> to vector<16xi32>
      tpu.vector_store %arg8[%swap3A_2936], %swap3A_2939 {strides = array<i32>} : memref<144xi32, #tpu.memory_space<vmem>>, vector<16xi32>,
    } else {
    }
    %eq3A_2603 = arith.constant 0 : i32
    %eq3A_2604 = arith.cmpi eq, %squeeze3A_2593, %eq3A_2603 : i32
    %convert_element_type3A_2605 = arith.extui %eq3A_2604 : i1 to i32
    %cond3A_2606 = arith.constant 0 : i32
    %cond3A_2607 = arith.cmpi ne, %convert_element_type3A_2605, %cond3A_2606 : i32
    scf.if %cond3A_2607 {
      %broadcast_in_dim3A_2935 = vector.broadcast %add3A_2597 : i32 to vector<16xi32>
      %swap3A_2936 = arith.index_cast %add3A_2591 : i32 to index
      %swap3A_2937 = tpu.vector_load %arg9[%swap3A_2936] {strides = array<i32>} : memref<144xi32, #tpu.memory_space<vmem>>, vector<16xi32>,
      %swap3A_2938 = vector.shape_cast %swap3A_2937 : vector<16xi32> to vector<16xi32>
      %swap3A_2939 = vector.shape_cast %broadcast_in_dim3A_2935 : vector<16xi32> to vector<16xi32>
      tpu.vector_store %arg9[%swap3A_2936], %swap3A_2939 {strides = array<i32>} : memref<144xi32, #tpu.memory_space<vmem>>, vector<16xi32>,
    } else {
    }
    %add3A_2608 = arith.addi %add3A_2588, %squeeze3A_2593 : i32
    %sub3A_2609 = arith.constant 1 : i32
    %sub3A_2610 = arith.subi %sub3A_2609, %squeeze3A_2593 : i32
    %add3A_2611 = arith.addi %add3A_2591, %sub3A_2610 : i32
    %slice3A_2612 = vector.extract_strided_slice %select_n3A_2331 {offsets = [14], sizes = [1], strides = [1]} : vector<16xi32> to vector<1xi32>
    %squeeze3A_2613 = vector.extract %slice3A_2612[0] : i32 from vector<1xi32>
    %add3A_2614 = arith.constant 112 : i32
    %add3A_2615 = arith.addi %mul3A_2, %add3A_2614 : i32
    %add3A_2616 = arith.constant 14 : i32
    %add3A_2617 = arith.addi %add3A_2615, %add3A_2616 : i32
    %gt3A_2618 = arith.constant 0 : i32
    %gt3A_2619 = arith.cmpi sgt, %squeeze3A_2613, %gt3A_2618 : i32
    %convert_element_type3A_2620 = arith.extui %gt3A_2619 : i1 to i32
    %cond3A_2621 = arith.constant 0 : i32
    %cond3A_2622 = arith.cmpi ne, %convert_element_type3A_2620, %cond3A_2621 : i32
    scf.if %cond3A_2622 {
      %broadcast_in_dim3A_2935 = vector.broadcast %add3A_2617 : i32 to vector<16xi32>
      %swap3A_2936 = arith.index_cast %add3A_2608 : i32 to index
      %swap3A_2937 = tpu.vector_load %arg8[%swap3A_2936] {strides = array<i32>} : memref<144xi32, #tpu.memory_space<vmem>>, vector<16xi32>,
      %swap3A_2938 = vector.shape_cast %swap3A_2937 : vector<16xi32> to vector<16xi32>
      %swap3A_2939 = vector.shape_cast %broadcast_in_dim3A_2935 : vector<16xi32> to vector<16xi32>
      tpu.vector_store %arg8[%swap3A_2936], %swap3A_2939 {strides = array<i32>} : memref<144xi32, #tpu.memory_space<vmem>>, vector<16xi32>,
    } else {
    }
    %eq3A_2623 = arith.constant 0 : i32
    %eq3A_2624 = arith.cmpi eq, %squeeze3A_2613, %eq3A_2623 : i32
    %convert_element_type3A_2625 = arith.extui %eq3A_2624 : i1 to i32
    %cond3A_2626 = arith.constant 0 : i32
    %cond3A_2627 = arith.cmpi ne, %convert_element_type3A_2625, %cond3A_2626 : i32
    scf.if %cond3A_2627 {
      %broadcast_in_dim3A_2935 = vector.broadcast %add3A_2617 : i32 to vector<16xi32>
      %swap3A_2936 = arith.index_cast %add3A_2611 : i32 to index
      %swap3A_2937 = tpu.vector_load %arg9[%swap3A_2936] {strides = array<i32>} : memref<144xi32, #tpu.memory_space<vmem>>, vector<16xi32>,
      %swap3A_2938 = vector.shape_cast %swap3A_2937 : vector<16xi32> to vector<16xi32>
      %swap3A_2939 = vector.shape_cast %broadcast_in_dim3A_2935 : vector<16xi32> to vector<16xi32>
      tpu.vector_store %arg9[%swap3A_2936], %swap3A_2939 {strides = array<i32>} : memref<144xi32, #tpu.memory_space<vmem>>, vector<16xi32>,
    } else {
    }
    %add3A_2628 = arith.addi %add3A_2608, %squeeze3A_2613 : i32
    %sub3A_2629 = arith.constant 1 : i32
    %sub3A_2630 = arith.subi %sub3A_2629, %squeeze3A_2613 : i32
    %add3A_2631 = arith.addi %add3A_2611, %sub3A_2630 : i32
    %slice3A_2632 = vector.extract_strided_slice %select_n3A_2331 {offsets = [15], sizes = [1], strides = [1]} : vector<16xi32> to vector<1xi32>
    %squeeze3A_2633 = vector.extract %slice3A_2632[0] : i32 from vector<1xi32>
    %add3A_2634 = arith.constant 112 : i32
    %add3A_2635 = arith.addi %mul3A_2, %add3A_2634 : i32
    %add3A_2636 = arith.constant 15 : i32
    %add3A_2637 = arith.addi %add3A_2635, %add3A_2636 : i32
    %gt3A_2638 = arith.constant 0 : i32
    %gt3A_2639 = arith.cmpi sgt, %squeeze3A_2633, %gt3A_2638 : i32
    %convert_element_type3A_2640 = arith.extui %gt3A_2639 : i1 to i32
    %cond3A_2641 = arith.constant 0 : i32
    %cond3A_2642 = arith.cmpi ne, %convert_element_type3A_2640, %cond3A_2641 : i32
    scf.if %cond3A_2642 {
      %broadcast_in_dim3A_2935 = vector.broadcast %add3A_2637 : i32 to vector<16xi32>
      %swap3A_2936 = arith.index_cast %add3A_2628 : i32 to index
      %swap3A_2937 = tpu.vector_load %arg8[%swap3A_2936] {strides = array<i32>} : memref<144xi32, #tpu.memory_space<vmem>>, vector<16xi32>,
      %swap3A_2938 = vector.shape_cast %swap3A_2937 : vector<16xi32> to vector<16xi32>
      %swap3A_2939 = vector.shape_cast %broadcast_in_dim3A_2935 : vector<16xi32> to vector<16xi32>
      tpu.vector_store %arg8[%swap3A_2936], %swap3A_2939 {strides = array<i32>} : memref<144xi32, #tpu.memory_space<vmem>>, vector<16xi32>,
    } else {
    }
    %eq3A_2643 = arith.constant 0 : i32
    %eq3A_2644 = arith.cmpi eq, %squeeze3A_2633, %eq3A_2643 : i32
    %convert_element_type3A_2645 = arith.extui %eq3A_2644 : i1 to i32
    %cond3A_2646 = arith.constant 0 : i32
    %cond3A_2647 = arith.cmpi ne, %convert_element_type3A_2645, %cond3A_2646 : i32
    scf.if %cond3A_2647 {
      %broadcast_in_dim3A_2935 = vector.broadcast %add3A_2637 : i32 to vector<16xi32>
      %swap3A_2936 = arith.index_cast %add3A_2631 : i32 to index
      %swap3A_2937 = tpu.vector_load %arg9[%swap3A_2936] {strides = array<i32>} : memref<144xi32, #tpu.memory_space<vmem>>, vector<16xi32>,
      %swap3A_2938 = vector.shape_cast %swap3A_2937 : vector<16xi32> to vector<16xi32>
      %swap3A_2939 = vector.shape_cast %broadcast_in_dim3A_2935 : vector<16xi32> to vector<16xi32>
      tpu.vector_store %arg9[%swap3A_2936], %swap3A_2939 {strides = array<i32>} : memref<144xi32, #tpu.memory_space<vmem>>, vector<16xi32>,
    } else {
    }
    %add3A_2648 = arith.addi %add3A_2628, %squeeze3A_2633 : i32
    %sub3A_2649 = arith.constant 1 : i32
    %sub3A_2650 = arith.subi %sub3A_2649, %squeeze3A_2633 : i32
    %add3A_2651 = arith.addi %add3A_2631, %sub3A_2650 : i32
    %get3A_2652 = arith.constant 0 : index
    %get3A_2653 = tpu.vector_load %arg8[%get3A_2652] {strides = array<i32>} : memref<144xi32, #tpu.memory_space<vmem>>, vector<16xi32>,
    %get3A_2654 = vector.shape_cast %get3A_2653 : vector<16xi32> to vector<16xi32>
    %swap3A = arith.constant 0 : i32
    %swap3A_2655 = arith.index_cast %swap3A : i32 to index
    %swap3A_2656 = arith.constant 0 : index
    %swap3A_2657 = tpu.vector_load %arg10[%swap3A_2655, %swap3A_2656] {strides = array<i32>} : memref<9x16xi32, #tpu.memory_space<vmem>>, vector<1x16xi32>,
    %swap3A_2658 = vector.shape_cast %swap3A_2657 : vector<1x16xi32> to vector<16xi32>
    %swap3A_2659 = vector.shape_cast %get3A_2654 : vector<16xi32> to vector<1x16xi32>
    tpu.vector_store %arg10[%swap3A_2655, %swap3A_2656], %swap3A_2659 {strides = array<i32>} : memref<9x16xi32, #tpu.memory_space<vmem>>, vector<1x16xi32>,
    %get3A_2660 = arith.constant 0 : index
    %get3A_2661 = tpu.vector_load %arg9[%get3A_2660] {strides = array<i32>} : memref<144xi32, #tpu.memory_space<vmem>>, vector<16xi32>,
    %get3A_2662 = vector.shape_cast %get3A_2661 : vector<16xi32> to vector<16xi32>
    %swap3A_2663 = arith.constant 0 : i32
    %swap3A_2664 = arith.index_cast %swap3A_2663 : i32 to index
    %swap3A_2665 = arith.constant 0 : index
    %swap3A_2666 = tpu.vector_load %arg11[%swap3A_2664, %swap3A_2665] {strides = array<i32>} : memref<9x16xi32, #tpu.memory_space<vmem>>, vector<1x16xi32>,
    %swap3A_2667 = vector.shape_cast %swap3A_2666 : vector<1x16xi32> to vector<16xi32>
    %swap3A_2668 = vector.shape_cast %get3A_2662 : vector<16xi32> to vector<1x16xi32>
    tpu.vector_store %arg11[%swap3A_2664, %swap3A_2665], %swap3A_2668 {strides = array<i32>} : memref<9x16xi32, #tpu.memory_space<vmem>>, vector<1x16xi32>,
    %get3A_2669 = arith.constant 16 : index
    %get3A_2670 = tpu.vector_load %arg8[%get3A_2669] {strides = array<i32>} : memref<144xi32, #tpu.memory_space<vmem>>, vector<16xi32>,
    %get3A_2671 = vector.shape_cast %get3A_2670 : vector<16xi32> to vector<16xi32>
    %swap3A_2672 = arith.constant 1 : i32
    %swap3A_2673 = arith.index_cast %swap3A_2672 : i32 to index
    %swap3A_2674 = arith.constant 0 : index
    %swap3A_2675 = tpu.vector_load %arg10[%swap3A_2673, %swap3A_2674] {strides = array<i32>} : memref<9x16xi32, #tpu.memory_space<vmem>>, vector<1x16xi32>,
    %swap3A_2676 = vector.shape_cast %swap3A_2675 : vector<1x16xi32> to vector<16xi32>
    %swap3A_2677 = vector.shape_cast %get3A_2671 : vector<16xi32> to vector<1x16xi32>
    tpu.vector_store %arg10[%swap3A_2673, %swap3A_2674], %swap3A_2677 {strides = array<i32>} : memref<9x16xi32, #tpu.memory_space<vmem>>, vector<1x16xi32>,
    %get3A_2678 = arith.constant 16 : index
    %get3A_2679 = tpu.vector_load %arg9[%get3A_2678] {strides = array<i32>} : memref<144xi32, #tpu.memory_space<vmem>>, vector<16xi32>,
    %get3A_2680 = vector.shape_cast %get3A_2679 : vector<16xi32> to vector<16xi32>
    %swap3A_2681 = arith.constant 1 : i32
    %swap3A_2682 = arith.index_cast %swap3A_2681 : i32 to index
    %swap3A_2683 = arith.constant 0 : index
    %swap3A_2684 = tpu.vector_load %arg11[%swap3A_2682, %swap3A_2683] {strides = array<i32>} : memref<9x16xi32, #tpu.memory_space<vmem>>, vector<1x16xi32>,
    %swap3A_2685 = vector.shape_cast %swap3A_2684 : vector<1x16xi32> to vector<16xi32>
    %swap3A_2686 = vector.shape_cast %get3A_2680 : vector<16xi32> to vector<1x16xi32>
    tpu.vector_store %arg11[%swap3A_2682, %swap3A_2683], %swap3A_2686 {strides = array<i32>} : memref<9x16xi32, #tpu.memory_space<vmem>>, vector<1x16xi32>,
    %get3A_2687 = arith.constant 32 : index
    %get3A_2688 = tpu.vector_load %arg8[%get3A_2687] {strides = array<i32>} : memref<144xi32, #tpu.memory_space<vmem>>, vector<16xi32>,
    %get3A_2689 = vector.shape_cast %get3A_2688 : vector<16xi32> to vector<16xi32>
    %swap3A_2690 = arith.constant 2 : i32
    %swap3A_2691 = arith.index_cast %swap3A_2690 : i32 to index
    %swap3A_2692 = arith.constant 0 : index
    %swap3A_2693 = tpu.vector_load %arg10[%swap3A_2691, %swap3A_2692] {strides = array<i32>} : memref<9x16xi32, #tpu.memory_space<vmem>>, vector<1x16xi32>,
    %swap3A_2694 = vector.shape_cast %swap3A_2693 : vector<1x16xi32> to vector<16xi32>
    %swap3A_2695 = vector.shape_cast %get3A_2689 : vector<16xi32> to vector<1x16xi32>
    tpu.vector_store %arg10[%swap3A_2691, %swap3A_2692], %swap3A_2695 {strides = array<i32>} : memref<9x16xi32, #tpu.memory_space<vmem>>, vector<1x16xi32>,
    %get3A_2696 = arith.constant 32 : index
    %get3A_2697 = tpu.vector_load %arg9[%get3A_2696] {strides = array<i32>} : memref<144xi32, #tpu.memory_space<vmem>>, vector<16xi32>,
    %get3A_2698 = vector.shape_cast %get3A_2697 : vector<16xi32> to vector<16xi32>
    %swap3A_2699 = arith.constant 2 : i32
    %swap3A_2700 = arith.index_cast %swap3A_2699 : i32 to index
    %swap3A_2701 = arith.constant 0 : index
    %swap3A_2702 = tpu.vector_load %arg11[%swap3A_2700, %swap3A_2701] {strides = array<i32>} : memref<9x16xi32, #tpu.memory_space<vmem>>, vector<1x16xi32>,
    %swap3A_2703 = vector.shape_cast %swap3A_2702 : vector<1x16xi32> to vector<16xi32>
    %swap3A_2704 = vector.shape_cast %get3A_2698 : vector<16xi32> to vector<1x16xi32>
    tpu.vector_store %arg11[%swap3A_2700, %swap3A_2701], %swap3A_2704 {strides = array<i32>} : memref<9x16xi32, #tpu.memory_space<vmem>>, vector<1x16xi32>,
    %get3A_2705 = arith.constant 48 : index
    %get3A_2706 = tpu.vector_load %arg8[%get3A_2705] {strides = array<i32>} : memref<144xi32, #tpu.memory_space<vmem>>, vector<16xi32>,
    %get3A_2707 = vector.shape_cast %get3A_2706 : vector<16xi32> to vector<16xi32>
    %swap3A_2708 = arith.constant 3 : i32
    %swap3A_2709 = arith.index_cast %swap3A_2708 : i32 to index
    %swap3A_2710 = arith.constant 0 : index
    %swap3A_2711 = tpu.vector_load %arg10[%swap3A_2709, %swap3A_2710] {strides = array<i32>} : memref<9x16xi32, #tpu.memory_space<vmem>>, vector<1x16xi32>,
    %swap3A_2712 = vector.shape_cast %swap3A_2711 : vector<1x16xi32> to vector<16xi32>
    %swap3A_2713 = vector.shape_cast %get3A_2707 : vector<16xi32> to vector<1x16xi32>
    tpu.vector_store %arg10[%swap3A_2709, %swap3A_2710], %swap3A_2713 {strides = array<i32>} : memref<9x16xi32, #tpu.memory_space<vmem>>, vector<1x16xi32>,
    %get3A_2714 = arith.constant 48 : index
    %get3A_2715 = tpu.vector_load %arg9[%get3A_2714] {strides = array<i32>} : memref<144xi32, #tpu.memory_space<vmem>>, vector<16xi32>,
    %get3A_2716 = vector.shape_cast %get3A_2715 : vector<16xi32> to vector<16xi32>
    %swap3A_2717 = arith.constant 3 : i32
    %swap3A_2718 = arith.index_cast %swap3A_2717 : i32 to index
    %swap3A_2719 = arith.constant 0 : index
    %swap3A_2720 = tpu.vector_load %arg11[%swap3A_2718, %swap3A_2719] {strides = array<i32>} : memref<9x16xi32, #tpu.memory_space<vmem>>, vector<1x16xi32>,
    %swap3A_2721 = vector.shape_cast %swap3A_2720 : vector<1x16xi32> to vector<16xi32>
    %swap3A_2722 = vector.shape_cast %get3A_2716 : vector<16xi32> to vector<1x16xi32>
    tpu.vector_store %arg11[%swap3A_2718, %swap3A_2719], %swap3A_2722 {strides = array<i32>} : memref<9x16xi32, #tpu.memory_space<vmem>>, vector<1x16xi32>,
    %get3A_2723 = arith.constant 64 : index
    %get3A_2724 = tpu.vector_load %arg8[%get3A_2723] {strides = array<i32>} : memref<144xi32, #tpu.memory_space<vmem>>, vector<16xi32>,
    %get3A_2725 = vector.shape_cast %get3A_2724 : vector<16xi32> to vector<16xi32>
    %swap3A_2726 = arith.constant 4 : i32
    %swap3A_2727 = arith.index_cast %swap3A_2726 : i32 to index
    %swap3A_2728 = arith.constant 0 : index
    %swap3A_2729 = tpu.vector_load %arg10[%swap3A_2727, %swap3A_2728] {strides = array<i32>} : memref<9x16xi32, #tpu.memory_space<vmem>>, vector<1x16xi32>,
    %swap3A_2730 = vector.shape_cast %swap3A_2729 : vector<1x16xi32> to vector<16xi32>
    %swap3A_2731 = vector.shape_cast %get3A_2725 : vector<16xi32> to vector<1x16xi32>
    tpu.vector_store %arg10[%swap3A_2727, %swap3A_2728], %swap3A_2731 {strides = array<i32>} : memref<9x16xi32, #tpu.memory_space<vmem>>, vector<1x16xi32>,
    %get3A_2732 = arith.constant 64 : index
    %get3A_2733 = tpu.vector_load %arg9[%get3A_2732] {strides = array<i32>} : memref<144xi32, #tpu.memory_space<vmem>>, vector<16xi32>,
    %get3A_2734 = vector.shape_cast %get3A_2733 : vector<16xi32> to vector<16xi32>
    %swap3A_2735 = arith.constant 4 : i32
    %swap3A_2736 = arith.index_cast %swap3A_2735 : i32 to index
    %swap3A_2737 = arith.constant 0 : index
    %swap3A_2738 = tpu.vector_load %arg11[%swap3A_2736, %swap3A_2737] {strides = array<i32>} : memref<9x16xi32, #tpu.memory_space<vmem>>, vector<1x16xi32>,
    %swap3A_2739 = vector.shape_cast %swap3A_2738 : vector<1x16xi32> to vector<16xi32>
    %swap3A_2740 = vector.shape_cast %get3A_2734 : vector<16xi32> to vector<1x16xi32>
    tpu.vector_store %arg11[%swap3A_2736, %swap3A_2737], %swap3A_2740 {strides = array<i32>} : memref<9x16xi32, #tpu.memory_space<vmem>>, vector<1x16xi32>,
    %get3A_2741 = arith.constant 80 : index
    %get3A_2742 = tpu.vector_load %arg8[%get3A_2741] {strides = array<i32>} : memref<144xi32, #tpu.memory_space<vmem>>, vector<16xi32>,
    %get3A_2743 = vector.shape_cast %get3A_2742 : vector<16xi32> to vector<16xi32>
    %swap3A_2744 = arith.constant 5 : i32
    %swap3A_2745 = arith.index_cast %swap3A_2744 : i32 to index
    %swap3A_2746 = arith.constant 0 : index
    %swap3A_2747 = tpu.vector_load %arg10[%swap3A_2745, %swap3A_2746] {strides = array<i32>} : memref<9x16xi32, #tpu.memory_space<vmem>>, vector<1x16xi32>,
    %swap3A_2748 = vector.shape_cast %swap3A_2747 : vector<1x16xi32> to vector<16xi32>
    %swap3A_2749 = vector.shape_cast %get3A_2743 : vector<16xi32> to vector<1x16xi32>
    tpu.vector_store %arg10[%swap3A_2745, %swap3A_2746], %swap3A_2749 {strides = array<i32>} : memref<9x16xi32, #tpu.memory_space<vmem>>, vector<1x16xi32>,
    %get3A_2750 = arith.constant 80 : index
    %get3A_2751 = tpu.vector_load %arg9[%get3A_2750] {strides = array<i32>} : memref<144xi32, #tpu.memory_space<vmem>>, vector<16xi32>,
    %get3A_2752 = vector.shape_cast %get3A_2751 : vector<16xi32> to vector<16xi32>
    %swap3A_2753 = arith.constant 5 : i32
    %swap3A_2754 = arith.index_cast %swap3A_2753 : i32 to index
    %swap3A_2755 = arith.constant 0 : index
    %swap3A_2756 = tpu.vector_load %arg11[%swap3A_2754, %swap3A_2755] {strides = array<i32>} : memref<9x16xi32, #tpu.memory_space<vmem>>, vector<1x16xi32>,
    %swap3A_2757 = vector.shape_cast %swap3A_2756 : vector<1x16xi32> to vector<16xi32>
    %swap3A_2758 = vector.shape_cast %get3A_2752 : vector<16xi32> to vector<1x16xi32>
    tpu.vector_store %arg11[%swap3A_2754, %swap3A_2755], %swap3A_2758 {strides = array<i32>} : memref<9x16xi32, #tpu.memory_space<vmem>>, vector<1x16xi32>,
    %get3A_2759 = arith.constant 96 : index
    %get3A_2760 = tpu.vector_load %arg8[%get3A_2759] {strides = array<i32>} : memref<144xi32, #tpu.memory_space<vmem>>, vector<16xi32>,
    %get3A_2761 = vector.shape_cast %get3A_2760 : vector<16xi32> to vector<16xi32>
    %swap3A_2762 = arith.constant 6 : i32
    %swap3A_2763 = arith.index_cast %swap3A_2762 : i32 to index
    %swap3A_2764 = arith.constant 0 : index
    %swap3A_2765 = tpu.vector_load %arg10[%swap3A_2763, %swap3A_2764] {strides = array<i32>} : memref<9x16xi32, #tpu.memory_space<vmem>>, vector<1x16xi32>,
    %swap3A_2766 = vector.shape_cast %swap3A_2765 : vector<1x16xi32> to vector<16xi32>
    %swap3A_2767 = vector.shape_cast %get3A_2761 : vector<16xi32> to vector<1x16xi32>
    tpu.vector_store %arg10[%swap3A_2763, %swap3A_2764], %swap3A_2767 {strides = array<i32>} : memref<9x16xi32, #tpu.memory_space<vmem>>, vector<1x16xi32>,
    %get3A_2768 = arith.constant 96 : index
    %get3A_2769 = tpu.vector_load %arg9[%get3A_2768] {strides = array<i32>} : memref<144xi32, #tpu.memory_space<vmem>>, vector<16xi32>,
    %get3A_2770 = vector.shape_cast %get3A_2769 : vector<16xi32> to vector<16xi32>
    %swap3A_2771 = arith.constant 6 : i32
    %swap3A_2772 = arith.index_cast %swap3A_2771 : i32 to index
    %swap3A_2773 = arith.constant 0 : index
    %swap3A_2774 = tpu.vector_load %arg11[%swap3A_2772, %swap3A_2773] {strides = array<i32>} : memref<9x16xi32, #tpu.memory_space<vmem>>, vector<1x16xi32>,
    %swap3A_2775 = vector.shape_cast %swap3A_2774 : vector<1x16xi32> to vector<16xi32>
    %swap3A_2776 = vector.shape_cast %get3A_2770 : vector<16xi32> to vector<1x16xi32>
    tpu.vector_store %arg11[%swap3A_2772, %swap3A_2773], %swap3A_2776 {strides = array<i32>} : memref<9x16xi32, #tpu.memory_space<vmem>>, vector<1x16xi32>,
    %get3A_2777 = arith.constant 112 : index
    %get3A_2778 = tpu.vector_load %arg8[%get3A_2777] {strides = array<i32>} : memref<144xi32, #tpu.memory_space<vmem>>, vector<16xi32>,
    %get3A_2779 = vector.shape_cast %get3A_2778 : vector<16xi32> to vector<16xi32>
    %swap3A_2780 = arith.constant 7 : i32
    %swap3A_2781 = arith.index_cast %swap3A_2780 : i32 to index
    %swap3A_2782 = arith.constant 0 : index
    %swap3A_2783 = tpu.vector_load %arg10[%swap3A_2781, %swap3A_2782] {strides = array<i32>} : memref<9x16xi32, #tpu.memory_space<vmem>>, vector<1x16xi32>,
    %swap3A_2784 = vector.shape_cast %swap3A_2783 : vector<1x16xi32> to vector<16xi32>
    %swap3A_2785 = vector.shape_cast %get3A_2779 : vector<16xi32> to vector<1x16xi32>
    tpu.vector_store %arg10[%swap3A_2781, %swap3A_2782], %swap3A_2785 {strides = array<i32>} : memref<9x16xi32, #tpu.memory_space<vmem>>, vector<1x16xi32>,
    %get3A_2786 = arith.constant 112 : index
    %get3A_2787 = tpu.vector_load %arg9[%get3A_2786] {strides = array<i32>} : memref<144xi32, #tpu.memory_space<vmem>>, vector<16xi32>,
    %get3A_2788 = vector.shape_cast %get3A_2787 : vector<16xi32> to vector<16xi32>
    %swap3A_2789 = arith.constant 7 : i32
    %swap3A_2790 = arith.index_cast %swap3A_2789 : i32 to index
    %swap3A_2791 = arith.constant 0 : index
    %swap3A_2792 = tpu.vector_load %arg11[%swap3A_2790, %swap3A_2791] {strides = array<i32>} : memref<9x16xi32, #tpu.memory_space<vmem>>, vector<1x16xi32>,
    %swap3A_2793 = vector.shape_cast %swap3A_2792 : vector<1x16xi32> to vector<16xi32>
    %swap3A_2794 = vector.shape_cast %get3A_2788 : vector<16xi32> to vector<1x16xi32>
    tpu.vector_store %arg11[%swap3A_2790, %swap3A_2791], %swap3A_2794 {strides = array<i32>} : memref<9x16xi32, #tpu.memory_space<vmem>>, vector<1x16xi32>,
    %get3A_2795 = arith.constant 128 : index
    %get3A_2796 = tpu.vector_load %arg8[%get3A_2795] {strides = array<i32>} : memref<144xi32, #tpu.memory_space<vmem>>, vector<16xi32>,
    %get3A_2797 = vector.shape_cast %get3A_2796 : vector<16xi32> to vector<16xi32>
    %swap3A_2798 = arith.constant 8 : i32
    %swap3A_2799 = arith.index_cast %swap3A_2798 : i32 to index
    %swap3A_2800 = arith.constant 0 : index
    %swap3A_2801 = tpu.vector_load %arg10[%swap3A_2799, %swap3A_2800] {strides = array<i32>} : memref<9x16xi32, #tpu.memory_space<vmem>>, vector<1x16xi32>,
    %swap3A_2802 = vector.shape_cast %swap3A_2801 : vector<1x16xi32> to vector<16xi32>
    %swap3A_2803 = vector.shape_cast %get3A_2797 : vector<16xi32> to vector<1x16xi32>
    tpu.vector_store %arg10[%swap3A_2799, %swap3A_2800], %swap3A_2803 {strides = array<i32>} : memref<9x16xi32, #tpu.memory_space<vmem>>, vector<1x16xi32>,
    %get3A_2804 = arith.constant 128 : index
    %get3A_2805 = tpu.vector_load %arg9[%get3A_2804] {strides = array<i32>} : memref<144xi32, #tpu.memory_space<vmem>>, vector<16xi32>,
    %get3A_2806 = vector.shape_cast %get3A_2805 : vector<16xi32> to vector<16xi32>
    %swap3A_2807 = arith.constant 8 : i32
    %swap3A_2808 = arith.index_cast %swap3A_2807 : i32 to index
    %swap3A_2809 = arith.constant 0 : index
    %swap3A_2810 = tpu.vector_load %arg11[%swap3A_2808, %swap3A_2809] {strides = array<i32>} : memref<9x16xi32, #tpu.memory_space<vmem>>, vector<1x16xi32>,
    %swap3A_2811 = vector.shape_cast %swap3A_2810 : vector<1x16xi32> to vector<16xi32>
    %swap3A_2812 = vector.shape_cast %get3A_2806 : vector<16xi32> to vector<1x16xi32>
    tpu.vector_store %arg11[%swap3A_2808, %swap3A_2809], %swap3A_2812 {strides = array<i32>} : memref<9x16xi32, #tpu.memory_space<vmem>>, vector<1x16xi32>,
    %add3A_2813 = arith.constant 15 : i32
    %add3A_2814 = arith.addi %add3A_2648, %add3A_2813 : i32
    %jit3A_2815 = arith.constant 16 : i32
    %div3A_2816 = arith.divsi %add3A_2814, %jit3A_2815 : i32
    %sign3A_2817 = arith.constant 0 : i32
    %sign3A_2818 = arith.cmpi sgt, %add3A_2814, %sign3A_2817 : i32
    %sign3A_2819 = arith.extui %sign3A_2818 : i1 to i32
    %sign3A_2820 = arith.constant 0 : i32
    %sign3A_2821 = arith.cmpi slt, %add3A_2814, %sign3A_2820 : i32
    %sign3A_2822 = arith.extui %sign3A_2821 : i1 to i32
    %sign3A_2823 = arith.subi %sign3A_2819, %sign3A_2822 : i32
    %sign3A_2824 = arith.constant 0 : i32
    %sign3A_2825 = arith.cmpi sgt, %jit3A_2815, %sign3A_2824 : i32
    %sign3A_2826 = arith.extui %sign3A_2825 : i1 to i32
    %sign3A_2827 = arith.constant 0 : i32
    %sign3A_2828 = arith.cmpi slt, %jit3A_2815, %sign3A_2827 : i32
    %sign3A_2829 = arith.extui %sign3A_2828 : i1 to i32
    %sign3A_2830 = arith.subi %sign3A_2826, %sign3A_2829 : i32
    %ne3A_2831 = arith.cmpi ne, %sign3A_2823, %sign3A_2830 : i32
    %rem3A_2832 = arith.remsi %add3A_2814, %jit3A_2815 : i32
    %ne3A_2833 = arith.constant 0 : i32
    %ne3A_2834 = arith.cmpi ne, %rem3A_2832, %ne3A_2833 : i32
    %and3A_2835 = arith.andi %ne3A_2831, %ne3A_2834 : i1
    %sub3A_2836 = arith.constant 1 : i32
    %sub3A_2837 = arith.subi %div3A_2816, %sub3A_2836 : i32
    %select_n3A_2838 = arith.select %and3A_2835, %sub3A_2837, %div3A_2816 : i32
    %add3A_2839 = arith.constant 15 : i32
    %add3A_2840 = arith.addi %add3A_2651, %add3A_2839 : i32
    %jit3A_2841 = arith.constant 16 : i32
    %div3A_2842 = arith.divsi %add3A_2840, %jit3A_2841 : i32
    %sign3A_2843 = arith.constant 0 : i32
    %sign3A_2844 = arith.cmpi sgt, %add3A_2840, %sign3A_2843 : i32
    %sign3A_2845 = arith.extui %sign3A_2844 : i1 to i32
    %sign3A_2846 = arith.constant 0 : i32
    %sign3A_2847 = arith.cmpi slt, %add3A_2840, %sign3A_2846 : i32
    %sign3A_2848 = arith.extui %sign3A_2847 : i1 to i32
    %sign3A_2849 = arith.subi %sign3A_2845, %sign3A_2848 : i32
    %sign3A_2850 = arith.constant 0 : i32
    %sign3A_2851 = arith.cmpi sgt, %jit3A_2841, %sign3A_2850 : i32
    %sign3A_2852 = arith.extui %sign3A_2851 : i1 to i32
    %sign3A_2853 = arith.constant 0 : i32
    %sign3A_2854 = arith.cmpi slt, %jit3A_2841, %sign3A_2853 : i32
    %sign3A_2855 = arith.extui %sign3A_2854 : i1 to i32
    %sign3A_2856 = arith.subi %sign3A_2852, %sign3A_2855 : i32
    %ne3A_2857 = arith.cmpi ne, %sign3A_2849, %sign3A_2856 : i32
    %rem3A_2858 = arith.remsi %add3A_2840, %jit3A_2841 : i32
    %ne3A_2859 = arith.constant 0 : i32
    %ne3A_2860 = arith.cmpi ne, %rem3A_2858, %ne3A_2859 : i32
    %and3A_2861 = arith.andi %ne3A_2857, %ne3A_2860 : i1
    %sub3A_2862 = arith.constant 1 : i32
    %sub3A_2863 = arith.subi %div3A_2842, %sub3A_2862 : i32
    %select_n3A_2864 = arith.select %and3A_2861, %sub3A_2863, %div3A_2842 : i32
    %while3A = arith.constant 0 : i32
    %while3A_2865 = arith.constant 0 : i32
    %while3A_2866 = arith.subi %select_n3A_2838, %while3A_2865 : i32
    %while3A_2867 = arith.addi %while3A_2865, %while3A_2866 : i32
    %while3A_2868 = arith.constant 1 : i32
    %while3A_2869 = arith.divsi %while3A_2866, %while3A_2868 : i32
    %while3A_2870 = arith.muli %while3A_2869, %while3A_2868 : i32
    %while3A_2871 = arith.addi %while3A_2865, %while3A_2870 : i32
    %while3A_2872 = arith.constant 1 : i32
    scf.for %while3A_2935 = %while3A_2865 to %while3A_2871 step %while3A_2872  : i32 {
      %mul3A_2936 = arith.constant 16 : i32
      %mul3A_2937 = arith.muli %while3A_2935, %mul3A_2936 : i32
      %dma_start3A = arith.constant 0 : i32
      %dma_start3A_2938 = tpu.memref_slice %arg7[%mul3A_2937, %dma_start3A] : memref<144x768xf32, #tpu.memory_space<vmem>> -> memref<16x768xf32, #tpu.memory_space<vmem>>
      %dma_start3A_2939 = arith.constant 0 : i32
      %dma_start3A_2940 = tpu.memref_slice %arg10[%while3A_2935, %dma_start3A_2939] : memref<9x16xi32, #tpu.memory_space<vmem>> -> memref<1x16xi32, #tpu.memory_space<vmem>>
      %dma_start3A_2941 = tpu.memref_squeeze %dma_start3A_2940 : memref<1x16xi32, #tpu.memory_space<vmem>> -> memref<16xi32, #tpu.memory_space<vmem>>
      %dma_start3A_2942 = arith.constant 0 : i32
      %dma_start3A_2943 = arith.constant 0 : i32
      %dma_start3A_2944 = tpu.memref_slice %arg2[%dma_start3A_2942, %dma_start3A_2943] : memref<4096x768xf32, #tpu.memory_space<hbm>> -> memref<4096x768xf32, #tpu.memory_space<hbm>>
      tpu.enqueue_indirect_dma source(%dma_start3A_2944 : memref<4096x768xf32, #tpu.memory_space<hbm>>) target(%dma_start3A_2938 : memref<16x768xf32, #tpu.memory_space<vmem>>) offsets(%dma_start3A_2941 : memref<16xi32, #tpu.memory_space<vmem>>) semaphore(%arg14 : memref<!tpu.dma_semaphore, #tpu.memory_space<semaphore_mem>>)
    }
    %while3A_2873 = arith.constant 1 : i32
    scf.for %while3A_2935 = %while3A_2871 to %while3A_2867 step %while3A_2873  : i32 {
      %mul3A_2936 = arith.constant 16 : i32
      %mul3A_2937 = arith.muli %while3A_2935, %mul3A_2936 : i32
      %dma_start3A = arith.constant 0 : i32
      %dma_start3A_2938 = tpu.memref_slice %arg7[%mul3A_2937, %dma_start3A] : memref<144x768xf32, #tpu.memory_space<vmem>> -> memref<16x768xf32, #tpu.memory_space<vmem>>
      %dma_start3A_2939 = arith.constant 0 : i32
      %dma_start3A_2940 = tpu.memref_slice %arg10[%while3A_2935, %dma_start3A_2939] : memref<9x16xi32, #tpu.memory_space<vmem>> -> memref<1x16xi32, #tpu.memory_space<vmem>>
      %dma_start3A_2941 = tpu.memref_squeeze %dma_start3A_2940 : memref<1x16xi32, #tpu.memory_space<vmem>> -> memref<16xi32, #tpu.memory_space<vmem>>
      %dma_start3A_2942 = arith.constant 0 : i32
      %dma_start3A_2943 = arith.constant 0 : i32
      %dma_start3A_2944 = tpu.memref_slice %arg2[%dma_start3A_2942, %dma_start3A_2943] : memref<4096x768xf32, #tpu.memory_space<hbm>> -> memref<4096x768xf32, #tpu.memory_space<hbm>>
      tpu.enqueue_indirect_dma source(%dma_start3A_2944 : memref<4096x768xf32, #tpu.memory_space<hbm>>) target(%dma_start3A_2938 : memref<16x768xf32, #tpu.memory_space<vmem>>) offsets(%dma_start3A_2941 : memref<16xi32, #tpu.memory_space<vmem>>) semaphore(%arg14 : memref<!tpu.dma_semaphore, #tpu.memory_space<semaphore_mem>>)
    }
    %while3A_2874 = arith.constant 0 : i32
    %while3A_2875 = arith.constant 0 : i32
    %while3A_2876 = arith.subi %select_n3A_2864, %while3A_2875 : i32
    %while3A_2877 = arith.addi %while3A_2875, %while3A_2876 : i32
    %while3A_2878 = arith.constant 1 : i32
    %while3A_2879 = arith.divsi %while3A_2876, %while3A_2878 : i32
    %while3A_2880 = arith.muli %while3A_2879, %while3A_2878 : i32
    %while3A_2881 = arith.addi %while3A_2875, %while3A_2880 : i32
    %while3A_2882 = arith.constant 1 : i32
    scf.for %while3A_2935 = %while3A_2875 to %while3A_2881 step %while3A_2882  : i32 {
      %add3A_2936 = arith.addi %select_n3A_2838, %while3A_2935 : i32
      %mul3A_2937 = arith.constant 16 : i32
      %mul3A_2938 = arith.muli %add3A_2936, %mul3A_2937 : i32
      %dma_start3A = arith.constant 0 : i32
      %dma_start3A_2939 = tpu.memref_slice %arg7[%mul3A_2938, %dma_start3A] : memref<144x768xf32, #tpu.memory_space<vmem>> -> memref<16x768xf32, #tpu.memory_space<vmem>>
      %dma_start3A_2940 = arith.constant 0 : i32
      %dma_start3A_2941 = tpu.memref_slice %arg11[%while3A_2935, %dma_start3A_2940] : memref<9x16xi32, #tpu.memory_space<vmem>> -> memref<1x16xi32, #tpu.memory_space<vmem>>
      %dma_start3A_2942 = tpu.memref_squeeze %dma_start3A_2941 : memref<1x16xi32, #tpu.memory_space<vmem>> -> memref<16xi32, #tpu.memory_space<vmem>>
      %dma_start3A_2943 = arith.constant 0 : i32
      %dma_start3A_2944 = arith.constant 0 : i32
      %dma_start3A_2945 = tpu.memref_slice %arg3[%dma_start3A_2943, %dma_start3A_2944] : memref<4096x768xf32, #tpu.memory_space<hbm>> -> memref<4096x768xf32, #tpu.memory_space<hbm>>
      tpu.enqueue_indirect_dma source(%dma_start3A_2945 : memref<4096x768xf32, #tpu.memory_space<hbm>>) target(%dma_start3A_2939 : memref<16x768xf32, #tpu.memory_space<vmem>>) offsets(%dma_start3A_2942 : memref<16xi32, #tpu.memory_space<vmem>>) semaphore(%arg15 : memref<!tpu.dma_semaphore, #tpu.memory_space<semaphore_mem>>)
    }
    %while3A_2883 = arith.constant 1 : i32
    scf.for %while3A_2935 = %while3A_2881 to %while3A_2877 step %while3A_2883  : i32 {
      %add3A_2936 = arith.addi %select_n3A_2838, %while3A_2935 : i32
      %mul3A_2937 = arith.constant 16 : i32
      %mul3A_2938 = arith.muli %add3A_2936, %mul3A_2937 : i32
      %dma_start3A = arith.constant 0 : i32
      %dma_start3A_2939 = tpu.memref_slice %arg7[%mul3A_2938, %dma_start3A] : memref<144x768xf32, #tpu.memory_space<vmem>> -> memref<16x768xf32, #tpu.memory_space<vmem>>
      %dma_start3A_2940 = arith.constant 0 : i32
      %dma_start3A_2941 = tpu.memref_slice %arg11[%while3A_2935, %dma_start3A_2940] : memref<9x16xi32, #tpu.memory_space<vmem>> -> memref<1x16xi32, #tpu.memory_space<vmem>>
      %dma_start3A_2942 = tpu.memref_squeeze %dma_start3A_2941 : memref<1x16xi32, #tpu.memory_space<vmem>> -> memref<16xi32, #tpu.memory_space<vmem>>
      %dma_start3A_2943 = arith.constant 0 : i32
      %dma_start3A_2944 = arith.constant 0 : i32
      %dma_start3A_2945 = tpu.memref_slice %arg3[%dma_start3A_2943, %dma_start3A_2944] : memref<4096x768xf32, #tpu.memory_space<hbm>> -> memref<4096x768xf32, #tpu.memory_space<hbm>>
      tpu.enqueue_indirect_dma source(%dma_start3A_2945 : memref<4096x768xf32, #tpu.memory_space<hbm>>) target(%dma_start3A_2939 : memref<16x768xf32, #tpu.memory_space<vmem>>) offsets(%dma_start3A_2942 : memref<16xi32, #tpu.memory_space<vmem>>) semaphore(%arg15 : memref<!tpu.dma_semaphore, #tpu.memory_space<semaphore_mem>>)
    }
    %while3A_2884 = arith.constant 0 : i32
    %while3A_2885 = arith.constant 0 : i32
    %while3A_2886 = arith.subi %select_n3A_2838, %while3A_2885 : i32
    %while3A_2887 = arith.addi %while3A_2885, %while3A_2886 : i32
    %while3A_2888 = arith.constant 1 : i32
    %while3A_2889 = arith.divsi %while3A_2886, %while3A_2888 : i32
    %while3A_2890 = arith.muli %while3A_2889, %while3A_2888 : i32
    %while3A_2891 = arith.addi %while3A_2885, %while3A_2890 : i32
    %while3A_2892 = arith.constant 1 : i32
    scf.for %while3A_2935 = %while3A_2885 to %while3A_2891 step %while3A_2892  : i32 {
      %dma_wait3A = arith.constant 0 : i32
      %dma_wait3A_2936 = arith.constant 0 : i32
      %dma_wait3A_2937 = tpu.memref_slice %arg7[%dma_wait3A, %dma_wait3A_2936] : memref<144x768xf32, #tpu.memory_space<vmem>> -> memref<16x768xf32, #tpu.memory_space<vmem>>
      %dma_wait3A_2938 = arith.constant 0 : i32
      %dma_wait3A_2939 = arith.constant 0 : i32
      %dma_wait3A_2940 = tpu.memref_slice %arg2[%dma_wait3A_2938, %dma_wait3A_2939] : memref<4096x768xf32, #tpu.memory_space<hbm>> -> memref<16x768xf32, #tpu.memory_space<hbm>>
      %dma_wait3A_2941 = arith.constant 0 : i32
      %dma_wait3A_2942 = arith.constant 0 : i32
      %dma_wait3A_2943 = tpu.memref_slice %arg7[%dma_wait3A_2941, %dma_wait3A_2942] : memref<144x768xf32, #tpu.memory_space<vmem>> -> memref<16x768xf32, #tpu.memory_space<vmem>>
      %dma_wait3A_2944 = arith.constant 0 : i32
      %dma_wait3A_2945 = arith.constant 0 : i32
      %dma_wait3A_2946 = tpu.memref_slice %arg2[%dma_wait3A_2944, %dma_wait3A_2945] : memref<4096x768xf32, #tpu.memory_space<hbm>> -> memref<16x768xf32, #tpu.memory_space<hbm>>
      tpu.wait_dma2 semaphore(%arg14 : memref<!tpu.dma_semaphore, #tpu.memory_space<semaphore_mem>>) src(%dma_wait3A_2946 : memref<16x768xf32, #tpu.memory_space<hbm>>) dst(%dma_wait3A_2943 : memref<16x768xf32, #tpu.memory_space<vmem>>)
    }
    %while3A_2893 = arith.constant 1 : i32
    scf.for %while3A_2935 = %while3A_2891 to %while3A_2887 step %while3A_2893  : i32 {
      %dma_wait3A = arith.constant 0 : i32
      %dma_wait3A_2936 = arith.constant 0 : i32
      %dma_wait3A_2937 = tpu.memref_slice %arg7[%dma_wait3A, %dma_wait3A_2936] : memref<144x768xf32, #tpu.memory_space<vmem>> -> memref<16x768xf32, #tpu.memory_space<vmem>>
      %dma_wait3A_2938 = arith.constant 0 : i32
      %dma_wait3A_2939 = arith.constant 0 : i32
      %dma_wait3A_2940 = tpu.memref_slice %arg2[%dma_wait3A_2938, %dma_wait3A_2939] : memref<4096x768xf32, #tpu.memory_space<hbm>> -> memref<16x768xf32, #tpu.memory_space<hbm>>
      %dma_wait3A_2941 = arith.constant 0 : i32
      %dma_wait3A_2942 = arith.constant 0 : i32
      %dma_wait3A_2943 = tpu.memref_slice %arg7[%dma_wait3A_2941, %dma_wait3A_2942] : memref<144x768xf32, #tpu.memory_space<vmem>> -> memref<16x768xf32, #tpu.memory_space<vmem>>
      %dma_wait3A_2944 = arith.constant 0 : i32
      %dma_wait3A_2945 = arith.constant 0 : i32
      %dma_wait3A_2946 = tpu.memref_slice %arg2[%dma_wait3A_2944, %dma_wait3A_2945] : memref<4096x768xf32, #tpu.memory_space<hbm>> -> memref<16x768xf32, #tpu.memory_space<hbm>>
      tpu.wait_dma2 semaphore(%arg14 : memref<!tpu.dma_semaphore, #tpu.memory_space<semaphore_mem>>) src(%dma_wait3A_2946 : memref<16x768xf32, #tpu.memory_space<hbm>>) dst(%dma_wait3A_2943 : memref<16x768xf32, #tpu.memory_space<vmem>>)
    }
    %while3A_2894 = arith.constant 0 : i32
    %while3A_2895 = arith.constant 0 : i32
    %while3A_2896 = arith.subi %select_n3A_2838, %while3A_2895 : i32
    %while3A_2897 = arith.addi %while3A_2895, %while3A_2896 : i32
    %while3A_2898 = arith.constant 1 : i32
    %while3A_2899 = arith.divsi %while3A_2896, %while3A_2898 : i32
    %while3A_2900 = arith.muli %while3A_2899, %while3A_2898 : i32
    %while3A_2901 = arith.addi %while3A_2895, %while3A_2900 : i32
    %while3A_2902 = arith.constant 1 : i32
    scf.for %while3A_2935 = %while3A_2895 to %while3A_2901 step %while3A_2902  : i32 {
      %mul3A_2936 = arith.constant 16 : i32
      %mul3A_2937 = arith.muli %while3A_2935, %mul3A_2936 : i32
      %dma_start3A = arith.constant 0 : i32
      %dma_start3A_2938 = tpu.memref_slice %arg7[%mul3A_2937, %dma_start3A] : memref<144x768xf32, #tpu.memory_space<vmem>> -> memref<16x768xf32, #tpu.memory_space<vmem>>
      %dma_start3A_2939 = arith.constant 0 : i32
      %dma_start3A_2940 = tpu.memref_slice %arg10[%while3A_2935, %dma_start3A_2939] : memref<9x16xi32, #tpu.memory_space<vmem>> -> memref<1x16xi32, #tpu.memory_space<vmem>>
      %dma_start3A_2941 = tpu.memref_squeeze %dma_start3A_2940 : memref<1x16xi32, #tpu.memory_space<vmem>> -> memref<16xi32, #tpu.memory_space<vmem>>
      %dma_start3A_2942 = arith.constant 0 : i32
      %dma_start3A_2943 = arith.constant 0 : i32
      %dma_start3A_2944 = tpu.memref_slice %arg6[%dma_start3A_2942, %dma_start3A_2943] : memref<4096x768xf32, #tpu.memory_space<hbm>> -> memref<4096x768xf32, #tpu.memory_space<hbm>>
      tpu.enqueue_indirect_dma source(%dma_start3A_2938 : memref<16x768xf32, #tpu.memory_space<vmem>>) target(%dma_start3A_2944 : memref<4096x768xf32, #tpu.memory_space<hbm>>) offsets(%dma_start3A_2941 : memref<16xi32, #tpu.memory_space<vmem>>) semaphore(%arg16 : memref<!tpu.dma_semaphore, #tpu.memory_space<semaphore_mem>>)
    }
    %while3A_2903 = arith.constant 1 : i32
    scf.for %while3A_2935 = %while3A_2901 to %while3A_2897 step %while3A_2903  : i32 {
      %mul3A_2936 = arith.constant 16 : i32
      %mul3A_2937 = arith.muli %while3A_2935, %mul3A_2936 : i32
      %dma_start3A = arith.constant 0 : i32
      %dma_start3A_2938 = tpu.memref_slice %arg7[%mul3A_2937, %dma_start3A] : memref<144x768xf32, #tpu.memory_space<vmem>> -> memref<16x768xf32, #tpu.memory_space<vmem>>
      %dma_start3A_2939 = arith.constant 0 : i32
      %dma_start3A_2940 = tpu.memref_slice %arg10[%while3A_2935, %dma_start3A_2939] : memref<9x16xi32, #tpu.memory_space<vmem>> -> memref<1x16xi32, #tpu.memory_space<vmem>>
      %dma_start3A_2941 = tpu.memref_squeeze %dma_start3A_2940 : memref<1x16xi32, #tpu.memory_space<vmem>> -> memref<16xi32, #tpu.memory_space<vmem>>
      %dma_start3A_2942 = arith.constant 0 : i32
      %dma_start3A_2943 = arith.constant 0 : i32
      %dma_start3A_2944 = tpu.memref_slice %arg6[%dma_start3A_2942, %dma_start3A_2943] : memref<4096x768xf32, #tpu.memory_space<hbm>> -> memref<4096x768xf32, #tpu.memory_space<hbm>>
      tpu.enqueue_indirect_dma source(%dma_start3A_2938 : memref<16x768xf32, #tpu.memory_space<vmem>>) target(%dma_start3A_2944 : memref<4096x768xf32, #tpu.memory_space<hbm>>) offsets(%dma_start3A_2941 : memref<16xi32, #tpu.memory_space<vmem>>) semaphore(%arg16 : memref<!tpu.dma_semaphore, #tpu.memory_space<semaphore_mem>>)
    }
    %while3A_2904 = arith.constant 0 : i32
    %while3A_2905 = arith.constant 0 : i32
    %while3A_2906 = arith.subi %select_n3A_2864, %while3A_2905 : i32
    %while3A_2907 = arith.addi %while3A_2905, %while3A_2906 : i32
    %while3A_2908 = arith.constant 1 : i32
    %while3A_2909 = arith.divsi %while3A_2906, %while3A_2908 : i32
    %while3A_2910 = arith.muli %while3A_2909, %while3A_2908 : i32
    %while3A_2911 = arith.addi %while3A_2905, %while3A_2910 : i32
    %while3A_2912 = arith.constant 1 : i32
    scf.for %while3A_2935 = %while3A_2905 to %while3A_2911 step %while3A_2912  : i32 {
      %dma_wait3A = arith.constant 0 : i32
      %dma_wait3A_2936 = arith.constant 0 : i32
      %dma_wait3A_2937 = tpu.memref_slice %arg7[%dma_wait3A, %dma_wait3A_2936] : memref<144x768xf32, #tpu.memory_space<vmem>> -> memref<16x768xf32, #tpu.memory_space<vmem>>
      %dma_wait3A_2938 = arith.constant 0 : i32
      %dma_wait3A_2939 = arith.constant 0 : i32
      %dma_wait3A_2940 = tpu.memref_slice %arg2[%dma_wait3A_2938, %dma_wait3A_2939] : memref<4096x768xf32, #tpu.memory_space<hbm>> -> memref<16x768xf32, #tpu.memory_space<hbm>>
      %dma_wait3A_2941 = arith.constant 0 : i32
      %dma_wait3A_2942 = arith.constant 0 : i32
      %dma_wait3A_2943 = tpu.memref_slice %arg7[%dma_wait3A_2941, %dma_wait3A_2942] : memref<144x768xf32, #tpu.memory_space<vmem>> -> memref<16x768xf32, #tpu.memory_space<vmem>>
      %dma_wait3A_2944 = arith.constant 0 : i32
      %dma_wait3A_2945 = arith.constant 0 : i32
      %dma_wait3A_2946 = tpu.memref_slice %arg2[%dma_wait3A_2944, %dma_wait3A_2945] : memref<4096x768xf32, #tpu.memory_space<hbm>> -> memref<16x768xf32, #tpu.memory_space<hbm>>
      tpu.wait_dma2 semaphore(%arg15 : memref<!tpu.dma_semaphore, #tpu.memory_space<semaphore_mem>>) src(%dma_wait3A_2946 : memref<16x768xf32, #tpu.memory_space<hbm>>) dst(%dma_wait3A_2943 : memref<16x768xf32, #tpu.memory_space<vmem>>)
    }
    %while3A_2913 = arith.constant 1 : i32
    scf.for %while3A_2935 = %while3A_2911 to %while3A_2907 step %while3A_2913  : i32 {
      %dma_wait3A = arith.constant 0 : i32
      %dma_wait3A_2936 = arith.constant 0 : i32
      %dma_wait3A_2937 = tpu.memref_slice %arg7[%dma_wait3A, %dma_wait3A_2936] : memref<144x768xf32, #tpu.memory_space<vmem>> -> memref<16x768xf32, #tpu.memory_space<vmem>>
      %dma_wait3A_2938 = arith.constant 0 : i32
      %dma_wait3A_2939 = arith.constant 0 : i32
      %dma_wait3A_2940 = tpu.memref_slice %arg2[%dma_wait3A_2938, %dma_wait3A_2939] : memref<4096x768xf32, #tpu.memory_space<hbm>> -> memref<16x768xf32, #tpu.memory_space<hbm>>
      %dma_wait3A_2941 = arith.constant 0 : i32
      %dma_wait3A_2942 = arith.constant 0 : i32
      %dma_wait3A_2943 = tpu.memref_slice %arg7[%dma_wait3A_2941, %dma_wait3A_2942] : memref<144x768xf32, #tpu.memory_space<vmem>> -> memref<16x768xf32, #tpu.memory_space<vmem>>
      %dma_wait3A_2944 = arith.constant 0 : i32
      %dma_wait3A_2945 = arith.constant 0 : i32
      %dma_wait3A_2946 = tpu.memref_slice %arg2[%dma_wait3A_2944, %dma_wait3A_2945] : memref<4096x768xf32, #tpu.memory_space<hbm>> -> memref<16x768xf32, #tpu.memory_space<hbm>>
      tpu.wait_dma2 semaphore(%arg15 : memref<!tpu.dma_semaphore, #tpu.memory_space<semaphore_mem>>) src(%dma_wait3A_2946 : memref<16x768xf32, #tpu.memory_space<hbm>>) dst(%dma_wait3A_2943 : memref<16x768xf32, #tpu.memory_space<vmem>>)
    }
    %while3A_2914 = arith.constant 0 : i32
    %while3A_2915 = arith.constant 0 : i32
    %while3A_2916 = arith.subi %select_n3A_2864, %while3A_2915 : i32
    %while3A_2917 = arith.addi %while3A_2915, %while3A_2916 : i32
    %while3A_2918 = arith.constant 1 : i32
    %while3A_2919 = arith.divsi %while3A_2916, %while3A_2918 : i32
    %while3A_2920 = arith.muli %while3A_2919, %while3A_2918 : i32
    %while3A_2921 = arith.addi %while3A_2915, %while3A_2920 : i32
    %while3A_2922 = arith.constant 1 : i32
    scf.for %while3A_2935 = %while3A_2915 to %while3A_2921 step %while3A_2922  : i32 {
      %add3A_2936 = arith.addi %select_n3A_2838, %while3A_2935 : i32
      %mul3A_2937 = arith.constant 16 : i32
      %mul3A_2938 = arith.muli %add3A_2936, %mul3A_2937 : i32
      %dma_start3A = arith.constant 0 : i32
      %dma_start3A_2939 = tpu.memref_slice %arg7[%mul3A_2938, %dma_start3A] : memref<144x768xf32, #tpu.memory_space<vmem>> -> memref<16x768xf32, #tpu.memory_space<vmem>>
      %dma_start3A_2940 = arith.constant 0 : i32
      %dma_start3A_2941 = tpu.memref_slice %arg11[%while3A_2935, %dma_start3A_2940] : memref<9x16xi32, #tpu.memory_space<vmem>> -> memref<1x16xi32, #tpu.memory_space<vmem>>
      %dma_start3A_2942 = tpu.memref_squeeze %dma_start3A_2941 : memref<1x16xi32, #tpu.memory_space<vmem>> -> memref<16xi32, #tpu.memory_space<vmem>>
      %dma_start3A_2943 = arith.constant 0 : i32
      %dma_start3A_2944 = arith.constant 0 : i32
      %dma_start3A_2945 = tpu.memref_slice %arg6[%dma_start3A_2943, %dma_start3A_2944] : memref<4096x768xf32, #tpu.memory_space<hbm>> -> memref<4096x768xf32, #tpu.memory_space<hbm>>
      tpu.enqueue_indirect_dma source(%dma_start3A_2939 : memref<16x768xf32, #tpu.memory_space<vmem>>) target(%dma_start3A_2945 : memref<4096x768xf32, #tpu.memory_space<hbm>>) offsets(%dma_start3A_2942 : memref<16xi32, #tpu.memory_space<vmem>>) semaphore(%arg16 : memref<!tpu.dma_semaphore, #tpu.memory_space<semaphore_mem>>)
    }
    %while3A_2923 = arith.constant 1 : i32
    scf.for %while3A_2935 = %while3A_2921 to %while3A_2917 step %while3A_2923  : i32 {
      %add3A_2936 = arith.addi %select_n3A_2838, %while3A_2935 : i32
      %mul3A_2937 = arith.constant 16 : i32
      %mul3A_2938 = arith.muli %add3A_2936, %mul3A_2937 : i32
      %dma_start3A = arith.constant 0 : i32
      %dma_start3A_2939 = tpu.memref_slice %arg7[%mul3A_2938, %dma_start3A] : memref<144x768xf32, #tpu.memory_space<vmem>> -> memref<16x768xf32, #tpu.memory_space<vmem>>
      %dma_start3A_2940 = arith.constant 0 : i32
      %dma_start3A_2941 = tpu.memref_slice %arg11[%while3A_2935, %dma_start3A_2940] : memref<9x16xi32, #tpu.memory_space<vmem>> -> memref<1x16xi32, #tpu.memory_space<vmem>>
      %dma_start3A_2942 = tpu.memref_squeeze %dma_start3A_2941 : memref<1x16xi32, #tpu.memory_space<vmem>> -> memref<16xi32, #tpu.memory_space<vmem>>
      %dma_start3A_2943 = arith.constant 0 : i32
      %dma_start3A_2944 = arith.constant 0 : i32
      %dma_start3A_2945 = tpu.memref_slice %arg6[%dma_start3A_2943, %dma_start3A_2944] : memref<4096x768xf32, #tpu.memory_space<hbm>> -> memref<4096x768xf32, #tpu.memory_space<hbm>>
      tpu.enqueue_indirect_dma source(%dma_start3A_2939 : memref<16x768xf32, #tpu.memory_space<vmem>>) target(%dma_start3A_2945 : memref<4096x768xf32, #tpu.memory_space<hbm>>) offsets(%dma_start3A_2942 : memref<16xi32, #tpu.memory_space<vmem>>) semaphore(%arg16 : memref<!tpu.dma_semaphore, #tpu.memory_space<semaphore_mem>>)
    }
    %add3A_2924 = arith.addi %select_n3A_2838, %select_n3A_2864 : i32
    %while3A_2925 = arith.constant 0 : i32
    %while3A_2926 = arith.constant 0 : i32
    %while3A_2927 = arith.subi %add3A_2924, %while3A_2926 : i32
    %while3A_2928 = arith.addi %while3A_2926, %while3A_2927 : i32
    %while3A_2929 = arith.constant 1 : i32
    %while3A_2930 = arith.divsi %while3A_2927, %while3A_2929 : i32
    %while3A_2931 = arith.muli %while3A_2930, %while3A_2929 : i32
    %while3A_2932 = arith.addi %while3A_2926, %while3A_2931 : i32
    %while3A_2933 = arith.constant 1 : i32
    scf.for %while3A_2935 = %while3A_2926 to %while3A_2932 step %while3A_2933  : i32 {
      %dma_wait3A = arith.constant 0 : i32
      %dma_wait3A_2936 = arith.constant 0 : i32
      %dma_wait3A_2937 = tpu.memref_slice %arg7[%dma_wait3A, %dma_wait3A_2936] : memref<144x768xf32, #tpu.memory_space<vmem>> -> memref<16x768xf32, #tpu.memory_space<vmem>>
      %dma_wait3A_2938 = arith.constant 0 : i32
      %dma_wait3A_2939 = arith.constant 0 : i32
      %dma_wait3A_2940 = tpu.memref_slice %arg2[%dma_wait3A_2938, %dma_wait3A_2939] : memref<4096x768xf32, #tpu.memory_space<hbm>> -> memref<16x768xf32, #tpu.memory_space<hbm>>
      %dma_wait3A_2941 = arith.constant 0 : i32
      %dma_wait3A_2942 = arith.constant 0 : i32
      %dma_wait3A_2943 = tpu.memref_slice %arg7[%dma_wait3A_2941, %dma_wait3A_2942] : memref<144x768xf32, #tpu.memory_space<vmem>> -> memref<16x768xf32, #tpu.memory_space<vmem>>
      %dma_wait3A_2944 = arith.constant 0 : i32
      %dma_wait3A_2945 = arith.constant 0 : i32
      %dma_wait3A_2946 = tpu.memref_slice %arg2[%dma_wait3A_2944, %dma_wait3A_2945] : memref<4096x768xf32, #tpu.memory_space<hbm>> -> memref<16x768xf32, #tpu.memory_space<hbm>>
      tpu.wait_dma2 semaphore(%arg16 : memref<!tpu.dma_semaphore, #tpu.memory_space<semaphore_mem>>) src(%dma_wait3A_2946 : memref<16x768xf32, #tpu.memory_space<hbm>>) dst(%dma_wait3A_2943 : memref<16x768xf32, #tpu.memory_space<vmem>>)
    }
    %while3A_2934 = arith.constant 1 : i32
    scf.for %while3A_2935 = %while3A_2932 to %while3A_2928 step %while3A_2934  : i32 {
      %dma_wait3A = arith.constant 0 : i32
      %dma_wait3A_2936 = arith.constant 0 : i32
      %dma_wait3A_2937 = tpu.memref_slice %arg7[%dma_wait3A, %dma_wait3A_2936] : memref<144x768xf32, #tpu.memory_space<vmem>> -> memref<16x768xf32, #tpu.memory_space<vmem>>
      %dma_wait3A_2938 = arith.constant 0 : i32
      %dma_wait3A_2939 = arith.constant 0 : i32
      %dma_wait3A_2940 = tpu.memref_slice %arg2[%dma_wait3A_2938, %dma_wait3A_2939] : memref<4096x768xf32, #tpu.memory_space<hbm>> -> memref<16x768xf32, #tpu.memory_space<hbm>>
      %dma_wait3A_2941 = arith.constant 0 : i32
      %dma_wait3A_2942 = arith.constant 0 : i32
      %dma_wait3A_2943 = tpu.memref_slice %arg7[%dma_wait3A_2941, %dma_wait3A_2942] : memref<144x768xf32, #tpu.memory_space<vmem>> -> memref<16x768xf32, #tpu.memory_space<vmem>>
      %dma_wait3A_2944 = arith.constant 0 : i32
      %dma_wait3A_2945 = arith.constant 0 : i32
      %dma_wait3A_2946 = tpu.memref_slice %arg2[%dma_wait3A_2944, %dma_wait3A_2945] : memref<4096x768xf32, #tpu.memory_space<hbm>> -> memref<16x768xf32, #tpu.memory_space<hbm>>
      tpu.wait_dma2 semaphore(%arg16 : memref<!tpu.dma_semaphore, #tpu.memory_space<semaphore_mem>>) src(%dma_wait3A_2946 : memref<16x768xf32, #tpu.memory_space<hbm>>) dst(%dma_wait3A_2943 : memref<16x768xf32, #tpu.memory_space<vmem>>)
    }
    return
  }
}

module attributes {stable_mosaic.version = 14 : i64} {
  func.func @_tc_body(%arg0: i32, %arg1: i32, %arg2: memref<1xf32, #tpu.memory_space<smem>>, %arg3: memref<1x512x1xf32, #tpu.memory_space<vmem>>, %arg4: memref<1x512x768xf32, #tpu.memory_space<vmem>>, %arg5: memref<1x512x768xf32, #tpu.memory_space<vmem>>, %arg6: memref<1x512x768xf32, #tpu.memory_space<vmem>>) attributes {dimension_semantics = [#tpu.dimension_semantics<arbitrary>, #tpu.dimension_semantics<arbitrary>], iteration_bounds = array<i64: 4, 2>, scalar_prefetch = 0 : i64, scratch_operands = 0 : i64, tpu.core_type = #tpu.core_type<tc>, window_params = [{transform_indices = @transform_0, window_bounds = array<i64: 1>}, {transform_indices = @transform_1, window_bounds = array<i64: 1, 512, 1>}, {transform_indices = @transform_2, window_bounds = array<i64: 1, 512, 768>}, {transform_indices = @transform_3, window_bounds = array<i64: 1, 512, 768>}, {transform_indices = @transform_4, window_bounds = array<i64: 1, 512, 768>}]} {
    %get3A = arith.constant 0 : index
    %get3A_0 = memref.load %arg2[%get3A] : memref<1xf32, #tpu.memory_space<smem>>
    %get3A_1 = arith.constant 0 : index
    %get3A_2 = arith.constant 0 : index
    %get3A_3 = arith.constant 0 : index
    %get3A_4 = vector.load %arg3[%get3A_1, %get3A_2, %get3A_3] : memref<1x512x1xf32, #tpu.memory_space<vmem>>, vector<1x512x1xf32>
    %ge3A = vector.broadcast %get3A_0 : f32 to vector<1x512x1xf32>
    %ge3A_5 = arith.cmpf oge, %get3A_4, %ge3A : vector<1x512x1xf32>
    %get3A_6 = arith.constant 0 : index
    %get3A_7 = arith.constant 0 : index
    %get3A_8 = arith.constant 0 : index
    %get3A_9 = vector.load %arg5[%get3A_6, %get3A_7, %get3A_8] : memref<1x512x768xf32, #tpu.memory_space<vmem>>, vector<1x512x768xf32>
    %get3A_10 = arith.constant 0 : index
    %get3A_11 = arith.constant 0 : index
    %get3A_12 = arith.constant 0 : index
    %get3A_13 = vector.load %arg4[%get3A_10, %get3A_11, %get3A_12] : memref<1x512x768xf32, #tpu.memory_space<vmem>>, vector<1x512x768xf32>
    %broadcast_in_dim3A = vector.shape_cast %ge3A_5 : vector<1x512x1xi1> to vector<1x512x1xi1>
    %broadcast_in_dim3A_14 = vector.broadcast %broadcast_in_dim3A : vector<1x512x1xi1> to vector<1x512x768xi1>
    %select_n3A = arith.select %broadcast_in_dim3A_14, %get3A_9, %get3A_13 : vector<1x512x768xi1>, vector<1x512x768xf32>
    %swap3A = arith.constant 0 : index
    %swap3A_15 = arith.constant 0 : index
    %swap3A_16 = arith.constant 0 : index
    %swap3A_17 = vector.load %arg6[%swap3A, %swap3A_15, %swap3A_16] : memref<1x512x768xf32, #tpu.memory_space<vmem>>, vector<1x512x768xf32>
    tpu.vector_store %arg6[%swap3A, %swap3A_15, %swap3A_16], %select_n3A {strides = array<i32>} : memref<1x512x768xf32, #tpu.memory_space<vmem>>, vector<1x512x768xf32>,
    return
  }
  func.func @transform_0(%arg0: i32, %arg1: i32) -> i32 {
    %c0_i32 = arith.constant 0 : i32
    %c0_i32_0 = arith.constant 0 : i32
    return %c0_i32 : i32
  }
  func.func @transform_1(%arg0: i32, %arg1: i32) -> (i32, i32, i32) {
    %c0_i32 = arith.constant 0 : i32
    %c0_i32_0 = arith.constant 0 : i32
    return %arg0, %arg1, %c0_i32 : i32, i32, i32
  }
  func.func @transform_2(%arg0: i32, %arg1: i32) -> (i32, i32, i32) {
    %c0_i32 = arith.constant 0 : i32
    %c0_i32_0 = arith.constant 0 : i32
    return %arg0, %arg1, %c0_i32 : i32, i32, i32
  }
  func.func @transform_3(%arg0: i32, %arg1: i32) -> (i32, i32, i32) {
    %c0_i32 = arith.constant 0 : i32
    %c0_i32_0 = arith.constant 0 : i32
    return %arg0, %arg1, %c0_i32 : i32, i32, i32
  }
  func.func @transform_4(%arg0: i32, %arg1: i32) -> (i32, i32, i32) {
    %c0_i32 = arith.constant 0 : i32
    %c0_i32_0 = arith.constant 0 : i32
    return %arg0, %arg1, %c0_i32 : i32, i32, i32
  }
}

</mosaic_0001>

<sc_bundles>
// kernel: kernel.4.cloned.1.call-start
scs
__scs_entry_jumppad:
0x0: {  	(pc) =	sbr.rel $0x88, $3  }
0x1: {  	(tag) =	ssettag $0x0;
	lr =	simm.s32 $0x1  }
0x2: {  	[smem:$0x3F9C] =	sst lr;
	_ =	strace $0xD0000000  }
0x3: {  	_ = 	snop  }
0x4: {  	_ = 	snop  }
0x5: {  	_ = 	snop  }
0x6: {  	_ = 	snop  }
0x7: {  	_ = 	snop  }
__scs_overlays_trampoline_lowered:
0x8: {  	[smem:$0x3FAB] =	sst s0  }
0x9: {  	[smem:$0x3FAC] =	sst s1  }
0xa: {  	[smem:$0x3FAD] =	sst s2  }
0xb: {  	[smem:$0x3FAE] =	sst s3  }
0xc: {  	[smem:$0x3FAF] =	sst s4  }
0xd: {  	[smem:$0x3FB0] =	sst s5  }
0xe: {  	[smem:$0x3FB1] =	sst s6  }
0xf: {  	[smem:$0x3FB2] =	sst s7  }
0x10: {  	[smem:$0x3FB3] =	sst s8  }
0x11: {  	[smem:$0x3FB4] =	sst s9;
	s0 =	simm.s32 @!p0 $0x0  }
0x12: {  	s1 =	sld [smem:$0x3F9A];
	s0 =	simm.s32 @p0 $0x1  }
0x13: {  	[smem:$0x3FB5] =	sst s0;
	s0 =	simm.s32 @!p1 $0x0  }
0x14: {  	s2 =	sld [smem:$0x3F99];
	s0 =	simm.s32 @p1 $0x1  }
0x15: {  	[smem:$0x3FB6] =	sst s0;
	s0 =	simm.s32 @!p2 $0x0  }
0x16: {  	s3 =	sld [smem:$0x3FDB];
	s0 =	simm.s32 @p2 $0x1  }
0x17: {  	s4 =	simm.s32 $0x1BF5;
	[smem:$0x3FB8] =	sst s0  }
0x18: {  	s0 =	sld [smem:$0x3F9B];
	_ =	swait.ge [sflag:s4], $0x0  }
0x19: {  	s7 =	sld [smem:$0x3F9C]  }
0x1a: {  	s8 =	sadd.s32 $0xFFFFE003, lr  }
0x1b: {  	s9 =	sadd.s32 $0xFFFFFEF7, lr;
	s5 =	simm.s32 $0xFFFFFFFF;
	p2 =	slt.u32 s8, $0xFFFFF086  }
0x1c: {  	p1 =	slt.u32 s9, $0xF7A;
	s5 =	simm.s32 @!p2 $0x0  }
0x1d: {  	s5 =	simm.s32 @p1 $0x1;
	p0 =	seq.s32 s7, s2  }
0x1e: {  	s7 =	smul.u32 @!p0 $0xF7A, s2;
	p2 =	seq.s32 @!p0 s5, $0x0  }
0x1f: {  	s9 =	smul.u32 $0xF7A, s1;
	s8 =	simm.s32 @!p0 $0x1BF5;
	p2 =	por !p2, p0  }
0x20: {  	[sflag:s8] =	ssyncset.s32 @!p0 $0xFFFFF086;
	s6 =	sadd.s32 @!p0 s3, s7;
	s7 =	simm.s32 @!p0 $0x108  }
0x21: {  	s3 =	sadd.s32 s3, s9;
	s6 =	sadd.s32 @!p0 $0x88, s6;
	s7 =	simm.s32 @p2 $0x1082  }
0x22: {  	[simem:s7], [sflag:s8] =	dma.local @!p0 [hbm:s6], $0xF7A  }
0x23: {  	s9 =	sor.u32 $0xD0000000, s2;
	s6 =	simm.s32 $0x108;
	_ =	swait.ge @!p0 [sflag:s8], $0x0  }
0x24: {  	s3 =	sadd.s32 $0x88, s3;
	s6 =	simm.s32 @!p1 $0x1082;
	[sflag:s4] =	ssyncset.s32 $0xFFFFF086  }
0x25: {  	[simem:s6], [sflag:s4] =	dma.local [hbm:s3], $0xF7A  }
0x26: {  	[smem:$0x3F9C] =	sst s1;
	(tag) =	ssettag s2;
	_ =	strace s9  }
0x27: {  	s1 =	sld [smem:$0x3FAC]  }
0x28: {  	s2 =	sld [smem:$0x3FAD]  }
0x29: {  	s4 =	sld [smem:$0x3FAF]  }
0x2a: {  	p0 =	seq.s32 s5, $0x0;
	s5 =	sld [smem:$0x3FB0]  }
0x2b: {  	s6 =	sld [smem:$0x3FB1]  }
0x2c: {  	s7 =	sld [smem:$0x3FB2]  }
0x2d: {  	s3 =	simm.s32 $0x108;
	s8 =	sld [smem:$0x3FB3]  }
0x2e: {  	s3 =	simm.s32 @!p0 $0x1082;
	s9 =	sld [smem:$0x3FB4]  }
0x2f: {  	lr =	sadd.s32 s0, s3;
	s0 =	sld [smem:$0x3FAB]  }
0x30: {  	s3 =	sld [smem:$0x3FAE]  }
0x31: {  	[smem:$0x3FB7] =	sst s10  }
0x32: {  	s10 =	sld [smem:$0x3FB5];
	_ =	sdelay $0x3  }
0x33: {  	p0 =	seq.s32 s10, $0x1;
	s10 =	sld [smem:$0x3FB7];
	_ =	sdelay $0x3  }
0x34: {  	[smem:$0x3FB7] =	sst s10  }
0x35: {  	s10 =	sld [smem:$0x3FB6];
	_ =	sdelay $0x3  }
0x36: {  	p1 =	seq.s32 s10, $0x1;
	s10 =	sld [smem:$0x3FB7];
	_ =	sdelay $0x3  }
0x37: {  	[smem:$0x3FB7] =	sst s10  }
0x38: {  	s10 =	sld [smem:$0x3FB8]  }
0x39: {  	_ = 	snop;
	(pc) =	sbr.ind lr, $3  }
0x3a: {  	_ = 	snop  }
0x3b: {  	_ = 	snop  }
0x3c: {  	p2 =	seq.s32 s10, $0x1;
	s10 =	sld [smem:$0x3FB7]  }
0x3d: {  	_ =	shalt  }
0x3e: {  	_ =	shalt  }
0x3f: {  	_ =	shalt  }
0x40: {  	_ =	shalt  }
0x41: {  	_ =	shalt  }
0x42: {  	_ =	shalt  }
0x43: {  	_ =	shalt  }
0x44: {  	_ =	shalt  }
0x45: {  	_ =	shalt  }
0x46: {  	_ =	shalt  }
0x47: {  	_ =	shalt  }
0x48: {  	_ =	shalt  }
0x49: {  	_ =	shalt  }
0x4a: {  	_ =	shalt  }
0x4b: {  	_ =	shalt  }
0x4c: {  	_ =	shalt  }
0x4d: {  	_ =	shalt  }
0x4e: {  	_ =	shalt  }
0x4f: {  	_ =	shalt  }
0x50: {  	_ =	shalt  }
0x51: {  	_ =	shalt  }
0x52: {  	_ =	shalt  }
0x53: {  	_ =	shalt  }
0x54: {  	_ =	shalt  }
0x55: {  	_ =	shalt  }
0x56: {  	_ =	shalt  }
0x57: {  	_ =	shalt  }
0x58: {  	_ =	shalt  }
0x59: {  	_ =	shalt  }
0x5a: {  	_ =	shalt  }
0x5b: {  	_ =	shalt  }
0x5c: {  	_ =	shalt  }
0x5d: {  	_ =	shalt  }
0x5e: {  	_ =	shalt  }
0x5f: {  	_ =	shalt  }
0x60: {  	_ =	shalt  }
0x61: {  	_ =	shalt  }
0x62: {  	_ =	shalt  }
0x63: {  	_ =	shalt  }
0x64: {  	_ =	shalt  }
0x65: {  	_ =	shalt  }
0x66: {  	_ =	shalt  }
0x67: {  	_ =	shalt  }
0x68: {  	_ =	shalt  }
0x69: {  	_ =	shalt  }
0x6a: {  	_ =	shalt  }
0x6b: {  	_ =	shalt  }
0x6c: {  	_ =	shalt  }
0x6d: {  	_ =	shalt  }
0x6e: {  	_ =	shalt  }
0x6f: {  	_ =	shalt  }
0x70: {  	_ =	shalt  }
0x71: {  	_ =	shalt  }
0x72: {  	_ =	shalt  }
0x73: {  	_ =	shalt  }
0x74: {  	_ =	shalt  }
0x75: {  	_ =	shalt  }
0x76: {  	_ =	shalt  }
0x77: {  	_ =	shalt  }
0x78: {  	_ =	shalt  }
0x79: {  	_ =	shalt  }
0x7a: {  	_ =	shalt  }
0x7b: {  	_ =	shalt  }
0x7c: {  	_ =	shalt  }
0x7d: {  	_ =	shalt  }
0x7e: {  	_ =	shalt  }
0x7f: {  	_ =	shalt  }
0x80: {  	_ =	shalt  }
0x81: {  	_ =	shalt  }
0x82: {  	_ =	shalt  }
0x83: {  	_ =	shalt  }
0x84: {  	_ =	shalt  }
0x85: {  	_ =	shalt  }
0x86: {  	_ =	shalt  }
0x87: {  	_ =	shalt  }
.Lfunc_end0:
.L_simem_size_0:
called_computation_lowered:
.L_overlay_start_0:
0x88: {  	s2 =	sld [smem:$0x3FD9]  }
0x89: {  	s3 =	sld [smem:$0x3FFE];
	_ =	sdelay $0x1  }
0x8a: {  	s1 =	srdreg.scid  }
0x8b: {  	s0 =	sand.u32 $0x1, s1  }
0x8c: {  	s14 =	sshll.u32 s0, $0xA;
	s2 =	sadd.s32 s3, s2  }
0x8d: {  	s2 =	sadd.s32 s2, s14  }
0x8e: {  	[smem:$0x3FC3] =	sst s2  }
0x8f: {  	_ = 	snop  }
0x90: {  	s2 =	sld [smem:$0x3FD0]  }
0x91: {  	s15 =	sld [smem:$0x3FC9]  }
0x92: {  	s4 =	sld [smem:$0x3FC8]  }
0x93: {  	s6 =	simm.s32 $0xA;
	s7 =	simm.s32 $0x10;
	s5 =	sld [smem:$0x3FC7]  }
0x94: {  	[smem:s7], [sflag:s6] =	dma.local [hbm:s2], $0x1  }
0x95: {  	_ =	swait.eq [sflag:s6], $0x1  }
0x96: {  	[sflag:s6] =	ssyncset.done $0x0  }
0x97: {  	[sflag:s6] =	ssyncadd.s32 $0xFFFFFFFF  }
0x98: {  	s16 =	sld [smem:$0x10];
	(tm) =	ssettm $0x1  }
0x99: {  	s17 =	sld [smem:$0x3FFB];
	_ =	sdelay $0x3  }
0x9a: {  	_ =	strace s17  }
0x9b: {  	s6 =	sld [smem:$0x3FFC];
	_ =	sdelay $0x3  }
0x9c: {  	_ =	strace s6  }
0x9d: {  	s6 =	sld [smem:$0x3FFD];
	_ =	sdelay $0x3  }
0x9e: {  	_ =	strace s6  }
0x9f: {  	_ =	strace $0x8FFFFFFF  }
0xa0: {  	s18 =	sld [smem:$0x3FDB];
	_ =	sdelay $0x1  }
0xa1: {  	s19 =	simm.s32 $_scs_section_size  }
0xa2: {  	s8 =	simm.s32 $_size__tile_overlayer_lowered;
	s9 =	simm.s32 $_tile_overlayer_lowered  }
0xa3: {  	s22 =	simm.s32 $0x1BFF;
	s21 =	sshll.u32 s9, $0x1;
	s6 =	sadd.s32 s19, s18  }
0xa4: {  	s10 =	simm.s32 $0x0;
	s20 =	sshll.u32 s8, $0x1;
	s8 =	sadd.s32 s21, s6  }
0xa5: {  	[timem:s10], [sflag:s22] =	dma.local [hbm:s8], s20  }
0xa6: {  	_ =	swait.ge [sflag:s22], s20  }
0xa7: {  	s7 =	ssub.s32 $0x0, s20;
	[sflag:s22] =	ssyncset.done $0x0  }
0xa8: {  	[sflag:s22] =	ssyncadd.s32 s7;
	_ =	sdelay $0x1  }
0xa9: {  	s23 =	simm.s32 $0x1B8B  }
0xaa: {  	_ =	swait.ge [sflag:s23], $0x1  }
0xab: {  	[sflag:s23] =	ssyncset.done $0x0  }
0xac: {  	s25 =	simm.s32 $0x1B8E;
	s24 =	sld [smem:$0x3FFE];
	[sflag:s23] =	ssyncadd.s32 $0xFFFFFFFF  }
0xad: {  	s26 =	simm.s32 $execute0_lowered;
	[smem:$0x3FD2] =	sst s25  }
0xae: {  	s8 =	sshll.u32 s26, $0x1;
	_ =	strace $0x80000046;
	[dreg:$0x1] =	wrdreg $0xFFFFFFFF  }
0xaf: {  	s28 =	simm.s32 $_size_execute0_lowered;
	s6 =	sadd.s32 s6, s8;
	[dreg:$0x0] =	wrdreg $0x0  }
0xb0: {  	s8 =	sshll.u32 s28, $0x1;
	[dreg:$0x2] =	wrdreg s6  }
0xb1: {  	[dreg:$0x3] =	wrdreg s8  }
0xb2: {  	[dreg:$0x4] =	wrdreg $0xC0  }
0xb3: {  	_ =	task [dreg:s10], $0x5FFFF  }
0xb4: {  	[dreg:$0x1] =	wrdreg $0xFFFFFFFF  }
0xb5: {  	[dreg:$0x0] =	wrdreg $0x60  }
0xb6: {  	[dreg:$0x2] =	wrdreg s15  }
0xb7: {  	[dreg:$0x3] =	wrdreg s4  }
0xb8: {  	[dreg:$0x4] =	wrdreg s5  }
0xb9: {  	[dreg:$0x5] =	wrdreg s24  }
0xba: {  	[dreg:$0x6] =	wrdreg s16  }
0xbb: {  	[dreg:$0x7] =	wrdreg $0x9  }
0xbc: {  	_ =	task.clear_ibuf [dreg:s10], $0x8FFFF;
	_ =	strace $0x90000046  }
0xbd: {  	s29 =	simm.s32 $0x9;
	_ =	strace $0x80000048  }
0xbe: {  	_ =	swait.ge [sflag:s29], $0x1  }
0xbf: {  	[sflag:s29] =	ssyncadd.s32 $0xFFFFFFFF  }
0xc0: {  	_ =	strace $0x90000048  }
0xc1: {  	_ =	sfence  }
0xc2: {  	s30 =	sld [smem:$0x0];
	_ =	sdelay $0x2  }
0xc3: {  	s31 =	sshll.u32 s1, $0xD;
	s1 =	sshrl.u32 s1, $0x2  }
0xc4: {  	s3 =	sand.u32 $0x4000, s31;
	s1 =	sadd.s32 s1, s30  }
0xc5: {  	s0 =	sor.u32 s3, s0;
	s1 =	sshll.u32 s1, $0x11  }
0xc6: {  	s0 =	sor.u32 s1, s0  }
0xc7: {  	s0 =	sadd.s32 $0x8F2B, s0  }
0xc8: {  	[sflag:s0] =	ssyncadd.remote.s32 $0x1  }
0xc9: {  	_ =	sfence.sel $0xFFFF  }
0xca: {  	[dreg:$0x0] =	wrdreg $0xFFFFFFFF;
	(pc) =	sbr.abs _section_cstart, $3  }
0xcb: {  	[dreg:$0x1] =	wrdreg $0xFFFFFFFF  }
0xcc: {  	_ =	task.clear_ibuf [dreg:s10], $0x2FFFF;
	_ =	strace $0x9FFFFFFF  }
0xcd: {  	(tm) =	ssettm $0x7FFFFFFF  }
tec
execute0_lowered:
.L_overlay_start_1:
0x0: {  	(tag) =	ssettag $0x1  }
0x1: {  	s8 =	srdreg.scid;
	s4 =	stileid.u32  }
0x2: {  	s1 =	rddreg [dreg:$0x0];
	s9 =	sand.u32 $0x1, s8;
	s26 =	sshll.u32 s4, $0x1  }
0x3: {  	s2 =	rddreg [dreg:$0x1];
	s8 =	sor.u32 s9, s26;
	s9 =	ssub.s32 $0x2, s9  }
0x4: {  	s7 =	rddreg [dreg:$0x2];
	s12 =	sshrl.u32 s9, $0x1  }
0x5: {  	s6 =	rddreg [dreg:$0x3];
	s14 =	ssub.s32 s9, s12;
	s9 =	sshll.u32 s8, $0x7  }
0x6: {  	s3 =	rddreg [dreg:$0x4];
	s5 =	simm.s32 $0x0;
	s28 =	sor.u32 $0x1, s9  }
0x7: {  	[smem:$0x7FF] =	sst s5;
	s29 =	sor.u32 $0x2, s9;
	v0 =	vmov s28  }
0x8: {  	s0 =	rddreg [dreg:$0x5];
	_ =	strace $0x80000047;
	s30 =	sor.u32 $0x3, s9;
	[tilespmem:$0x1FB90] =	vst v0;
	v0 =	vmov s29  }
0x9: {  	s13 =	sor.u32 $0x4, s9;
	[tilespmem:$0x1FBA0] =	vst v0;
	v0 =	vmov s30  }
0xa: {  	s15 =	sor.u32 $0x5, s9;
	[tilespmem:$0x1FBB0] =	vst v0;
	v0 =	vmov s13  }
0xb: {  	s16 =	sor.u32 $0x6, s9;
	[tilespmem:$0x1FBC0] =	vst v0;
	v0 =	vmov s15  }
0xc: {  	s17 =	sor.u32 $0x7, s9;
	[tilespmem:$0x1FBD0] =	vst v0;
	v0 =	vmov s16  }
0xd: {  	s18 =	sor.u32 $0x8, s9;
	[tilespmem:$0x1FBE0] =	vst v0;
	v0 =	vmov s17  }
0xe: {  	s19 =	sor.u32 $0x9, s9;
	[tilespmem:$0x1FBF0] =	vst v0;
	v0 =	vmov s18  }
0xf: {  	s31 =	sor.u32 $0xA, s9;
	[tilespmem:$0x1FC00] =	vst v0;
	v0 =	vmov s19  }
0x10: {  	s20 =	sor.u32 $0xB, s9;
	[tilespmem:$0x1FC10] =	vst v0;
	v0 =	vmov s31  }
0x11: {  	s21 =	sor.u32 $0xC, s9;
	[tilespmem:$0x1FC20] =	vst v0;
	v0 =	vmov s20  }
0x12: {  	s13 =	sor.u32 $0xD, s9;
	[tilespmem:$0x1FC30] =	vst v0;
	v0 =	vmov s21  }
0x13: {  	s22 =	sor.u32 $0xE, s9;
	[tilespmem:$0x1FC40] =	vst v0;
	v0 =	vmov s13  }
0x14: {  	s23 =	sor.u32 $0xF, s9;
	[tilespmem:$0x1FC50] =	vst v0;
	v0 =	vmov s22  }
0x15: {  	s24 =	sor.u32 $0x10, s9;
	[tilespmem:$0x1FC60] =	vst v0;
	v0 =	vmov s23  }
0x16: {  	s25 =	sor.u32 $0x11, s9;
	[tilespmem:$0x1FC70] =	vst v0;
	v0 =	vmov s24  }
0x17: {  	s26 =	sor.u32 $0x12, s9;
	[tilespmem:$0x1FC80] =	vst v0;
	v0 =	vmov s25  }
0x18: {  	s18 =	sor.u32 $0x13, s9;
	[tilespmem:$0x1FC90] =	vst v0;
	v0 =	vmov s26  }
0x19: {  	s19 =	sor.u32 $0x14, s9;
	[tilespmem:$0x1FCA0] =	vst v0;
	v0 =	vmov s18  }
0x1a: {  	s28 =	sor.u32 $0x15, s9;
	[tilespmem:$0x1FCB0] =	vst v0;
	v0 =	vmov s19  }
0x1b: {  	s29 =	sor.u32 $0x16, s9;
	[tilespmem:$0x1FCC0] =	vst v0;
	v0 =	vmov s28  }
0x1c: {  	s30 =	sor.u32 $0x17, s9;
	[tilespmem:$0x1FCD0] =	vst v0;
	v0 =	vmov s29  }
0x1d: {  	s31 =	sor.u32 $0x18, s9;
	[tilespmem:$0x1FCE0] =	vst v0;
	v0 =	vmov s30  }
0x1e: {  	s15 =	sor.u32 $0x19, s9;
	[tilespmem:$0x1FCF0] =	vst v0;
	v0 =	vmov s31  }
0x1f: {  	s22 =	sor.u32 $0x1A, s9;
	[tilespmem:$0x1FD00] =	vst v0;
	v0 =	vmov s15  }
0x20: {  	s23 =	sor.u32 $0x1B, s9;
	[tilespmem:$0x1FD10] =	vst v0;
	v0 =	vmov s22  }
0x21: {  	s24 =	sor.u32 $0x1C, s9;
	[tilespmem:$0x1FD20] =	vst v0;
	v0 =	vmov s23  }
0x22: {  	s25 =	sor.u32 $0x1D, s9;
	[tilespmem:$0x1FD30] =	vst v0;
	v0 =	vmov s24  }
0x23: {  	s26 =	sor.u32 $0x1E, s9;
	[tilespmem:$0x1FD40] =	vst v0;
	v0 =	vmov s25  }
0x24: {  	s18 =	sor.u32 $0x1F, s9;
	[tilespmem:$0x1FD50] =	vst v0;
	v0 =	vmov s26  }
0x25: {  	s19 =	sor.u32 $0x20, s9;
	[tilespmem:$0x1FD60] =	vst v0;
	v0 =	vmov s18  }
0x26: {  	s28 =	sor.u32 $0x21, s9;
	[tilespmem:$0x1FD70] =	vst v0;
	v0 =	vmov s19  }
0x27: {  	s29 =	sor.u32 $0x22, s9;
	[tilespmem:$0x1FD80] =	vst v0;
	v0 =	vmov s28  }
0x28: {  	s30 =	sor.u32 $0x23, s9;
	[tilespmem:$0x1FD90] =	vst v0;
	v0 =	vmov s29  }
0x29: {  	s31 =	sor.u32 $0x24, s9;
	[tilespmem:$0x1FDA0] =	vst v0;
	v0 =	vmov s30  }
0x2a: {  	s15 =	sor.u32 $0x25, s9;
	[tilespmem:$0x1FDB0] =	vst v0;
	v0 =	vmov s31  }
0x2b: {  	s22 =	sor.u32 $0x26, s9;
	[tilespmem:$0x1FDC0] =	vst v0;
	v0 =	vmov s15  }
0x2c: {  	s23 =	sor.u32 $0x27, s9;
	[tilespmem:$0x1FDD0] =	vst v0;
	v0 =	vmov s22  }
0x2d: {  	s24 =	sor.u32 $0x28, s9;
	[tilespmem:$0x1FDE0] =	vst v0;
	v0 =	vmov s23  }
0x2e: {  	s25 =	sor.u32 $0x29, s9;
	[tilespmem:$0x1FDF0] =	vst v0;
	v0 =	vmov s24  }
0x2f: {  	s26 =	sor.u32 $0x2A, s9;
	[tilespmem:$0x1FE00] =	vst v0;
	v0 =	vmov s25  }
0x30: {  	s18 =	sor.u32 $0x2B, s9;
	[tilespmem:$0x1FE10] =	vst v0;
	v0 =	vmov s26  }
0x31: {  	s19 =	sor.u32 $0x2C, s9;
	[tilespmem:$0x1FE20] =	vst v0;
	v0 =	vmov s18  }
0x32: {  	s28 =	sor.u32 $0x2D, s9;
	[tilespmem:$0x1FE30] =	vst v0;
	v0 =	vmov s19  }
0x33: {  	s29 =	sor.u32 $0x2E, s9;
	[tilespmem:$0x1FE40] =	vst v0;
	v0 =	vmov s28  }
0x34: {  	s30 =	sor.u32 $0x2F, s9;
	[tilespmem:$0x1FE50] =	vst v0;
	v0 =	vmov s29  }
0x35: {  	s6 =	sadd.s32 $0xA00, s6;
	s10 =	sshll.u32 s4, $0x2;
	s31 =	sor.u32 $0x30, s9;
	[tilespmem:$0x1FE60] =	vst v0;
	v0 =	vmov s30  }
0x36: {  	s10 =	sand.u32 $0x30, s10;
	s11 =	sshll.u32 s8, $0x6;
	s15 =	sor.u32 $0x31, s9;
	[tilespmem:$0x1FE70] =	vst v0;
	v0 =	vmov s31  }
0x37: {  	s7 =	sadd.s32 s7, s10;
	s10 =	sadd.s32 $0x100, s2;
	s22 =	sor.u32 $0x32, s9;
	[tilespmem:$0x1FE80] =	vst v0;
	v0 =	vmov s15  }
0x38: {  	s11 =	sand.u32 $0x1C0, s11;
	s12 =	sadd.s32 $0x100, s3;
	s23 =	sor.u32 $0x33, s9;
	[tilespmem:$0x1FE90] =	vst v0;
	v0 =	vmov s22  }
0x39: {  	s7 =	sadd.s32 s11, s7;
	s11 =	sor.u32 $0x73, s9;
	s24 =	sor.u32 $0x34, s9;
	[tilespmem:$0x1FEA0] =	vst v0;
	v0 =	vmov s23  }
0x3a: {  	s14 =	smax.u32 s14, $0x1;
	v50 =	vmov s11;
	s11 =	sadd.s32 $0x200, s2;
	s25 =	sor.u32 $0x35, s9;
	[tilespmem:$0x1FEB0] =	vst v0;
	v0 =	vmov s24  }
0x3b: {  	s16 =	simm.s32 $0x4;
	s17 =	simm.s32 $0x1C280;
	s26 =	sor.u32 $0x36, s9;
	[tilespmem:$0x1FEC0] =	vst v0;
	v0 =	vmov s25  }
0x3c: {  	s20 =	sor.u32 $0x46, s9;
	s21 =	sor.u32 $0x47, s9;
	s28 =	sor.u32 $0x37, s9;
	[tilespmem:$0x1FED0] =	vst v0;
	v0 =	vmov s26  }
0x3d: {  	s13 =	sor.u32 $0x49, s9;
	v6 =	vmov s21;
	s21 =	sor.u32 $0x57, s9;
	s18 =	sor.u32 $0x38, s9;
	[tilespmem:$0x1FEE0] =	vst v0;
	v0 =	vmov s28  }
0x3e: {  	v8 =	vmov s13;
	v22 =	vmov s21;
	s21 =	sor.u32 $0x66, s9;
	s13 =	sadd.s32 $0x200, s3;
	s19 =	sor.u32 $0x39, s9;
	[tilespmem:$0x1FEF0] =	vst v0;
	v0 =	vmov s18  }
0x3f: {  	v37 =	vmov s21;
	s21 =	sor.u32 $0x75, s9;
	s29 =	sor.u32 $0x3A, s9;
	s15 =	sor.u32 $0x4A, s9;
	[tilespmem:$0x1FF00] =	vst v0;
	v0 =	vmov s19  }
0x40: {  	v52 =	vmov s21;
	s21 =	simm.s32 $0x0;
	s30 =	sor.u32 $0x3B, s9;
	v9 =	vmov s15;
	s15 =	sor.u32 $0x59, s9;
	[tilespmem:$0x1FF10] =	vst v0;
	v0 =	vmov s29  }
0x41: {  	s31 =	sor.u32 $0x3C, s9;
	s22 =	sor.u32 $0x3D, s9;
	v24 =	vmov s15;
	s15 =	sor.u32 $0x67, s9;
	[tilespmem:$0x1FF20] =	vst v0;
	v0 =	vmov s30  }
0x42: {  	v63 =	vimm.s32 $0x0;
	s23 =	sor.u32 $0x3E, s9;
	v38 =	vmov s15;
	s15 =	sor.u32 $0x76, s9;
	s30 =	sor.u32 $0x48, s9;
	[tilespmem:$0x1FF30] =	vst v0;
	v0 =	vmov s31  }
0x43: {  	s24 =	sor.u32 $0x3F, s9;
	v53 =	vmov s15;
	s31 =	sor.u32 $0x4B, s9;
	v7 =	vmov s30;
	s30 =	sor.u32 $0x55, s9;
	[tilespmem:$0x1FF40] =	vst v0;
	v0 =	vmov s22  }
0x44: {  	s22 =	sor.u32 $0x4C, s9;
	v10 =	vmov s31;
	s31 =	sor.u32 $0x58, s9;
	v20 =	vmov s30;
	s30 =	sor.u32 $0x61, s9;
	[tilespmem:$0x1FF50] =	vst v0;
	v0 =	vmov s23  }
0x45: {  	s25 =	sor.u32 $0x40, s9;
	s23 =	sor.u32 $0x4D, s9;
	v11 =	vmov s22;
	s22 =	sor.u32 $0x5A, s9;
	v23 =	vmov s31;
	v32 =	vmov s30  }
0x46: {  	s15 =	simm.s32 $0x1C200;
	s31 =	sor.u32 $0x64, s9;
	s30 =	sor.u32 $0x6F, s9;
	[tilespmem:$0x1FF60] =	vst v0;
	v0 =	vmov s24;
	v12 =	vmov s23;
	v25 =	vmov s22  }
0x47: {  	s24 =	sor.u32 $0x4E, s9;
	s23 =	sor.u32 $0x5C, s9;
	s22 =	sor.u32 $0x68, s9;
	v35 =	vmov s31;
	v46 =	vmov s30;
	[tilespmem:$0x1FF70] =	vst v0;
	v0 =	vmov s25  }
0x48: {  	s26 =	sor.u32 $0x41, s9;
	s31 =	sor.u32 $0x72, s9;
	s30 =	sor.u32 $0x7E, s9;
	v13 =	vmov s24;
	v27 =	vmov s23;
	v39 =	vmov s22  }
0x49: {  	s25 =	sor.u32 $0x4F, s9;
	s24 =	sor.u32 $0x5D, s9;
	s23 =	sor.u32 $0x6A, s9;
	v49 =	vmov s31;
	v61 =	vmov s30;
	[tilespmem:$0x1FF80] =	vst v0;
	v0 =	vmov s26  }
0x4a: {  	s28 =	sor.u32 $0x42, s9;
	s22 =	sor.u32 $0x77, s9;
	s31 =	sshllo.u32 s8, $0x7;
	v14 =	vmov s25;
	v28 =	vmov s24;
	v41 =	vmov s23  }
0x4b: {  	s26 =	sor.u32 $0x50, s9;
	s25 =	sor.u32 $0x5B, s9;
	s24 =	sor.u32 $0x6B, s9;
	v54 =	vmov s22;
	v62 =	vmov s31;
	[tilespmem:$0x1FF90] =	vst v0;
	v0 =	vmov s28  }
0x4c: {  	s18 =	sor.u32 $0x43, s9;
	s23 =	sor.u32 $0x79, s9;
	s28 =	sor.u32 $0x51, s9;
	v15 =	vmov s26;
	v26 =	vmov s25;
	v42 =	vmov s24  }
0x4d: {  	s26 =	sor.u32 $0x5E, s9;
	s25 =	sor.u32 $0x69, s9;
	s24 =	sor.u32 $0x7A, s9;
	v56 =	vmov s23;
	[tilespmem:$0x1FFA0] =	vst v0;
	v0 =	vmov s18;
	v16 =	vmov s28  }
0x4e: {  	s19 =	sor.u32 $0x44, s9;
	s18 =	sor.u32 $0x53, s9;
	s28 =	sor.u32 $0x5F, s9;
	v29 =	vmov s26;
	v40 =	vmov s25;
	v57 =	vmov s24  }
0x4f: {  	s29 =	sor.u32 $0x45, s9;
	s26 =	sor.u32 $0x6C, s9;
	s25 =	sor.u32 $0x78, s9;
	[tilespmem:$0x1FFB0] =	vst v0;
	v0 =	vmov s19;
	v18 =	vmov s18;
	v30 =	vmov s28  }
0x50: {  	s19 =	sor.u32 $0x54, s9;
	s18 =	sor.u32 $0x62, s9;
	s28 =	sor.u32 $0x6D, s9;
	v43 =	vmov s26;
	v55 =	vmov s25;
	[tilespmem:$0x1FFC0] =	vst v0;
	v0 =	vmov s29  }
0x51: {  	s26 =	sor.u32 $0x7B, s9;
	s29 =	sor.u32 $0x52, s9;
	v19 =	vmov s19;
	s19 =	sor.u32 $0x63, s9;
	v33 =	vmov s18;
	v44 =	vmov s28  }
.Ltmp0:
0x52: {  	s18 =	sor.u32 $0x70, s9;
	s28 =	sor.u32 $0x7C, s9;
	v58 =	vmov s26;
	[tilespmem:$0x1FFD0] =	vst v0;
	v0 =	vmov s20;
	v17 =	vmov s29;
	(pc) =	sbr.rel .LBB2_1-.Ltmp0, $4  }
0x53: {  	s8 =	sadd.s32 $0x100, s1;
	s20 =	sor.u32 $0x56, s9;
	s29 =	sor.u32 $0x60, s9;
	v34 =	vmov s19;
	v47 =	vmov s18;
	v59 =	vmov s28  }
0x54: {  	s19 =	sor.u32 $0x71, s9;
	[tilespmem:$0x1FFE0] =	vst v0;
	v21 =	vmov s20;
	s20 =	sor.u32 $0x65, s9;
	v31 =	vmov s29;
	s29 =	sor.u32 $0x6E, s9;
	v0 =	vmov s9  }
0x55: {  	s18 =	simm.s32 $0x1;
	v48 =	vmov s19;
	v36 =	vmov s20;
	s20 =	sor.u32 $0x74, s9;
	v45 =	vmov s29;
	s29 =	sor.u32 $0x7D, s9  }
0x56: {  	s19 =	simm.s32 $0x2;
	[tilespmem:$0x1FFF0] =	vst v0;
	s9 =	sadd.s32 $0x200, s1;
	v0 =	vlaneseq.u32;
	v51 =	vmov s20;
	v60 =	vmov s29;
	s20 =	simm.s32 $0x3  }
.LBB2_23:
0x57: {  	[sflag:s20] =	ssyncadd.s32 $0xFFFFD000  }
.LBB2_24:
0x58: {  	s21 =	sadd.s32 $0x1, s21  }
0x59: {  	p0 =	sne.s32 s21, s14  }
.Ltmp1:
0x5a: {  	_ = 	snop;
	(pc) =	sbr.rel @!p0 .LBB2_25-.Ltmp1, $1  }
0x5b: {  	_ =	sdelay $0x3  }
.LBB2_1:
0x5c: {  	[tilespmem:s15], [sflag:$0x4] =	stream.linear.gather [hbm4b:s7+s5], $0x80, $0x38;
	[tilespmem:$0x1C300] =	vst v63  }
0x5d: {  	_ =	swait.ge [sflag:s16], $0x80  }
0x5e: {  	[sflag:s16] =	ssyncset.done $0x0  }
0x5f: {  	[sflag:s16] =	ssyncadd.s32 $0xFFFFFF80  }
0x60: {  	[tilespmem:s17], [sflag:$0x4] =	stream.linear.gather [hbm4b:s6+s5], $0x80, $0x38;
	[tilespmem:$0x1C300] =	vst v63  }
0x61: {  	_ =	swait.ge [sflag:s16], $0x80  }
0x62: {  	[sflag:s16] =	ssyncset.done $0x0  }
0x63: {  	[sflag:s16] =	ssyncadd.s32 $0xFFFFFF80  }
0x64: {  	v1 =	vld [tilespmem:$0x1C280]  }
0x65: {  	v2 =	vld [tilespmem:$0x1C200];
	_ =	sdelay $0x4  }
0x66: {  	vm0 =	vge.f32 v2, v1  }
0x67: {  	v2 =	vsel vm0, $0x1, v63  }
0x68: {  	(v2sf) =	vpush v2, $0x0;
	_ =	sdelay $0x5  }
0x69: {  	(v2sf) =	vpush v2, $0x1;
	_ =	sdelay $0x5  }
0x6a: {  	(v2sf) =	vpush v2, $0x2  }
0x6b: {  	v3 =	vld [tilespmem:$0x1FFF0];
	_ =	sdelay $0x1  }
0x6c: {  	s22 =	spop (v2sf)  }
0x6d: {  	s23 =	simm.s32 $0x1B100;
	p0 =	seq.s32 s22, $0x0  }
0x6e: {  	s23 =	simm.s32 @!p0 $0x1B000  }
0x6f: {  	(v2sf) =	vpush v2, $0x3;
	[tilespmem:s23+$0x0] =	vst v3;
	v3 =	vld [tilespmem:$0x1FB90];
	_ =	sdelay $0x2  }
0x70: {  	s24 =	spop (v2sf)  }
0x71: {  	p0 =	seq.s32 s24, $0x0;
	s23 =	sxor.u32 $0x1, s22  }
0x72: {  	[tilespmem:s23+$0x1B100] =	vst @p0 v3  }
0x73: {  	(v2sf) =	vpush v2, $0x4;
	[tilespmem:s22+$0x1B000] =	vst @!p0 v3;
	v3 =	vld [tilespmem:$0x1FBA0];
	_ =	sdelay $0x2  }
0x74: {  	s25 =	sxor.u32 $0x1, s24;
	s26 =	spop (v2sf)  }
0x75: {  	s23 =	sadd.s32 s25, s23;
	p0 =	seq.s32 s26, $0x0  }
0x76: {  	s22 =	sadd.s32 s24, s22;
	[tilespmem:s23+$0x1B100] =	vst @p0 v3  }
0x77: {  	(v2sf) =	vpush v2, $0x5;
	[tilespmem:s22+$0x1B000] =	vst @!p0 v3;
	v3 =	vld [tilespmem:$0x1FBB0];
	_ =	sdelay $0x2  }
0x78: {  	s28 =	sxor.u32 $0x1, s26;
	s29 =	spop (v2sf)  }
0x79: {  	s23 =	sadd.s32 s28, s23;
	p0 =	seq.s32 s29, $0x0  }
0x7a: {  	s22 =	sadd.s32 s26, s22;
	[tilespmem:s23+$0x1B100] =	vst @p0 v3  }
0x7b: {  	(v2sf) =	vpush v2, $0x6;
	[tilespmem:s22+$0x1B000] =	vst @!p0 v3;
	v3 =	vld [tilespmem:$0x1FBC0];
	_ =	sdelay $0x2  }
0x7c: {  	s30 =	sxor.u32 $0x1, s29;
	s31 =	spop (v2sf)  }
0x7d: {  	s23 =	sadd.s32 s30, s23;
	p0 =	seq.s32 s31, $0x0  }
0x7e: {  	s22 =	sadd.s32 s29, s22;
	[tilespmem:s23+$0x1B100] =	vst @p0 v3  }
0x7f: {  	(v2sf) =	vpush v2, $0x7;
	[tilespmem:s22+$0x1B000] =	vst @!p0 v3;
	v3 =	vld [tilespmem:$0x1FBD0];
	_ =	sdelay $0x2  }
0x80: {  	s28 =	sxor.u32 $0x1, s31;
	s29 =	spop (v2sf)  }
0x81: {  	s23 =	sadd.s32 s28, s23;
	p0 =	seq.s32 s29, $0x0  }
0x82: {  	s22 =	sadd.s32 s31, s22;
	[tilespmem:s23+$0x1B100] =	vst @p0 v3  }
0x83: {  	(v2sf) =	vpush v2, $0x8;
	[tilespmem:s22+$0x1B000] =	vst @!p0 v3;
	v3 =	vld [tilespmem:$0x1FBE0];
	_ =	sdelay $0x2  }
0x84: {  	s30 =	sxor.u32 $0x1, s29;
	s31 =	spop (v2sf)  }
0x85: {  	s23 =	sadd.s32 s30, s23;
	p0 =	seq.s32 s31, $0x0  }
0x86: {  	s22 =	sadd.s32 s29, s22;
	[tilespmem:s23+$0x1B100] =	vst @p0 v3  }
0x87: {  	(v2sf) =	vpush v2, $0x9;
	[tilespmem:s22+$0x1B000] =	vst @!p0 v3;
	v3 =	vld [tilespmem:$0x1FBF0];
	_ =	sdelay $0x2  }
0x88: {  	s28 =	sxor.u32 $0x1, s31;
	s29 =	spop (v2sf)  }
0x89: {  	s23 =	sadd.s32 s28, s23;
	p0 =	seq.s32 s29, $0x0  }
0x8a: {  	s22 =	sadd.s32 s31, s22;
	[tilespmem:s23+$0x1B100] =	vst @p0 v3  }
0x8b: {  	(v2sf) =	vpush v2, $0xA;
	[tilespmem:s22+$0x1B000] =	vst @!p0 v3;
	v3 =	vld [tilespmem:$0x1FC00];
	_ =	sdelay $0x2  }
0x8c: {  	s30 =	sxor.u32 $0x1, s29;
	s31 =	spop (v2sf)  }
0x8d: {  	s23 =	sadd.s32 s30, s23;
	p0 =	seq.s32 s31, $0x0  }
0x8e: {  	s22 =	sadd.s32 s29, s22;
	[tilespmem:s23+$0x1B100] =	vst @p0 v3  }
0x8f: {  	(v2sf) =	vpush v2, $0xB;
	[tilespmem:s22+$0x1B000] =	vst @!p0 v3;
	v3 =	vld [tilespmem:$0x1FC10];
	_ =	sdelay $0x2  }
0x90: {  	s28 =	sxor.u32 $0x1, s31;
	s29 =	spop (v2sf)  }
0x91: {  	s23 =	sadd.s32 s28, s23;
	p0 =	seq.s32 s29, $0x0  }
0x92: {  	s22 =	sadd.s32 s31, s22;
	[tilespmem:s23+$0x1B100] =	vst @p0 v3  }
0x93: {  	(v2sf) =	vpush v2, $0xC;
	[tilespmem:s22+$0x1B000] =	vst @!p0 v3;
	v3 =	vld [tilespmem:$0x1FC20];
	_ =	sdelay $0x2  }
0x94: {  	s30 =	sxor.u32 $0x1, s29;
	s31 =	spop (v2sf)  }
0x95: {  	s23 =	sadd.s32 s30, s23;
	p0 =	seq.s32 s31, $0x0  }
0x96: {  	s22 =	sadd.s32 s29, s22;
	[tilespmem:s23+$0x1B100] =	vst @p0 v3  }
0x97: {  	(v2sf) =	vpush v2, $0xD;
	[tilespmem:s22+$0x1B000] =	vst @!p0 v3;
	v3 =	vld [tilespmem:$0x1FC30];
	_ =	sdelay $0x1  }
0x98: {  	(v2sf) =	vpush v2, $0xE  }
0x99: {  	s28 =	sxor.u32 $0x1, s31;
	s29 =	spop (v2sf)  }
0x9a: {  	s23 =	sadd.s32 s28, s23;
	p0 =	seq.s32 s29, $0x0  }
0x9b: {  	s22 =	sadd.s32 s31, s22;
	[tilespmem:s23+$0x1B100] =	vst @p0 v3  }
0x9c: {  	[tilespmem:s22+$0x1B000] =	vst @!p0 v3;
	v3 =	vld [tilespmem:$0x1FC40];
	_ =	sdelay $0x1  }
0x9d: {  	(v2sf) =	vpush v2, $0xF  }
0x9e: {  	s30 =	sxor.u32 $0x1, s29;
	s31 =	spop (v2sf)  }
0x9f: {  	s23 =	sadd.s32 s30, s23;
	p0 =	seq.s32 s31, $0x0  }
0xa0: {  	s22 =	sadd.s32 s29, s22;
	[tilespmem:s23+$0x1B100] =	vst @p0 v3  }
0xa1: {  	[tilespmem:s22+$0x1B000] =	vst @!p0 v3;
	v3 =	vld [tilespmem:$0x1FC50];
	_ =	sdelay $0x1  }
0xa2: {  	v2 =	vld [tilespmem:$0x1FC60]  }
0xa3: {  	s28 =	sxor.u32 $0x1, s31;
	s29 =	spop (v2sf)  }
0xa4: {  	s23 =	sadd.s32 s28, s23;
	p0 =	seq.s32 s29, $0x0  }
0xa5: {  	s30 =	sxor.u32 $0x1, s29;
	s22 =	sadd.s32 s31, s22;
	s31 =	spop (v2sf);
	[tilespmem:s23+$0x1B100] =	vst @p0 v3  }
0xa6: {  	s23 =	sadd.s32 s30, s23;
	[tilespmem:s22+$0x1B000] =	vst @!p0 v3;
	p0 =	seq.s32 s31, $0x0  }
0xa7: {  	s22 =	sadd.s32 s29, s22;
	[tilespmem:s23+$0x1B100] =	vst @p0 v2  }
0xa8: {  	[tilespmem:s22+$0x1B000] =	vst @!p0 v2;
	v2 =	vld [tilespmem:$0x1FC70];
	_ =	sdelay $0x2  }
0xa9: {  	s28 =	sxor.u32 $0x1, s31;
	s29 =	spop (v2sf)  }
0xaa: {  	s23 =	sadd.s32 s28, s23;
	p0 =	seq.s32 s29, $0x0  }
0xab: {  	s22 =	sadd.s32 s31, s22;
	[tilespmem:s23+$0x1B100] =	vst @p0 v2  }
0xac: {  	[tilespmem:s22+$0x1B000] =	vst @!p0 v2  }
0xad: {  	v2 =	vld [tilespmem:$0x1C210];
	_ =	sdelay $0x4  }
0xae: {  	vm9 =	vge.f32 v2, v1  }
0xaf: {  	v2 =	vsel vm9, $0x1, v63  }
0xb0: {  	(v2sf) =	vpush v2, $0x0;
	_ =	sdelay $0x5  }
0xb1: {  	(v2sf) =	vpush v2, $0x1;
	_ =	sdelay $0x5  }
0xb2: {  	v3 =	vld [tilespmem:$0x1FC80];
	(v2sf) =	vpush v2, $0x2;
	_ =	sdelay $0x2  }
0xb3: {  	s30 =	sxor.u32 $0x1, s29;
	s31 =	spop (v2sf)  }
0xb4: {  	s23 =	sadd.s32 s30, s23;
	p0 =	seq.s32 s31, $0x0  }
0xb5: {  	s22 =	sadd.s32 s29, s22;
	[tilespmem:s23+$0x1B100] =	vst @p0 v3  }
0xb6: {  	(v2sf) =	vpush v2, $0x3;
	[tilespmem:s22+$0x1B000] =	vst @!p0 v3;
	v3 =	vld [tilespmem:$0x1FC90];
	_ =	sdelay $0x2  }
0xb7: {  	s28 =	sxor.u32 $0x1, s31;
	s29 =	spop (v2sf)  }
0xb8: {  	s23 =	sadd.s32 s23, s28;
	p0 =	seq.s32 s29, $0x0  }
0xb9: {  	s22 =	sadd.s32 s22, s31;
	[tilespmem:s23+$0x1B100] =	vst @p0 v3  }
0xba: {  	(v2sf) =	vpush v2, $0x4;
	[tilespmem:s22+$0x1B000] =	vst @!p0 v3;
	v3 =	vld [tilespmem:$0x1FCA0];
	_ =	sdelay $0x2  }
0xbb: {  	s30 =	sxor.u32 $0x1, s29;
	s31 =	spop (v2sf)  }
0xbc: {  	s23 =	sadd.s32 s30, s23;
	p0 =	seq.s32 s31, $0x0  }
0xbd: {  	s22 =	sadd.s32 s29, s22;
	[tilespmem:s23+$0x1B100] =	vst @p0 v3  }
0xbe: {  	(v2sf) =	vpush v2, $0x5;
	[tilespmem:s22+$0x1B000] =	vst @!p0 v3;
	v3 =	vld [tilespmem:$0x1FCB0];
	_ =	sdelay $0x2  }
0xbf: {  	s28 =	sxor.u32 $0x1, s31;
	s29 =	spop (v2sf)  }
0xc0: {  	s23 =	sadd.s32 s28, s23;
	p0 =	seq.s32 s29, $0x0  }
0xc1: {  	s22 =	sadd.s32 s31, s22;
	[tilespmem:s23+$0x1B100] =	vst @p0 v3  }
0xc2: {  	(v2sf) =	vpush v2, $0x6;
	[tilespmem:s22+$0x1B000] =	vst @!p0 v3;
	v3 =	vld [tilespmem:$0x1FCC0];
	_ =	sdelay $0x2  }
0xc3: {  	(v2sf) =	vpush v2, $0x7;
	s30 =	sxor.u32 $0x1, s29;
	s31 =	spop (v2sf)  }
0xc4: {  	s23 =	sadd.s32 s30, s23;
	p0 =	seq.s32 s31, $0x0  }
0xc5: {  	s22 =	sadd.s32 s29, s22;
	[tilespmem:s23+$0x1B100] =	vst @p0 v3  }
0xc6: {  	[tilespmem:s22+$0x1B000] =	vst @!p0 v3;
	v3 =	vld [tilespmem:$0x1FCD0];
	_ =	sdelay $0x2  }
0xc7: {  	s28 =	sxor.u32 $0x1, s31;
	s29 =	spop (v2sf)  }
0xc8: {  	s23 =	sadd.s32 s28, s23;
	p0 =	seq.s32 s29, $0x0  }
0xc9: {  	(v2sf) =	vpush v2, $0x8;
	s22 =	sadd.s32 s31, s22;
	[tilespmem:s23+$0x1B100] =	vst @p0 v3  }
0xca: {  	(v2sf) =	vpush v2, $0x9;
	[tilespmem:s22+$0x1B000] =	vst @!p0 v3;
	v3 =	vld [tilespmem:$0x1FCE0]  }
0xcb: {  	(v2sf) =	vpush v2, $0xA  }
0xcc: {  	(v2sf) =	vpush v2, $0xB  }
0xcd: {  	(v2sf) =	vpush v2, $0xC;
	s30 =	sxor.u32 $0x1, s29;
	s31 =	spop (v2sf)  }
0xce: {  	(v2sf) =	vpush v2, $0xD;
	s23 =	sadd.s32 s30, s23;
	p0 =	seq.s32 s31, $0x0  }
0xcf: {  	(v2sf) =	vpush v2, $0xE;
	s22 =	sadd.s32 s29, s22;
	[tilespmem:s23+$0x1B100] =	vst @p0 v3  }
0xd0: {  	s29 =	spop (v2sf);
	(v2sf) =	vpush v2, $0xF;
	[tilespmem:s22+$0x1B000] =	vst @!p0 v3  }
0xd1: {  	v2 =	vld [tilespmem:$0x1FCF0];
	_ =	sdelay $0x2  }
0xd2: {  	s28 =	sxor.u32 $0x1, s31  }
0xd3: {  	s23 =	sadd.s32 s28, s23;
	p0 =	seq.s32 s29, $0x0  }
0xd4: {  	s22 =	sadd.s32 s31, s22;
	[tilespmem:s23+$0x1B100] =	vst @p0 v2  }
0xd5: {  	[tilespmem:s22+$0x1B000] =	vst @!p0 v2;
	v2 =	vld [tilespmem:$0x1FD00];
	_ =	sdelay $0x2  }
0xd6: {  	s30 =	sxor.u32 $0x1, s29;
	s31 =	spop (v2sf)  }
0xd7: {  	s23 =	sadd.s32 s30, s23;
	p0 =	seq.s32 s31, $0x0  }
0xd8: {  	s22 =	sadd.s32 s29, s22;
	[tilespmem:s23+$0x1B100] =	vst @p0 v2  }
0xd9: {  	[tilespmem:s22+$0x1B000] =	vst @!p0 v2;
	v2 =	vld [tilespmem:$0x1FD10];
	_ =	sdelay $0x2  }
0xda: {  	s28 =	sxor.u32 $0x1, s31;
	s29 =	spop (v2sf)  }
0xdb: {  	s23 =	sadd.s32 s28, s23;
	p0 =	seq.s32 s29, $0x0  }
0xdc: {  	s22 =	sadd.s32 s31, s22;
	[tilespmem:s23+$0x1B100] =	vst @p0 v2  }
0xdd: {  	[tilespmem:s22+$0x1B000] =	vst @!p0 v2;
	v2 =	vld [tilespmem:$0x1FD20];
	_ =	sdelay $0x2  }
0xde: {  	s30 =	sxor.u32 $0x1, s29;
	s31 =	spop (v2sf)  }
0xdf: {  	s23 =	sadd.s32 s30, s23;
	p0 =	seq.s32 s31, $0x0  }
0xe0: {  	s22 =	sadd.s32 s29, s22;
	[tilespmem:s23+$0x1B100] =	vst @p0 v2  }
0xe1: {  	[tilespmem:s22+$0x1B000] =	vst @!p0 v2;
	v2 =	vld [tilespmem:$0x1FD30];
	_ =	sdelay $0x2  }
0xe2: {  	s28 =	sxor.u32 $0x1, s31;
	s29 =	spop (v2sf)  }
0xe3: {  	s23 =	sadd.s32 s28, s23;
	p0 =	seq.s32 s29, $0x0  }
0xe4: {  	s22 =	sadd.s32 s31, s22;
	[tilespmem:s23+$0x1B100] =	vst @p0 v2  }
0xe5: {  	[tilespmem:s22+$0x1B000] =	vst @!p0 v2;
	v2 =	vld [tilespmem:$0x1FD40];
	_ =	sdelay $0x2  }
0xe6: {  	s30 =	sxor.u32 $0x1, s29;
	s31 =	spop (v2sf)  }
0xe7: {  	s23 =	sadd.s32 s30, s23;
	p0 =	seq.s32 s31, $0x0  }
0xe8: {  	s22 =	sadd.s32 s29, s22;
	[tilespmem:s23+$0x1B100] =	vst @p0 v2  }
0xe9: {  	[tilespmem:s22+$0x1B000] =	vst @!p0 v2;
	v2 =	vld [tilespmem:$0x1FD50];
	_ =	sdelay $0x2  }
0xea: {  	s28 =	sxor.u32 $0x1, s31;
	s29 =	spop (v2sf)  }
0xeb: {  	s23 =	sadd.s32 s28, s23;
	p0 =	seq.s32 s29, $0x0  }
0xec: {  	s22 =	sadd.s32 s31, s22;
	[tilespmem:s23+$0x1B100] =	vst @p0 v2  }
0xed: {  	[tilespmem:s22+$0x1B000] =	vst @!p0 v2;
	v2 =	vld [tilespmem:$0x1FD60];
	_ =	sdelay $0x2  }
0xee: {  	s30 =	sxor.u32 $0x1, s29;
	s31 =	spop (v2sf)  }
0xef: {  	s23 =	sadd.s32 s30, s23;
	p0 =	seq.s32 s31, $0x0  }
0xf0: {  	s22 =	sadd.s32 s29, s22;
	[tilespmem:s23+$0x1B100] =	vst @p0 v2  }
0xf1: {  	[tilespmem:s22+$0x1B000] =	vst @!p0 v2;
	v2 =	vld [tilespmem:$0x1FD70];
	_ =	sdelay $0x2  }
0xf2: {  	s28 =	sxor.u32 $0x1, s31;
	s29 =	spop (v2sf)  }
0xf3: {  	s23 =	sadd.s32 s28, s23;
	p0 =	seq.s32 s29, $0x0  }
0xf4: {  	s22 =	sadd.s32 s31, s22;
	[tilespmem:s23+$0x1B100] =	vst @p0 v2  }
0xf5: {  	[tilespmem:s22+$0x1B000] =	vst @!p0 v2  }
0xf6: {  	v2 =	vld [tilespmem:$0x1C220];
	_ =	sdelay $0x4  }
0xf7: {  	vm10 =	vge.f32 v2, v1  }
0xf8: {  	v2 =	vsel vm10, $0x1, v63  }
0xf9: {  	(v2sf) =	vpush v2, $0x0;
	_ =	sdelay $0x5  }
0xfa: {  	(v2sf) =	vpush v2, $0x1;
	_ =	sdelay $0x5  }
0xfb: {  	v3 =	vld [tilespmem:$0x1FD80];
	(v2sf) =	vpush v2, $0x2;
	_ =	sdelay $0x2  }
0xfc: {  	s30 =	sxor.u32 $0x1, s29;
	s31 =	spop (v2sf)  }
0xfd: {  	s23 =	sadd.s32 s30, s23;
	p0 =	seq.s32 s31, $0x0  }
0xfe: {  	s22 =	sadd.s32 s29, s22;
	[tilespmem:s23+$0x1B100] =	vst @p0 v3  }
0xff: {  	(v2sf) =	vpush v2, $0x3;
	[tilespmem:s22+$0x1B000] =	vst @!p0 v3;
	v3 =	vld [tilespmem:$0x1FD90];
	_ =	sdelay $0x2  }
0x100: {  	s28 =	sxor.u32 $0x1, s31;
	s29 =	spop (v2sf)  }
0x101: {  	s23 =	sadd.s32 s23, s28;
	p0 =	seq.s32 s29, $0x0  }
0x102: {  	s22 =	sadd.s32 s22, s31;
	[tilespmem:s23+$0x1B100] =	vst @p0 v3  }
0x103: {  	(v2sf) =	vpush v2, $0x4;
	[tilespmem:s22+$0x1B000] =	vst @!p0 v3;
	v3 =	vld [tilespmem:$0x1FDA0];
	_ =	sdelay $0x2  }
0x104: {  	s30 =	sxor.u32 $0x1, s29;
	s31 =	spop (v2sf)  }
0x105: {  	s23 =	sadd.s32 s30, s23;
	p0 =	seq.s32 s31, $0x0  }
0x106: {  	s22 =	sadd.s32 s29, s22;
	[tilespmem:s23+$0x1B100] =	vst @p0 v3  }
0x107: {  	(v2sf) =	vpush v2, $0x5;
	[tilespmem:s22+$0x1B000] =	vst @!p0 v3;
	v3 =	vld [tilespmem:$0x1FDB0];
	_ =	sdelay $0x2  }
0x108: {  	s28 =	sxor.u32 $0x1, s31;
	s29 =	spop (v2sf)  }
0x109: {  	(v2sf) =	vpush v2, $0x6;
	s23 =	sadd.s32 s28, s23;
	p0 =	seq.s32 s29, $0x0  }
0x10a: {  	(v2sf) =	vpush v2, $0x7;
	s22 =	sadd.s32 s31, s22;
	[tilespmem:s23+$0x1B100] =	vst @p0 v3  }
0x10b: {  	[tilespmem:s22+$0x1B000] =	vst @!p0 v3;
	v3 =	vld [tilespmem:$0x1FDC0];
	_ =	sdelay $0x2  }
0x10c: {  	s30 =	sxor.u32 $0x1, s29;
	s31 =	spop (v2sf)  }
0x10d: {  	s23 =	sadd.s32 s30, s23;
	p0 =	seq.s32 s31, $0x0  }
0x10e: {  	s22 =	sadd.s32 s29, s22;
	[tilespmem:s23+$0x1B100] =	vst @p0 v3  }
0x10f: {  	[tilespmem:s22+$0x1B000] =	vst @!p0 v3;
	v3 =	vld [tilespmem:$0x1FDD0]  }
0x110: {  	(v2sf) =	vpush v2, $0x8  }
0x111: {  	(v2sf) =	vpush v2, $0x9  }
0x112: {  	(v2sf) =	vpush v2, $0xA;
	s28 =	sxor.u32 $0x1, s31;
	s29 =	spop (v2sf)  }
0x113: {  	(v2sf) =	vpush v2, $0xB;
	s23 =	sadd.s32 s28, s23;
	p0 =	seq.s32 s29, $0x0  }
0x114: {  	(v2sf) =	vpush v2, $0xC;
	s22 =	sadd.s32 s31, s22;
	[tilespmem:s23+$0x1B100] =	vst @p0 v3  }
0x115: {  	(v2sf) =	vpush v2, $0xD;
	[tilespmem:s22+$0x1B000] =	vst @!p0 v3;
	v3 =	vld [tilespmem:$0x1FDE0]  }
0x116: {  	s31 =	spop (v2sf);
	(v2sf) =	vpush v2, $0xE  }
0x117: {  	s30 =	sxor.u32 $0x1, s29;
	s22 =	sadd.s32 s29, s22;
	s29 =	spop (v2sf);
	(v2sf) =	vpush v2, $0xF;
	v2 =	vld [tilespmem:$0x1FDF0]  }
0x118: {  	_ = 	snop  }
0x119: {  	s23 =	sadd.s32 s30, s23;
	p0 =	seq.s32 s31, $0x0  }
0x11a: {  	s28 =	sxor.u32 $0x1, s31;
	[tilespmem:s23+$0x1B100] =	vst @p0 v3  }
0x11b: {  	s23 =	sadd.s32 s28, s23;
	[tilespmem:s22+$0x1B000] =	vst @!p0 v3;
	p0 =	seq.s32 s29, $0x0  }
0x11c: {  	s22 =	sadd.s32 s31, s22;
	[tilespmem:s23+$0x1B100] =	vst @p0 v2  }
0x11d: {  	[tilespmem:s22+$0x1B000] =	vst @!p0 v2;
	v2 =	vld [tilespmem:$0x1FE00];
	_ =	sdelay $0x2  }
0x11e: {  	s30 =	sxor.u32 $0x1, s29;
	s31 =	spop (v2sf)  }
0x11f: {  	s23 =	sadd.s32 s30, s23;
	p0 =	seq.s32 s31, $0x0  }
0x120: {  	s22 =	sadd.s32 s29, s22;
	[tilespmem:s23+$0x1B100] =	vst @p0 v2  }
0x121: {  	[tilespmem:s22+$0x1B000] =	vst @!p0 v2;
	v2 =	vld [tilespmem:$0x1FE10];
	_ =	sdelay $0x2  }
0x122: {  	s28 =	sxor.u32 $0x1, s31;
	s29 =	spop (v2sf)  }
0x123: {  	s23 =	sadd.s32 s28, s23;
	p0 =	seq.s32 s29, $0x0  }
0x124: {  	s22 =	sadd.s32 s31, s22;
	[tilespmem:s23+$0x1B100] =	vst @p0 v2  }
0x125: {  	[tilespmem:s22+$0x1B000] =	vst @!p0 v2;
	v2 =	vld [tilespmem:$0x1FE20];
	_ =	sdelay $0x2  }
0x126: {  	s30 =	sxor.u32 $0x1, s29;
	s31 =	spop (v2sf)  }
0x127: {  	s23 =	sadd.s32 s30, s23;
	p0 =	seq.s32 s31, $0x0  }
0x128: {  	s22 =	sadd.s32 s29, s22;
	[tilespmem:s23+$0x1B100] =	vst @p0 v2  }
0x129: {  	[tilespmem:s22+$0x1B000] =	vst @!p0 v2;
	v2 =	vld [tilespmem:$0x1FE30];
	_ =	sdelay $0x2  }
0x12a: {  	s28 =	sxor.u32 $0x1, s31;
	s29 =	spop (v2sf)  }
0x12b: {  	s23 =	sadd.s32 s28, s23;
	p0 =	seq.s32 s29, $0x0  }
0x12c: {  	s22 =	sadd.s32 s31, s22;
	[tilespmem:s23+$0x1B100] =	vst @p0 v2  }
0x12d: {  	[tilespmem:s22+$0x1B000] =	vst @!p0 v2;
	v2 =	vld [tilespmem:$0x1FE40];
	_ =	sdelay $0x2  }
0x12e: {  	s30 =	sxor.u32 $0x1, s29;
	s31 =	spop (v2sf)  }
0x12f: {  	s23 =	sadd.s32 s30, s23;
	p0 =	seq.s32 s31, $0x0  }
0x130: {  	s22 =	sadd.s32 s29, s22;
	[tilespmem:s23+$0x1B100] =	vst @p0 v2  }
0x131: {  	[tilespmem:s22+$0x1B000] =	vst @!p0 v2;
	v2 =	vld [tilespmem:$0x1FE50];
	_ =	sdelay $0x2  }
0x132: {  	s28 =	sxor.u32 $0x1, s31;
	s29 =	spop (v2sf)  }
0x133: {  	s23 =	sadd.s32 s28, s23;
	p0 =	seq.s32 s29, $0x0  }
0x134: {  	s22 =	sadd.s32 s31, s22;
	[tilespmem:s23+$0x1B100] =	vst @p0 v2  }
0x135: {  	[tilespmem:s22+$0x1B000] =	vst @!p0 v2;
	v2 =	vld [tilespmem:$0x1FE60];
	_ =	sdelay $0x2  }
0x136: {  	s30 =	sxor.u32 $0x1, s29;
	s31 =	spop (v2sf)  }
0x137: {  	s23 =	sadd.s32 s30, s23;
	p0 =	seq.s32 s31, $0x0  }
0x138: {  	s22 =	sadd.s32 s29, s22;
	[tilespmem:s23+$0x1B100] =	vst @p0 v2  }
0x139: {  	[tilespmem:s22+$0x1B000] =	vst @!p0 v2;
	v2 =	vld [tilespmem:$0x1FE70];
	_ =	sdelay $0x2  }
0x13a: {  	s28 =	sxor.u32 $0x1, s31;
	s29 =	spop (v2sf)  }
0x13b: {  	s23 =	sadd.s32 s28, s23;
	p0 =	seq.s32 s29, $0x0  }
0x13c: {  	s22 =	sadd.s32 s31, s22;
	[tilespmem:s23+$0x1B100] =	vst @p0 v2  }
0x13d: {  	[tilespmem:s22+$0x1B000] =	vst @!p0 v2  }
0x13e: {  	v2 =	vld [tilespmem:$0x1C230];
	_ =	sdelay $0x4  }
0x13f: {  	vm11 =	vge.f32 v2, v1  }
0x140: {  	v2 =	vsel vm11, $0x1, v63  }
0x141: {  	(v2sf) =	vpush v2, $0x0;
	_ =	sdelay $0x5  }
0x142: {  	(v2sf) =	vpush v2, $0x1;
	_ =	sdelay $0x5  }
0x143: {  	v3 =	vld [tilespmem:$0x1FE80];
	(v2sf) =	vpush v2, $0x2;
	_ =	sdelay $0x2  }
0x144: {  	s30 =	sxor.u32 $0x1, s29;
	s31 =	spop (v2sf)  }
0x145: {  	s23 =	sadd.s32 s30, s23;
	p0 =	seq.s32 s31, $0x0  }
0x146: {  	s22 =	sadd.s32 s29, s22;
	[tilespmem:s23+$0x1B100] =	vst @p0 v3  }
0x147: {  	(v2sf) =	vpush v2, $0x3;
	[tilespmem:s22+$0x1B000] =	vst @!p0 v3;
	v3 =	vld [tilespmem:$0x1FE90];
	_ =	sdelay $0x2  }
0x148: {  	s28 =	sxor.u32 $0x1, s31;
	s29 =	spop (v2sf)  }
0x149: {  	s23 =	sadd.s32 s23, s28;
	p0 =	seq.s32 s29, $0x0  }
0x14a: {  	s22 =	sadd.s32 s22, s31;
	[tilespmem:s23+$0x1B100] =	vst @p0 v3  }
0x14b: {  	(v2sf) =	vpush v2, $0x4;
	[tilespmem:s22+$0x1B000] =	vst @!p0 v3;
	v3 =	vld [tilespmem:$0x1FEA0];
	_ =	sdelay $0x2  }
0x14c: {  	s30 =	sxor.u32 $0x1, s29;
	s31 =	spop (v2sf)  }
0x14d: {  	s23 =	sadd.s32 s30, s23;
	p0 =	seq.s32 s31, $0x0  }
0x14e: {  	s22 =	sadd.s32 s29, s22;
	[tilespmem:s23+$0x1B100] =	vst @p0 v3  }
0x14f: {  	(v2sf) =	vpush v2, $0x5;
	[tilespmem:s22+$0x1B000] =	vst @!p0 v3;
	v3 =	vld [tilespmem:$0x1FEB0];
	_ =	sdelay $0x2  }
0x150: {  	s28 =	sxor.u32 $0x1, s31;
	s29 =	spop (v2sf)  }
0x151: {  	(v2sf) =	vpush v2, $0x6;
	s23 =	sadd.s32 s28, s23;
	p0 =	seq.s32 s29, $0x0  }
0x152: {  	(v2sf) =	vpush v2, $0x7;
	s22 =	sadd.s32 s31, s22;
	[tilespmem:s23+$0x1B100] =	vst @p0 v3  }
0x153: {  	[tilespmem:s22+$0x1B000] =	vst @!p0 v3;
	v3 =	vld [tilespmem:$0x1FEC0];
	_ =	sdelay $0x2  }
0x154: {  	s30 =	sxor.u32 $0x1, s29;
	s31 =	spop (v2sf)  }
0x155: {  	s23 =	sadd.s32 s30, s23;
	p0 =	seq.s32 s31, $0x0  }
0x156: {  	s22 =	sadd.s32 s29, s22;
	[tilespmem:s23+$0x1B100] =	vst @p0 v3  }
0x157: {  	[tilespmem:s22+$0x1B000] =	vst @!p0 v3;
	v3 =	vld [tilespmem:$0x1FED0]  }
0x158: {  	(v2sf) =	vpush v2, $0x8  }
0x159: {  	(v2sf) =	vpush v2, $0x9  }
0x15a: {  	(v2sf) =	vpush v2, $0xA;
	s28 =	sxor.u32 $0x1, s31;
	s29 =	spop (v2sf)  }
0x15b: {  	(v2sf) =	vpush v2, $0xB;
	s23 =	sadd.s32 s28, s23;
	p0 =	seq.s32 s29, $0x0  }
0x15c: {  	(v2sf) =	vpush v2, $0xC;
	s22 =	sadd.s32 s31, s22;
	[tilespmem:s23+$0x1B100] =	vst @p0 v3  }
0x15d: {  	(v2sf) =	vpush v2, $0xD;
	[tilespmem:s22+$0x1B000] =	vst @!p0 v3;
	v3 =	vld [tilespmem:$0x1FEE0]  }
0x15e: {  	s31 =	spop (v2sf);
	(v2sf) =	vpush v2, $0xE  }
0x15f: {  	s30 =	sxor.u32 $0x1, s29;
	s22 =	sadd.s32 s29, s22;
	s29 =	spop (v2sf);
	(v2sf) =	vpush v2, $0xF;
	v2 =	vld [tilespmem:$0x1FEF0]  }
0x160: {  	_ = 	snop  }
0x161: {  	s23 =	sadd.s32 s30, s23;
	p0 =	seq.s32 s31, $0x0  }
0x162: {  	s28 =	sxor.u32 $0x1, s31;
	[tilespmem:s23+$0x1B100] =	vst @p0 v3  }
0x163: {  	s23 =	sadd.s32 s28, s23;
	[tilespmem:s22+$0x1B000] =	vst @!p0 v3;
	p0 =	seq.s32 s29, $0x0  }
0x164: {  	s22 =	sadd.s32 s31, s22;
	[tilespmem:s23+$0x1B100] =	vst @p0 v2  }
0x165: {  	[tilespmem:s22+$0x1B000] =	vst @!p0 v2;
	v2 =	vld [tilespmem:$0x1FF00];
	_ =	sdelay $0x2  }
0x166: {  	s30 =	sxor.u32 $0x1, s29;
	s31 =	spop (v2sf)  }
0x167: {  	s23 =	sadd.s32 s30, s23;
	p0 =	seq.s32 s31, $0x0  }
0x168: {  	s22 =	sadd.s32 s29, s22;
	[tilespmem:s23+$0x1B100] =	vst @p0 v2  }
0x169: {  	[tilespmem:s22+$0x1B000] =	vst @!p0 v2;
	v2 =	vld [tilespmem:$0x1FF10];
	_ =	sdelay $0x2  }
0x16a: {  	s28 =	sxor.u32 $0x1, s31;
	s29 =	spop (v2sf)  }
0x16b: {  	s23 =	sadd.s32 s28, s23;
	p0 =	seq.s32 s29, $0x0  }
0x16c: {  	s22 =	sadd.s32 s31, s22;
	[tilespmem:s23+$0x1B100] =	vst @p0 v2  }
0x16d: {  	[tilespmem:s22+$0x1B000] =	vst @!p0 v2;
	v2 =	vld [tilespmem:$0x1FF20];
	_ =	sdelay $0x2  }
0x16e: {  	s30 =	sxor.u32 $0x1, s29;
	s31 =	spop (v2sf)  }
0x16f: {  	s23 =	sadd.s32 s30, s23;
	p0 =	seq.s32 s31, $0x0  }
0x170: {  	s22 =	sadd.s32 s29, s22;
	[tilespmem:s23+$0x1B100] =	vst @p0 v2  }
0x171: {  	[tilespmem:s22+$0x1B000] =	vst @!p0 v2;
	v2 =	vld [tilespmem:$0x1FF30];
	_ =	sdelay $0x2  }
0x172: {  	s28 =	sxor.u32 $0x1, s31;
	s29 =	spop (v2sf)  }
0x173: {  	s23 =	sadd.s32 s28, s23;
	p0 =	seq.s32 s29, $0x0  }
0x174: {  	s22 =	sadd.s32 s31, s22;
	[tilespmem:s23+$0x1B100] =	vst @p0 v2  }
0x175: {  	[tilespmem:s22+$0x1B000] =	vst @!p0 v2;
	v2 =	vld [tilespmem:$0x1FF40];
	_ =	sdelay $0x2  }
0x176: {  	s30 =	sxor.u32 $0x1, s29;
	s31 =	spop (v2sf)  }
0x177: {  	s23 =	sadd.s32 s30, s23;
	p0 =	seq.s32 s31, $0x0  }
0x178: {  	s22 =	sadd.s32 s29, s22;
	[tilespmem:s23+$0x1B100] =	vst @p0 v2  }
0x179: {  	[tilespmem:s22+$0x1B000] =	vst @!p0 v2;
	v2 =	vld [tilespmem:$0x1FF50];
	_ =	sdelay $0x2  }
0x17a: {  	s28 =	sxor.u32 $0x1, s31;
	s29 =	spop (v2sf)  }
0x17b: {  	s23 =	sadd.s32 s28, s23;
	p0 =	seq.s32 s29, $0x0  }
0x17c: {  	s22 =	sadd.s32 s31, s22;
	[tilespmem:s23+$0x1B100] =	vst @p0 v2  }
0x17d: {  	[tilespmem:s22+$0x1B000] =	vst @!p0 v2;
	v2 =	vld [tilespmem:$0x1FF60];
	_ =	sdelay $0x2  }
0x17e: {  	s30 =	sxor.u32 $0x1, s29;
	s31 =	spop (v2sf)  }
0x17f: {  	s23 =	sadd.s32 s30, s23;
	p0 =	seq.s32 s31, $0x0  }
0x180: {  	s22 =	sadd.s32 s29, s22;
	[tilespmem:s23+$0x1B100] =	vst @p0 v2  }
0x181: {  	[tilespmem:s22+$0x1B000] =	vst @!p0 v2;
	v2 =	vld [tilespmem:$0x1FF70];
	_ =	sdelay $0x2  }
0x182: {  	s28 =	sxor.u32 $0x1, s31;
	s29 =	spop (v2sf)  }
0x183: {  	s23 =	sadd.s32 s28, s23;
	p0 =	seq.s32 s29, $0x0  }
0x184: {  	s22 =	sadd.s32 s31, s22;
	[tilespmem:s23+$0x1B100] =	vst @p0 v2  }
0x185: {  	[tilespmem:s22+$0x1B000] =	vst @!p0 v2  }
0x186: {  	v2 =	vld [tilespmem:$0x1C240];
	_ =	sdelay $0x4  }
0x187: {  	vm12 =	vge.f32 v2, v1  }
0x188: {  	v2 =	vsel vm12, $0x1, v63  }
0x189: {  	(v2sf) =	vpush v2, $0x0;
	_ =	sdelay $0x5  }
0x18a: {  	(v2sf) =	vpush v2, $0x1;
	_ =	sdelay $0x5  }
0x18b: {  	v3 =	vld [tilespmem:$0x1FF80];
	(v2sf) =	vpush v2, $0x2;
	_ =	sdelay $0x2  }
0x18c: {  	s30 =	sxor.u32 $0x1, s29;
	s31 =	spop (v2sf)  }
0x18d: {  	s23 =	sadd.s32 s30, s23;
	p0 =	seq.s32 s31, $0x0  }
0x18e: {  	s22 =	sadd.s32 s29, s22;
	[tilespmem:s23+$0x1B100] =	vst @p0 v3  }
0x18f: {  	(v2sf) =	vpush v2, $0x3;
	[tilespmem:s22+$0x1B000] =	vst @!p0 v3;
	v3 =	vld [tilespmem:$0x1FF90];
	_ =	sdelay $0x2  }
0x190: {  	s28 =	sxor.u32 $0x1, s31;
	s29 =	spop (v2sf)  }
0x191: {  	s23 =	sadd.s32 s23, s28;
	p0 =	seq.s32 s29, $0x0  }
0x192: {  	s22 =	sadd.s32 s22, s31;
	[tilespmem:s23+$0x1B100] =	vst @p0 v3  }
0x193: {  	(v2sf) =	vpush v2, $0x4;
	[tilespmem:s22+$0x1B000] =	vst @!p0 v3;
	v3 =	vld [tilespmem:$0x1FFA0];
	_ =	sdelay $0x2  }
0x194: {  	s30 =	sxor.u32 $0x1, s29;
	s31 =	spop (v2sf)  }
0x195: {  	s23 =	sadd.s32 s30, s23;
	p0 =	seq.s32 s31, $0x0  }
0x196: {  	s22 =	sadd.s32 s29, s22;
	[tilespmem:s23+$0x1B100] =	vst @p0 v3  }
0x197: {  	(v2sf) =	vpush v2, $0x5;
	[tilespmem:s22+$0x1B000] =	vst @!p0 v3;
	v3 =	vld [tilespmem:$0x1FFB0];
	_ =	sdelay $0x2  }
0x198: {  	s28 =	sxor.u32 $0x1, s31;
	s29 =	spop (v2sf)  }
0x199: {  	s23 =	sadd.s32 s28, s23;
	p0 =	seq.s32 s29, $0x0  }
0x19a: {  	s22 =	sadd.s32 s31, s22;
	[tilespmem:s23+$0x1B100] =	vst @p0 v3  }
0x19b: {  	(v2sf) =	vpush v2, $0x6;
	[tilespmem:s22+$0x1B000] =	vst @!p0 v3;
	v3 =	vld [tilespmem:$0x1FFC0];
	_ =	sdelay $0x1  }
0x19c: {  	(v2sf) =	vpush v2, $0x7  }
0x19d: {  	s30 =	sxor.u32 $0x1, s29;
	s31 =	spop (v2sf)  }
0x19e: {  	(v2sf) =	vpush v2, $0x8;
	s23 =	sadd.s32 s30, s23;
	p0 =	seq.s32 s31, $0x0  }
0x19f: {  	s22 =	sadd.s32 s29, s22;
	[tilespmem:s23+$0x1B100] =	vst @p0 v3  }
0x1a0: {  	(v2sf) =	vpush v2, $0x9;
	[tilespmem:s22+$0x1B000] =	vst @!p0 v3;
	v3 =	vld [tilespmem:$0x1FFD0];
	_ =	sdelay $0x1  }
0x1a1: {  	(v2sf) =	vpush v2, $0xA  }
0x1a2: {  	s28 =	sxor.u32 $0x1, s31;
	s29 =	spop (v2sf)  }
0x1a3: {  	(v2sf) =	vpush v2, $0xB;
	s23 =	sadd.s32 s28, s23;
	p0 =	seq.s32 s29, $0x0  }
0x1a4: {  	s22 =	sadd.s32 s31, s22;
	[tilespmem:s23+$0x1B100] =	vst @p0 v3  }
0x1a5: {  	(v2sf) =	vpush v2, $0xC;
	[tilespmem:s22+$0x1B000] =	vst @!p0 v3;
	v3 =	vld [tilespmem:$0x1FFE0];
	_ =	sdelay $0x1  }
0x1a6: {  	(v2sf) =	vpush v2, $0xD  }
0x1a7: {  	s30 =	sxor.u32 $0x1, s29;
	s31 =	spop (v2sf)  }
0x1a8: {  	(v2sf) =	vpush v2, $0xE;
	s23 =	sadd.s32 s30, s23;
	p0 =	seq.s32 s31, $0x0  }
0x1a9: {  	s28 =	sxor.u32 $0x1, s31;
	s22 =	sadd.s32 s29, s22;
	s29 =	spop (v2sf);
	[tilespmem:s23+$0x1B100] =	vst @p0 v3  }
0x1aa: {  	(v2sf) =	vpush v2, $0xF;
	s23 =	sadd.s32 s28, s23;
	[tilespmem:s22+$0x1B000] =	vst @!p0 v3;
	p0 =	seq.s32 s29, $0x0  }
0x1ab: {  	s30 =	sxor.u32 $0x1, s29;
	s22 =	sadd.s32 s31, s22;
	s31 =	spop (v2sf);
	[tilespmem:s23+$0x1B100] =	vst @p0 v6  }
0x1ac: {  	s23 =	sadd.s32 s30, s23;
	[tilespmem:s22+$0x1B000] =	vst @!p0 v6;
	p0 =	seq.s32 s31, $0x0  }
0x1ad: {  	s28 =	sxor.u32 $0x1, s31;
	s22 =	sadd.s32 s29, s22;
	s29 =	spop (v2sf);
	[tilespmem:s23+$0x1B100] =	vst @p0 v7  }
0x1ae: {  	s23 =	sadd.s32 s28, s23;
	[tilespmem:s22+$0x1B000] =	vst @!p0 v7;
	p0 =	seq.s32 s29, $0x0  }
0x1af: {  	s30 =	sxor.u32 $0x1, s29;
	s22 =	sadd.s32 s31, s22;
	s31 =	spop (v2sf);
	[tilespmem:s23+$0x1B100] =	vst @p0 v8  }
0x1b0: {  	s23 =	sadd.s32 s30, s23;
	[tilespmem:s22+$0x1B000] =	vst @!p0 v8;
	p0 =	seq.s32 s31, $0x0  }
0x1b1: {  	s28 =	sxor.u32 $0x1, s31;
	s22 =	sadd.s32 s29, s22;
	s29 =	spop (v2sf);
	[tilespmem:s23+$0x1B100] =	vst @p0 v9  }
0x1b2: {  	s23 =	sadd.s32 s28, s23;
	[tilespmem:s22+$0x1B000] =	vst @!p0 v9;
	p0 =	seq.s32 s29, $0x0  }
0x1b3: {  	s30 =	sxor.u32 $0x1, s29;
	s22 =	sadd.s32 s31, s22;
	s31 =	spop (v2sf);
	[tilespmem:s23+$0x1B100] =	vst @p0 v10  }
0x1b4: {  	s23 =	sadd.s32 s30, s23;
	[tilespmem:s22+$0x1B000] =	vst @!p0 v10;
	p0 =	seq.s32 s31, $0x0  }
0x1b5: {  	s28 =	sxor.u32 $0x1, s31;
	s22 =	sadd.s32 s29, s22;
	s29 =	spop (v2sf);
	[tilespmem:s23+$0x1B100] =	vst @p0 v11  }
0x1b6: {  	s23 =	sadd.s32 s28, s23;
	[tilespmem:s22+$0x1B000] =	vst @!p0 v11;
	p0 =	seq.s32 s29, $0x0  }
0x1b7: {  	s30 =	sxor.u32 $0x1, s29;
	s22 =	sadd.s32 s31, s22;
	s31 =	spop (v2sf);
	[tilespmem:s23+$0x1B100] =	vst @p0 v12  }
0x1b8: {  	s23 =	sadd.s32 s30, s23;
	[tilespmem:s22+$0x1B000] =	vst @!p0 v12;
	p0 =	seq.s32 s31, $0x0  }
0x1b9: {  	s28 =	sxor.u32 $0x1, s31;
	s22 =	sadd.s32 s29, s22;
	s29 =	spop (v2sf);
	[tilespmem:s23+$0x1B100] =	vst @p0 v13  }
0x1ba: {  	s23 =	sadd.s32 s28, s23;
	[tilespmem:s22+$0x1B000] =	vst @!p0 v13;
	p0 =	seq.s32 s29, $0x0  }
0x1bb: {  	s22 =	sadd.s32 s31, s22;
	[tilespmem:s23+$0x1B100] =	vst @p0 v14  }
0x1bc: {  	[tilespmem:s22+$0x1B000] =	vst @!p0 v14  }
0x1bd: {  	v2 =	vld [tilespmem:$0x1C250];
	_ =	sdelay $0x4  }
0x1be: {  	vm13 =	vge.f32 v2, v1  }
0x1bf: {  	v2 =	vsel vm13, $0x1, v63  }
0x1c0: {  	(v2sf) =	vpush v2, $0x0;
	_ =	sdelay $0x1  }
0x1c1: {  	(v2sf) =	vpush v2, $0x1;
	_ =	sdelay $0x1  }
0x1c2: {  	(v2sf) =	vpush v2, $0x2;
	_ =	sdelay $0x1  }
0x1c3: {  	(v2sf) =	vpush v2, $0x3;
	_ =	sdelay $0x1  }
0x1c4: {  	(v2sf) =	vpush v2, $0x4;
	_ =	sdelay $0x1  }
0x1c5: {  	(v2sf) =	vpush v2, $0x5;
	_ =	sdelay $0x1  }
0x1c6: {  	(v2sf) =	vpush v2, $0x6;
	_ =	sdelay $0x1  }
0x1c7: {  	(v2sf) =	vpush v2, $0x7  }
0x1c8: {  	s30 =	sxor.u32 $0x1, s29;
	s31 =	spop (v2sf)  }
0x1c9: {  	s23 =	sadd.s32 s30, s23;
	(v2sf) =	vpush v2, $0x8;
	p0 =	seq.s32 s31, $0x0  }
0x1ca: {  	s22 =	sadd.s32 s29, s22;
	s28 =	sxor.u32 $0x1, s31;
	s29 =	spop (v2sf);
	[tilespmem:s23+$0x1B100] =	vst @p0 v15  }
0x1cb: {  	(v2sf) =	vpush v2, $0x9;
	s23 =	sadd.s32 s23, s28;
	[tilespmem:s22+$0x1B000] =	vst @!p0 v15;
	p0 =	seq.s32 s29, $0x0  }
0x1cc: {  	s30 =	sxor.u32 $0x1, s29;
	s22 =	sadd.s32 s22, s31;
	s31 =	spop (v2sf);
	[tilespmem:s23+$0x1B100] =	vst @p0 v16  }
0x1cd: {  	(v2sf) =	vpush v2, $0xA;
	s23 =	sadd.s32 s30, s23;
	[tilespmem:s22+$0x1B000] =	vst @!p0 v16;
	p0 =	seq.s32 s31, $0x0  }
0x1ce: {  	s28 =	sxor.u32 $0x1, s31;
	s22 =	sadd.s32 s29, s22;
	s29 =	spop (v2sf);
	[tilespmem:s23+$0x1B100] =	vst @p0 v17  }
0x1cf: {  	(v2sf) =	vpush v2, $0xB;
	s23 =	sadd.s32 s28, s23;
	[tilespmem:s22+$0x1B000] =	vst @!p0 v17;
	p0 =	seq.s32 s29, $0x0  }
0x1d0: {  	s30 =	sxor.u32 $0x1, s29;
	s22 =	sadd.s32 s31, s22;
	s31 =	spop (v2sf);
	[tilespmem:s23+$0x1B100] =	vst @p0 v18  }
0x1d1: {  	(v2sf) =	vpush v2, $0xC;
	s23 =	sadd.s32 s30, s23;
	[tilespmem:s22+$0x1B000] =	vst @!p0 v18;
	p0 =	seq.s32 s31, $0x0  }
0x1d2: {  	s28 =	sxor.u32 $0x1, s31;
	s22 =	sadd.s32 s29, s22;
	s29 =	spop (v2sf);
	[tilespmem:s23+$0x1B100] =	vst @p0 v19  }
0x1d3: {  	(v2sf) =	vpush v2, $0xD;
	s23 =	sadd.s32 s28, s23;
	[tilespmem:s22+$0x1B000] =	vst @!p0 v19;
	p0 =	seq.s32 s29, $0x0  }
0x1d4: {  	s30 =	sxor.u32 $0x1, s29;
	s22 =	sadd.s32 s31, s22;
	s31 =	spop (v2sf);
	[tilespmem:s23+$0x1B100] =	vst @p0 v20  }
0x1d5: {  	(v2sf) =	vpush v2, $0xE;
	s23 =	sadd.s32 s30, s23;
	[tilespmem:s22+$0x1B000] =	vst @!p0 v20;
	p0 =	seq.s32 s31, $0x0  }
0x1d6: {  	s28 =	sxor.u32 $0x1, s31;
	s22 =	sadd.s32 s29, s22;
	s29 =	spop (v2sf);
	[tilespmem:s23+$0x1B100] =	vst @p0 v21  }
0x1d7: {  	(v2sf) =	vpush v2, $0xF;
	s23 =	sadd.s32 s28, s23;
	[tilespmem:s22+$0x1B000] =	vst @!p0 v21;
	p0 =	seq.s32 s29, $0x0  }
0x1d8: {  	s30 =	sxor.u32 $0x1, s29;
	s22 =	sadd.s32 s31, s22;
	s31 =	spop (v2sf);
	[tilespmem:s23+$0x1B100] =	vst @p0 v22  }
0x1d9: {  	s23 =	sadd.s32 s30, s23;
	[tilespmem:s22+$0x1B000] =	vst @!p0 v22;
	p0 =	seq.s32 s31, $0x0  }
0x1da: {  	s28 =	sxor.u32 $0x1, s31;
	s22 =	sadd.s32 s29, s22;
	s29 =	spop (v2sf);
	[tilespmem:s23+$0x1B100] =	vst @p0 v23  }
0x1db: {  	s23 =	sadd.s32 s28, s23;
	[tilespmem:s22+$0x1B000] =	vst @!p0 v23;
	p0 =	seq.s32 s29, $0x0  }
0x1dc: {  	s30 =	sxor.u32 $0x1, s29;
	s22 =	sadd.s32 s31, s22;
	s31 =	spop (v2sf);
	[tilespmem:s23+$0x1B100] =	vst @p0 v24  }
0x1dd: {  	s23 =	sadd.s32 s30, s23;
	[tilespmem:s22+$0x1B000] =	vst @!p0 v24;
	p0 =	seq.s32 s31, $0x0  }
0x1de: {  	s28 =	sxor.u32 $0x1, s31;
	s22 =	sadd.s32 s29, s22;
	s29 =	spop (v2sf);
	[tilespmem:s23+$0x1B100] =	vst @p0 v25  }
0x1df: {  	s23 =	sadd.s32 s28, s23;
	[tilespmem:s22+$0x1B000] =	vst @!p0 v25;
	p0 =	seq.s32 s29, $0x0  }
0x1e0: {  	s30 =	sxor.u32 $0x1, s29;
	s22 =	sadd.s32 s31, s22;
	s31 =	spop (v2sf);
	[tilespmem:s23+$0x1B100] =	vst @p0 v26  }
0x1e1: {  	s23 =	sadd.s32 s30, s23;
	[tilespmem:s22+$0x1B000] =	vst @!p0 v26;
	p0 =	seq.s32 s31, $0x0  }
0x1e2: {  	s28 =	sxor.u32 $0x1, s31;
	s22 =	sadd.s32 s29, s22;
	s29 =	spop (v2sf);
	[tilespmem:s23+$0x1B100] =	vst @p0 v27  }
0x1e3: {  	s23 =	sadd.s32 s28, s23;
	[tilespmem:s22+$0x1B000] =	vst @!p0 v27;
	p0 =	seq.s32 s29, $0x0  }
0x1e4: {  	s30 =	sxor.u32 $0x1, s29;
	s22 =	sadd.s32 s31, s22;
	s31 =	spop (v2sf);
	[tilespmem:s23+$0x1B100] =	vst @p0 v28  }
0x1e5: {  	s23 =	sadd.s32 s30, s23;
	[tilespmem:s22+$0x1B000] =	vst @!p0 v28;
	p0 =	seq.s32 s31, $0x0  }
0x1e6: {  	s28 =	sxor.u32 $0x1, s31;
	s22 =	sadd.s32 s29, s22;
	s29 =	spop (v2sf);
	[tilespmem:s23+$0x1B100] =	vst @p0 v29  }
0x1e7: {  	s23 =	sadd.s32 s28, s23;
	[tilespmem:s22+$0x1B000] =	vst @!p0 v29;
	p0 =	seq.s32 s29, $0x0  }
0x1e8: {  	s22 =	sadd.s32 s31, s22;
	[tilespmem:s23+$0x1B100] =	vst @p0 v30  }
0x1e9: {  	[tilespmem:s22+$0x1B000] =	vst @!p0 v30  }
0x1ea: {  	v2 =	vld [tilespmem:$0x1C260];
	_ =	sdelay $0x4  }
0x1eb: {  	vm14 =	vge.f32 v2, v1  }
0x1ec: {  	v2 =	vsel vm14, $0x1, v63  }
0x1ed: {  	(v2sf) =	vpush v2, $0x0;
	_ =	sdelay $0x1  }
0x1ee: {  	(v2sf) =	vpush v2, $0x1;
	_ =	sdelay $0x1  }
0x1ef: {  	(v2sf) =	vpush v2, $0x2;
	_ =	sdelay $0x1  }
0x1f0: {  	(v2sf) =	vpush v2, $0x3;
	_ =	sdelay $0x1  }
0x1f1: {  	(v2sf) =	vpush v2, $0x4;
	_ =	sdelay $0x1  }
0x1f2: {  	(v2sf) =	vpush v2, $0x5;
	_ =	sdelay $0x1  }
0x1f3: {  	(v2sf) =	vpush v2, $0x6;
	_ =	sdelay $0x1  }
0x1f4: {  	(v2sf) =	vpush v2, $0x7  }
0x1f5: {  	s30 =	sxor.u32 $0x1, s29;
	s31 =	spop (v2sf)  }
0x1f6: {  	s23 =	sadd.s32 s30, s23;
	(v2sf) =	vpush v2, $0x8;
	p0 =	seq.s32 s31, $0x0  }
0x1f7: {  	s22 =	sadd.s32 s29, s22;
	s28 =	sxor.u32 $0x1, s31;
	s29 =	spop (v2sf);
	[tilespmem:s23+$0x1B100] =	vst @p0 v31  }
0x1f8: {  	(v2sf) =	vpush v2, $0x9;
	s23 =	sadd.s32 s23, s28;
	[tilespmem:s22+$0x1B000] =	vst @!p0 v31;
	p0 =	seq.s32 s29, $0x0  }
0x1f9: {  	s30 =	sxor.u32 $0x1, s29;
	s22 =	sadd.s32 s22, s31;
	s31 =	spop (v2sf);
	[tilespmem:s23+$0x1B100] =	vst @p0 v32  }
0x1fa: {  	(v2sf) =	vpush v2, $0xA;
	s23 =	sadd.s32 s30, s23;
	[tilespmem:s22+$0x1B000] =	vst @!p0 v32;
	p0 =	seq.s32 s31, $0x0  }
0x1fb: {  	s28 =	sxor.u32 $0x1, s31;
	s22 =	sadd.s32 s29, s22;
	s29 =	spop (v2sf);
	[tilespmem:s23+$0x1B100] =	vst @p0 v33  }
0x1fc: {  	(v2sf) =	vpush v2, $0xB;
	s23 =	sadd.s32 s28, s23;
	[tilespmem:s22+$0x1B000] =	vst @!p0 v33;
	p0 =	seq.s32 s29, $0x0  }
0x1fd: {  	s30 =	sxor.u32 $0x1, s29;
	s22 =	sadd.s32 s31, s22;
	s31 =	spop (v2sf);
	[tilespmem:s23+$0x1B100] =	vst @p0 v34  }
0x1fe: {  	(v2sf) =	vpush v2, $0xC;
	s23 =	sadd.s32 s30, s23;
	[tilespmem:s22+$0x1B000] =	vst @!p0 v34;
	p0 =	seq.s32 s31, $0x0  }
0x1ff: {  	s28 =	sxor.u32 $0x1, s31;
	s22 =	sadd.s32 s29, s22;
	s29 =	spop (v2sf);
	[tilespmem:s23+$0x1B100] =	vst @p0 v35  }
0x200: {  	(v2sf) =	vpush v2, $0xD;
	s23 =	sadd.s32 s28, s23;
	[tilespmem:s22+$0x1B000] =	vst @!p0 v35;
	p0 =	seq.s32 s29, $0x0  }
0x201: {  	s30 =	sxor.u32 $0x1, s29;
	s22 =	sadd.s32 s31, s22;
	s31 =	spop (v2sf);
	[tilespmem:s23+$0x1B100] =	vst @p0 v36  }
0x202: {  	(v2sf) =	vpush v2, $0xE;
	s23 =	sadd.s32 s30, s23;
	[tilespmem:s22+$0x1B000] =	vst @!p0 v36;
	p0 =	seq.s32 s31, $0x0  }
0x203: {  	s28 =	sxor.u32 $0x1, s31;
	s22 =	sadd.s32 s29, s22;
	s29 =	spop (v2sf);
	[tilespmem:s23+$0x1B100] =	vst @p0 v37  }
0x204: {  	(v2sf) =	vpush v2, $0xF;
	s23 =	sadd.s32 s28, s23;
	[tilespmem:s22+$0x1B000] =	vst @!p0 v37;
	p0 =	seq.s32 s29, $0x0  }
0x205: {  	s30 =	sxor.u32 $0x1, s29;
	s22 =	sadd.s32 s31, s22;
	s31 =	spop (v2sf);
	[tilespmem:s23+$0x1B100] =	vst @p0 v38  }
0x206: {  	s23 =	sadd.s32 s30, s23;
	[tilespmem:s22+$0x1B000] =	vst @!p0 v38;
	p0 =	seq.s32 s31, $0x0  }
0x207: {  	s28 =	sxor.u32 $0x1, s31;
	s22 =	sadd.s32 s29, s22;
	s29 =	spop (v2sf);
	[tilespmem:s23+$0x1B100] =	vst @p0 v39  }
0x208: {  	s23 =	sadd.s32 s28, s23;
	[tilespmem:s22+$0x1B000] =	vst @!p0 v39;
	p0 =	seq.s32 s29, $0x0  }
0x209: {  	s30 =	sxor.u32 $0x1, s29;
	s22 =	sadd.s32 s31, s22;
	s31 =	spop (v2sf);
	[tilespmem:s23+$0x1B100] =	vst @p0 v40  }
0x20a: {  	s23 =	sadd.s32 s30, s23;
	[tilespmem:s22+$0x1B000] =	vst @!p0 v40;
	p0 =	seq.s32 s31, $0x0  }
0x20b: {  	s28 =	sxor.u32 $0x1, s31;
	s22 =	sadd.s32 s29, s22;
	s29 =	spop (v2sf);
	[tilespmem:s23+$0x1B100] =	vst @p0 v41  }
0x20c: {  	s23 =	sadd.s32 s28, s23;
	[tilespmem:s22+$0x1B000] =	vst @!p0 v41;
	p0 =	seq.s32 s29, $0x0  }
0x20d: {  	s30 =	sxor.u32 $0x1, s29;
	s22 =	sadd.s32 s31, s22;
	s31 =	spop (v2sf);
	[tilespmem:s23+$0x1B100] =	vst @p0 v42  }
0x20e: {  	s23 =	sadd.s32 s30, s23;
	[tilespmem:s22+$0x1B000] =	vst @!p0 v42;
	p0 =	seq.s32 s31, $0x0  }
0x20f: {  	s28 =	sxor.u32 $0x1, s31;
	s22 =	sadd.s32 s29, s22;
	s29 =	spop (v2sf);
	[tilespmem:s23+$0x1B100] =	vst @p0 v43  }
0x210: {  	s23 =	sadd.s32 s28, s23;
	[tilespmem:s22+$0x1B000] =	vst @!p0 v43;
	p0 =	seq.s32 s29, $0x0  }
0x211: {  	s30 =	sxor.u32 $0x1, s29;
	s22 =	sadd.s32 s31, s22;
	s31 =	spop (v2sf);
	[tilespmem:s23+$0x1B100] =	vst @p0 v44  }
0x212: {  	s23 =	sadd.s32 s30, s23;
	[tilespmem:s22+$0x1B000] =	vst @!p0 v44;
	p0 =	seq.s32 s31, $0x0  }
0x213: {  	s28 =	sxor.u32 $0x1, s31;
	s22 =	sadd.s32 s29, s22;
	s29 =	spop (v2sf);
	[tilespmem:s23+$0x1B100] =	vst @p0 v45  }
0x214: {  	s23 =	sadd.s32 s28, s23;
	[tilespmem:s22+$0x1B000] =	vst @!p0 v45;
	p0 =	seq.s32 s29, $0x0  }
0x215: {  	s22 =	sadd.s32 s31, s22;
	[tilespmem:s23+$0x1B100] =	vst @p0 v46  }
0x216: {  	[tilespmem:s22+$0x1B000] =	vst @!p0 v46  }
0x217: {  	v2 =	vld [tilespmem:$0x1C270];
	_ =	sdelay $0x4  }
0x218: {  	vm15 =	vge.f32 v2, v1  }
0x219: {  	v1 =	vsel vm15, $0x1, v63  }
0x21a: {  	(v2sf) =	vpush v1, $0x0;
	_ =	sdelay $0x1  }
0x21b: {  	(v2sf) =	vpush v1, $0x1;
	_ =	sdelay $0x1  }
0x21c: {  	(v2sf) =	vpush v1, $0x2;
	_ =	sdelay $0x1  }
0x21d: {  	(v2sf) =	vpush v1, $0x3;
	_ =	sdelay $0x1  }
0x21e: {  	(v2sf) =	vpush v1, $0x4;
	_ =	sdelay $0x1  }
0x21f: {  	(v2sf) =	vpush v1, $0x5;
	_ =	sdelay $0x1  }
0x220: {  	(v2sf) =	vpush v1, $0x6;
	_ =	sdelay $0x1  }
0x221: {  	(v2sf) =	vpush v1, $0x7  }
0x222: {  	s30 =	sxor.u32 $0x1, s29;
	s31 =	spop (v2sf)  }
0x223: {  	s23 =	sadd.s32 s30, s23;
	(v2sf) =	vpush v1, $0x8;
	p0 =	seq.s32 s31, $0x0  }
0x224: {  	s22 =	sadd.s32 s29, s22;
	s28 =	sxor.u32 $0x1, s31;
	s29 =	spop (v2sf);
	[tilespmem:s23+$0x1B100] =	vst @p0 v47  }
0x225: {  	(v2sf) =	vpush v1, $0x9;
	s23 =	sadd.s32 s23, s28;
	[tilespmem:s22+$0x1B000] =	vst @!p0 v47;
	p0 =	seq.s32 s29, $0x0  }
0x226: {  	s30 =	sxor.u32 $0x1, s29;
	s22 =	sadd.s32 s22, s31;
	s31 =	spop (v2sf);
	[tilespmem:s23+$0x1B100] =	vst @p0 v48  }
0x227: {  	(v2sf) =	vpush v1, $0xA;
	s23 =	sadd.s32 s30, s23;
	[tilespmem:s22+$0x1B000] =	vst @!p0 v48;
	p0 =	seq.s32 s31, $0x0  }
0x228: {  	s28 =	sxor.u32 $0x1, s31;
	s22 =	sadd.s32 s29, s22;
	s29 =	spop (v2sf);
	[tilespmem:s23+$0x1B100] =	vst @p0 v49  }
0x229: {  	(v2sf) =	vpush v1, $0xB;
	s23 =	sadd.s32 s28, s23;
	[tilespmem:s22+$0x1B000] =	vst @!p0 v49;
	p0 =	seq.s32 s29, $0x0  }
0x22a: {  	s30 =	sxor.u32 $0x1, s29;
	s22 =	sadd.s32 s31, s22;
	s31 =	spop (v2sf);
	[tilespmem:s23+$0x1B100] =	vst @p0 v50  }
0x22b: {  	(v2sf) =	vpush v1, $0xC;
	s23 =	sadd.s32 s30, s23;
	[tilespmem:s22+$0x1B000] =	vst @!p0 v50;
	p0 =	seq.s32 s31, $0x0  }
0x22c: {  	s28 =	sxor.u32 $0x1, s31;
	s22 =	sadd.s32 s29, s22;
	s29 =	spop (v2sf);
	[tilespmem:s23+$0x1B100] =	vst @p0 v51  }
0x22d: {  	(v2sf) =	vpush v1, $0xD;
	s23 =	sadd.s32 s28, s23;
	[tilespmem:s22+$0x1B000] =	vst @!p0 v51;
	p0 =	seq.s32 s29, $0x0  }
0x22e: {  	s30 =	sxor.u32 $0x1, s29;
	s22 =	sadd.s32 s31, s22;
	s31 =	spop (v2sf);
	[tilespmem:s23+$0x1B100] =	vst @p0 v52  }
0x22f: {  	(v2sf) =	vpush v1, $0xE;
	s23 =	sadd.s32 s30, s23;
	[tilespmem:s22+$0x1B000] =	vst @!p0 v52;
	p0 =	seq.s32 s31, $0x0  }
0x230: {  	s28 =	sxor.u32 $0x1, s31;
	s22 =	sadd.s32 s29, s22;
	s29 =	spop (v2sf);
	[tilespmem:s23+$0x1B100] =	vst @p0 v53  }
0x231: {  	(v2sf) =	vpush v1, $0xF;
	s23 =	sadd.s32 s28, s23;
	[tilespmem:s22+$0x1B000] =	vst @!p0 v53;
	p0 =	seq.s32 s29, $0x0  }
0x232: {  	s30 =	spop (v2sf);
	s22 =	sadd.s32 s31, s22;
	s31 =	sxor.u32 $0x1, s29;
	[tilespmem:s23+$0x1B100] =	vst @p0 v54  }
0x233: {  	s23 =	sadd.s32 s31, s23;
	[tilespmem:s22+$0x1B000] =	vst @!p0 v54;
	p0 =	seq.s32 s30, $0x0  }
0x234: {  	s26 =	spop (v2sf);
	s28 =	sxor.u32 $0x1, s30;
	s22 =	sadd.s32 s29, s22;
	[tilespmem:s23+$0x1B100] =	vst @p0 v55  }
0x235: {  	s23 =	sadd.s32 s28, s23;
	[tilespmem:s22+$0x1B000] =	vst @!p0 v55;
	p0 =	seq.s32 s26, $0x0  }
0x236: {  	s29 =	spop (v2sf);
	s22 =	sadd.s32 s30, s22;
	s30 =	sxor.u32 $0x1, s26;
	[tilespmem:s23+$0x1B100] =	vst @p0 v56  }
0x237: {  	s23 =	sadd.s32 s30, s23;
	[tilespmem:s22+$0x1B000] =	vst @!p0 v56;
	p0 =	seq.s32 s29, $0x0  }
0x238: {  	s28 =	sxor.u32 $0x1, s29;
	s31 =	spop (v2sf);
	s22 =	sadd.s32 s26, s22;
	[tilespmem:s23+$0x1B100] =	vst @p0 v57  }
0x239: {  	s23 =	sadd.s32 s28, s23;
	[tilespmem:s22+$0x1B000] =	vst @!p0 v57;
	p0 =	seq.s32 s31, $0x0  }
0x23a: {  	s26 =	spop (v2sf);
	s22 =	sadd.s32 s29, s22;
	s29 =	sxor.u32 $0x1, s31;
	[tilespmem:s23+$0x1B100] =	vst @p0 v58  }
0x23b: {  	s23 =	sadd.s32 s29, s23;
	[tilespmem:s22+$0x1B000] =	vst @!p0 v58;
	p0 =	seq.s32 s26, $0x0  }
0x23c: {  	s30 =	spop (v2sf);
	s22 =	sadd.s32 s31, s22;
	s31 =	sxor.u32 $0x1, s26;
	[tilespmem:s23+$0x1B100] =	vst @p0 v59  }
0x23d: {  	s23 =	sadd.s32 s31, s23;
	[tilespmem:s22+$0x1B000] =	vst @!p0 v59;
	p0 =	seq.s32 s30, $0x0  }
0x23e: {  	s28 =	spop (v2sf);
	s22 =	sadd.s32 s26, s22;
	s26 =	sxor.u32 $0x1, s30;
	[tilespmem:s23+$0x1B100] =	vst @p0 v60  }
0x23f: {  	s24 =	sadd.s32 s26, s23;
	[tilespmem:s22+$0x1B000] =	vst @!p0 v60;
	p0 =	seq.s32 s28, $0x0  }
0x240: {  	s29 =	sxor.u32 $0x1, s28;
	s23 =	spop (v2sf);
	s22 =	sadd.s32 s30, s22;
	[tilespmem:s24+$0x1B100] =	vst @p0 v61  }
0x241: {  	s24 =	sadd.s32 s29, s24;
	[tilespmem:s22+$0x1B000] =	vst @!p0 v61;
	p0 =	seq.s32 s23, $0x0  }
0x242: {  	s22 =	sadd.s32 s28, s22;
	[tilespmem:s24+$0x1B100] =	vst @p0 v62  }
0x243: {  	[tilespmem:s22+$0x1B000] =	vst @!p0 v62  }
0x244: {  	v1 =	vld [tilespmem:$0x1B000]  }
0x245: {  	v2 =	vld [tilespmem:$0x1B100]  }
0x246: {  	v3 =	vld [tilespmem:$0x1B010]  }
0x247: {  	v4 =	vld [tilespmem:$0x1B110]  }
0x248: {  	v5 =	vld [tilespmem:$0x1B020]  }
0x249: {  	[tilespmem:$0x1B200] =	vst v1;
	v1 =	vld [tilespmem:$0x1B120]  }
0x24a: {  	[tilespmem:$0x1BA00] =	vst v2;
	v2 =	vld [tilespmem:$0x1B030]  }
0x24b: {  	[tilespmem:$0x1B280] =	vst v3;
	v3 =	vld [tilespmem:$0x1B130]  }
0x24c: {  	[tilespmem:$0x1BA80] =	vst v4;
	v4 =	vld [tilespmem:$0x1B040]  }
0x24d: {  	s22 =	sadd.s32 s22, s23;
	[tilespmem:$0x1B300] =	vst v5;
	v5 =	vld [tilespmem:$0x1B140]  }
0x24e: {  	s22 =	sadd.s32 $0xF, s22;
	[tilespmem:$0x1BB00] =	vst v1;
	v1 =	vld [tilespmem:$0x1B050]  }
0x24f: {  	s30 =	sand.u32 $0xF, s22;
	[tilespmem:$0x1B380] =	vst v2;
	v2 =	vld [tilespmem:$0x1B150]  }
0x250: {  	s31 =	sshra.s32 s22, $0x1F;
	p1 =	slt.s32 s22, $0x1;
	p6 =	sne.s32 s30, $0x0;
	[tilespmem:$0x1BB80] =	vst v3;
	v3 =	vld [tilespmem:$0x1B060]  }
0x251: {  	s25 =	sshrl.u32 s31, $0x1C;
	p0 =	por !p1, !p6;
	[tilespmem:$0x1B400] =	vst v4;
	v4 =	vld [tilespmem:$0x1B160]  }
0x252: {  	s22 =	sadd.s32 s25, s22;
	s25 =	simm.s32 $0x1;
	p0 =	por !p0, !p0;
	[tilespmem:$0x1BC00] =	vst v5;
	v5 =	vld [tilespmem:$0x1B070]  }
0x253: {  	s22 =	sshra.s32 s22, $0x4;
	s25 =	simm.s32 @!p0 $0x0;
	[tilespmem:$0x1B480] =	vst v1;
	v1 =	vld [tilespmem:$0x1B170]  }
0x254: {  	s22 =	ssub.s32 s22, s25;
	[tilespmem:$0x1BC80] =	vst v2;
	v2 =	vld [tilespmem:$0x1B080]  }
0x255: {  	p0 =	sgt.s32 s22, $0x0;
	[tilespmem:$0x1B500] =	vst v3;
	v3 =	vld [tilespmem:$0x1B180]  }
.Ltmp2:
0x256: {  	[tilespmem:$0x1BD00] =	vst v4;
	(pc) =	sbr.rel @!p0 .LBB2_5-.Ltmp2, $4  }
0x257: {  	[tilespmem:$0x1B580] =	vst v5  }
0x258: {  	[tilespmem:$0x1BD80] =	vst v1  }
0x259: {  	[tilespmem:$0x1B600] =	vst v2  }
0x25a: {  	[tilespmem:$0x1BE00] =	vst v3  }
0x25b: {  	s26 =	simm.s32 $0x1B200  }
0x25c: {  	v1 =	vld [tilespmem:s26+$0x0];
	_ =	sdelay $0x4  }
0x25d: {  	v2 =	vshrl.u32 v1, $0x3  }
0x25e: {  	v2 =	vmul.u32 $0x30, v2  }
0x25f: {  	v1 =	vand.u32 $0x7, v1  }
0x260: {  	v4 =	vor.u32 v1, v2;
	v1 =	vand.u32 $0x7, v0;
	v2 =	vshrl.u32 v0, $0x3  }
0x261: {  	v3 =	vperm.xlane v4, v1;
	v2 =	vmul.u32 $0x8, v2;
	_ =	sdelay $0x1  }
0x262: {  	v5 =	vadd.s32 v2, v3;
	_ =	sdelay $0x3  }
0x263: {  	s31 =	simm.s32 $0x0;
	vm0 =	vmmov $0xffff;
	v3 =	vor.u32 $0x8, v0  }
0x264: {  	v4 =	vperm.xlane v4, v3;
	[tilespmem:s31], [sflag:$0x1] =	stream.indirect_vreg.gather [hbm4b:s1+s5], $0x80, v5, vm0, $0xb8;
	[tilespmem:$0x1C300] =	vst v63  }
0x265: {  	s30 =	simm.s32 $0x800  }
0x266: {  	v4 =	vadd.s32 v2, v4;
	[tilespmem:s30], [sflag:$0x1] =	stream.indirect_vreg.gather [hbm4b:s8+s5], $0x80, v5, vm0, $0xb8;
	[tilespmem:$0x1C300] =	vst v63  }
0x267: {  	p1 =	seq.s32 s22, $0x1;
	s31 =	simm.s32 $0x1000  }
0x268: {  	[tilespmem:s31], [sflag:$0x1] =	stream.indirect_vreg.gather [hbm4b:s9+s5], $0x80, v5, vm0, $0xb8;
	[tilespmem:$0x1C300] =	vst v63  }
.Ltmp3:
0x269: {  	_ = 	snop;
	(pc) =	sbr.rel @p1 .LBB2_4-.Ltmp3, $4  }
0x26a: {  	s25 =	simm.s32 $0x2800;
	s28 =	simm.s32 $0x5800;
	s30 =	simm.s32 $0x1800  }
0x26b: {  	[tilespmem:s30], [sflag:$0x1] =	stream.indirect_vreg.gather [hbm4b:s1+s5], $0x80, v4, vm0, $0xb8;
	[tilespmem:$0x1C300] =	vst v63  }
0x26c: {  	s29 =	simm.s32 $0x1B280;
	s26 =	sadd.s32 $0xFFFFFFFF, s22;
	s31 =	simm.s32 $0x2000  }
0x26d: {  	[tilespmem:s31], [sflag:$0x1] =	stream.indirect_vreg.gather [hbm4b:s8+s5], $0x80, v4, vm0, $0xb8;
	[tilespmem:$0x1C300] =	vst v63  }
.LBB2_3:
0x26e: {  	[tilespmem:s25], [sflag:$0x1] =	stream.indirect_vreg.gather [hbm4b:s9+s5], $0x80, v4, vm0, $0xb8;
	[tilespmem:$0x1C300] =	vst v63  }
0x26f: {  	p1 =	seq.s32 s26, $0x1;
	s26 =	sadd.s32 $0xFFFFFFFF, s26;
	s25 =	smov.u32 s28;
	v4 =	vld [tilespmem:s29+$0x0]  }
0x270: {  	_ =	sdelay $0x3  }
0x271: {  	v5 =	vshrl.u32 v4, $0x3  }
0x272: {  	v5 =	vmul.u32 $0x30, v5  }
0x273: {  	v4 =	vand.u32 $0x7, v4  }
0x274: {  	v4 =	vor.u32 v4, v5  }
0x275: {  	v5 =	vperm.xlane v4, v1;
	v4 =	vperm.xlane v4, v3;
	_ =	sdelay $0x1  }
0x276: {  	v5 =	vadd.s32 v2, v5;
	_ =	sdelay $0x3  }
0x277: {  	s30 =	sadd.s32 $0xFFFFD800, s28  }
0x278: {  	[tilespmem:s30], [sflag:$0x1] =	stream.indirect_vreg.gather [hbm4b:s1+s5], $0x80, v5, vm0, $0xb8;
	[tilespmem:$0x1C300] =	vst v63  }
0x279: {  	v4 =	vadd.s32 v2, v4;
	s30 =	sadd.s32 $0xFFFFE000, s28  }
0x27a: {  	[tilespmem:s30], [sflag:$0x1] =	stream.indirect_vreg.gather [hbm4b:s8+s5], $0x80, v5, vm0, $0xb8;
	[tilespmem:$0x1C300] =	vst v63  }
0x27b: {  	s30 =	sadd.s32 $0xFFFFE800, s28  }
0x27c: {  	[tilespmem:s30], [sflag:$0x1] =	stream.indirect_vreg.gather [hbm4b:s9+s5], $0x80, v5, vm0, $0xb8;
	[tilespmem:$0x1C300] =	vst v63  }
.Ltmp4:
0x27d: {  	s30 =	sadd.s32 $0xFFFFF000, s28;
	(pc) =	sbr.rel @!p1 .LBB2_3-.Ltmp4, $4  }
0x27e: {  	[tilespmem:s30], [sflag:$0x1] =	stream.indirect_vreg.gather [hbm4b:s1+s5], $0x80, v4, vm0, $0xb8;
	[tilespmem:$0x1C300] =	vst v63  }
0x27f: {  	s30 =	sadd.s32 $0xFFFFF800, s28  }
0x280: {  	[tilespmem:s30], [sflag:$0x1] =	stream.indirect_vreg.gather [hbm4b:s8+s5], $0x80, v4, vm0, $0xb8;
	[tilespmem:$0x1C300] =	vst v63  }
0x281: {  	s29 =	sadd.s32 $0x80, s29;
	s28 =	sadd.s32 $0x3000, s28  }
.LBB2_4:
0x282: {  	_ =	sdelay $0x3  }
0x283: {  	[tilespmem:s25], [sflag:$0x1] =	stream.indirect_vreg.gather [hbm4b:s9+s5], $0x80, v4, vm0, $0xb8;
	[tilespmem:$0x1C300] =	vst v63  }
.LBB2_5:
0x284: {  	s23 =	ssub.s32 s24, s23  }
0x285: {  	s24 =	sadd.s32 $0x10, s23;
	s23 =	sand.u32 $0xF, s23  }
0x286: {  	s25 =	sshra.s32 s24, $0x1F;
	p1 =	slt.s32 s24, $0x1;
	p2 =	sne.s32 s23, $0x0  }
0x287: {  	s31 =	sshrl.u32 s25, $0x1C;
	p1 =	por !p1, !p2  }
0x288: {  	s23 =	sadd.s32 s31, s24;
	p1 =	por !p1, !p1;
	s24 =	simm.s32 $0x1  }
0x289: {  	s23 =	sshra.s32 s23, $0x4;
	s24 =	simm.s32 @!p1 $0x0  }
0x28a: {  	s23 =	ssub.s32 s23, s24  }
0x28b: {  	p1 =	slt.s32 s23, $0x1  }
.Ltmp5:
0x28c: {  	_ = 	snop;
	(pc) =	sbr.rel @p1 .LBB2_9-.Ltmp5, $1  }
0x28d: {  	_ =	sdelay $0x3  }
0x28e: {  	s24 =	simm.s32 $0x1BA00  }
0x28f: {  	v1 =	vld [tilespmem:s24+$0x0];
	_ =	sdelay $0x4  }
0x290: {  	v2 =	vshrl.u32 v1, $0x3  }
0x291: {  	v2 =	vmul.u32 $0x30, v2  }
0x292: {  	v1 =	vand.u32 $0x7, v1  }
0x293: {  	v4 =	vor.u32 v1, v2;
	v1 =	vand.u32 $0x7, v0;
	v2 =	vshrl.u32 v0, $0x3  }
0x294: {  	v3 =	vperm.xlane v4, v1;
	v2 =	vmul.u32 $0x8, v2;
	_ =	sdelay $0x1  }
0x295: {  	s26 =	sshll.u32 s22, $0x1;
	v5 =	vadd.s32 v2, v3  }
0x296: {  	s25 =	sand.u32 $0x7FFFE, s26  }
0x297: {  	s24 =	smul.u32 $0x6000, s25;
	_ =	sdelay $0x1  }
0x298: {  	vm0 =	vmmov $0xffff;
	s25 =	sshra.s32 s24, $0x2;
	v3 =	vor.u32 $0x8, v0  }
0x299: {  	v4 =	vperm.xlane v4, v3;
	[tilespmem:s25], [sflag:$0x2] =	stream.indirect_vreg.gather [hbm4b:s2+s5], $0x80, v5, vm0, $0xb8;
	[tilespmem:$0x1C300] =	vst v63  }
0x29a: {  	s24 =	sor.u32 $0x800, s25  }
0x29b: {  	v4 =	vadd.s32 v2, v4;
	[tilespmem:s24], [sflag:$0x2] =	stream.indirect_vreg.gather [hbm4b:s10+s5], $0x80, v5, vm0, $0xb8;
	[tilespmem:$0x1C300] =	vst v63  }
0x29c: {  	p1 =	sgt.s32 s23, $0x1;
	s29 =	sadd.s32 $0x1000, s25  }
0x29d: {  	[tilespmem:s29], [sflag:$0x2] =	stream.indirect_vreg.gather [hbm4b:s11+s5], $0x80, v5, vm0, $0xb8;
	[tilespmem:$0x1C300] =	vst v63  }
.Ltmp6:
0x29e: {  	_ = 	snop;
	(pc) =	sbr.rel @!p1 .LBB2_8-.Ltmp6, $4  }
0x29f: {  	s26 =	sadd.s32 $0x2, s26;
	s30 =	sadd.s32 $0x1800, s25;
	s31 =	sadd.s32 $0x2000, s25  }
0x2a0: {  	[tilespmem:s30], [sflag:$0x2] =	stream.indirect_vreg.gather [hbm4b:s2+s5], $0x80, v4, vm0, $0xb8;
	[tilespmem:$0x1C300] =	vst v63  }
0x2a1: {  	s28 =	sadd.s32 $0x2800, s25;
	s25 =	simm.s32 $0x1BA80;
	s24 =	simm.s32 $0x1  }
0x2a2: {  	[tilespmem:s31], [sflag:$0x2] =	stream.indirect_vreg.gather [hbm4b:s10+s5], $0x80, v4, vm0, $0xb8;
	[tilespmem:$0x1C300] =	vst v63  }
.LBB2_7:
0x2a3: {  	[tilespmem:s28], [sflag:$0x2] =	stream.indirect_vreg.gather [hbm4b:s11+s5], $0x80, v4, vm0, $0xb8;
	[tilespmem:$0x1C300] =	vst v63  }
0x2a4: {  	s24 =	sadd.s32 $0x1, s24;
	v4 =	vld [tilespmem:s25+$0x0]  }
0x2a5: {  	p1 =	slt.s32 s24, s23;
	_ =	sdelay $0x3  }
0x2a6: {  	v5 =	vshrl.u32 v4, $0x3  }
0x2a7: {  	v5 =	vmul.u32 $0x30, v5  }
0x2a8: {  	v4 =	vand.u32 $0x7, v4  }
0x2a9: {  	v4 =	vor.u32 v4, v5  }
0x2aa: {  	v5 =	vperm.xlane v4, v1;
	v4 =	vperm.xlane v4, v3;
	_ =	sdelay $0x1  }
0x2ab: {  	v5 =	vadd.s32 v2, v5  }
0x2ac: {  	s28 =	sand.u32 $0x7FFFE, s26  }
0x2ad: {  	s28 =	smul.u32 $0x6000, s28;
	_ =	sdelay $0x1  }
0x2ae: {  	s28 =	sshra.s32 s28, $0x2  }
0x2af: {  	[tilespmem:s28], [sflag:$0x2] =	stream.indirect_vreg.gather [hbm4b:s2+s5], $0x80, v5, vm0, $0xb8;
	[tilespmem:$0x1C300] =	vst v63  }
0x2b0: {  	s29 =	sor.u32 $0x800, s28;
	v4 =	vadd.s32 v2, v4  }
0x2b1: {  	[tilespmem:s29], [sflag:$0x2] =	stream.indirect_vreg.gather [hbm4b:s10+s5], $0x80, v5, vm0, $0xb8;
	[tilespmem:$0x1C300] =	vst v63  }
0x2b2: {  	s29 =	sadd.s32 $0x1000, s28  }
0x2b3: {  	[tilespmem:s29], [sflag:$0x2] =	stream.indirect_vreg.gather [hbm4b:s11+s5], $0x80, v5, vm0, $0xb8;
	[tilespmem:$0x1C300] =	vst v63  }
.Ltmp7:
0x2b4: {  	s29 =	sadd.s32 $0x1800, s28;
	(pc) =	sbr.rel @p1 .LBB2_7-.Ltmp7, $4  }
0x2b5: {  	[tilespmem:s29], [sflag:$0x2] =	stream.indirect_vreg.gather [hbm4b:s2+s5], $0x80, v4, vm0, $0xb8;
	[tilespmem:$0x1C300] =	vst v63  }
0x2b6: {  	s29 =	sadd.s32 $0x2000, s28  }
0x2b7: {  	[tilespmem:s29], [sflag:$0x2] =	stream.indirect_vreg.gather [hbm4b:s10+s5], $0x80, v4, vm0, $0xb8;
	[tilespmem:$0x1C300] =	vst v63  }
0x2b8: {  	s26 =	sadd.s32 $0x2, s26;
	s25 =	sadd.s32 $0x80, s25;
	s28 =	sadd.s32 $0x2800, s28  }
.LBB2_8:
0x2b9: {  	_ =	sdelay $0x3  }
0x2ba: {  	[tilespmem:s28], [sflag:$0x2] =	stream.indirect_vreg.gather [hbm4b:s11+s5], $0x80, v4, vm0, $0xb8;
	[tilespmem:$0x1C300] =	vst v63  }
.LBB2_9:
.Ltmp8:
0x2bb: {  	(pc) =	sbr.rel @!p0 .LBB2_14-.Ltmp8, $2  }
0x2bc: {  	_ =	sdelay $0x2  }
0x2bd: {  	s24 =	smov.u32 s22  }
.LBB2_10:
0x2be: {  	p0 =	seq.s32 s24, $0x1  }
.Ltmp9:
0x2bf: {  	_ = 	snop;
	(pc) =	sbr.rel @!p0 .LBB2_10-.Ltmp9, $4  }
0x2c0: {  	_ = 	snop  }
0x2c1: {  	_ =	swait.ge [sflag:s18], $0x3000  }
0x2c2: {  	[sflag:s18] =	ssyncset.done $0x0  }
0x2c3: {  	s24 =	sadd.s32 $0xFFFFFFFF, s24;
	[sflag:s18] =	ssyncadd.s32 $0xFFFFD000  }
0x2c4: {  	s25 =	simm.s32 $0x1B200  }
0x2c5: {  	v1 =	vld [tilespmem:s25+$0x0];
	_ =	sdelay $0x4  }
0x2c6: {  	v2 =	vshrl.u32 v1, $0x3  }
0x2c7: {  	v2 =	vmul.u32 $0x30, v2  }
0x2c8: {  	v1 =	vand.u32 $0x7, v1  }
0x2c9: {  	v4 =	vor.u32 v1, v2;
	v1 =	vand.u32 $0x7, v0;
	v2 =	vshrl.u32 v0, $0x3  }
0x2ca: {  	v3 =	vperm.xlane v4, v1;
	v2 =	vmul.u32 $0x8, v2;
	_ =	sdelay $0x1  }
0x2cb: {  	v5 =	vadd.s32 v2, v3;
	_ =	sdelay $0x3  }
0x2cc: {  	s31 =	simm.s32 $0x0;
	vm0 =	vmmov $0xffff;
	v3 =	vor.u32 $0x8, v0  }
0x2cd: {  	v4 =	vperm.xlane v4, v3;
	[hbm4b:s3+s5] =	stream.indirect_vreg.scatter [tilespmem:s31], [sflag:$0x3], $0x80, v5, vm0, $0xb8;
	[tilespmem:$0x1C300] =	vst v63  }
0x2ce: {  	s26 =	simm.s32 $0x800  }
0x2cf: {  	v4 =	vadd.s32 v2, v4;
	[hbm4b:s12+s5] =	stream.indirect_vreg.scatter [tilespmem:s26], [sflag:$0x3], $0x80, v5, vm0, $0xb8;
	[tilespmem:$0x1C300] =	vst v63  }
0x2d0: {  	s29 =	simm.s32 $0x1000;
	p0 =	seq.s32 s22, $0x1  }
0x2d1: {  	[hbm4b:s13+s5] =	stream.indirect_vreg.scatter [tilespmem:s29], [sflag:$0x3], $0x80, v5, vm0, $0xb8;
	[tilespmem:$0x1C300] =	vst v63  }
.Ltmp10:
0x2d2: {  	_ = 	snop;
	(pc) =	sbr.rel @p0 .LBB2_13-.Ltmp10, $4  }
0x2d3: {  	s24 =	simm.s32 $0x2800;
	s30 =	simm.s32 $0x1800;
	s28 =	simm.s32 $0x1B280  }
0x2d4: {  	[hbm4b:s3+s5] =	stream.indirect_vreg.scatter [tilespmem:s30], [sflag:$0x3], $0x80, v4, vm0, $0xb8;
	[tilespmem:$0x1C300] =	vst v63  }
0x2d5: {  	s25 =	sadd.s32 $0xFFFFFFFF, s22;
	s31 =	simm.s32 $0x2000;
	s26 =	simm.s32 $0x5800  }
0x2d6: {  	[hbm4b:s12+s5] =	stream.indirect_vreg.scatter [tilespmem:s31], [sflag:$0x3], $0x80, v4, vm0, $0xb8;
	[tilespmem:$0x1C300] =	vst v63  }
.LBB2_12:
0x2d7: {  	[hbm4b:s13+s5] =	stream.indirect_vreg.scatter [tilespmem:s24], [sflag:$0x3], $0x80, v4, vm0, $0xb8;
	[tilespmem:$0x1C300] =	vst v63  }
0x2d8: {  	p0 =	seq.s32 s25, $0x1;
	s25 =	sadd.s32 $0xFFFFFFFF, s25;
	s24 =	smov.u32 s26;
	v4 =	vld [tilespmem:s28+$0x0]  }
0x2d9: {  	_ =	sdelay $0x3  }
0x2da: {  	v5 =	vshrl.u32 v4, $0x3  }
0x2db: {  	v5 =	vmul.u32 $0x30, v5  }
0x2dc: {  	v4 =	vand.u32 $0x7, v4  }
0x2dd: {  	v4 =	vor.u32 v4, v5  }
0x2de: {  	v5 =	vperm.xlane v4, v1;
	v4 =	vperm.xlane v4, v3;
	_ =	sdelay $0x1  }
0x2df: {  	v5 =	vadd.s32 v2, v5;
	_ =	sdelay $0x3  }
0x2e0: {  	s29 =	sadd.s32 $0xFFFFD800, s26  }
0x2e1: {  	[hbm4b:s3+s5] =	stream.indirect_vreg.scatter [tilespmem:s29], [sflag:$0x3], $0x80, v5, vm0, $0xb8;
	[tilespmem:$0x1C300] =	vst v63  }
0x2e2: {  	v4 =	vadd.s32 v2, v4;
	s29 =	sadd.s32 $0xFFFFE000, s26  }
0x2e3: {  	[hbm4b:s12+s5] =	stream.indirect_vreg.scatter [tilespmem:s29], [sflag:$0x3], $0x80, v5, vm0, $0xb8;
	[tilespmem:$0x1C300] =	vst v63  }
0x2e4: {  	s29 =	sadd.s32 $0xFFFFE800, s26  }
0x2e5: {  	[hbm4b:s13+s5] =	stream.indirect_vreg.scatter [tilespmem:s29], [sflag:$0x3], $0x80, v5, vm0, $0xb8;
	[tilespmem:$0x1C300] =	vst v63  }
.Ltmp11:
0x2e6: {  	s29 =	sadd.s32 $0xFFFFF000, s26;
	(pc) =	sbr.rel @!p0 .LBB2_12-.Ltmp11, $4  }
0x2e7: {  	[hbm4b:s3+s5] =	stream.indirect_vreg.scatter [tilespmem:s29], [sflag:$0x3], $0x80, v4, vm0, $0xb8;
	[tilespmem:$0x1C300] =	vst v63  }
0x2e8: {  	s29 =	sadd.s32 $0xFFFFF800, s26  }
0x2e9: {  	[hbm4b:s12+s5] =	stream.indirect_vreg.scatter [tilespmem:s29], [sflag:$0x3], $0x80, v4, vm0, $0xb8;
	[tilespmem:$0x1C300] =	vst v63  }
0x2ea: {  	s28 =	sadd.s32 $0x80, s28;
	s26 =	sadd.s32 $0x3000, s26  }
.LBB2_13:
0x2eb: {  	_ =	sdelay $0x3  }
0x2ec: {  	[hbm4b:s13+s5] =	stream.indirect_vreg.scatter [tilespmem:s24], [sflag:$0x3], $0x80, v4, vm0, $0xb8;
	[tilespmem:$0x1C300] =	vst v63  }
.LBB2_14:
0x2ed: {  	p0 =	sgt.s32 s23, $0x0  }
.Ltmp12:
0x2ee: {  	_ = 	snop;
	(pc) =	sbr.rel @!p0 .LBB2_20-.Ltmp12, $1  }
0x2ef: {  	_ =	sdelay $0x3  }
0x2f0: {  	p0 =	sgt.s32 s23, $0x1  }
.Ltmp13:
0x2f1: {  	_ = 	snop;
	(pc) =	sbr.rel @!p0 .LBB2_17-.Ltmp13, $3  }
0x2f2: {  	_ =	sdelay $0x1  }
0x2f3: {  	_ =	swait.ge [sflag:s19], $0x3000  }
0x2f4: {  	s26 =	sshll.u32 s22, $0x1;
	s24 =	simm.s32 $0x1;
	[sflag:s19] =	ssyncset.done $0x0  }
.LBB2_16:
0x2f5: {  	s24 =	sadd.s32 $0x1, s24  }
0x2f6: {  	[sflag:s19] =	ssyncadd.s32 $0xFFFFD000;
	p0 =	slt.s32 s24, s23  }
.Ltmp14:
0x2f7: {  	(pc) =	sbr.rel @p0 .LBB2_16-.Ltmp14, $3  }
0x2f8: {  	_ =	sdelay $0x1  }
0x2f9: {  	_ =	swait.ge [sflag:s19], $0x3000  }
0x2fa: {  	[sflag:s19] =	ssyncset.done $0x0  }
.LBB2_17:
0x2fb: {  	[sflag:s19] =	ssyncadd.s32 $0xFFFFD000;
	s24 =	simm.s32 $0x1BA00  }
0x2fc: {  	v1 =	vld [tilespmem:s24+$0x0];
	_ =	sdelay $0x4  }
0x2fd: {  	v2 =	vshrl.u32 v1, $0x3  }
0x2fe: {  	v2 =	vmul.u32 $0x30, v2  }
0x2ff: {  	v1 =	vand.u32 $0x7, v1  }
0x300: {  	v4 =	vor.u32 v1, v2;
	v1 =	vand.u32 $0x7, v0;
	v2 =	vshrl.u32 v0, $0x3  }
0x301: {  	v3 =	vperm.xlane v4, v1;
	v2 =	vmul.u32 $0x8, v2;
	_ =	sdelay $0x1  }
0x302: {  	v5 =	vadd.s32 v2, v3  }
0x303: {  	s25 =	sand.u32 $0x7FFFE, s26  }
0x304: {  	s24 =	smul.u32 $0x6000, s25;
	_ =	sdelay $0x1  }
0x305: {  	vm0 =	vmmov $0xffff;
	s25 =	sshra.s32 s24, $0x2;
	v3 =	vor.u32 $0x8, v0  }
0x306: {  	v4 =	vperm.xlane v4, v3;
	[hbm4b:s3+s5] =	stream.indirect_vreg.scatter [tilespmem:s25], [sflag:$0x3], $0x80, v5, vm0, $0xb8;
	[tilespmem:$0x1C300] =	vst v63  }
0x307: {  	s24 =	sor.u32 $0x800, s25  }
0x308: {  	v4 =	vadd.s32 v2, v4;
	[hbm4b:s12+s5] =	stream.indirect_vreg.scatter [tilespmem:s24], [sflag:$0x3], $0x80, v5, vm0, $0xb8;
	[tilespmem:$0x1C300] =	vst v63  }
0x309: {  	p0 =	sgt.s32 s23, $0x1;
	s29 =	sadd.s32 $0x1000, s25  }
0x30a: {  	[hbm4b:s13+s5] =	stream.indirect_vreg.scatter [tilespmem:s29], [sflag:$0x3], $0x80, v5, vm0, $0xb8;
	[tilespmem:$0x1C300] =	vst v63  }
.Ltmp15:
0x30b: {  	_ = 	snop;
	(pc) =	sbr.rel @!p0 .LBB2_19-.Ltmp15, $4  }
0x30c: {  	s26 =	sadd.s32 $0x2, s26;
	s30 =	sadd.s32 $0x1800, s25;
	s31 =	sadd.s32 $0x2000, s25  }
0x30d: {  	[hbm4b:s3+s5] =	stream.indirect_vreg.scatter [tilespmem:s30], [sflag:$0x3], $0x80, v4, vm0, $0xb8;
	[tilespmem:$0x1C300] =	vst v63  }
0x30e: {  	s28 =	sadd.s32 $0x2800, s25;
	s25 =	simm.s32 $0x1BA80;
	s24 =	simm.s32 $0x1  }
0x30f: {  	[hbm4b:s12+s5] =	stream.indirect_vreg.scatter [tilespmem:s31], [sflag:$0x3], $0x80, v4, vm0, $0xb8;
	[tilespmem:$0x1C300] =	vst v63  }
.LBB2_18:
0x310: {  	[hbm4b:s13+s5] =	stream.indirect_vreg.scatter [tilespmem:s28], [sflag:$0x3], $0x80, v4, vm0, $0xb8;
	[tilespmem:$0x1C300] =	vst v63  }
0x311: {  	s24 =	sadd.s32 $0x1, s24;
	v4 =	vld [tilespmem:s25+$0x0]  }
0x312: {  	p0 =	slt.s32 s24, s23;
	_ =	sdelay $0x3  }
0x313: {  	v5 =	vshrl.u32 v4, $0x3  }
0x314: {  	v5 =	vmul.u32 $0x30, v5  }
0x315: {  	v4 =	vand.u32 $0x7, v4  }
0x316: {  	v4 =	vor.u32 v4, v5  }
0x317: {  	v5 =	vperm.xlane v4, v1;
	v4 =	vperm.xlane v4, v3;
	_ =	sdelay $0x1  }
0x318: {  	v5 =	vadd.s32 v2, v5  }
0x319: {  	s28 =	sand.u32 $0x7FFFE, s26  }
0x31a: {  	s28 =	smul.u32 $0x6000, s28;
	_ =	sdelay $0x1  }
0x31b: {  	s28 =	sshra.s32 s28, $0x2  }
0x31c: {  	[hbm4b:s3+s5] =	stream.indirect_vreg.scatter [tilespmem:s28], [sflag:$0x3], $0x80, v5, vm0, $0xb8;
	[tilespmem:$0x1C300] =	vst v63  }
0x31d: {  	s29 =	sor.u32 $0x800, s28;
	v4 =	vadd.s32 v2, v4  }
0x31e: {  	[hbm4b:s12+s5] =	stream.indirect_vreg.scatter [tilespmem:s29], [sflag:$0x3], $0x80, v5, vm0, $0xb8;
	[tilespmem:$0x1C300] =	vst v63  }
0x31f: {  	s29 =	sadd.s32 $0x1000, s28  }
0x320: {  	[hbm4b:s13+s5] =	stream.indirect_vreg.scatter [tilespmem:s29], [sflag:$0x3], $0x80, v5, vm0, $0xb8;
	[tilespmem:$0x1C300] =	vst v63  }
.Ltmp16:
0x321: {  	s29 =	sadd.s32 $0x1800, s28;
	(pc) =	sbr.rel @p0 .LBB2_18-.Ltmp16, $4  }
0x322: {  	[hbm4b:s3+s5] =	stream.indirect_vreg.scatter [tilespmem:s29], [sflag:$0x3], $0x80, v4, vm0, $0xb8;
	[tilespmem:$0x1C300] =	vst v63  }
0x323: {  	s29 =	sadd.s32 $0x2000, s28  }
0x324: {  	[hbm4b:s12+s5] =	stream.indirect_vreg.scatter [tilespmem:s29], [sflag:$0x3], $0x80, v4, vm0, $0xb8;
	[tilespmem:$0x1C300] =	vst v63  }
0x325: {  	s26 =	sadd.s32 $0x2, s26;
	s25 =	sadd.s32 $0x80, s25;
	s28 =	sadd.s32 $0x2800, s28  }
.LBB2_19:
0x326: {  	_ =	sdelay $0x3  }
0x327: {  	[hbm4b:s13+s5] =	stream.indirect_vreg.scatter [tilespmem:s28], [sflag:$0x3], $0x80, v4, vm0, $0xb8;
	[tilespmem:$0x1C300] =	vst v63  }
.LBB2_20:
0x328: {  	s22 =	sadd.s32 s22, s23  }
0x329: {  	p0 =	slt.s32 s22, $0x1  }
.Ltmp17:
0x32a: {  	_ = 	snop;
	(pc) =	sbr.rel @p0 .LBB2_24-.Ltmp17, $2  }
0x32b: {  	_ =	sdelay $0x2  }
0x32c: {  	s23 =	simm.s32 $0x0  }
0x32d: {  	s23 =	sadd.s32 $0x1, s23  }
0x32e: {  	p0 =	slt.s32 s23, s22  }
.Ltmp18:
0x32f: {  	_ = 	snop;
	(pc) =	sbr.rel @!p0 .LBB2_23-.Ltmp18, $3  }
0x330: {  	_ =	sdelay $0x1  }
0x331: {  	_ =	swait.ge [sflag:s20], $0x3000  }
0x332: {  	[sflag:s20] =	ssyncset.done $0x0  }
.LBB2_22:
0x333: {  	s23 =	sadd.s32 $0x1, s23  }
0x334: {  	[sflag:s20] =	ssyncadd.s32 $0xFFFFD000;
	p0 =	slt.s32 s23, s22  }
.Ltmp19:
0x335: {  	(pc) =	sbr.rel @p0 .LBB2_22-.Ltmp19, $3  }
0x336: {  	_ =	sdelay $0x1  }
0x337: {  	_ =	swait.ge [sflag:s20], $0x3000  }
0x338: {  	[sflag:s20] =	ssyncset.done $0x0  }
.Ltmp20:
0x339: {  	_ = 	snop;
	(pc) =	sbr.rel .LBB2_23-.Ltmp20, $1  }
0x33a: {  	_ =	sdelay $0x3  }
.LBB2_25:
0x33b: {  	_ =	sfence.sel $0x180000  }
0x33c: {  	[bflag:$0x0] =	sbarrier.arrive $0xFFFF  }
0x33d: {  	p0 =	sne.s32 s4, $0x0;
	_ =	strace $0x90000047  }
0x33e: {  	s0 =	sadd.s32 @!p0 $0x100000, s0;
	[bflag:$0x2] =	sbarrier.arrive $0xFFFF  }
0x33f: {  	[sflag:s0] =	ssyncadd.tile.s32 @!p0 $0x1;
	_ =	shalt  }
.Lfunc_end2:
_tile_overlayer_lowered:
.L_overlay_start_2:
0x340: {  	(tag) =	ssettag $0x2  }
0x341: {  	s0 =	rddreg [dreg:$0x0];
	s2 =	stileid.u32  }
0x342: {  	s1 =	rddreg [dreg:$0x1];
	p0 =	sne.s32 s2, $0x0  }
0x343: {  	s3 =	rddreg [dreg:$0x2];
	[bflag:$0x3] =	sbarrier.arrive $0xFFFF;
	s2 =	simm.s32 @!p0 $0x1C04  }
0x344: {  	[timem:s3], [sflag:s2] =	dma.local @!p0 [hbm:s0], s1  }
0x345: {  	s0 =	simm.s32 @!p0 $0x4  }
0x346: {  	_ =	swait.ge @!p0 [sflag:s0], s1  }
0x347: {  	s1 =	ssub.s32 @!p0 $0x0, s1;
	[sflag:s0] =	ssyncset.done @!p0 $0x0  }
0x348: {  	[sflag:s0] =	ssyncadd.s32 @!p0 s1  }
0x349: {  	[bflag:$0x3] =	sbarrier.arrive $0xFFFF  }
0x34a: {  	_ =	shalt  }

</sc_bundles>
